<compile_context>
chip_gen: v7x
topology: tpu7x:2x2x1
jax: 0.10.2.dev20260603
libtpu: 0.0.44.dev20260713+nightly
codegen_flags: <defaults>
</compile_context>

<pallas_src>
import functools

import jax
import jax.numpy as jnp
from jax import lax
from jax.experimental import pallas as pl
from jax.experimental.pallas import tpu as pltpu
from jax.experimental.pallas import tpu_sc as plsc

N = 10000
E = 320000
H = 512
NG = 4
GW = H // NG
NC = 2
NS = 16
K = 2
EROWS = E // 128
PAD_N = N
DEG_W = 128
RPT = 624
RPT_LAST = N - 15 * RPT
BM = 1000
NB = N // BM

_MESH = plsc.VectorSubcoreMesh(
    core_axis_name="c", subcore_axis_name="s", num_cores=NC, num_subcores=NS)



def _copy_own(sid, copy_fn):
    @pl.when(sid < NS - 1)
    def _():
        copy_fn(sid * RPT, RPT)

    @pl.when(sid == NS - 1)
    def _():
        copy_fn((NS - 1) * RPT, RPT_LAST)


def _deg_body(dst_hbm, ones_hbm, zeros_hbm, out_hbm, didx, ones_v, hist_sh):
    cid = lax.axis_index("c")
    sid = lax.axis_index("s")
    pltpu.sync_copy(ones_hbm, ones_v)
    _copy_own(sid, lambda s, n: pltpu.sync_copy(
        zeros_hbm.at[pl.ds(0, n)], hist_sh.at[pl.ds(s, n)]))
    plsc.subcore_barrier()
    base = cid * (EROWS // NC)

    def body(i, _):
        r = base + sid + NS * i
        pltpu.sync_copy(dst_hbm.at[r], didx)
        pltpu.sync_copy(ones_v, hist_sh.at[didx], add=True)
        return 0

    lax.fori_loop(0, 78 + jnp.where(sid < 2, 1, 0), body, 0)
    plsc.subcore_barrier()
    _copy_own(sid, lambda s, n: pltpu.sync_copy(
        hist_sh.at[pl.ds(s, n)], out_hbm.at[cid].at[pl.ds(s, n)]))


def _deg_call(dst2d, ones_blk, zeros_blk):
    return pl.kernel(
        _deg_body,
        out_type=jax.ShapeDtypeStruct((NC, N, DEG_W), jnp.float32),
        mesh=_MESH,
        scratch_types=[
            pltpu.VMEM((128,), jnp.int32),
            pltpu.VMEM((128, DEG_W), jnp.float32),
            pltpu.VMEM_SHARED((PAD_N, DEG_W), jnp.float32),
        ],
    )(dst2d, ones_blk, zeros_blk)




def _agg_body(hs_hbm, src_hbm, dst_hbm, zeros_hbm, out_hbm,
              sidx00, sidx01, sidx10, sidx11,
              didx00, didx01, didx10, didx11,
              rows0, rows1, acc_sh,
              gsem0, gsem1, isem00, isem01, isem10, isem11):
    cid = lax.axis_index("c")
    sid = lax.axis_index("s")
    sidx = ((sidx00, sidx01), (sidx10, sidx11))
    didx = ((didx00, didx01), (didx10, didx11))
    rows = (rows0, rows1)
    gsem = (gsem0, gsem1)
    isem = ((isem00, isem01), (isem10, isem11))

    def zero_own():
        _copy_own(sid, lambda s, n: pltpu.sync_copy(
            zeros_hbm.at[pl.ds(0, n)], acc_sh.at[pl.ds(s, n)]))

    def issue_idx(b, p, slot):
        r = sid + NS * slot
        pltpu.async_copy(src_hbm.at[r], sidx[b][p], isem[b][p])
        pltpu.async_copy(dst_hbm.at[r], didx[b][p], isem[b][p])

    def wait_idx(b, p):
        pltpu.make_async_copy(src_hbm.at[0], sidx[b][p], isem[b][p]).wait()
        pltpu.make_async_copy(dst_hbm.at[0], didx[b][p], isem[b][p]).wait()

    def issue_gather(g, b, p):
        pltpu.async_copy(hs_hbm.at[g].at[sidx[b][p]], rows[b], gsem[b])

    def wait_gather(g, b, p):
        pltpu.make_async_copy(hs_hbm.at[g].at[sidx[b][p]], rows[b],
                              gsem[b]).wait()

    zero_own()
    plsc.subcore_barrier()

    for p in range(NG // NC):
        g = (NG // NC) * cid + p
        def body(i, _):
            r = sid + NS * i
            pltpu.sync_copy(src_hbm.at[r], sidx00)
            pltpu.sync_copy(dst_hbm.at[r], didx00)
            pltpu.async_copy(hs_hbm.at[g].at[sidx00], rows0, gsem0).wait()
            pltpu.sync_copy(rows0, acc_sh.at[didx00], add=True)
            return 0

        lax.fori_loop(0, 156 + jnp.where(sid < 4, 1, 0), body, 0)
        plsc.subcore_barrier()
        _copy_own(sid, lambda s, n: pltpu.sync_copy(
            acc_sh.at[pl.ds(s, n)], out_hbm.at[g].at[pl.ds(s, n)]))
        if p + 1 < NG // NC:
            zero_own()
        plsc.subcore_barrier()


def _agg_call(hs, src2d, dst2d, zeros_blk):
    idx_t = pltpu.VMEM((128,), jnp.int32)
    return pl.kernel(
        _agg_body,
        out_type=jax.ShapeDtypeStruct((NG, N, GW), jnp.float32),
        mesh=_MESH,
        scratch_types=[
            idx_t, idx_t, idx_t, idx_t,
            idx_t, idx_t, idx_t, idx_t,
            pltpu.VMEM((128, GW), jnp.float32),
            pltpu.VMEM((128, GW), jnp.float32),
            pltpu.VMEM_SHARED((PAD_N, GW), jnp.float32),
            pltpu.SemaphoreType.DMA,
            pltpu.SemaphoreType.DMA,
            pltpu.SemaphoreType.DMA,
            pltpu.SemaphoreType.DMA,
            pltpu.SemaphoreType.DMA,
            pltpu.SemaphoreType.DMA,
        ],
    )(hs, src2d, dst2d, zeros_blk)




def _tc1_body(hist_ref, xf_ref, xop_ref, emb_ref, w1_ref, hs_ref, dis_ref):
    deg = hist_ref[0][:, 0:1] + hist_ref[1][:, 0:1] + 1.0
    dis = lax.rsqrt(deg)
    dis_ref[...] = dis
    oh = (xop_ref[...] == lax.broadcasted_iota(jnp.int32, (BM, 120), 1))
    xe = jnp.dot(oh.astype(jnp.float32), emb_ref[...],
                 preferred_element_type=jnp.float32)
    x = jnp.concatenate([xf_ref[...], xe], axis=1)
    hs = jnp.dot(x, w1_ref[...], preferred_element_type=jnp.float32) * dis
    for g in range(NG):
        hs_ref[g] = hs[:, g * GW:(g + 1) * GW]


def _tc1_call(deg2, x_feat, x_op2, emb, W1):
    return pl.pallas_call(
        _tc1_body,
        grid=(NB,),
        in_specs=[
            pl.BlockSpec((NC, BM, DEG_W), lambda i: (0, i, 0)),
            pl.BlockSpec((BM, 140), lambda i: (i, 0)),
            pl.BlockSpec((BM, 1), lambda i: (i, 0)),
            pl.BlockSpec((120, 4), lambda i: (0, 0)),
            pl.BlockSpec((144, H), lambda i: (0, 0)),
        ],
        out_specs=[
            pl.BlockSpec((NG, BM, GW), lambda i: (0, i, 0)),
            pl.BlockSpec((BM, 1), lambda i: (i, 0)),
        ],
        out_shape=[
            jax.ShapeDtypeStruct((NG, N, GW), jnp.float32),
            jax.ShapeDtypeStruct((N, 1), jnp.float32),
        ],
    )(deg2, x_feat, x_op2, emb, W1)




def _mid_body(agg_ref, hs_ref, dis_ref, b_ref, w_ref, o_ref):
    dis = dis_ref[...]
    x = jnp.concatenate(
        [agg_ref[g] + hs_ref[g] for g in range(NG)], axis=1)
    x = jnp.maximum(x * dis + b_ref[...], 0.0)
    hs = jnp.dot(x, w_ref[...], preferred_element_type=jnp.float32) * dis
    for g in range(NG):
        o_ref[g] = hs[:, g * GW:(g + 1) * GW]


def _mid_call(agg, hs, dis2, bvec, W):
    return pl.pallas_call(
        _mid_body,
        grid=(NB,),
        in_specs=[
            pl.BlockSpec((NG, BM, GW), lambda i: (0, i, 0)),
            pl.BlockSpec((NG, BM, GW), lambda i: (0, i, 0)),
            pl.BlockSpec((BM, 1), lambda i: (i, 0)),
            pl.BlockSpec((1, H), lambda i: (0, 0)),
            pl.BlockSpec((H, H), lambda i: (0, 0)),
        ],
        out_specs=pl.BlockSpec((NG, BM, GW), lambda i: (0, i, 0)),
        out_shape=jax.ShapeDtypeStruct((NG, N, GW), jnp.float32),
    )(agg, hs, dis2, bvec, W)




def _fin_body(agg_ref, hs_ref, dis_ref, b_ref, xcfg_ref, d1w_ref, d1b_ref,
              d2w_ref, d2b_ref, d3w_ref, d3b_ref, o_ref, acc_ref):
    i = pl.program_id(0)

    @pl.when(i == 0)
    def _():
        acc_ref[...] = jnp.zeros_like(acc_ref)

    x = jnp.concatenate(
        [agg_ref[g] + hs_ref[g] for g in range(NG)], axis=1)
    x = jnp.maximum(x * dis_ref[...] + b_ref[...], 0.0)
    acc_ref[...] += jnp.sum(x, axis=0, keepdims=True)

    @pl.when(i == NB - 1)
    def _():
        pooled = acc_ref[...] * (1.0 / N)
        z = jnp.dot(xcfg_ref[...], d1w_ref[0:24, :],
                    preferred_element_type=jnp.float32)
        z += jnp.dot(pooled, d1w_ref[24:24 + H, :],
                     preferred_element_type=jnp.float32)
        z = jnp.maximum(z + d1b_ref[...], 0.0)
        z = jnp.maximum(
            jnp.dot(z, d2w_ref[...], preferred_element_type=jnp.float32)
            + d2b_ref[...], 0.0)
        z = (jnp.dot(z, d3w_ref[...], preferred_element_type=jnp.float32)
             + d3b_ref[...])
        m = jnp.mean(z)
        c = z - m
        v = jnp.sum(c * c) * (1.0 / (z.shape[0] - 1))
        o_ref[...] = c / (jnp.sqrt(v) + 1e-5)


def _fin_call(agg, hs, dis2, bvec, x_cfg, D1w, D1b, D2w, D2b, D3w, D3b):
    ncfg = x_cfg.shape[0]
    return pl.pallas_call(
        _fin_body,
        grid=(NB,),
        in_specs=[
            pl.BlockSpec((NG, BM, GW), lambda i: (0, i, 0)),
            pl.BlockSpec((NG, BM, GW), lambda i: (0, i, 0)),
            pl.BlockSpec((BM, 1), lambda i: (i, 0)),
            pl.BlockSpec((1, H), lambda i: (0, 0)),
            pl.BlockSpec((ncfg, 24), lambda i: (0, 0)),
            pl.BlockSpec((24 + H, 64), lambda i: (0, 0)),
            pl.BlockSpec((1, 64), lambda i: (0, 0)),
            pl.BlockSpec((64, 64), lambda i: (0, 0)),
            pl.BlockSpec((1, 64), lambda i: (0, 0)),
            pl.BlockSpec((64, 1), lambda i: (0, 0)),
            pl.BlockSpec((1, 1), lambda i: (0, 0)),
        ],
        out_specs=pl.BlockSpec((ncfg, 1), lambda i: (0, 0)),
        out_shape=jax.ShapeDtypeStruct((ncfg, 1), jnp.float32),
        scratch_shapes=[pltpu.VMEM((1, H), jnp.float32)],
    )(agg, hs, dis2, bvec, x_cfg, D1w, D1b, D2w, D2b, D3w, D3b)




def kernel(x_cfg, x_feat, x_op, edge_index, emb, W1, b1, W2, b2, W3, b3,
           D1w, D1b, D2w, D2b, D3w, D3b):
    src2d = edge_index[0].reshape(EROWS, 128)
    dst2d = edge_index[1].reshape(EROWS, 128)
    x_op2 = x_op.reshape(N, 1)
    ones_blk = jnp.ones((128, DEG_W), jnp.float32)
    zeros_deg = jnp.zeros((RPT_LAST, DEG_W), jnp.float32)
    zeros_blk = jnp.zeros((RPT_LAST, GW), jnp.float32)

    deg2 = _deg_call(dst2d, ones_blk, zeros_deg)
    hs1, dis2 = _tc1_call(deg2, x_feat, x_op2, emb, W1)
    agg1 = _agg_call(hs1, src2d, dst2d, zeros_blk)
    hs2 = _mid_call(agg1, hs1, dis2, b1.reshape(1, H), W2)
    agg2 = _agg_call(hs2, src2d, dst2d, zeros_blk)
    hs3 = _mid_call(agg2, hs2, dis2, b2.reshape(1, H), W3)
    agg3 = _agg_call(hs3, src2d, dst2d, zeros_blk)
    z = _fin_call(agg3, hs3, dis2, b3.reshape(1, H), x_cfg,
                  D1w, D1b.reshape(1, 64), D2w, D2b.reshape(1, 64),
                  D3w, D3b.reshape(1, 1))
    return z.reshape(-1)

# --- scband reference (transcript-rebuilt; emitter-appended) ---
"""Pipeline reference for scband-simple-model-53558242181925 (READ-ONLY COPY).

The authoritative reference and input builder live on the scoring server;
editing this copy changes nothing except your own understanding.
"""

import jax, jax.numpy as jnp
import numpy as np

N_NODES = 10000
N_EDGES = 320000
N_CFG = 1024
H = 512
GF = 512
IN_CH = 140 + 4

def _p(k, shape, fan_in):
    return jax.random.normal(k, shape, dtype=jnp.float32) * (1.0 / np.sqrt(fan_in))

def setup_inputs(seed: int = 0) -> dict:
    key = jax.random.key(seed)
    ks = jax.random.split(key, 24)
    x_cfg = jax.random.normal(ks[0], (N_CFG, 24), dtype=jnp.float32)
    x_feat = jax.random.normal(ks[1], (N_NODES, 140), dtype=jnp.float32)
    x_op = jax.random.randint(ks[2], (N_NODES,), 0, 120, dtype=jnp.int32)
    edge_index = jax.random.randint(ks[3], (2, N_EDGES), 0, N_NODES, dtype=jnp.int32)
    emb = jax.random.normal(ks[4], (120, 4), dtype=jnp.float32)
    W1 = _p(ks[5], (IN_CH, H), IN_CH); b1 = jnp.zeros((H,), jnp.float32)
    W2 = _p(ks[6], (H, H), H);        b2 = jnp.zeros((H,), jnp.float32)
    W3 = _p(ks[7], (H, GF), H);       b3 = jnp.zeros((GF,), jnp.float32)
    D1w = _p(ks[8], (GF + 24, 64), GF + 24); D1b = jnp.zeros((64,), jnp.float32)
    D2w = _p(ks[9], (64, 64), 64);           D2b = jnp.zeros((64,), jnp.float32)
    D3w = _p(ks[10], (64, 1), 64);           D3b = jnp.zeros((1,), jnp.float32)
    return {"x_cfg": x_cfg, "x_feat": x_feat, "x_op": x_op, "edge_index": edge_index,
            "emb": emb, "W1": W1, "b1": b1, "W2": W2, "b2": b2, "W3": W3, "b3": b3,
            "D1w": D1w, "D1b": D1b, "D2w": D2w, "D2b": D2b, "D3w": D3w, "D3b": D3b}

def _gcn_conv(x, edge_index, W, b):
    n = x.shape[0]
    loop = jnp.arange(n, dtype=edge_index.dtype)
    src = jnp.concatenate([edge_index[0], loop])
    dst = jnp.concatenate([edge_index[1], loop])
    deg = jnp.zeros((n,), x.dtype).at[dst].add(jnp.ones_like(src, dtype=x.dtype))
    dis = jnp.where(deg > 0, jax.lax.rsqrt(jnp.maximum(deg, 1e-12)), 0.0)
    norm = dis[src] * dis[dst]
    h = x @ W
    msg = h[src] * norm[:, None]
    out = jnp.zeros((n, W.shape[1]), x.dtype).at[dst].add(msg)
    return out + b

def reference(x_cfg, x_feat, x_op, edge_index, emb, W1, b1, W2, b2, W3, b3,
              D1w, D1b, D2w, D2b, D3w, D3b):
    x = jnp.concatenate([x_feat, emb[x_op]], axis=1)
    x = jax.nn.relu(_gcn_conv(x, edge_index, W1, b1))
    x = jax.nn.relu(_gcn_conv(x, edge_index, W2, b2))
    x = jax.nn.relu(_gcn_conv(x, edge_index, W3, b3))
    x_graph = jnp.mean(x, axis=0)
    z = jnp.concatenate([x_cfg, jnp.tile(x_graph[None, :], (x_cfg.shape[0], 1))], axis=1)
    z = jax.nn.relu(z @ D1w + D1b)
    z = jax.nn.relu(z @ D2w + D2b)
    z = (z @ D3w + D3b).reshape(-1)
    return (z - jnp.mean(z)) / (jnp.std(z, ddof=1) + 1e-5)

if __name__ == "__main__":
    import jax
    _d = setup_inputs()
    print(jax.jit(kernel)(*tuple(_d.values())))

</pallas_src>

<mosaic_0001>
#map = affine_map<(d0, d1) -> (0, 0, 0)>
#map1 = affine_map<(d0, d1) -> (0, 0)>
module attributes {stable_mosaic.version = 14 : i64} {
  func.func @_agg_body(%arg0: i32, %arg1: i32, %arg2: memref<4x10000x128xf32, #tpu.memory_space<hbm>>, %arg3: memref<2500x128xi32, #tpu.memory_space<hbm>>, %arg4: memref<2500x128xi32, #tpu.memory_space<hbm>>, %arg5: memref<640x128xf32, #tpu.memory_space<hbm>>, %arg6: memref<4x10000x128xf32, #tpu.memory_space<hbm>>, %arg7: memref<128xi32, #tpu.memory_space<vmem>>, %arg8: memref<128xi32, #tpu.memory_space<vmem>>, %arg9: memref<128xi32, #tpu.memory_space<vmem>>, %arg10: memref<128xi32, #tpu.memory_space<vmem>>, %arg11: memref<128xi32, #tpu.memory_space<vmem>>, %arg12: memref<128xi32, #tpu.memory_space<vmem>>, %arg13: memref<128xi32, #tpu.memory_space<vmem>>, %arg14: memref<128xi32, #tpu.memory_space<vmem>>, %arg15: memref<128x128xf32, #tpu.memory_space<vmem>>, %arg16: memref<128x128xf32, #tpu.memory_space<vmem>>, %arg17: memref<10000x128xf32, #tpu.memory_space<vmem_shared>>, %arg18: memref<!tpu.dma_semaphore, #tpu.memory_space<semaphore_mem>>, %arg19: memref<!tpu.dma_semaphore, #tpu.memory_space<semaphore_mem>>, %arg20: memref<!tpu.dma_semaphore, #tpu.memory_space<semaphore_mem>>, %arg21: memref<!tpu.dma_semaphore, #tpu.memory_space<semaphore_mem>>, %arg22: memref<!tpu.dma_semaphore, #tpu.memory_space<semaphore_mem>>, %arg23: memref<!tpu.dma_semaphore, #tpu.memory_space<semaphore_mem>>) attributes {dimension_semantics = [#tpu.dimension_semantics<core_parallel>, #tpu.dimension_semantics<subcore_parallel>], iteration_bounds = array<i64: 2, 16>, scalar_prefetch = 0 : i64, scratch_operands = 17 : i64, tpu.core_type = #tpu.core_type<sc_vector_subcore>, window_params = [{transform_indices = #map}, {transform_indices = #map1}, {transform_indices = #map1}, {transform_indices = #map1}, {transform_indices = #map}]} {
    %lt3A = arith.constant 15 : i32
    %lt3A_0 = arith.cmpi slt, %arg1, %lt3A : i32
    %convert_element_type3A = arith.extui %lt3A_0 : i1 to i32
    %cond3A = arith.constant 0 : i32
    %cond3A_1 = arith.cmpi ne, %convert_element_type3A, %cond3A : i32
    scf.if %cond3A_1 {
      %mul3A_81 = arith.constant 624 : i32
      %mul3A_82 = arith.muli %arg1, %mul3A_81 : i32
      "tpu.region"() ({
        %run_scoped3A = tpu.sem_alloc : memref<!tpu.dma_semaphore, #tpu.memory_space<semaphore_mem>>
        %dma_start3A = arith.constant 0 : i32
        %dma_start3A_83 = tpu.memref_slice %arg17[%mul3A_82, %dma_start3A] : memref<10000x128xf32, #tpu.memory_space<vmem_shared>> -> memref<624x128xf32, #tpu.memory_space<vmem_shared>>
        %dma_start3A_84 = arith.constant 0 : i32
        %dma_start3A_85 = arith.constant 0 : i32
        %dma_start3A_86 = tpu.memref_slice %arg5[%dma_start3A_84, %dma_start3A_85] : memref<640x128xf32, #tpu.memory_space<hbm>> -> memref<624x128xf32, #tpu.memory_space<hbm>>
        tpu.enqueue_dma source(%dma_start3A_86 : memref<624x128xf32, #tpu.memory_space<hbm>>) target(%dma_start3A_83 : memref<624x128xf32, #tpu.memory_space<vmem_shared>>) target_semaphore(%run_scoped3A : memref<!tpu.dma_semaphore, #tpu.memory_space<semaphore_mem>>)
        %dma_wait3A = arith.constant 0 : i32
        %dma_wait3A_87 = tpu.memref_slice %arg17[%mul3A_82, %dma_wait3A] : memref<10000x128xf32, #tpu.memory_space<vmem_shared>> -> memref<624x128xf32, #tpu.memory_space<vmem_shared>>
        %dma_wait3A_88 = arith.constant 0 : i32
        %dma_wait3A_89 = arith.constant 0 : i32
        %dma_wait3A_90 = tpu.memref_slice %arg5[%dma_wait3A_88, %dma_wait3A_89] : memref<640x128xf32, #tpu.memory_space<hbm>> -> memref<624x128xf32, #tpu.memory_space<hbm>>
        tpu.wait_dma2 semaphore(%run_scoped3A : memref<!tpu.dma_semaphore, #tpu.memory_space<semaphore_mem>>) src(%dma_wait3A_90 : memref<624x128xf32, #tpu.memory_space<hbm>>) dst(%dma_wait3A_87 : memref<624x128xf32, #tpu.memory_space<vmem_shared>>)
        tpu.yield
      }) : () -> ()
    } else {
    }
    %eq3A = arith.constant 15 : i32
    %eq3A_2 = arith.cmpi eq, %arg1, %eq3A : i32
    %convert_element_type3A_3 = arith.extui %eq3A_2 : i1 to i32
    %cond3A_4 = arith.constant 0 : i32
    %cond3A_5 = arith.cmpi ne, %convert_element_type3A_3, %cond3A_4 : i32
    scf.if %cond3A_5 {
      "tpu.region"() ({
        %run_scoped3A = tpu.sem_alloc : memref<!tpu.dma_semaphore, #tpu.memory_space<semaphore_mem>>
        %dma_start3A = arith.constant 9360 : i32
        %dma_start3A_81 = arith.constant 0 : i32
        %dma_start3A_82 = tpu.memref_slice %arg17[%dma_start3A, %dma_start3A_81] : memref<10000x128xf32, #tpu.memory_space<vmem_shared>> -> memref<640x128xf32, #tpu.memory_space<vmem_shared>>
        %dma_start3A_83 = arith.constant 0 : i32
        %dma_start3A_84 = arith.constant 0 : i32
        %dma_start3A_85 = tpu.memref_slice %arg5[%dma_start3A_83, %dma_start3A_84] : memref<640x128xf32, #tpu.memory_space<hbm>> -> memref<640x128xf32, #tpu.memory_space<hbm>>
        tpu.enqueue_dma source(%dma_start3A_85 : memref<640x128xf32, #tpu.memory_space<hbm>>) target(%dma_start3A_82 : memref<640x128xf32, #tpu.memory_space<vmem_shared>>) target_semaphore(%run_scoped3A : memref<!tpu.dma_semaphore, #tpu.memory_space<semaphore_mem>>)
        %dma_wait3A = arith.constant 9360 : i32
        %dma_wait3A_86 = arith.constant 0 : i32
        %dma_wait3A_87 = tpu.memref_slice %arg17[%dma_wait3A, %dma_wait3A_86] : memref<10000x128xf32, #tpu.memory_space<vmem_shared>> -> memref<640x128xf32, #tpu.memory_space<vmem_shared>>
        %dma_wait3A_88 = arith.constant 0 : i32
        %dma_wait3A_89 = arith.constant 0 : i32
        %dma_wait3A_90 = tpu.memref_slice %arg5[%dma_wait3A_88, %dma_wait3A_89] : memref<640x128xf32, #tpu.memory_space<hbm>> -> memref<640x128xf32, #tpu.memory_space<hbm>>
        tpu.wait_dma2 semaphore(%run_scoped3A : memref<!tpu.dma_semaphore, #tpu.memory_space<semaphore_mem>>) src(%dma_wait3A_90 : memref<640x128xf32, #tpu.memory_space<hbm>>) dst(%dma_wait3A_87 : memref<640x128xf32, #tpu.memory_space<vmem_shared>>)
        tpu.yield
      }) : () -> ()
    } else {
    }
    %barrier3A = arith.constant 0 : index
    tpu.barrier barrier_id(%barrier3A)
    %mul3A = arith.constant 2 : i32
    %mul3A_6 = arith.muli %mul3A, %arg0 : i32
    %add3A = arith.constant 0 : i32
    %add3A_7 = arith.addi %mul3A_6, %add3A : i32
    %lt3A_8 = arith.constant 4 : i32
    %lt3A_9 = arith.cmpi slt, %arg1, %lt3A_8 : i32
    %jit3A = arith.constant 1 : i32
    %jit3A_10 = arith.constant 0 : i32
    %select_n3A = arith.select %lt3A_9, %jit3A, %jit3A_10 : i32
    %add3A_11 = arith.constant 156 : i32
    %add3A_12 = arith.addi %add3A_11, %select_n3A : i32
    %while3A = arith.constant 0 : i32
    %while3A_13 = arith.constant 0 : i32
    %while3A_14 = arith.subi %add3A_12, %while3A : i32
    %while3A_15 = arith.addi %while3A, %while3A_14 : i32
    %while3A_16 = arith.constant 1 : i32
    %while3A_17 = arith.divsi %while3A_14, %while3A_16 : i32
    %while3A_18 = arith.muli %while3A_17, %while3A_16 : i32
    %while3A_19 = arith.addi %while3A, %while3A_18 : i32
    %while3A_20 = arith.constant 1 : i32
    %while3A_21 = scf.for %while3A_81 = %while3A to %while3A_19 step %while3A_20 iter_args(%while3A_82 = %while3A_13) -> (i32)  : i32 {
      %mul3A_83 = arith.constant 16 : i32
      %mul3A_84 = arith.muli %mul3A_83, %while3A_81 : i32
      %add3A_85 = arith.addi %arg1, %mul3A_84 : i32
      "tpu.region"() ({
        %run_scoped3A = tpu.sem_alloc : memref<!tpu.dma_semaphore, #tpu.memory_space<semaphore_mem>>
        %dma_start3A_99 = arith.constant 0 : i32
        %dma_start3A_100 = tpu.memref_slice %arg3[%add3A_85, %dma_start3A_99] : memref<2500x128xi32, #tpu.memory_space<hbm>> -> memref<1x128xi32, #tpu.memory_space<hbm>>
        %dma_start3A_101 = tpu.memref_squeeze %dma_start3A_100 : memref<1x128xi32, #tpu.memory_space<hbm>> -> memref<128xi32, #tpu.memory_space<hbm>>
        %dma_start3A_102 = arith.constant 0 : i32
        %dma_start3A_103 = tpu.memref_slice %arg3[%add3A_85, %dma_start3A_102] : memref<2500x128xi32, #tpu.memory_space<hbm>> -> memref<1x128xi32, #tpu.memory_space<hbm>>
        %dma_start3A_104 = tpu.memref_squeeze %dma_start3A_103 : memref<1x128xi32, #tpu.memory_space<hbm>> -> memref<128xi32, #tpu.memory_space<hbm>>
        tpu.enqueue_dma source(%dma_start3A_104 : memref<128xi32, #tpu.memory_space<hbm>>) target(%arg7 : memref<128xi32, #tpu.memory_space<vmem>>) target_semaphore(%run_scoped3A : memref<!tpu.dma_semaphore, #tpu.memory_space<semaphore_mem>>)
        %dma_wait3A_105 = arith.constant 0 : i32
        %dma_wait3A_106 = tpu.memref_slice %arg3[%add3A_85, %dma_wait3A_105] : memref<2500x128xi32, #tpu.memory_space<hbm>> -> memref<1x128xi32, #tpu.memory_space<hbm>>
        %dma_wait3A_107 = tpu.memref_squeeze %dma_wait3A_106 : memref<1x128xi32, #tpu.memory_space<hbm>> -> memref<128xi32, #tpu.memory_space<hbm>>
        %dma_wait3A_108 = arith.constant 0 : i32
        %dma_wait3A_109 = tpu.memref_slice %arg3[%add3A_85, %dma_wait3A_108] : memref<2500x128xi32, #tpu.memory_space<hbm>> -> memref<1x128xi32, #tpu.memory_space<hbm>>
        %dma_wait3A_110 = tpu.memref_squeeze %dma_wait3A_109 : memref<1x128xi32, #tpu.memory_space<hbm>> -> memref<128xi32, #tpu.memory_space<hbm>>
        tpu.wait_dma2 semaphore(%run_scoped3A : memref<!tpu.dma_semaphore, #tpu.memory_space<semaphore_mem>>) src(%dma_wait3A_110 : memref<128xi32, #tpu.memory_space<hbm>>) dst(%arg7 : memref<128xi32, #tpu.memory_space<vmem>>)
        tpu.yield
      }) : () -> ()
      "tpu.region"() ({
        %run_scoped3A = tpu.sem_alloc : memref<!tpu.dma_semaphore, #tpu.memory_space<semaphore_mem>>
        %dma_start3A_99 = arith.constant 0 : i32
        %dma_start3A_100 = tpu.memref_slice %arg4[%add3A_85, %dma_start3A_99] : memref<2500x128xi32, #tpu.memory_space<hbm>> -> memref<1x128xi32, #tpu.memory_space<hbm>>
        %dma_start3A_101 = tpu.memref_squeeze %dma_start3A_100 : memref<1x128xi32, #tpu.memory_space<hbm>> -> memref<128xi32, #tpu.memory_space<hbm>>
        %dma_start3A_102 = arith.constant 0 : i32
        %dma_start3A_103 = tpu.memref_slice %arg4[%add3A_85, %dma_start3A_102] : memref<2500x128xi32, #tpu.memory_space<hbm>> -> memref<1x128xi32, #tpu.memory_space<hbm>>
        %dma_start3A_104 = tpu.memref_squeeze %dma_start3A_103 : memref<1x128xi32, #tpu.memory_space<hbm>> -> memref<128xi32, #tpu.memory_space<hbm>>
        tpu.enqueue_dma source(%dma_start3A_104 : memref<128xi32, #tpu.memory_space<hbm>>) target(%arg11 : memref<128xi32, #tpu.memory_space<vmem>>) target_semaphore(%run_scoped3A : memref<!tpu.dma_semaphore, #tpu.memory_space<semaphore_mem>>)
        %dma_wait3A_105 = arith.constant 0 : i32
        %dma_wait3A_106 = tpu.memref_slice %arg4[%add3A_85, %dma_wait3A_105] : memref<2500x128xi32, #tpu.memory_space<hbm>> -> memref<1x128xi32, #tpu.memory_space<hbm>>
        %dma_wait3A_107 = tpu.memref_squeeze %dma_wait3A_106 : memref<1x128xi32, #tpu.memory_space<hbm>> -> memref<128xi32, #tpu.memory_space<hbm>>
        %dma_wait3A_108 = arith.constant 0 : i32
        %dma_wait3A_109 = tpu.memref_slice %arg4[%add3A_85, %dma_wait3A_108] : memref<2500x128xi32, #tpu.memory_space<hbm>> -> memref<1x128xi32, #tpu.memory_space<hbm>>
        %dma_wait3A_110 = tpu.memref_squeeze %dma_wait3A_109 : memref<1x128xi32, #tpu.memory_space<hbm>> -> memref<128xi32, #tpu.memory_space<hbm>>
        tpu.wait_dma2 semaphore(%run_scoped3A : memref<!tpu.dma_semaphore, #tpu.memory_space<semaphore_mem>>) src(%dma_wait3A_110 : memref<128xi32, #tpu.memory_space<hbm>>) dst(%arg11 : memref<128xi32, #tpu.memory_space<vmem>>)
        tpu.yield
      }) : () -> ()
      %dma_start3A = arith.constant 0 : i32
      %dma_start3A_86 = arith.constant 0 : i32
      %dma_start3A_87 = tpu.memref_slice %arg2[%add3A_7, %dma_start3A, %dma_start3A_86] : memref<4x10000x128xf32, #tpu.memory_space<hbm>> -> memref<1x10000x128xf32, #tpu.memory_space<hbm>>
      %dma_start3A_88 = tpu.memref_squeeze %dma_start3A_87 : memref<1x10000x128xf32, #tpu.memory_space<hbm>> -> memref<10000x128xf32, #tpu.memory_space<hbm>>
      %dma_start3A_89 = arith.constant 0 : i32
      %dma_start3A_90 = arith.constant 0 : i32
      %dma_start3A_91 = tpu.memref_slice %dma_start3A_88[%dma_start3A_89, %dma_start3A_90] : memref<10000x128xf32, #tpu.memory_space<hbm>> -> memref<10000x128xf32, #tpu.memory_space<hbm>>
      tpu.enqueue_indirect_dma source(%dma_start3A_91 : memref<10000x128xf32, #tpu.memory_space<hbm>>) target(%arg15 : memref<128x128xf32, #tpu.memory_space<vmem>>) offsets(%arg7 : memref<128xi32, #tpu.memory_space<vmem>>) semaphore(%arg18 : memref<!tpu.dma_semaphore, #tpu.memory_space<semaphore_mem>>)
      %dma_wait3A = arith.constant 0 : i32
      %dma_wait3A_92 = arith.constant 0 : i32
      %dma_wait3A_93 = tpu.memref_slice %arg2[%add3A_7, %dma_wait3A, %dma_wait3A_92] : memref<4x10000x128xf32, #tpu.memory_space<hbm>> -> memref<1x10000x128xf32, #tpu.memory_space<hbm>>
      %dma_wait3A_94 = tpu.memref_squeeze %dma_wait3A_93 : memref<1x10000x128xf32, #tpu.memory_space<hbm>> -> memref<10000x128xf32, #tpu.memory_space<hbm>>
      %dma_wait3A_95 = arith.constant 0 : i32
      %dma_wait3A_96 = arith.constant 0 : i32
      %dma_wait3A_97 = tpu.memref_slice %dma_wait3A_94[%dma_wait3A_95, %dma_wait3A_96] : memref<10000x128xf32, #tpu.memory_space<hbm>> -> memref<10000x128xf32, #tpu.memory_space<hbm>>
      tpu.wait_indirect_dma semaphore(%arg18 : memref<!tpu.dma_semaphore, #tpu.memory_space<semaphore_mem>>) src(%dma_wait3A_97 : memref<10000x128xf32, #tpu.memory_space<hbm>>) dst(%arg15 : memref<128x128xf32, #tpu.memory_space<vmem>>)
      "tpu.region"() ({
        %run_scoped3A = tpu.sem_alloc : memref<!tpu.dma_semaphore, #tpu.memory_space<semaphore_mem>>
        %dma_start3A_99 = arith.constant 0 : i32
        %dma_start3A_100 = arith.constant 0 : i32
        %dma_start3A_101 = tpu.memref_slice %arg17[%dma_start3A_99, %dma_start3A_100] : memref<10000x128xf32, #tpu.memory_space<vmem_shared>> -> memref<10000x128xf32, #tpu.memory_space<vmem_shared>>
        tpu.enqueue_indirect_dma source(%arg15 : memref<128x128xf32, #tpu.memory_space<vmem>>) target(%dma_start3A_101 : memref<10000x128xf32, #tpu.memory_space<vmem_shared>>) offsets(%arg11 : memref<128xi32, #tpu.memory_space<vmem>>) semaphore(%run_scoped3A : memref<!tpu.dma_semaphore, #tpu.memory_space<semaphore_mem>>) {add = true}
        %dma_wait3A_102 = arith.constant 0 : i32
        %dma_wait3A_103 = arith.constant 0 : i32
        %dma_wait3A_104 = tpu.memref_slice %arg17[%dma_wait3A_102, %dma_wait3A_103] : memref<10000x128xf32, #tpu.memory_space<vmem_shared>> -> memref<10000x128xf32, #tpu.memory_space<vmem_shared>>
        tpu.wait_indirect_dma semaphore(%run_scoped3A : memref<!tpu.dma_semaphore, #tpu.memory_space<semaphore_mem>>) src(%arg15 : memref<128x128xf32, #tpu.memory_space<vmem>>) dst(%dma_wait3A_104 : memref<10000x128xf32, #tpu.memory_space<vmem_shared>>)
        tpu.yield
      }) : () -> ()
      %while3A_98 = arith.constant 0 : i32
      scf.yield %while3A_98 : i32
    }
    %while3A_22 = arith.constant 1 : i32
    %while3A_23 = scf.for %while3A_81 = %while3A_19 to %while3A_15 step %while3A_22 iter_args(%while3A_82 = %while3A_21) -> (i32)  : i32 {
      %mul3A_83 = arith.constant 16 : i32
      %mul3A_84 = arith.muli %mul3A_83, %while3A_81 : i32
      %add3A_85 = arith.addi %arg1, %mul3A_84 : i32
      "tpu.region"() ({
        %run_scoped3A = tpu.sem_alloc : memref<!tpu.dma_semaphore, #tpu.memory_space<semaphore_mem>>
        %dma_start3A_99 = arith.constant 0 : i32
        %dma_start3A_100 = tpu.memref_slice %arg3[%add3A_85, %dma_start3A_99] : memref<2500x128xi32, #tpu.memory_space<hbm>> -> memref<1x128xi32, #tpu.memory_space<hbm>>
        %dma_start3A_101 = tpu.memref_squeeze %dma_start3A_100 : memref<1x128xi32, #tpu.memory_space<hbm>> -> memref<128xi32, #tpu.memory_space<hbm>>
        %dma_start3A_102 = arith.constant 0 : i32
        %dma_start3A_103 = tpu.memref_slice %arg3[%add3A_85, %dma_start3A_102] : memref<2500x128xi32, #tpu.memory_space<hbm>> -> memref<1x128xi32, #tpu.memory_space<hbm>>
        %dma_start3A_104 = tpu.memref_squeeze %dma_start3A_103 : memref<1x128xi32, #tpu.memory_space<hbm>> -> memref<128xi32, #tpu.memory_space<hbm>>
        tpu.enqueue_dma source(%dma_start3A_104 : memref<128xi32, #tpu.memory_space<hbm>>) target(%arg7 : memref<128xi32, #tpu.memory_space<vmem>>) target_semaphore(%run_scoped3A : memref<!tpu.dma_semaphore, #tpu.memory_space<semaphore_mem>>)
        %dma_wait3A_105 = arith.constant 0 : i32
        %dma_wait3A_106 = tpu.memref_slice %arg3[%add3A_85, %dma_wait3A_105] : memref<2500x128xi32, #tpu.memory_space<hbm>> -> memref<1x128xi32, #tpu.memory_space<hbm>>
        %dma_wait3A_107 = tpu.memref_squeeze %dma_wait3A_106 : memref<1x128xi32, #tpu.memory_space<hbm>> -> memref<128xi32, #tpu.memory_space<hbm>>
        %dma_wait3A_108 = arith.constant 0 : i32
        %dma_wait3A_109 = tpu.memref_slice %arg3[%add3A_85, %dma_wait3A_108] : memref<2500x128xi32, #tpu.memory_space<hbm>> -> memref<1x128xi32, #tpu.memory_space<hbm>>
        %dma_wait3A_110 = tpu.memref_squeeze %dma_wait3A_109 : memref<1x128xi32, #tpu.memory_space<hbm>> -> memref<128xi32, #tpu.memory_space<hbm>>
        tpu.wait_dma2 semaphore(%run_scoped3A : memref<!tpu.dma_semaphore, #tpu.memory_space<semaphore_mem>>) src(%dma_wait3A_110 : memref<128xi32, #tpu.memory_space<hbm>>) dst(%arg7 : memref<128xi32, #tpu.memory_space<vmem>>)
        tpu.yield
      }) : () -> ()
      "tpu.region"() ({
        %run_scoped3A = tpu.sem_alloc : memref<!tpu.dma_semaphore, #tpu.memory_space<semaphore_mem>>
        %dma_start3A_99 = arith.constant 0 : i32
        %dma_start3A_100 = tpu.memref_slice %arg4[%add3A_85, %dma_start3A_99] : memref<2500x128xi32, #tpu.memory_space<hbm>> -> memref<1x128xi32, #tpu.memory_space<hbm>>
        %dma_start3A_101 = tpu.memref_squeeze %dma_start3A_100 : memref<1x128xi32, #tpu.memory_space<hbm>> -> memref<128xi32, #tpu.memory_space<hbm>>
        %dma_start3A_102 = arith.constant 0 : i32
        %dma_start3A_103 = tpu.memref_slice %arg4[%add3A_85, %dma_start3A_102] : memref<2500x128xi32, #tpu.memory_space<hbm>> -> memref<1x128xi32, #tpu.memory_space<hbm>>
        %dma_start3A_104 = tpu.memref_squeeze %dma_start3A_103 : memref<1x128xi32, #tpu.memory_space<hbm>> -> memref<128xi32, #tpu.memory_space<hbm>>
        tpu.enqueue_dma source(%dma_start3A_104 : memref<128xi32, #tpu.memory_space<hbm>>) target(%arg11 : memref<128xi32, #tpu.memory_space<vmem>>) target_semaphore(%run_scoped3A : memref<!tpu.dma_semaphore, #tpu.memory_space<semaphore_mem>>)
        %dma_wait3A_105 = arith.constant 0 : i32
        %dma_wait3A_106 = tpu.memref_slice %arg4[%add3A_85, %dma_wait3A_105] : memref<2500x128xi32, #tpu.memory_space<hbm>> -> memref<1x128xi32, #tpu.memory_space<hbm>>
        %dma_wait3A_107 = tpu.memref_squeeze %dma_wait3A_106 : memref<1x128xi32, #tpu.memory_space<hbm>> -> memref<128xi32, #tpu.memory_space<hbm>>
        %dma_wait3A_108 = arith.constant 0 : i32
        %dma_wait3A_109 = tpu.memref_slice %arg4[%add3A_85, %dma_wait3A_108] : memref<2500x128xi32, #tpu.memory_space<hbm>> -> memref<1x128xi32, #tpu.memory_space<hbm>>
        %dma_wait3A_110 = tpu.memref_squeeze %dma_wait3A_109 : memref<1x128xi32, #tpu.memory_space<hbm>> -> memref<128xi32, #tpu.memory_space<hbm>>
        tpu.wait_dma2 semaphore(%run_scoped3A : memref<!tpu.dma_semaphore, #tpu.memory_space<semaphore_mem>>) src(%dma_wait3A_110 : memref<128xi32, #tpu.memory_space<hbm>>) dst(%arg11 : memref<128xi32, #tpu.memory_space<vmem>>)
        tpu.yield
      }) : () -> ()
      %dma_start3A = arith.constant 0 : i32
      %dma_start3A_86 = arith.constant 0 : i32
      %dma_start3A_87 = tpu.memref_slice %arg2[%add3A_7, %dma_start3A, %dma_start3A_86] : memref<4x10000x128xf32, #tpu.memory_space<hbm>> -> memref<1x10000x128xf32, #tpu.memory_space<hbm>>
      %dma_start3A_88 = tpu.memref_squeeze %dma_start3A_87 : memref<1x10000x128xf32, #tpu.memory_space<hbm>> -> memref<10000x128xf32, #tpu.memory_space<hbm>>
      %dma_start3A_89 = arith.constant 0 : i32
      %dma_start3A_90 = arith.constant 0 : i32
      %dma_start3A_91 = tpu.memref_slice %dma_start3A_88[%dma_start3A_89, %dma_start3A_90] : memref<10000x128xf32, #tpu.memory_space<hbm>> -> memref<10000x128xf32, #tpu.memory_space<hbm>>
      tpu.enqueue_indirect_dma source(%dma_start3A_91 : memref<10000x128xf32, #tpu.memory_space<hbm>>) target(%arg15 : memref<128x128xf32, #tpu.memory_space<vmem>>) offsets(%arg7 : memref<128xi32, #tpu.memory_space<vmem>>) semaphore(%arg18 : memref<!tpu.dma_semaphore, #tpu.memory_space<semaphore_mem>>)
      %dma_wait3A = arith.constant 0 : i32
      %dma_wait3A_92 = arith.constant 0 : i32
      %dma_wait3A_93 = tpu.memref_slice %arg2[%add3A_7, %dma_wait3A, %dma_wait3A_92] : memref<4x10000x128xf32, #tpu.memory_space<hbm>> -> memref<1x10000x128xf32, #tpu.memory_space<hbm>>
      %dma_wait3A_94 = tpu.memref_squeeze %dma_wait3A_93 : memref<1x10000x128xf32, #tpu.memory_space<hbm>> -> memref<10000x128xf32, #tpu.memory_space<hbm>>
      %dma_wait3A_95 = arith.constant 0 : i32
      %dma_wait3A_96 = arith.constant 0 : i32
      %dma_wait3A_97 = tpu.memref_slice %dma_wait3A_94[%dma_wait3A_95, %dma_wait3A_96] : memref<10000x128xf32, #tpu.memory_space<hbm>> -> memref<10000x128xf32, #tpu.memory_space<hbm>>
      tpu.wait_indirect_dma semaphore(%arg18 : memref<!tpu.dma_semaphore, #tpu.memory_space<semaphore_mem>>) src(%dma_wait3A_97 : memref<10000x128xf32, #tpu.memory_space<hbm>>) dst(%arg15 : memref<128x128xf32, #tpu.memory_space<vmem>>)
      "tpu.region"() ({
        %run_scoped3A = tpu.sem_alloc : memref<!tpu.dma_semaphore, #tpu.memory_space<semaphore_mem>>
        %dma_start3A_99 = arith.constant 0 : i32
        %dma_start3A_100 = arith.constant 0 : i32
        %dma_start3A_101 = tpu.memref_slice %arg17[%dma_start3A_99, %dma_start3A_100] : memref<10000x128xf32, #tpu.memory_space<vmem_shared>> -> memref<10000x128xf32, #tpu.memory_space<vmem_shared>>
        tpu.enqueue_indirect_dma source(%arg15 : memref<128x128xf32, #tpu.memory_space<vmem>>) target(%dma_start3A_101 : memref<10000x128xf32, #tpu.memory_space<vmem_shared>>) offsets(%arg11 : memref<128xi32, #tpu.memory_space<vmem>>) semaphore(%run_scoped3A : memref<!tpu.dma_semaphore, #tpu.memory_space<semaphore_mem>>) {add = true}
        %dma_wait3A_102 = arith.constant 0 : i32
        %dma_wait3A_103 = arith.constant 0 : i32
        %dma_wait3A_104 = tpu.memref_slice %arg17[%dma_wait3A_102, %dma_wait3A_103] : memref<10000x128xf32, #tpu.memory_space<vmem_shared>> -> memref<10000x128xf32, #tpu.memory_space<vmem_shared>>
        tpu.wait_indirect_dma semaphore(%run_scoped3A : memref<!tpu.dma_semaphore, #tpu.memory_space<semaphore_mem>>) src(%arg15 : memref<128x128xf32, #tpu.memory_space<vmem>>) dst(%dma_wait3A_104 : memref<10000x128xf32, #tpu.memory_space<vmem_shared>>)
        tpu.yield
      }) : () -> ()
      %while3A_98 = arith.constant 0 : i32
      scf.yield %while3A_98 : i32
    }
    %barrier3A_24 = arith.constant 0 : index
    tpu.barrier barrier_id(%barrier3A_24)
    %lt3A_25 = arith.constant 15 : i32
    %lt3A_26 = arith.cmpi slt, %arg1, %lt3A_25 : i32
    %convert_element_type3A_27 = arith.extui %lt3A_26 : i1 to i32
    %cond3A_28 = arith.constant 0 : i32
    %cond3A_29 = arith.cmpi ne, %convert_element_type3A_27, %cond3A_28 : i32
    scf.if %cond3A_29 {
      %mul3A_81 = arith.constant 624 : i32
      %mul3A_82 = arith.muli %arg1, %mul3A_81 : i32
      "tpu.region"() ({
        %run_scoped3A = tpu.sem_alloc : memref<!tpu.dma_semaphore, #tpu.memory_space<semaphore_mem>>
        %dma_start3A = arith.constant 0 : i32
        %dma_start3A_83 = arith.constant 0 : i32
        %dma_start3A_84 = tpu.memref_slice %arg6[%add3A_7, %dma_start3A, %dma_start3A_83] : memref<4x10000x128xf32, #tpu.memory_space<hbm>> -> memref<1x10000x128xf32, #tpu.memory_space<hbm>>
        %dma_start3A_85 = tpu.memref_squeeze %dma_start3A_84 : memref<1x10000x128xf32, #tpu.memory_space<hbm>> -> memref<10000x128xf32, #tpu.memory_space<hbm>>
        %dma_start3A_86 = arith.constant 0 : i32
        %dma_start3A_87 = tpu.memref_slice %dma_start3A_85[%mul3A_82, %dma_start3A_86] : memref<10000x128xf32, #tpu.memory_space<hbm>> -> memref<624x128xf32, #tpu.memory_space<hbm>>
        %dma_start3A_88 = arith.constant 0 : i32
        %dma_start3A_89 = tpu.memref_slice %arg17[%mul3A_82, %dma_start3A_88] : memref<10000x128xf32, #tpu.memory_space<vmem_shared>> -> memref<624x128xf32, #tpu.memory_space<vmem_shared>>
        tpu.enqueue_dma source(%dma_start3A_89 : memref<624x128xf32, #tpu.memory_space<vmem_shared>>) target(%dma_start3A_87 : memref<624x128xf32, #tpu.memory_space<hbm>>) target_semaphore(%run_scoped3A : memref<!tpu.dma_semaphore, #tpu.memory_space<semaphore_mem>>)
        %dma_wait3A = arith.constant 0 : i32
        %dma_wait3A_90 = arith.constant 0 : i32
        %dma_wait3A_91 = tpu.memref_slice %arg6[%add3A_7, %dma_wait3A, %dma_wait3A_90] : memref<4x10000x128xf32, #tpu.memory_space<hbm>> -> memref<1x10000x128xf32, #tpu.memory_space<hbm>>
        %dma_wait3A_92 = tpu.memref_squeeze %dma_wait3A_91 : memref<1x10000x128xf32, #tpu.memory_space<hbm>> -> memref<10000x128xf32, #tpu.memory_space<hbm>>
        %dma_wait3A_93 = arith.constant 0 : i32
        %dma_wait3A_94 = tpu.memref_slice %dma_wait3A_92[%mul3A_82, %dma_wait3A_93] : memref<10000x128xf32, #tpu.memory_space<hbm>> -> memref<624x128xf32, #tpu.memory_space<hbm>>
        %dma_wait3A_95 = arith.constant 0 : i32
        %dma_wait3A_96 = tpu.memref_slice %arg17[%mul3A_82, %dma_wait3A_95] : memref<10000x128xf32, #tpu.memory_space<vmem_shared>> -> memref<624x128xf32, #tpu.memory_space<vmem_shared>>
        tpu.wait_dma2 semaphore(%run_scoped3A : memref<!tpu.dma_semaphore, #tpu.memory_space<semaphore_mem>>) src(%dma_wait3A_96 : memref<624x128xf32, #tpu.memory_space<vmem_shared>>) dst(%dma_wait3A_94 : memref<624x128xf32, #tpu.memory_space<hbm>>)
        tpu.yield
      }) : () -> ()
    } else {
    }
    %eq3A_30 = arith.constant 15 : i32
    %eq3A_31 = arith.cmpi eq, %arg1, %eq3A_30 : i32
    %convert_element_type3A_32 = arith.extui %eq3A_31 : i1 to i32
    %cond3A_33 = arith.constant 0 : i32
    %cond3A_34 = arith.cmpi ne, %convert_element_type3A_32, %cond3A_33 : i32
    scf.if %cond3A_34 {
      "tpu.region"() ({
        %run_scoped3A = tpu.sem_alloc : memref<!tpu.dma_semaphore, #tpu.memory_space<semaphore_mem>>
        %dma_start3A = arith.constant 0 : i32
        %dma_start3A_81 = arith.constant 0 : i32
        %dma_start3A_82 = tpu.memref_slice %arg6[%add3A_7, %dma_start3A, %dma_start3A_81] : memref<4x10000x128xf32, #tpu.memory_space<hbm>> -> memref<1x10000x128xf32, #tpu.memory_space<hbm>>
        %dma_start3A_83 = tpu.memref_squeeze %dma_start3A_82 : memref<1x10000x128xf32, #tpu.memory_space<hbm>> -> memref<10000x128xf32, #tpu.memory_space<hbm>>
        %dma_start3A_84 = arith.constant 9360 : i32
        %dma_start3A_85 = arith.constant 0 : i32
        %dma_start3A_86 = tpu.memref_slice %dma_start3A_83[%dma_start3A_84, %dma_start3A_85] : memref<10000x128xf32, #tpu.memory_space<hbm>> -> memref<640x128xf32, #tpu.memory_space<hbm>>
        %dma_start3A_87 = arith.constant 9360 : i32
        %dma_start3A_88 = arith.constant 0 : i32
        %dma_start3A_89 = tpu.memref_slice %arg17[%dma_start3A_87, %dma_start3A_88] : memref<10000x128xf32, #tpu.memory_space<vmem_shared>> -> memref<640x128xf32, #tpu.memory_space<vmem_shared>>
        tpu.enqueue_dma source(%dma_start3A_89 : memref<640x128xf32, #tpu.memory_space<vmem_shared>>) target(%dma_start3A_86 : memref<640x128xf32, #tpu.memory_space<hbm>>) target_semaphore(%run_scoped3A : memref<!tpu.dma_semaphore, #tpu.memory_space<semaphore_mem>>)
        %dma_wait3A = arith.constant 0 : i32
        %dma_wait3A_90 = arith.constant 0 : i32
        %dma_wait3A_91 = tpu.memref_slice %arg6[%add3A_7, %dma_wait3A, %dma_wait3A_90] : memref<4x10000x128xf32, #tpu.memory_space<hbm>> -> memref<1x10000x128xf32, #tpu.memory_space<hbm>>
        %dma_wait3A_92 = tpu.memref_squeeze %dma_wait3A_91 : memref<1x10000x128xf32, #tpu.memory_space<hbm>> -> memref<10000x128xf32, #tpu.memory_space<hbm>>
        %dma_wait3A_93 = arith.constant 9360 : i32
        %dma_wait3A_94 = arith.constant 0 : i32
        %dma_wait3A_95 = tpu.memref_slice %dma_wait3A_92[%dma_wait3A_93, %dma_wait3A_94] : memref<10000x128xf32, #tpu.memory_space<hbm>> -> memref<640x128xf32, #tpu.memory_space<hbm>>
        %dma_wait3A_96 = arith.constant 9360 : i32
        %dma_wait3A_97 = arith.constant 0 : i32
        %dma_wait3A_98 = tpu.memref_slice %arg17[%dma_wait3A_96, %dma_wait3A_97] : memref<10000x128xf32, #tpu.memory_space<vmem_shared>> -> memref<640x128xf32, #tpu.memory_space<vmem_shared>>
        tpu.wait_dma2 semaphore(%run_scoped3A : memref<!tpu.dma_semaphore, #tpu.memory_space<semaphore_mem>>) src(%dma_wait3A_98 : memref<640x128xf32, #tpu.memory_space<vmem_shared>>) dst(%dma_wait3A_95 : memref<640x128xf32, #tpu.memory_space<hbm>>)
        tpu.yield
      }) : () -> ()
    } else {
    }
    %lt3A_35 = arith.constant 15 : i32
    %lt3A_36 = arith.cmpi slt, %arg1, %lt3A_35 : i32
    %convert_element_type3A_37 = arith.extui %lt3A_36 : i1 to i32
    %cond3A_38 = arith.constant 0 : i32
    %cond3A_39 = arith.cmpi ne, %convert_element_type3A_37, %cond3A_38 : i32
    scf.if %cond3A_39 {
      %mul3A_81 = arith.constant 624 : i32
      %mul3A_82 = arith.muli %arg1, %mul3A_81 : i32
      "tpu.region"() ({
        %run_scoped3A = tpu.sem_alloc : memref<!tpu.dma_semaphore, #tpu.memory_space<semaphore_mem>>
        %dma_start3A = arith.constant 0 : i32
        %dma_start3A_83 = tpu.memref_slice %arg17[%mul3A_82, %dma_start3A] : memref<10000x128xf32, #tpu.memory_space<vmem_shared>> -> memref<624x128xf32, #tpu.memory_space<vmem_shared>>
        %dma_start3A_84 = arith.constant 0 : i32
        %dma_start3A_85 = arith.constant 0 : i32
        %dma_start3A_86 = tpu.memref_slice %arg5[%dma_start3A_84, %dma_start3A_85] : memref<640x128xf32, #tpu.memory_space<hbm>> -> memref<624x128xf32, #tpu.memory_space<hbm>>
        tpu.enqueue_dma source(%dma_start3A_86 : memref<624x128xf32, #tpu.memory_space<hbm>>) target(%dma_start3A_83 : memref<624x128xf32, #tpu.memory_space<vmem_shared>>) target_semaphore(%run_scoped3A : memref<!tpu.dma_semaphore, #tpu.memory_space<semaphore_mem>>)
        %dma_wait3A = arith.constant 0 : i32
        %dma_wait3A_87 = tpu.memref_slice %arg17[%mul3A_82, %dma_wait3A] : memref<10000x128xf32, #tpu.memory_space<vmem_shared>> -> memref<624x128xf32, #tpu.memory_space<vmem_shared>>
        %dma_wait3A_88 = arith.constant 0 : i32
        %dma_wait3A_89 = arith.constant 0 : i32
        %dma_wait3A_90 = tpu.memref_slice %arg5[%dma_wait3A_88, %dma_wait3A_89] : memref<640x128xf32, #tpu.memory_space<hbm>> -> memref<624x128xf32, #tpu.memory_space<hbm>>
        tpu.wait_dma2 semaphore(%run_scoped3A : memref<!tpu.dma_semaphore, #tpu.memory_space<semaphore_mem>>) src(%dma_wait3A_90 : memref<624x128xf32, #tpu.memory_space<hbm>>) dst(%dma_wait3A_87 : memref<624x128xf32, #tpu.memory_space<vmem_shared>>)
        tpu.yield
      }) : () -> ()
    } else {
    }
    %eq3A_40 = arith.constant 15 : i32
    %eq3A_41 = arith.cmpi eq, %arg1, %eq3A_40 : i32
    %convert_element_type3A_42 = arith.extui %eq3A_41 : i1 to i32
    %cond3A_43 = arith.constant 0 : i32
    %cond3A_44 = arith.cmpi ne, %convert_element_type3A_42, %cond3A_43 : i32
    scf.if %cond3A_44 {
      "tpu.region"() ({
        %run_scoped3A = tpu.sem_alloc : memref<!tpu.dma_semaphore, #tpu.memory_space<semaphore_mem>>
        %dma_start3A = arith.constant 9360 : i32
        %dma_start3A_81 = arith.constant 0 : i32
        %dma_start3A_82 = tpu.memref_slice %arg17[%dma_start3A, %dma_start3A_81] : memref<10000x128xf32, #tpu.memory_space<vmem_shared>> -> memref<640x128xf32, #tpu.memory_space<vmem_shared>>
        %dma_start3A_83 = arith.constant 0 : i32
        %dma_start3A_84 = arith.constant 0 : i32
        %dma_start3A_85 = tpu.memref_slice %arg5[%dma_start3A_83, %dma_start3A_84] : memref<640x128xf32, #tpu.memory_space<hbm>> -> memref<640x128xf32, #tpu.memory_space<hbm>>
        tpu.enqueue_dma source(%dma_start3A_85 : memref<640x128xf32, #tpu.memory_space<hbm>>) target(%dma_start3A_82 : memref<640x128xf32, #tpu.memory_space<vmem_shared>>) target_semaphore(%run_scoped3A : memref<!tpu.dma_semaphore, #tpu.memory_space<semaphore_mem>>)
        %dma_wait3A = arith.constant 9360 : i32
        %dma_wait3A_86 = arith.constant 0 : i32
        %dma_wait3A_87 = tpu.memref_slice %arg17[%dma_wait3A, %dma_wait3A_86] : memref<10000x128xf32, #tpu.memory_space<vmem_shared>> -> memref<640x128xf32, #tpu.memory_space<vmem_shared>>
        %dma_wait3A_88 = arith.constant 0 : i32
        %dma_wait3A_89 = arith.constant 0 : i32
        %dma_wait3A_90 = tpu.memref_slice %arg5[%dma_wait3A_88, %dma_wait3A_89] : memref<640x128xf32, #tpu.memory_space<hbm>> -> memref<640x128xf32, #tpu.memory_space<hbm>>
        tpu.wait_dma2 semaphore(%run_scoped3A : memref<!tpu.dma_semaphore, #tpu.memory_space<semaphore_mem>>) src(%dma_wait3A_90 : memref<640x128xf32, #tpu.memory_space<hbm>>) dst(%dma_wait3A_87 : memref<640x128xf32, #tpu.memory_space<vmem_shared>>)
        tpu.yield
      }) : () -> ()
    } else {
    }
    %barrier3A_45 = arith.constant 0 : index
    tpu.barrier barrier_id(%barrier3A_45)
    %mul3A_46 = arith.constant 2 : i32
    %mul3A_47 = arith.muli %mul3A_46, %arg0 : i32
    %add3A_48 = arith.constant 1 : i32
    %add3A_49 = arith.addi %mul3A_47, %add3A_48 : i32
    %lt3A_50 = arith.constant 4 : i32
    %lt3A_51 = arith.cmpi slt, %arg1, %lt3A_50 : i32
    %jit3A_52 = arith.constant 1 : i32
    %jit3A_53 = arith.constant 0 : i32
    %select_n3A_54 = arith.select %lt3A_51, %jit3A_52, %jit3A_53 : i32
    %add3A_55 = arith.constant 156 : i32
    %add3A_56 = arith.addi %add3A_55, %select_n3A_54 : i32
    %while3A_57 = arith.constant 0 : i32
    %while3A_58 = arith.constant 0 : i32
    %while3A_59 = arith.subi %add3A_56, %while3A_57 : i32
    %while3A_60 = arith.addi %while3A_57, %while3A_59 : i32
    %while3A_61 = arith.constant 1 : i32
    %while3A_62 = arith.divsi %while3A_59, %while3A_61 : i32
    %while3A_63 = arith.muli %while3A_62, %while3A_61 : i32
    %while3A_64 = arith.addi %while3A_57, %while3A_63 : i32
    %while3A_65 = arith.constant 1 : i32
    %while3A_66 = scf.for %while3A_81 = %while3A_57 to %while3A_64 step %while3A_65 iter_args(%while3A_82 = %while3A_58) -> (i32)  : i32 {
      %mul3A_83 = arith.constant 16 : i32
      %mul3A_84 = arith.muli %mul3A_83, %while3A_81 : i32
      %add3A_85 = arith.addi %arg1, %mul3A_84 : i32
      "tpu.region"() ({
        %run_scoped3A = tpu.sem_alloc : memref<!tpu.dma_semaphore, #tpu.memory_space<semaphore_mem>>
        %dma_start3A_99 = arith.constant 0 : i32
        %dma_start3A_100 = tpu.memref_slice %arg3[%add3A_85, %dma_start3A_99] : memref<2500x128xi32, #tpu.memory_space<hbm>> -> memref<1x128xi32, #tpu.memory_space<hbm>>
        %dma_start3A_101 = tpu.memref_squeeze %dma_start3A_100 : memref<1x128xi32, #tpu.memory_space<hbm>> -> memref<128xi32, #tpu.memory_space<hbm>>
        %dma_start3A_102 = arith.constant 0 : i32
        %dma_start3A_103 = tpu.memref_slice %arg3[%add3A_85, %dma_start3A_102] : memref<2500x128xi32, #tpu.memory_space<hbm>> -> memref<1x128xi32, #tpu.memory_space<hbm>>
        %dma_start3A_104 = tpu.memref_squeeze %dma_start3A_103 : memref<1x128xi32, #tpu.memory_space<hbm>> -> memref<128xi32, #tpu.memory_space<hbm>>
        tpu.enqueue_dma source(%dma_start3A_104 : memref<128xi32, #tpu.memory_space<hbm>>) target(%arg7 : memref<128xi32, #tpu.memory_space<vmem>>) target_semaphore(%run_scoped3A : memref<!tpu.dma_semaphore, #tpu.memory_space<semaphore_mem>>)
        %dma_wait3A_105 = arith.constant 0 : i32
        %dma_wait3A_106 = tpu.memref_slice %arg3[%add3A_85, %dma_wait3A_105] : memref<2500x128xi32, #tpu.memory_space<hbm>> -> memref<1x128xi32, #tpu.memory_space<hbm>>
        %dma_wait3A_107 = tpu.memref_squeeze %dma_wait3A_106 : memref<1x128xi32, #tpu.memory_space<hbm>> -> memref<128xi32, #tpu.memory_space<hbm>>
        %dma_wait3A_108 = arith.constant 0 : i32
        %dma_wait3A_109 = tpu.memref_slice %arg3[%add3A_85, %dma_wait3A_108] : memref<2500x128xi32, #tpu.memory_space<hbm>> -> memref<1x128xi32, #tpu.memory_space<hbm>>
        %dma_wait3A_110 = tpu.memref_squeeze %dma_wait3A_109 : memref<1x128xi32, #tpu.memory_space<hbm>> -> memref<128xi32, #tpu.memory_space<hbm>>
        tpu.wait_dma2 semaphore(%run_scoped3A : memref<!tpu.dma_semaphore, #tpu.memory_space<semaphore_mem>>) src(%dma_wait3A_110 : memref<128xi32, #tpu.memory_space<hbm>>) dst(%arg7 : memref<128xi32, #tpu.memory_space<vmem>>)
        tpu.yield
      }) : () -> ()
      "tpu.region"() ({
        %run_scoped3A = tpu.sem_alloc : memref<!tpu.dma_semaphore, #tpu.memory_space<semaphore_mem>>
        %dma_start3A_99 = arith.constant 0 : i32
        %dma_start3A_100 = tpu.memref_slice %arg4[%add3A_85, %dma_start3A_99] : memref<2500x128xi32, #tpu.memory_space<hbm>> -> memref<1x128xi32, #tpu.memory_space<hbm>>
        %dma_start3A_101 = tpu.memref_squeeze %dma_start3A_100 : memref<1x128xi32, #tpu.memory_space<hbm>> -> memref<128xi32, #tpu.memory_space<hbm>>
        %dma_start3A_102 = arith.constant 0 : i32
        %dma_start3A_103 = tpu.memref_slice %arg4[%add3A_85, %dma_start3A_102] : memref<2500x128xi32, #tpu.memory_space<hbm>> -> memref<1x128xi32, #tpu.memory_space<hbm>>
        %dma_start3A_104 = tpu.memref_squeeze %dma_start3A_103 : memref<1x128xi32, #tpu.memory_space<hbm>> -> memref<128xi32, #tpu.memory_space<hbm>>
        tpu.enqueue_dma source(%dma_start3A_104 : memref<128xi32, #tpu.memory_space<hbm>>) target(%arg11 : memref<128xi32, #tpu.memory_space<vmem>>) target_semaphore(%run_scoped3A : memref<!tpu.dma_semaphore, #tpu.memory_space<semaphore_mem>>)
        %dma_wait3A_105 = arith.constant 0 : i32
        %dma_wait3A_106 = tpu.memref_slice %arg4[%add3A_85, %dma_wait3A_105] : memref<2500x128xi32, #tpu.memory_space<hbm>> -> memref<1x128xi32, #tpu.memory_space<hbm>>
        %dma_wait3A_107 = tpu.memref_squeeze %dma_wait3A_106 : memref<1x128xi32, #tpu.memory_space<hbm>> -> memref<128xi32, #tpu.memory_space<hbm>>
        %dma_wait3A_108 = arith.constant 0 : i32
        %dma_wait3A_109 = tpu.memref_slice %arg4[%add3A_85, %dma_wait3A_108] : memref<2500x128xi32, #tpu.memory_space<hbm>> -> memref<1x128xi32, #tpu.memory_space<hbm>>
        %dma_wait3A_110 = tpu.memref_squeeze %dma_wait3A_109 : memref<1x128xi32, #tpu.memory_space<hbm>> -> memref<128xi32, #tpu.memory_space<hbm>>
        tpu.wait_dma2 semaphore(%run_scoped3A : memref<!tpu.dma_semaphore, #tpu.memory_space<semaphore_mem>>) src(%dma_wait3A_110 : memref<128xi32, #tpu.memory_space<hbm>>) dst(%arg11 : memref<128xi32, #tpu.memory_space<vmem>>)
        tpu.yield
      }) : () -> ()
      %dma_start3A = arith.constant 0 : i32
      %dma_start3A_86 = arith.constant 0 : i32
      %dma_start3A_87 = tpu.memref_slice %arg2[%add3A_49, %dma_start3A, %dma_start3A_86] : memref<4x10000x128xf32, #tpu.memory_space<hbm>> -> memref<1x10000x128xf32, #tpu.memory_space<hbm>>
      %dma_start3A_88 = tpu.memref_squeeze %dma_start3A_87 : memref<1x10000x128xf32, #tpu.memory_space<hbm>> -> memref<10000x128xf32, #tpu.memory_space<hbm>>
      %dma_start3A_89 = arith.constant 0 : i32
      %dma_start3A_90 = arith.constant 0 : i32
      %dma_start3A_91 = tpu.memref_slice %dma_start3A_88[%dma_start3A_89, %dma_start3A_90] : memref<10000x128xf32, #tpu.memory_space<hbm>> -> memref<10000x128xf32, #tpu.memory_space<hbm>>
      tpu.enqueue_indirect_dma source(%dma_start3A_91 : memref<10000x128xf32, #tpu.memory_space<hbm>>) target(%arg15 : memref<128x128xf32, #tpu.memory_space<vmem>>) offsets(%arg7 : memref<128xi32, #tpu.memory_space<vmem>>) semaphore(%arg18 : memref<!tpu.dma_semaphore, #tpu.memory_space<semaphore_mem>>)
      %dma_wait3A = arith.constant 0 : i32
      %dma_wait3A_92 = arith.constant 0 : i32
      %dma_wait3A_93 = tpu.memref_slice %arg2[%add3A_49, %dma_wait3A, %dma_wait3A_92] : memref<4x10000x128xf32, #tpu.memory_space<hbm>> -> memref<1x10000x128xf32, #tpu.memory_space<hbm>>
      %dma_wait3A_94 = tpu.memref_squeeze %dma_wait3A_93 : memref<1x10000x128xf32, #tpu.memory_space<hbm>> -> memref<10000x128xf32, #tpu.memory_space<hbm>>
      %dma_wait3A_95 = arith.constant 0 : i32
      %dma_wait3A_96 = arith.constant 0 : i32
      %dma_wait3A_97 = tpu.memref_slice %dma_wait3A_94[%dma_wait3A_95, %dma_wait3A_96] : memref<10000x128xf32, #tpu.memory_space<hbm>> -> memref<10000x128xf32, #tpu.memory_space<hbm>>
      tpu.wait_indirect_dma semaphore(%arg18 : memref<!tpu.dma_semaphore, #tpu.memory_space<semaphore_mem>>) src(%dma_wait3A_97 : memref<10000x128xf32, #tpu.memory_space<hbm>>) dst(%arg15 : memref<128x128xf32, #tpu.memory_space<vmem>>)
      "tpu.region"() ({
        %run_scoped3A = tpu.sem_alloc : memref<!tpu.dma_semaphore, #tpu.memory_space<semaphore_mem>>
        %dma_start3A_99 = arith.constant 0 : i32
        %dma_start3A_100 = arith.constant 0 : i32
        %dma_start3A_101 = tpu.memref_slice %arg17[%dma_start3A_99, %dma_start3A_100] : memref<10000x128xf32, #tpu.memory_space<vmem_shared>> -> memref<10000x128xf32, #tpu.memory_space<vmem_shared>>
        tpu.enqueue_indirect_dma source(%arg15 : memref<128x128xf32, #tpu.memory_space<vmem>>) target(%dma_start3A_101 : memref<10000x128xf32, #tpu.memory_space<vmem_shared>>) offsets(%arg11 : memref<128xi32, #tpu.memory_space<vmem>>) semaphore(%run_scoped3A : memref<!tpu.dma_semaphore, #tpu.memory_space<semaphore_mem>>) {add = true}
        %dma_wait3A_102 = arith.constant 0 : i32
        %dma_wait3A_103 = arith.constant 0 : i32
        %dma_wait3A_104 = tpu.memref_slice %arg17[%dma_wait3A_102, %dma_wait3A_103] : memref<10000x128xf32, #tpu.memory_space<vmem_shared>> -> memref<10000x128xf32, #tpu.memory_space<vmem_shared>>
        tpu.wait_indirect_dma semaphore(%run_scoped3A : memref<!tpu.dma_semaphore, #tpu.memory_space<semaphore_mem>>) src(%arg15 : memref<128x128xf32, #tpu.memory_space<vmem>>) dst(%dma_wait3A_104 : memref<10000x128xf32, #tpu.memory_space<vmem_shared>>)
        tpu.yield
      }) : () -> ()
      %while3A_98 = arith.constant 0 : i32
      scf.yield %while3A_98 : i32
    }
    %while3A_67 = arith.constant 1 : i32
    %while3A_68 = scf.for %while3A_81 = %while3A_64 to %while3A_60 step %while3A_67 iter_args(%while3A_82 = %while3A_66) -> (i32)  : i32 {
      %mul3A_83 = arith.constant 16 : i32
      %mul3A_84 = arith.muli %mul3A_83, %while3A_81 : i32
      %add3A_85 = arith.addi %arg1, %mul3A_84 : i32
      "tpu.region"() ({
        %run_scoped3A = tpu.sem_alloc : memref<!tpu.dma_semaphore, #tpu.memory_space<semaphore_mem>>
        %dma_start3A_99 = arith.constant 0 : i32
        %dma_start3A_100 = tpu.memref_slice %arg3[%add3A_85, %dma_start3A_99] : memref<2500x128xi32, #tpu.memory_space<hbm>> -> memref<1x128xi32, #tpu.memory_space<hbm>>
        %dma_start3A_101 = tpu.memref_squeeze %dma_start3A_100 : memref<1x128xi32, #tpu.memory_space<hbm>> -> memref<128xi32, #tpu.memory_space<hbm>>
        %dma_start3A_102 = arith.constant 0 : i32
        %dma_start3A_103 = tpu.memref_slice %arg3[%add3A_85, %dma_start3A_102] : memref<2500x128xi32, #tpu.memory_space<hbm>> -> memref<1x128xi32, #tpu.memory_space<hbm>>
        %dma_start3A_104 = tpu.memref_squeeze %dma_start3A_103 : memref<1x128xi32, #tpu.memory_space<hbm>> -> memref<128xi32, #tpu.memory_space<hbm>>
        tpu.enqueue_dma source(%dma_start3A_104 : memref<128xi32, #tpu.memory_space<hbm>>) target(%arg7 : memref<128xi32, #tpu.memory_space<vmem>>) target_semaphore(%run_scoped3A : memref<!tpu.dma_semaphore, #tpu.memory_space<semaphore_mem>>)
        %dma_wait3A_105 = arith.constant 0 : i32
        %dma_wait3A_106 = tpu.memref_slice %arg3[%add3A_85, %dma_wait3A_105] : memref<2500x128xi32, #tpu.memory_space<hbm>> -> memref<1x128xi32, #tpu.memory_space<hbm>>
        %dma_wait3A_107 = tpu.memref_squeeze %dma_wait3A_106 : memref<1x128xi32, #tpu.memory_space<hbm>> -> memref<128xi32, #tpu.memory_space<hbm>>
        %dma_wait3A_108 = arith.constant 0 : i32
        %dma_wait3A_109 = tpu.memref_slice %arg3[%add3A_85, %dma_wait3A_108] : memref<2500x128xi32, #tpu.memory_space<hbm>> -> memref<1x128xi32, #tpu.memory_space<hbm>>
        %dma_wait3A_110 = tpu.memref_squeeze %dma_wait3A_109 : memref<1x128xi32, #tpu.memory_space<hbm>> -> memref<128xi32, #tpu.memory_space<hbm>>
        tpu.wait_dma2 semaphore(%run_scoped3A : memref<!tpu.dma_semaphore, #tpu.memory_space<semaphore_mem>>) src(%dma_wait3A_110 : memref<128xi32, #tpu.memory_space<hbm>>) dst(%arg7 : memref<128xi32, #tpu.memory_space<vmem>>)
        tpu.yield
      }) : () -> ()
      "tpu.region"() ({
        %run_scoped3A = tpu.sem_alloc : memref<!tpu.dma_semaphore, #tpu.memory_space<semaphore_mem>>
        %dma_start3A_99 = arith.constant 0 : i32
        %dma_start3A_100 = tpu.memref_slice %arg4[%add3A_85, %dma_start3A_99] : memref<2500x128xi32, #tpu.memory_space<hbm>> -> memref<1x128xi32, #tpu.memory_space<hbm>>
        %dma_start3A_101 = tpu.memref_squeeze %dma_start3A_100 : memref<1x128xi32, #tpu.memory_space<hbm>> -> memref<128xi32, #tpu.memory_space<hbm>>
        %dma_start3A_102 = arith.constant 0 : i32
        %dma_start3A_103 = tpu.memref_slice %arg4[%add3A_85, %dma_start3A_102] : memref<2500x128xi32, #tpu.memory_space<hbm>> -> memref<1x128xi32, #tpu.memory_space<hbm>>
        %dma_start3A_104 = tpu.memref_squeeze %dma_start3A_103 : memref<1x128xi32, #tpu.memory_space<hbm>> -> memref<128xi32, #tpu.memory_space<hbm>>
        tpu.enqueue_dma source(%dma_start3A_104 : memref<128xi32, #tpu.memory_space<hbm>>) target(%arg11 : memref<128xi32, #tpu.memory_space<vmem>>) target_semaphore(%run_scoped3A : memref<!tpu.dma_semaphore, #tpu.memory_space<semaphore_mem>>)
        %dma_wait3A_105 = arith.constant 0 : i32
        %dma_wait3A_106 = tpu.memref_slice %arg4[%add3A_85, %dma_wait3A_105] : memref<2500x128xi32, #tpu.memory_space<hbm>> -> memref<1x128xi32, #tpu.memory_space<hbm>>
        %dma_wait3A_107 = tpu.memref_squeeze %dma_wait3A_106 : memref<1x128xi32, #tpu.memory_space<hbm>> -> memref<128xi32, #tpu.memory_space<hbm>>
        %dma_wait3A_108 = arith.constant 0 : i32
        %dma_wait3A_109 = tpu.memref_slice %arg4[%add3A_85, %dma_wait3A_108] : memref<2500x128xi32, #tpu.memory_space<hbm>> -> memref<1x128xi32, #tpu.memory_space<hbm>>
        %dma_wait3A_110 = tpu.memref_squeeze %dma_wait3A_109 : memref<1x128xi32, #tpu.memory_space<hbm>> -> memref<128xi32, #tpu.memory_space<hbm>>
        tpu.wait_dma2 semaphore(%run_scoped3A : memref<!tpu.dma_semaphore, #tpu.memory_space<semaphore_mem>>) src(%dma_wait3A_110 : memref<128xi32, #tpu.memory_space<hbm>>) dst(%arg11 : memref<128xi32, #tpu.memory_space<vmem>>)
        tpu.yield
      }) : () -> ()
      %dma_start3A = arith.constant 0 : i32
      %dma_start3A_86 = arith.constant 0 : i32
      %dma_start3A_87 = tpu.memref_slice %arg2[%add3A_49, %dma_start3A, %dma_start3A_86] : memref<4x10000x128xf32, #tpu.memory_space<hbm>> -> memref<1x10000x128xf32, #tpu.memory_space<hbm>>
      %dma_start3A_88 = tpu.memref_squeeze %dma_start3A_87 : memref<1x10000x128xf32, #tpu.memory_space<hbm>> -> memref<10000x128xf32, #tpu.memory_space<hbm>>
      %dma_start3A_89 = arith.constant 0 : i32
      %dma_start3A_90 = arith.constant 0 : i32
      %dma_start3A_91 = tpu.memref_slice %dma_start3A_88[%dma_start3A_89, %dma_start3A_90] : memref<10000x128xf32, #tpu.memory_space<hbm>> -> memref<10000x128xf32, #tpu.memory_space<hbm>>
      tpu.enqueue_indirect_dma source(%dma_start3A_91 : memref<10000x128xf32, #tpu.memory_space<hbm>>) target(%arg15 : memref<128x128xf32, #tpu.memory_space<vmem>>) offsets(%arg7 : memref<128xi32, #tpu.memory_space<vmem>>) semaphore(%arg18 : memref<!tpu.dma_semaphore, #tpu.memory_space<semaphore_mem>>)
      %dma_wait3A = arith.constant 0 : i32
      %dma_wait3A_92 = arith.constant 0 : i32
      %dma_wait3A_93 = tpu.memref_slice %arg2[%add3A_49, %dma_wait3A, %dma_wait3A_92] : memref<4x10000x128xf32, #tpu.memory_space<hbm>> -> memref<1x10000x128xf32, #tpu.memory_space<hbm>>
      %dma_wait3A_94 = tpu.memref_squeeze %dma_wait3A_93 : memref<1x10000x128xf32, #tpu.memory_space<hbm>> -> memref<10000x128xf32, #tpu.memory_space<hbm>>
      %dma_wait3A_95 = arith.constant 0 : i32
      %dma_wait3A_96 = arith.constant 0 : i32
      %dma_wait3A_97 = tpu.memref_slice %dma_wait3A_94[%dma_wait3A_95, %dma_wait3A_96] : memref<10000x128xf32, #tpu.memory_space<hbm>> -> memref<10000x128xf32, #tpu.memory_space<hbm>>
      tpu.wait_indirect_dma semaphore(%arg18 : memref<!tpu.dma_semaphore, #tpu.memory_space<semaphore_mem>>) src(%dma_wait3A_97 : memref<10000x128xf32, #tpu.memory_space<hbm>>) dst(%arg15 : memref<128x128xf32, #tpu.memory_space<vmem>>)
      "tpu.region"() ({
        %run_scoped3A = tpu.sem_alloc : memref<!tpu.dma_semaphore, #tpu.memory_space<semaphore_mem>>
        %dma_start3A_99 = arith.constant 0 : i32
        %dma_start3A_100 = arith.constant 0 : i32
        %dma_start3A_101 = tpu.memref_slice %arg17[%dma_start3A_99, %dma_start3A_100] : memref<10000x128xf32, #tpu.memory_space<vmem_shared>> -> memref<10000x128xf32, #tpu.memory_space<vmem_shared>>
        tpu.enqueue_indirect_dma source(%arg15 : memref<128x128xf32, #tpu.memory_space<vmem>>) target(%dma_start3A_101 : memref<10000x128xf32, #tpu.memory_space<vmem_shared>>) offsets(%arg11 : memref<128xi32, #tpu.memory_space<vmem>>) semaphore(%run_scoped3A : memref<!tpu.dma_semaphore, #tpu.memory_space<semaphore_mem>>) {add = true}
        %dma_wait3A_102 = arith.constant 0 : i32
        %dma_wait3A_103 = arith.constant 0 : i32
        %dma_wait3A_104 = tpu.memref_slice %arg17[%dma_wait3A_102, %dma_wait3A_103] : memref<10000x128xf32, #tpu.memory_space<vmem_shared>> -> memref<10000x128xf32, #tpu.memory_space<vmem_shared>>
        tpu.wait_indirect_dma semaphore(%run_scoped3A : memref<!tpu.dma_semaphore, #tpu.memory_space<semaphore_mem>>) src(%arg15 : memref<128x128xf32, #tpu.memory_space<vmem>>) dst(%dma_wait3A_104 : memref<10000x128xf32, #tpu.memory_space<vmem_shared>>)
        tpu.yield
      }) : () -> ()
      %while3A_98 = arith.constant 0 : i32
      scf.yield %while3A_98 : i32
    }
    %barrier3A_69 = arith.constant 0 : index
    tpu.barrier barrier_id(%barrier3A_69)
    %lt3A_70 = arith.constant 15 : i32
    %lt3A_71 = arith.cmpi slt, %arg1, %lt3A_70 : i32
    %convert_element_type3A_72 = arith.extui %lt3A_71 : i1 to i32
    %cond3A_73 = arith.constant 0 : i32
    %cond3A_74 = arith.cmpi ne, %convert_element_type3A_72, %cond3A_73 : i32
    scf.if %cond3A_74 {
      %mul3A_81 = arith.constant 624 : i32
      %mul3A_82 = arith.muli %arg1, %mul3A_81 : i32
      "tpu.region"() ({
        %run_scoped3A = tpu.sem_alloc : memref<!tpu.dma_semaphore, #tpu.memory_space<semaphore_mem>>
        %dma_start3A = arith.constant 0 : i32
        %dma_start3A_83 = arith.constant 0 : i32
        %dma_start3A_84 = tpu.memref_slice %arg6[%add3A_49, %dma_start3A, %dma_start3A_83] : memref<4x10000x128xf32, #tpu.memory_space<hbm>> -> memref<1x10000x128xf32, #tpu.memory_space<hbm>>
        %dma_start3A_85 = tpu.memref_squeeze %dma_start3A_84 : memref<1x10000x128xf32, #tpu.memory_space<hbm>> -> memref<10000x128xf32, #tpu.memory_space<hbm>>
        %dma_start3A_86 = arith.constant 0 : i32
        %dma_start3A_87 = tpu.memref_slice %dma_start3A_85[%mul3A_82, %dma_start3A_86] : memref<10000x128xf32, #tpu.memory_space<hbm>> -> memref<624x128xf32, #tpu.memory_space<hbm>>
        %dma_start3A_88 = arith.constant 0 : i32
        %dma_start3A_89 = tpu.memref_slice %arg17[%mul3A_82, %dma_start3A_88] : memref<10000x128xf32, #tpu.memory_space<vmem_shared>> -> memref<624x128xf32, #tpu.memory_space<vmem_shared>>
        tpu.enqueue_dma source(%dma_start3A_89 : memref<624x128xf32, #tpu.memory_space<vmem_shared>>) target(%dma_start3A_87 : memref<624x128xf32, #tpu.memory_space<hbm>>) target_semaphore(%run_scoped3A : memref<!tpu.dma_semaphore, #tpu.memory_space<semaphore_mem>>)
        %dma_wait3A = arith.constant 0 : i32
        %dma_wait3A_90 = arith.constant 0 : i32
        %dma_wait3A_91 = tpu.memref_slice %arg6[%add3A_49, %dma_wait3A, %dma_wait3A_90] : memref<4x10000x128xf32, #tpu.memory_space<hbm>> -> memref<1x10000x128xf32, #tpu.memory_space<hbm>>
        %dma_wait3A_92 = tpu.memref_squeeze %dma_wait3A_91 : memref<1x10000x128xf32, #tpu.memory_space<hbm>> -> memref<10000x128xf32, #tpu.memory_space<hbm>>
        %dma_wait3A_93 = arith.constant 0 : i32
        %dma_wait3A_94 = tpu.memref_slice %dma_wait3A_92[%mul3A_82, %dma_wait3A_93] : memref<10000x128xf32, #tpu.memory_space<hbm>> -> memref<624x128xf32, #tpu.memory_space<hbm>>
        %dma_wait3A_95 = arith.constant 0 : i32
        %dma_wait3A_96 = tpu.memref_slice %arg17[%mul3A_82, %dma_wait3A_95] : memref<10000x128xf32, #tpu.memory_space<vmem_shared>> -> memref<624x128xf32, #tpu.memory_space<vmem_shared>>
        tpu.wait_dma2 semaphore(%run_scoped3A : memref<!tpu.dma_semaphore, #tpu.memory_space<semaphore_mem>>) src(%dma_wait3A_96 : memref<624x128xf32, #tpu.memory_space<vmem_shared>>) dst(%dma_wait3A_94 : memref<624x128xf32, #tpu.memory_space<hbm>>)
        tpu.yield
      }) : () -> ()
    } else {
    }
    %eq3A_75 = arith.constant 15 : i32
    %eq3A_76 = arith.cmpi eq, %arg1, %eq3A_75 : i32
    %convert_element_type3A_77 = arith.extui %eq3A_76 : i1 to i32
    %cond3A_78 = arith.constant 0 : i32
    %cond3A_79 = arith.cmpi ne, %convert_element_type3A_77, %cond3A_78 : i32
    scf.if %cond3A_79 {
      "tpu.region"() ({
        %run_scoped3A = tpu.sem_alloc : memref<!tpu.dma_semaphore, #tpu.memory_space<semaphore_mem>>
        %dma_start3A = arith.constant 0 : i32
        %dma_start3A_81 = arith.constant 0 : i32
        %dma_start3A_82 = tpu.memref_slice %arg6[%add3A_49, %dma_start3A, %dma_start3A_81] : memref<4x10000x128xf32, #tpu.memory_space<hbm>> -> memref<1x10000x128xf32, #tpu.memory_space<hbm>>
        %dma_start3A_83 = tpu.memref_squeeze %dma_start3A_82 : memref<1x10000x128xf32, #tpu.memory_space<hbm>> -> memref<10000x128xf32, #tpu.memory_space<hbm>>
        %dma_start3A_84 = arith.constant 9360 : i32
        %dma_start3A_85 = arith.constant 0 : i32
        %dma_start3A_86 = tpu.memref_slice %dma_start3A_83[%dma_start3A_84, %dma_start3A_85] : memref<10000x128xf32, #tpu.memory_space<hbm>> -> memref<640x128xf32, #tpu.memory_space<hbm>>
        %dma_start3A_87 = arith.constant 9360 : i32
        %dma_start3A_88 = arith.constant 0 : i32
        %dma_start3A_89 = tpu.memref_slice %arg17[%dma_start3A_87, %dma_start3A_88] : memref<10000x128xf32, #tpu.memory_space<vmem_shared>> -> memref<640x128xf32, #tpu.memory_space<vmem_shared>>
        tpu.enqueue_dma source(%dma_start3A_89 : memref<640x128xf32, #tpu.memory_space<vmem_shared>>) target(%dma_start3A_86 : memref<640x128xf32, #tpu.memory_space<hbm>>) target_semaphore(%run_scoped3A : memref<!tpu.dma_semaphore, #tpu.memory_space<semaphore_mem>>)
        %dma_wait3A = arith.constant 0 : i32
        %dma_wait3A_90 = arith.constant 0 : i32
        %dma_wait3A_91 = tpu.memref_slice %arg6[%add3A_49, %dma_wait3A, %dma_wait3A_90] : memref<4x10000x128xf32, #tpu.memory_space<hbm>> -> memref<1x10000x128xf32, #tpu.memory_space<hbm>>
        %dma_wait3A_92 = tpu.memref_squeeze %dma_wait3A_91 : memref<1x10000x128xf32, #tpu.memory_space<hbm>> -> memref<10000x128xf32, #tpu.memory_space<hbm>>
        %dma_wait3A_93 = arith.constant 9360 : i32
        %dma_wait3A_94 = arith.constant 0 : i32
        %dma_wait3A_95 = tpu.memref_slice %dma_wait3A_92[%dma_wait3A_93, %dma_wait3A_94] : memref<10000x128xf32, #tpu.memory_space<hbm>> -> memref<640x128xf32, #tpu.memory_space<hbm>>
        %dma_wait3A_96 = arith.constant 9360 : i32
        %dma_wait3A_97 = arith.constant 0 : i32
        %dma_wait3A_98 = tpu.memref_slice %arg17[%dma_wait3A_96, %dma_wait3A_97] : memref<10000x128xf32, #tpu.memory_space<vmem_shared>> -> memref<640x128xf32, #tpu.memory_space<vmem_shared>>
        tpu.wait_dma2 semaphore(%run_scoped3A : memref<!tpu.dma_semaphore, #tpu.memory_space<semaphore_mem>>) src(%dma_wait3A_98 : memref<640x128xf32, #tpu.memory_space<vmem_shared>>) dst(%dma_wait3A_95 : memref<640x128xf32, #tpu.memory_space<hbm>>)
        tpu.yield
      }) : () -> ()
    } else {
    }
    %barrier3A_80 = arith.constant 0 : index
    tpu.barrier barrier_id(%barrier3A_80)
    return
  }
}

#map = affine_map<(d0, d1) -> (0, 0)>
#map1 = affine_map<(d0, d1) -> (0, 0, 0)>
module attributes {stable_mosaic.version = 14 : i64} {
  func.func @_deg_body(%arg0: i32, %arg1: i32, %arg2: memref<2500x128xi32, #tpu.memory_space<hbm>>, %arg3: memref<128x128xf32, #tpu.memory_space<hbm>>, %arg4: memref<640x128xf32, #tpu.memory_space<hbm>>, %arg5: memref<2x10000x128xf32, #tpu.memory_space<hbm>>, %arg6: memref<128xi32, #tpu.memory_space<vmem>>, %arg7: memref<128x128xf32, #tpu.memory_space<vmem>>, %arg8: memref<10000x128xf32, #tpu.memory_space<vmem_shared>>) attributes {dimension_semantics = [#tpu.dimension_semantics<core_parallel>, #tpu.dimension_semantics<subcore_parallel>], iteration_bounds = array<i64: 2, 16>, scalar_prefetch = 0 : i64, scratch_operands = 3 : i64, tpu.core_type = #tpu.core_type<sc_vector_subcore>, window_params = [{transform_indices = #map}, {transform_indices = #map}, {transform_indices = #map}, {transform_indices = #map1}]} {
    "tpu.region"() ({
      %run_scoped3A = tpu.sem_alloc : memref<!tpu.dma_semaphore, #tpu.memory_space<semaphore_mem>>
      tpu.enqueue_dma source(%arg3 : memref<128x128xf32, #tpu.memory_space<hbm>>) target(%arg7 : memref<128x128xf32, #tpu.memory_space<vmem>>) target_semaphore(%run_scoped3A : memref<!tpu.dma_semaphore, #tpu.memory_space<semaphore_mem>>)
      tpu.wait_dma2 semaphore(%run_scoped3A : memref<!tpu.dma_semaphore, #tpu.memory_space<semaphore_mem>>) src(%arg3 : memref<128x128xf32, #tpu.memory_space<hbm>>) dst(%arg7 : memref<128x128xf32, #tpu.memory_space<vmem>>)
      tpu.yield
    }) : () -> ()
    %lt3A = arith.constant 15 : i32
    %lt3A_0 = arith.cmpi slt, %arg1, %lt3A : i32
    %convert_element_type3A = arith.extui %lt3A_0 : i1 to i32
    %cond3A = arith.constant 0 : i32
    %cond3A_1 = arith.cmpi ne, %convert_element_type3A, %cond3A : i32
    scf.if %cond3A_1 {
      %mul3A_33 = arith.constant 624 : i32
      %mul3A_34 = arith.muli %arg1, %mul3A_33 : i32
      "tpu.region"() ({
        %run_scoped3A = tpu.sem_alloc : memref<!tpu.dma_semaphore, #tpu.memory_space<semaphore_mem>>
        %dma_start3A = arith.constant 0 : i32
        %dma_start3A_35 = tpu.memref_slice %arg8[%mul3A_34, %dma_start3A] : memref<10000x128xf32, #tpu.memory_space<vmem_shared>> -> memref<624x128xf32, #tpu.memory_space<vmem_shared>>
        %dma_start3A_36 = arith.constant 0 : i32
        %dma_start3A_37 = arith.constant 0 : i32
        %dma_start3A_38 = tpu.memref_slice %arg4[%dma_start3A_36, %dma_start3A_37] : memref<640x128xf32, #tpu.memory_space<hbm>> -> memref<624x128xf32, #tpu.memory_space<hbm>>
        tpu.enqueue_dma source(%dma_start3A_38 : memref<624x128xf32, #tpu.memory_space<hbm>>) target(%dma_start3A_35 : memref<624x128xf32, #tpu.memory_space<vmem_shared>>) target_semaphore(%run_scoped3A : memref<!tpu.dma_semaphore, #tpu.memory_space<semaphore_mem>>)
        %dma_wait3A = arith.constant 0 : i32
        %dma_wait3A_39 = tpu.memref_slice %arg8[%mul3A_34, %dma_wait3A] : memref<10000x128xf32, #tpu.memory_space<vmem_shared>> -> memref<624x128xf32, #tpu.memory_space<vmem_shared>>
        %dma_wait3A_40 = arith.constant 0 : i32
        %dma_wait3A_41 = arith.constant 0 : i32
        %dma_wait3A_42 = tpu.memref_slice %arg4[%dma_wait3A_40, %dma_wait3A_41] : memref<640x128xf32, #tpu.memory_space<hbm>> -> memref<624x128xf32, #tpu.memory_space<hbm>>
        tpu.wait_dma2 semaphore(%run_scoped3A : memref<!tpu.dma_semaphore, #tpu.memory_space<semaphore_mem>>) src(%dma_wait3A_42 : memref<624x128xf32, #tpu.memory_space<hbm>>) dst(%dma_wait3A_39 : memref<624x128xf32, #tpu.memory_space<vmem_shared>>)
        tpu.yield
      }) : () -> ()
    } else {
    }
    %eq3A = arith.constant 15 : i32
    %eq3A_2 = arith.cmpi eq, %arg1, %eq3A : i32
    %convert_element_type3A_3 = arith.extui %eq3A_2 : i1 to i32
    %cond3A_4 = arith.constant 0 : i32
    %cond3A_5 = arith.cmpi ne, %convert_element_type3A_3, %cond3A_4 : i32
    scf.if %cond3A_5 {
      "tpu.region"() ({
        %run_scoped3A = tpu.sem_alloc : memref<!tpu.dma_semaphore, #tpu.memory_space<semaphore_mem>>
        %dma_start3A = arith.constant 9360 : i32
        %dma_start3A_33 = arith.constant 0 : i32
        %dma_start3A_34 = tpu.memref_slice %arg8[%dma_start3A, %dma_start3A_33] : memref<10000x128xf32, #tpu.memory_space<vmem_shared>> -> memref<640x128xf32, #tpu.memory_space<vmem_shared>>
        %dma_start3A_35 = arith.constant 0 : i32
        %dma_start3A_36 = arith.constant 0 : i32
        %dma_start3A_37 = tpu.memref_slice %arg4[%dma_start3A_35, %dma_start3A_36] : memref<640x128xf32, #tpu.memory_space<hbm>> -> memref<640x128xf32, #tpu.memory_space<hbm>>
        tpu.enqueue_dma source(%dma_start3A_37 : memref<640x128xf32, #tpu.memory_space<hbm>>) target(%dma_start3A_34 : memref<640x128xf32, #tpu.memory_space<vmem_shared>>) target_semaphore(%run_scoped3A : memref<!tpu.dma_semaphore, #tpu.memory_space<semaphore_mem>>)
        %dma_wait3A = arith.constant 9360 : i32
        %dma_wait3A_38 = arith.constant 0 : i32
        %dma_wait3A_39 = tpu.memref_slice %arg8[%dma_wait3A, %dma_wait3A_38] : memref<10000x128xf32, #tpu.memory_space<vmem_shared>> -> memref<640x128xf32, #tpu.memory_space<vmem_shared>>
        %dma_wait3A_40 = arith.constant 0 : i32
        %dma_wait3A_41 = arith.constant 0 : i32
        %dma_wait3A_42 = tpu.memref_slice %arg4[%dma_wait3A_40, %dma_wait3A_41] : memref<640x128xf32, #tpu.memory_space<hbm>> -> memref<640x128xf32, #tpu.memory_space<hbm>>
        tpu.wait_dma2 semaphore(%run_scoped3A : memref<!tpu.dma_semaphore, #tpu.memory_space<semaphore_mem>>) src(%dma_wait3A_42 : memref<640x128xf32, #tpu.memory_space<hbm>>) dst(%dma_wait3A_39 : memref<640x128xf32, #tpu.memory_space<vmem_shared>>)
        tpu.yield
      }) : () -> ()
    } else {
    }
    %barrier3A = arith.constant 0 : index
    tpu.barrier barrier_id(%barrier3A)
    %mul3A = arith.constant 1250 : i32
    %mul3A_6 = arith.muli %arg0, %mul3A : i32
    %lt3A_7 = arith.constant 2 : i32
    %lt3A_8 = arith.cmpi slt, %arg1, %lt3A_7 : i32
    %jit3A = arith.constant 1 : i32
    %jit3A_9 = arith.constant 0 : i32
    %select_n3A = arith.select %lt3A_8, %jit3A, %jit3A_9 : i32
    %add3A = arith.constant 78 : i32
    %add3A_10 = arith.addi %add3A, %select_n3A : i32
    %while3A = arith.constant 0 : i32
    %while3A_11 = arith.constant 0 : i32
    %while3A_12 = arith.subi %add3A_10, %while3A : i32
    %while3A_13 = arith.addi %while3A, %while3A_12 : i32
    %while3A_14 = arith.constant 1 : i32
    %while3A_15 = arith.divsi %while3A_12, %while3A_14 : i32
    %while3A_16 = arith.muli %while3A_15, %while3A_14 : i32
    %while3A_17 = arith.addi %while3A, %while3A_16 : i32
    %while3A_18 = arith.constant 1 : i32
    %while3A_19 = scf.for %while3A_33 = %while3A to %while3A_17 step %while3A_18 iter_args(%while3A_34 = %while3A_11) -> (i32)  : i32 {
      %add3A_35 = arith.addi %mul3A_6, %arg1 : i32
      %mul3A_36 = arith.constant 16 : i32
      %mul3A_37 = arith.muli %mul3A_36, %while3A_33 : i32
      %add3A_38 = arith.addi %add3A_35, %mul3A_37 : i32
      "tpu.region"() ({
        %run_scoped3A = tpu.sem_alloc : memref<!tpu.dma_semaphore, #tpu.memory_space<semaphore_mem>>
        %dma_start3A = arith.constant 0 : i32
        %dma_start3A_40 = tpu.memref_slice %arg2[%add3A_38, %dma_start3A] : memref<2500x128xi32, #tpu.memory_space<hbm>> -> memref<1x128xi32, #tpu.memory_space<hbm>>
        %dma_start3A_41 = tpu.memref_squeeze %dma_start3A_40 : memref<1x128xi32, #tpu.memory_space<hbm>> -> memref<128xi32, #tpu.memory_space<hbm>>
        %dma_start3A_42 = arith.constant 0 : i32
        %dma_start3A_43 = tpu.memref_slice %arg2[%add3A_38, %dma_start3A_42] : memref<2500x128xi32, #tpu.memory_space<hbm>> -> memref<1x128xi32, #tpu.memory_space<hbm>>
        %dma_start3A_44 = tpu.memref_squeeze %dma_start3A_43 : memref<1x128xi32, #tpu.memory_space<hbm>> -> memref<128xi32, #tpu.memory_space<hbm>>
        tpu.enqueue_dma source(%dma_start3A_44 : memref<128xi32, #tpu.memory_space<hbm>>) target(%arg6 : memref<128xi32, #tpu.memory_space<vmem>>) target_semaphore(%run_scoped3A : memref<!tpu.dma_semaphore, #tpu.memory_space<semaphore_mem>>)
        %dma_wait3A = arith.constant 0 : i32
        %dma_wait3A_45 = tpu.memref_slice %arg2[%add3A_38, %dma_wait3A] : memref<2500x128xi32, #tpu.memory_space<hbm>> -> memref<1x128xi32, #tpu.memory_space<hbm>>
        %dma_wait3A_46 = tpu.memref_squeeze %dma_wait3A_45 : memref<1x128xi32, #tpu.memory_space<hbm>> -> memref<128xi32, #tpu.memory_space<hbm>>
        %dma_wait3A_47 = arith.constant 0 : i32
        %dma_wait3A_48 = tpu.memref_slice %arg2[%add3A_38, %dma_wait3A_47] : memref<2500x128xi32, #tpu.memory_space<hbm>> -> memref<1x128xi32, #tpu.memory_space<hbm>>
        %dma_wait3A_49 = tpu.memref_squeeze %dma_wait3A_48 : memref<1x128xi32, #tpu.memory_space<hbm>> -> memref<128xi32, #tpu.memory_space<hbm>>
        tpu.wait_dma2 semaphore(%run_scoped3A : memref<!tpu.dma_semaphore, #tpu.memory_space<semaphore_mem>>) src(%dma_wait3A_49 : memref<128xi32, #tpu.memory_space<hbm>>) dst(%arg6 : memref<128xi32, #tpu.memory_space<vmem>>)
        tpu.yield
      }) : () -> ()
      "tpu.region"() ({
        %run_scoped3A = tpu.sem_alloc : memref<!tpu.dma_semaphore, #tpu.memory_space<semaphore_mem>>
        %dma_start3A = arith.constant 0 : i32
        %dma_start3A_40 = arith.constant 0 : i32
        %dma_start3A_41 = tpu.memref_slice %arg8[%dma_start3A, %dma_start3A_40] : memref<10000x128xf32, #tpu.memory_space<vmem_shared>> -> memref<10000x128xf32, #tpu.memory_space<vmem_shared>>
        tpu.enqueue_indirect_dma source(%arg7 : memref<128x128xf32, #tpu.memory_space<vmem>>) target(%dma_start3A_41 : memref<10000x128xf32, #tpu.memory_space<vmem_shared>>) offsets(%arg6 : memref<128xi32, #tpu.memory_space<vmem>>) semaphore(%run_scoped3A : memref<!tpu.dma_semaphore, #tpu.memory_space<semaphore_mem>>) {add = true}
        %dma_wait3A = arith.constant 0 : i32
        %dma_wait3A_42 = arith.constant 0 : i32
        %dma_wait3A_43 = tpu.memref_slice %arg8[%dma_wait3A, %dma_wait3A_42] : memref<10000x128xf32, #tpu.memory_space<vmem_shared>> -> memref<10000x128xf32, #tpu.memory_space<vmem_shared>>
        tpu.wait_indirect_dma semaphore(%run_scoped3A : memref<!tpu.dma_semaphore, #tpu.memory_space<semaphore_mem>>) src(%arg7 : memref<128x128xf32, #tpu.memory_space<vmem>>) dst(%dma_wait3A_43 : memref<10000x128xf32, #tpu.memory_space<vmem_shared>>)
        tpu.yield
      }) : () -> ()
      %while3A_39 = arith.constant 0 : i32
      scf.yield %while3A_39 : i32
    }
    %while3A_20 = arith.constant 1 : i32
    %while3A_21 = scf.for %while3A_33 = %while3A_17 to %while3A_13 step %while3A_20 iter_args(%while3A_34 = %while3A_19) -> (i32)  : i32 {
      %add3A_35 = arith.addi %mul3A_6, %arg1 : i32
      %mul3A_36 = arith.constant 16 : i32
      %mul3A_37 = arith.muli %mul3A_36, %while3A_33 : i32
      %add3A_38 = arith.addi %add3A_35, %mul3A_37 : i32
      "tpu.region"() ({
        %run_scoped3A = tpu.sem_alloc : memref<!tpu.dma_semaphore, #tpu.memory_space<semaphore_mem>>
        %dma_start3A = arith.constant 0 : i32
        %dma_start3A_40 = tpu.memref_slice %arg2[%add3A_38, %dma_start3A] : memref<2500x128xi32, #tpu.memory_space<hbm>> -> memref<1x128xi32, #tpu.memory_space<hbm>>
        %dma_start3A_41 = tpu.memref_squeeze %dma_start3A_40 : memref<1x128xi32, #tpu.memory_space<hbm>> -> memref<128xi32, #tpu.memory_space<hbm>>
        %dma_start3A_42 = arith.constant 0 : i32
        %dma_start3A_43 = tpu.memref_slice %arg2[%add3A_38, %dma_start3A_42] : memref<2500x128xi32, #tpu.memory_space<hbm>> -> memref<1x128xi32, #tpu.memory_space<hbm>>
        %dma_start3A_44 = tpu.memref_squeeze %dma_start3A_43 : memref<1x128xi32, #tpu.memory_space<hbm>> -> memref<128xi32, #tpu.memory_space<hbm>>
        tpu.enqueue_dma source(%dma_start3A_44 : memref<128xi32, #tpu.memory_space<hbm>>) target(%arg6 : memref<128xi32, #tpu.memory_space<vmem>>) target_semaphore(%run_scoped3A : memref<!tpu.dma_semaphore, #tpu.memory_space<semaphore_mem>>)
        %dma_wait3A = arith.constant 0 : i32
        %dma_wait3A_45 = tpu.memref_slice %arg2[%add3A_38, %dma_wait3A] : memref<2500x128xi32, #tpu.memory_space<hbm>> -> memref<1x128xi32, #tpu.memory_space<hbm>>
        %dma_wait3A_46 = tpu.memref_squeeze %dma_wait3A_45 : memref<1x128xi32, #tpu.memory_space<hbm>> -> memref<128xi32, #tpu.memory_space<hbm>>
        %dma_wait3A_47 = arith.constant 0 : i32
        %dma_wait3A_48 = tpu.memref_slice %arg2[%add3A_38, %dma_wait3A_47] : memref<2500x128xi32, #tpu.memory_space<hbm>> -> memref<1x128xi32, #tpu.memory_space<hbm>>
        %dma_wait3A_49 = tpu.memref_squeeze %dma_wait3A_48 : memref<1x128xi32, #tpu.memory_space<hbm>> -> memref<128xi32, #tpu.memory_space<hbm>>
        tpu.wait_dma2 semaphore(%run_scoped3A : memref<!tpu.dma_semaphore, #tpu.memory_space<semaphore_mem>>) src(%dma_wait3A_49 : memref<128xi32, #tpu.memory_space<hbm>>) dst(%arg6 : memref<128xi32, #tpu.memory_space<vmem>>)
        tpu.yield
      }) : () -> ()
      "tpu.region"() ({
        %run_scoped3A = tpu.sem_alloc : memref<!tpu.dma_semaphore, #tpu.memory_space<semaphore_mem>>
        %dma_start3A = arith.constant 0 : i32
        %dma_start3A_40 = arith.constant 0 : i32
        %dma_start3A_41 = tpu.memref_slice %arg8[%dma_start3A, %dma_start3A_40] : memref<10000x128xf32, #tpu.memory_space<vmem_shared>> -> memref<10000x128xf32, #tpu.memory_space<vmem_shared>>
        tpu.enqueue_indirect_dma source(%arg7 : memref<128x128xf32, #tpu.memory_space<vmem>>) target(%dma_start3A_41 : memref<10000x128xf32, #tpu.memory_space<vmem_shared>>) offsets(%arg6 : memref<128xi32, #tpu.memory_space<vmem>>) semaphore(%run_scoped3A : memref<!tpu.dma_semaphore, #tpu.memory_space<semaphore_mem>>) {add = true}
        %dma_wait3A = arith.constant 0 : i32
        %dma_wait3A_42 = arith.constant 0 : i32
        %dma_wait3A_43 = tpu.memref_slice %arg8[%dma_wait3A, %dma_wait3A_42] : memref<10000x128xf32, #tpu.memory_space<vmem_shared>> -> memref<10000x128xf32, #tpu.memory_space<vmem_shared>>
        tpu.wait_indirect_dma semaphore(%run_scoped3A : memref<!tpu.dma_semaphore, #tpu.memory_space<semaphore_mem>>) src(%arg7 : memref<128x128xf32, #tpu.memory_space<vmem>>) dst(%dma_wait3A_43 : memref<10000x128xf32, #tpu.memory_space<vmem_shared>>)
        tpu.yield
      }) : () -> ()
      %while3A_39 = arith.constant 0 : i32
      scf.yield %while3A_39 : i32
    }
    %barrier3A_22 = arith.constant 0 : index
    tpu.barrier barrier_id(%barrier3A_22)
    %lt3A_23 = arith.constant 15 : i32
    %lt3A_24 = arith.cmpi slt, %arg1, %lt3A_23 : i32
    %convert_element_type3A_25 = arith.extui %lt3A_24 : i1 to i32
    %cond3A_26 = arith.constant 0 : i32
    %cond3A_27 = arith.cmpi ne, %convert_element_type3A_25, %cond3A_26 : i32
    scf.if %cond3A_27 {
      %mul3A_33 = arith.constant 624 : i32
      %mul3A_34 = arith.muli %arg1, %mul3A_33 : i32
      "tpu.region"() ({
        %run_scoped3A = tpu.sem_alloc : memref<!tpu.dma_semaphore, #tpu.memory_space<semaphore_mem>>
        %dma_start3A = arith.constant 0 : i32
        %dma_start3A_35 = arith.constant 0 : i32
        %dma_start3A_36 = tpu.memref_slice %arg5[%arg0, %dma_start3A, %dma_start3A_35] : memref<2x10000x128xf32, #tpu.memory_space<hbm>> -> memref<1x10000x128xf32, #tpu.memory_space<hbm>>
        %dma_start3A_37 = tpu.memref_squeeze %dma_start3A_36 : memref<1x10000x128xf32, #tpu.memory_space<hbm>> -> memref<10000x128xf32, #tpu.memory_space<hbm>>
        %dma_start3A_38 = arith.constant 0 : i32
        %dma_start3A_39 = tpu.memref_slice %dma_start3A_37[%mul3A_34, %dma_start3A_38] : memref<10000x128xf32, #tpu.memory_space<hbm>> -> memref<624x128xf32, #tpu.memory_space<hbm>>
        %dma_start3A_40 = arith.constant 0 : i32
        %dma_start3A_41 = tpu.memref_slice %arg8[%mul3A_34, %dma_start3A_40] : memref<10000x128xf32, #tpu.memory_space<vmem_shared>> -> memref<624x128xf32, #tpu.memory_space<vmem_shared>>
        tpu.enqueue_dma source(%dma_start3A_41 : memref<624x128xf32, #tpu.memory_space<vmem_shared>>) target(%dma_start3A_39 : memref<624x128xf32, #tpu.memory_space<hbm>>) target_semaphore(%run_scoped3A : memref<!tpu.dma_semaphore, #tpu.memory_space<semaphore_mem>>)
        %dma_wait3A = arith.constant 0 : i32
        %dma_wait3A_42 = arith.constant 0 : i32
        %dma_wait3A_43 = tpu.memref_slice %arg5[%arg0, %dma_wait3A, %dma_wait3A_42] : memref<2x10000x128xf32, #tpu.memory_space<hbm>> -> memref<1x10000x128xf32, #tpu.memory_space<hbm>>
        %dma_wait3A_44 = tpu.memref_squeeze %dma_wait3A_43 : memref<1x10000x128xf32, #tpu.memory_space<hbm>> -> memref<10000x128xf32, #tpu.memory_space<hbm>>
        %dma_wait3A_45 = arith.constant 0 : i32
        %dma_wait3A_46 = tpu.memref_slice %dma_wait3A_44[%mul3A_34, %dma_wait3A_45] : memref<10000x128xf32, #tpu.memory_space<hbm>> -> memref<624x128xf32, #tpu.memory_space<hbm>>
        %dma_wait3A_47 = arith.constant 0 : i32
        %dma_wait3A_48 = tpu.memref_slice %arg8[%mul3A_34, %dma_wait3A_47] : memref<10000x128xf32, #tpu.memory_space<vmem_shared>> -> memref<624x128xf32, #tpu.memory_space<vmem_shared>>
        tpu.wait_dma2 semaphore(%run_scoped3A : memref<!tpu.dma_semaphore, #tpu.memory_space<semaphore_mem>>) src(%dma_wait3A_48 : memref<624x128xf32, #tpu.memory_space<vmem_shared>>) dst(%dma_wait3A_46 : memref<624x128xf32, #tpu.memory_space<hbm>>)
        tpu.yield
      }) : () -> ()
    } else {
    }
    %eq3A_28 = arith.constant 15 : i32
    %eq3A_29 = arith.cmpi eq, %arg1, %eq3A_28 : i32
    %convert_element_type3A_30 = arith.extui %eq3A_29 : i1 to i32
    %cond3A_31 = arith.constant 0 : i32
    %cond3A_32 = arith.cmpi ne, %convert_element_type3A_30, %cond3A_31 : i32
    scf.if %cond3A_32 {
      "tpu.region"() ({
        %run_scoped3A = tpu.sem_alloc : memref<!tpu.dma_semaphore, #tpu.memory_space<semaphore_mem>>
        %dma_start3A = arith.constant 0 : i32
        %dma_start3A_33 = arith.constant 0 : i32
        %dma_start3A_34 = tpu.memref_slice %arg5[%arg0, %dma_start3A, %dma_start3A_33] : memref<2x10000x128xf32, #tpu.memory_space<hbm>> -> memref<1x10000x128xf32, #tpu.memory_space<hbm>>
        %dma_start3A_35 = tpu.memref_squeeze %dma_start3A_34 : memref<1x10000x128xf32, #tpu.memory_space<hbm>> -> memref<10000x128xf32, #tpu.memory_space<hbm>>
        %dma_start3A_36 = arith.constant 9360 : i32
        %dma_start3A_37 = arith.constant 0 : i32
        %dma_start3A_38 = tpu.memref_slice %dma_start3A_35[%dma_start3A_36, %dma_start3A_37] : memref<10000x128xf32, #tpu.memory_space<hbm>> -> memref<640x128xf32, #tpu.memory_space<hbm>>
        %dma_start3A_39 = arith.constant 9360 : i32
        %dma_start3A_40 = arith.constant 0 : i32
        %dma_start3A_41 = tpu.memref_slice %arg8[%dma_start3A_39, %dma_start3A_40] : memref<10000x128xf32, #tpu.memory_space<vmem_shared>> -> memref<640x128xf32, #tpu.memory_space<vmem_shared>>
        tpu.enqueue_dma source(%dma_start3A_41 : memref<640x128xf32, #tpu.memory_space<vmem_shared>>) target(%dma_start3A_38 : memref<640x128xf32, #tpu.memory_space<hbm>>) target_semaphore(%run_scoped3A : memref<!tpu.dma_semaphore, #tpu.memory_space<semaphore_mem>>)
        %dma_wait3A = arith.constant 0 : i32
        %dma_wait3A_42 = arith.constant 0 : i32
        %dma_wait3A_43 = tpu.memref_slice %arg5[%arg0, %dma_wait3A, %dma_wait3A_42] : memref<2x10000x128xf32, #tpu.memory_space<hbm>> -> memref<1x10000x128xf32, #tpu.memory_space<hbm>>
        %dma_wait3A_44 = tpu.memref_squeeze %dma_wait3A_43 : memref<1x10000x128xf32, #tpu.memory_space<hbm>> -> memref<10000x128xf32, #tpu.memory_space<hbm>>
        %dma_wait3A_45 = arith.constant 9360 : i32
        %dma_wait3A_46 = arith.constant 0 : i32
        %dma_wait3A_47 = tpu.memref_slice %dma_wait3A_44[%dma_wait3A_45, %dma_wait3A_46] : memref<10000x128xf32, #tpu.memory_space<hbm>> -> memref<640x128xf32, #tpu.memory_space<hbm>>
        %dma_wait3A_48 = arith.constant 9360 : i32
        %dma_wait3A_49 = arith.constant 0 : i32
        %dma_wait3A_50 = tpu.memref_slice %arg8[%dma_wait3A_48, %dma_wait3A_49] : memref<10000x128xf32, #tpu.memory_space<vmem_shared>> -> memref<640x128xf32, #tpu.memory_space<vmem_shared>>
        tpu.wait_dma2 semaphore(%run_scoped3A : memref<!tpu.dma_semaphore, #tpu.memory_space<semaphore_mem>>) src(%dma_wait3A_50 : memref<640x128xf32, #tpu.memory_space<vmem_shared>>) dst(%dma_wait3A_47 : memref<640x128xf32, #tpu.memory_space<hbm>>)
        tpu.yield
      }) : () -> ()
    } else {
    }
    return
  }
}

#map = affine_map<(d0, d1) -> (0, 0, 0)>
#map1 = affine_map<(d0, d1) -> (0, 0)>
module attributes {stable_mosaic.version = 14 : i64} {
  func.func @_agg_body(%arg0: i32, %arg1: i32, %arg2: memref<4x10000x128xf32, #tpu.memory_space<hbm>>, %arg3: memref<2500x128xi32, #tpu.memory_space<hbm>>, %arg4: memref<2500x128xi32, #tpu.memory_space<hbm>>, %arg5: memref<640x128xf32, #tpu.memory_space<hbm>>, %arg6: memref<4x10000x128xf32, #tpu.memory_space<hbm>>, %arg7: memref<128xi32, #tpu.memory_space<vmem>>, %arg8: memref<128xi32, #tpu.memory_space<vmem>>, %arg9: memref<128xi32, #tpu.memory_space<vmem>>, %arg10: memref<128xi32, #tpu.memory_space<vmem>>, %arg11: memref<128xi32, #tpu.memory_space<vmem>>, %arg12: memref<128xi32, #tpu.memory_space<vmem>>, %arg13: memref<128xi32, #tpu.memory_space<vmem>>, %arg14: memref<128xi32, #tpu.memory_space<vmem>>, %arg15: memref<128x128xf32, #tpu.memory_space<vmem>>, %arg16: memref<128x128xf32, #tpu.memory_space<vmem>>, %arg17: memref<10000x128xf32, #tpu.memory_space<vmem_shared>>, %arg18: memref<!tpu.dma_semaphore, #tpu.memory_space<semaphore_mem>>, %arg19: memref<!tpu.dma_semaphore, #tpu.memory_space<semaphore_mem>>, %arg20: memref<!tpu.dma_semaphore, #tpu.memory_space<semaphore_mem>>, %arg21: memref<!tpu.dma_semaphore, #tpu.memory_space<semaphore_mem>>, %arg22: memref<!tpu.dma_semaphore, #tpu.memory_space<semaphore_mem>>, %arg23: memref<!tpu.dma_semaphore, #tpu.memory_space<semaphore_mem>>) attributes {dimension_semantics = [#tpu.dimension_semantics<core_parallel>, #tpu.dimension_semantics<subcore_parallel>], iteration_bounds = array<i64: 2, 16>, scalar_prefetch = 0 : i64, scratch_operands = 17 : i64, tpu.core_type = #tpu.core_type<sc_vector_subcore>, window_params = [{transform_indices = #map}, {transform_indices = #map1}, {transform_indices = #map1}, {transform_indices = #map1}, {transform_indices = #map}]} {
    %lt3A = arith.constant 15 : i32
    %lt3A_0 = arith.cmpi slt, %arg1, %lt3A : i32
    %convert_element_type3A = arith.extui %lt3A_0 : i1 to i32
    %cond3A = arith.constant 0 : i32
    %cond3A_1 = arith.cmpi ne, %convert_element_type3A, %cond3A : i32
    scf.if %cond3A_1 {
      %mul3A_81 = arith.constant 624 : i32
      %mul3A_82 = arith.muli %arg1, %mul3A_81 : i32
      "tpu.region"() ({
        %run_scoped3A = tpu.sem_alloc : memref<!tpu.dma_semaphore, #tpu.memory_space<semaphore_mem>>
        %dma_start3A = arith.constant 0 : i32
        %dma_start3A_83 = tpu.memref_slice %arg17[%mul3A_82, %dma_start3A] : memref<10000x128xf32, #tpu.memory_space<vmem_shared>> -> memref<624x128xf32, #tpu.memory_space<vmem_shared>>
        %dma_start3A_84 = arith.constant 0 : i32
        %dma_start3A_85 = arith.constant 0 : i32
        %dma_start3A_86 = tpu.memref_slice %arg5[%dma_start3A_84, %dma_start3A_85] : memref<640x128xf32, #tpu.memory_space<hbm>> -> memref<624x128xf32, #tpu.memory_space<hbm>>
        tpu.enqueue_dma source(%dma_start3A_86 : memref<624x128xf32, #tpu.memory_space<hbm>>) target(%dma_start3A_83 : memref<624x128xf32, #tpu.memory_space<vmem_shared>>) target_semaphore(%run_scoped3A : memref<!tpu.dma_semaphore, #tpu.memory_space<semaphore_mem>>)
        %dma_wait3A = arith.constant 0 : i32
        %dma_wait3A_87 = tpu.memref_slice %arg17[%mul3A_82, %dma_wait3A] : memref<10000x128xf32, #tpu.memory_space<vmem_shared>> -> memref<624x128xf32, #tpu.memory_space<vmem_shared>>
        %dma_wait3A_88 = arith.constant 0 : i32
        %dma_wait3A_89 = arith.constant 0 : i32
        %dma_wait3A_90 = tpu.memref_slice %arg5[%dma_wait3A_88, %dma_wait3A_89] : memref<640x128xf32, #tpu.memory_space<hbm>> -> memref<624x128xf32, #tpu.memory_space<hbm>>
        tpu.wait_dma2 semaphore(%run_scoped3A : memref<!tpu.dma_semaphore, #tpu.memory_space<semaphore_mem>>) src(%dma_wait3A_90 : memref<624x128xf32, #tpu.memory_space<hbm>>) dst(%dma_wait3A_87 : memref<624x128xf32, #tpu.memory_space<vmem_shared>>)
        tpu.yield
      }) : () -> ()
    } else {
    }
    %eq3A = arith.constant 15 : i32
    %eq3A_2 = arith.cmpi eq, %arg1, %eq3A : i32
    %convert_element_type3A_3 = arith.extui %eq3A_2 : i1 to i32
    %cond3A_4 = arith.constant 0 : i32
    %cond3A_5 = arith.cmpi ne, %convert_element_type3A_3, %cond3A_4 : i32
    scf.if %cond3A_5 {
      "tpu.region"() ({
        %run_scoped3A = tpu.sem_alloc : memref<!tpu.dma_semaphore, #tpu.memory_space<semaphore_mem>>
        %dma_start3A = arith.constant 9360 : i32
        %dma_start3A_81 = arith.constant 0 : i32
        %dma_start3A_82 = tpu.memref_slice %arg17[%dma_start3A, %dma_start3A_81] : memref<10000x128xf32, #tpu.memory_space<vmem_shared>> -> memref<640x128xf32, #tpu.memory_space<vmem_shared>>
        %dma_start3A_83 = arith.constant 0 : i32
        %dma_start3A_84 = arith.constant 0 : i32
        %dma_start3A_85 = tpu.memref_slice %arg5[%dma_start3A_83, %dma_start3A_84] : memref<640x128xf32, #tpu.memory_space<hbm>> -> memref<640x128xf32, #tpu.memory_space<hbm>>
        tpu.enqueue_dma source(%dma_start3A_85 : memref<640x128xf32, #tpu.memory_space<hbm>>) target(%dma_start3A_82 : memref<640x128xf32, #tpu.memory_space<vmem_shared>>) target_semaphore(%run_scoped3A : memref<!tpu.dma_semaphore, #tpu.memory_space<semaphore_mem>>)
        %dma_wait3A = arith.constant 9360 : i32
        %dma_wait3A_86 = arith.constant 0 : i32
        %dma_wait3A_87 = tpu.memref_slice %arg17[%dma_wait3A, %dma_wait3A_86] : memref<10000x128xf32, #tpu.memory_space<vmem_shared>> -> memref<640x128xf32, #tpu.memory_space<vmem_shared>>
        %dma_wait3A_88 = arith.constant 0 : i32
        %dma_wait3A_89 = arith.constant 0 : i32
        %dma_wait3A_90 = tpu.memref_slice %arg5[%dma_wait3A_88, %dma_wait3A_89] : memref<640x128xf32, #tpu.memory_space<hbm>> -> memref<640x128xf32, #tpu.memory_space<hbm>>
        tpu.wait_dma2 semaphore(%run_scoped3A : memref<!tpu.dma_semaphore, #tpu.memory_space<semaphore_mem>>) src(%dma_wait3A_90 : memref<640x128xf32, #tpu.memory_space<hbm>>) dst(%dma_wait3A_87 : memref<640x128xf32, #tpu.memory_space<vmem_shared>>)
        tpu.yield
      }) : () -> ()
    } else {
    }
    %barrier3A = arith.constant 0 : index
    tpu.barrier barrier_id(%barrier3A)
    %mul3A = arith.constant 2 : i32
    %mul3A_6 = arith.muli %mul3A, %arg0 : i32
    %add3A = arith.constant 0 : i32
    %add3A_7 = arith.addi %mul3A_6, %add3A : i32
    %lt3A_8 = arith.constant 4 : i32
    %lt3A_9 = arith.cmpi slt, %arg1, %lt3A_8 : i32
    %jit3A = arith.constant 1 : i32
    %jit3A_10 = arith.constant 0 : i32
    %select_n3A = arith.select %lt3A_9, %jit3A, %jit3A_10 : i32
    %add3A_11 = arith.constant 156 : i32
    %add3A_12 = arith.addi %add3A_11, %select_n3A : i32
    %while3A = arith.constant 0 : i32
    %while3A_13 = arith.constant 0 : i32
    %while3A_14 = arith.subi %add3A_12, %while3A : i32
    %while3A_15 = arith.addi %while3A, %while3A_14 : i32
    %while3A_16 = arith.constant 1 : i32
    %while3A_17 = arith.divsi %while3A_14, %while3A_16 : i32
    %while3A_18 = arith.muli %while3A_17, %while3A_16 : i32
    %while3A_19 = arith.addi %while3A, %while3A_18 : i32
    %while3A_20 = arith.constant 1 : i32
    %while3A_21 = scf.for %while3A_81 = %while3A to %while3A_19 step %while3A_20 iter_args(%while3A_82 = %while3A_13) -> (i32)  : i32 {
      %mul3A_83 = arith.constant 16 : i32
      %mul3A_84 = arith.muli %mul3A_83, %while3A_81 : i32
      %add3A_85 = arith.addi %arg1, %mul3A_84 : i32
      "tpu.region"() ({
        %run_scoped3A = tpu.sem_alloc : memref<!tpu.dma_semaphore, #tpu.memory_space<semaphore_mem>>
        %dma_start3A_99 = arith.constant 0 : i32
        %dma_start3A_100 = tpu.memref_slice %arg3[%add3A_85, %dma_start3A_99] : memref<2500x128xi32, #tpu.memory_space<hbm>> -> memref<1x128xi32, #tpu.memory_space<hbm>>
        %dma_start3A_101 = tpu.memref_squeeze %dma_start3A_100 : memref<1x128xi32, #tpu.memory_space<hbm>> -> memref<128xi32, #tpu.memory_space<hbm>>
        %dma_start3A_102 = arith.constant 0 : i32
        %dma_start3A_103 = tpu.memref_slice %arg3[%add3A_85, %dma_start3A_102] : memref<2500x128xi32, #tpu.memory_space<hbm>> -> memref<1x128xi32, #tpu.memory_space<hbm>>
        %dma_start3A_104 = tpu.memref_squeeze %dma_start3A_103 : memref<1x128xi32, #tpu.memory_space<hbm>> -> memref<128xi32, #tpu.memory_space<hbm>>
        tpu.enqueue_dma source(%dma_start3A_104 : memref<128xi32, #tpu.memory_space<hbm>>) target(%arg7 : memref<128xi32, #tpu.memory_space<vmem>>) target_semaphore(%run_scoped3A : memref<!tpu.dma_semaphore, #tpu.memory_space<semaphore_mem>>)
        %dma_wait3A_105 = arith.constant 0 : i32
        %dma_wait3A_106 = tpu.memref_slice %arg3[%add3A_85, %dma_wait3A_105] : memref<2500x128xi32, #tpu.memory_space<hbm>> -> memref<1x128xi32, #tpu.memory_space<hbm>>
        %dma_wait3A_107 = tpu.memref_squeeze %dma_wait3A_106 : memref<1x128xi32, #tpu.memory_space<hbm>> -> memref<128xi32, #tpu.memory_space<hbm>>
        %dma_wait3A_108 = arith.constant 0 : i32
        %dma_wait3A_109 = tpu.memref_slice %arg3[%add3A_85, %dma_wait3A_108] : memref<2500x128xi32, #tpu.memory_space<hbm>> -> memref<1x128xi32, #tpu.memory_space<hbm>>
        %dma_wait3A_110 = tpu.memref_squeeze %dma_wait3A_109 : memref<1x128xi32, #tpu.memory_space<hbm>> -> memref<128xi32, #tpu.memory_space<hbm>>
        tpu.wait_dma2 semaphore(%run_scoped3A : memref<!tpu.dma_semaphore, #tpu.memory_space<semaphore_mem>>) src(%dma_wait3A_110 : memref<128xi32, #tpu.memory_space<hbm>>) dst(%arg7 : memref<128xi32, #tpu.memory_space<vmem>>)
        tpu.yield
      }) : () -> ()
      "tpu.region"() ({
        %run_scoped3A = tpu.sem_alloc : memref<!tpu.dma_semaphore, #tpu.memory_space<semaphore_mem>>
        %dma_start3A_99 = arith.constant 0 : i32
        %dma_start3A_100 = tpu.memref_slice %arg4[%add3A_85, %dma_start3A_99] : memref<2500x128xi32, #tpu.memory_space<hbm>> -> memref<1x128xi32, #tpu.memory_space<hbm>>
        %dma_start3A_101 = tpu.memref_squeeze %dma_start3A_100 : memref<1x128xi32, #tpu.memory_space<hbm>> -> memref<128xi32, #tpu.memory_space<hbm>>
        %dma_start3A_102 = arith.constant 0 : i32
        %dma_start3A_103 = tpu.memref_slice %arg4[%add3A_85, %dma_start3A_102] : memref<2500x128xi32, #tpu.memory_space<hbm>> -> memref<1x128xi32, #tpu.memory_space<hbm>>
        %dma_start3A_104 = tpu.memref_squeeze %dma_start3A_103 : memref<1x128xi32, #tpu.memory_space<hbm>> -> memref<128xi32, #tpu.memory_space<hbm>>
        tpu.enqueue_dma source(%dma_start3A_104 : memref<128xi32, #tpu.memory_space<hbm>>) target(%arg11 : memref<128xi32, #tpu.memory_space<vmem>>) target_semaphore(%run_scoped3A : memref<!tpu.dma_semaphore, #tpu.memory_space<semaphore_mem>>)
        %dma_wait3A_105 = arith.constant 0 : i32
        %dma_wait3A_106 = tpu.memref_slice %arg4[%add3A_85, %dma_wait3A_105] : memref<2500x128xi32, #tpu.memory_space<hbm>> -> memref<1x128xi32, #tpu.memory_space<hbm>>
        %dma_wait3A_107 = tpu.memref_squeeze %dma_wait3A_106 : memref<1x128xi32, #tpu.memory_space<hbm>> -> memref<128xi32, #tpu.memory_space<hbm>>
        %dma_wait3A_108 = arith.constant 0 : i32
        %dma_wait3A_109 = tpu.memref_slice %arg4[%add3A_85, %dma_wait3A_108] : memref<2500x128xi32, #tpu.memory_space<hbm>> -> memref<1x128xi32, #tpu.memory_space<hbm>>
        %dma_wait3A_110 = tpu.memref_squeeze %dma_wait3A_109 : memref<1x128xi32, #tpu.memory_space<hbm>> -> memref<128xi32, #tpu.memory_space<hbm>>
        tpu.wait_dma2 semaphore(%run_scoped3A : memref<!tpu.dma_semaphore, #tpu.memory_space<semaphore_mem>>) src(%dma_wait3A_110 : memref<128xi32, #tpu.memory_space<hbm>>) dst(%arg11 : memref<128xi32, #tpu.memory_space<vmem>>)
        tpu.yield
      }) : () -> ()
      %dma_start3A = arith.constant 0 : i32
      %dma_start3A_86 = arith.constant 0 : i32
      %dma_start3A_87 = tpu.memref_slice %arg2[%add3A_7, %dma_start3A, %dma_start3A_86] : memref<4x10000x128xf32, #tpu.memory_space<hbm>> -> memref<1x10000x128xf32, #tpu.memory_space<hbm>>
      %dma_start3A_88 = tpu.memref_squeeze %dma_start3A_87 : memref<1x10000x128xf32, #tpu.memory_space<hbm>> -> memref<10000x128xf32, #tpu.memory_space<hbm>>
      %dma_start3A_89 = arith.constant 0 : i32
      %dma_start3A_90 = arith.constant 0 : i32
      %dma_start3A_91 = tpu.memref_slice %dma_start3A_88[%dma_start3A_89, %dma_start3A_90] : memref<10000x128xf32, #tpu.memory_space<hbm>> -> memref<10000x128xf32, #tpu.memory_space<hbm>>
      tpu.enqueue_indirect_dma source(%dma_start3A_91 : memref<10000x128xf32, #tpu.memory_space<hbm>>) target(%arg15 : memref<128x128xf32, #tpu.memory_space<vmem>>) offsets(%arg7 : memref<128xi32, #tpu.memory_space<vmem>>) semaphore(%arg18 : memref<!tpu.dma_semaphore, #tpu.memory_space<semaphore_mem>>)
      %dma_wait3A = arith.constant 0 : i32
      %dma_wait3A_92 = arith.constant 0 : i32
      %dma_wait3A_93 = tpu.memref_slice %arg2[%add3A_7, %dma_wait3A, %dma_wait3A_92] : memref<4x10000x128xf32, #tpu.memory_space<hbm>> -> memref<1x10000x128xf32, #tpu.memory_space<hbm>>
      %dma_wait3A_94 = tpu.memref_squeeze %dma_wait3A_93 : memref<1x10000x128xf32, #tpu.memory_space<hbm>> -> memref<10000x128xf32, #tpu.memory_space<hbm>>
      %dma_wait3A_95 = arith.constant 0 : i32
      %dma_wait3A_96 = arith.constant 0 : i32
      %dma_wait3A_97 = tpu.memref_slice %dma_wait3A_94[%dma_wait3A_95, %dma_wait3A_96] : memref<10000x128xf32, #tpu.memory_space<hbm>> -> memref<10000x128xf32, #tpu.memory_space<hbm>>
      tpu.wait_indirect_dma semaphore(%arg18 : memref<!tpu.dma_semaphore, #tpu.memory_space<semaphore_mem>>) src(%dma_wait3A_97 : memref<10000x128xf32, #tpu.memory_space<hbm>>) dst(%arg15 : memref<128x128xf32, #tpu.memory_space<vmem>>)
      "tpu.region"() ({
        %run_scoped3A = tpu.sem_alloc : memref<!tpu.dma_semaphore, #tpu.memory_space<semaphore_mem>>
        %dma_start3A_99 = arith.constant 0 : i32
        %dma_start3A_100 = arith.constant 0 : i32
        %dma_start3A_101 = tpu.memref_slice %arg17[%dma_start3A_99, %dma_start3A_100] : memref<10000x128xf32, #tpu.memory_space<vmem_shared>> -> memref<10000x128xf32, #tpu.memory_space<vmem_shared>>
        tpu.enqueue_indirect_dma source(%arg15 : memref<128x128xf32, #tpu.memory_space<vmem>>) target(%dma_start3A_101 : memref<10000x128xf32, #tpu.memory_space<vmem_shared>>) offsets(%arg11 : memref<128xi32, #tpu.memory_space<vmem>>) semaphore(%run_scoped3A : memref<!tpu.dma_semaphore, #tpu.memory_space<semaphore_mem>>) {add = true}
        %dma_wait3A_102 = arith.constant 0 : i32
        %dma_wait3A_103 = arith.constant 0 : i32
        %dma_wait3A_104 = tpu.memref_slice %arg17[%dma_wait3A_102, %dma_wait3A_103] : memref<10000x128xf32, #tpu.memory_space<vmem_shared>> -> memref<10000x128xf32, #tpu.memory_space<vmem_shared>>
        tpu.wait_indirect_dma semaphore(%run_scoped3A : memref<!tpu.dma_semaphore, #tpu.memory_space<semaphore_mem>>) src(%arg15 : memref<128x128xf32, #tpu.memory_space<vmem>>) dst(%dma_wait3A_104 : memref<10000x128xf32, #tpu.memory_space<vmem_shared>>)
        tpu.yield
      }) : () -> ()
      %while3A_98 = arith.constant 0 : i32
      scf.yield %while3A_98 : i32
    }
    %while3A_22 = arith.constant 1 : i32
    %while3A_23 = scf.for %while3A_81 = %while3A_19 to %while3A_15 step %while3A_22 iter_args(%while3A_82 = %while3A_21) -> (i32)  : i32 {
      %mul3A_83 = arith.constant 16 : i32
      %mul3A_84 = arith.muli %mul3A_83, %while3A_81 : i32
      %add3A_85 = arith.addi %arg1, %mul3A_84 : i32
      "tpu.region"() ({
        %run_scoped3A = tpu.sem_alloc : memref<!tpu.dma_semaphore, #tpu.memory_space<semaphore_mem>>
        %dma_start3A_99 = arith.constant 0 : i32
        %dma_start3A_100 = tpu.memref_slice %arg3[%add3A_85, %dma_start3A_99] : memref<2500x128xi32, #tpu.memory_space<hbm>> -> memref<1x128xi32, #tpu.memory_space<hbm>>
        %dma_start3A_101 = tpu.memref_squeeze %dma_start3A_100 : memref<1x128xi32, #tpu.memory_space<hbm>> -> memref<128xi32, #tpu.memory_space<hbm>>
        %dma_start3A_102 = arith.constant 0 : i32
        %dma_start3A_103 = tpu.memref_slice %arg3[%add3A_85, %dma_start3A_102] : memref<2500x128xi32, #tpu.memory_space<hbm>> -> memref<1x128xi32, #tpu.memory_space<hbm>>
        %dma_start3A_104 = tpu.memref_squeeze %dma_start3A_103 : memref<1x128xi32, #tpu.memory_space<hbm>> -> memref<128xi32, #tpu.memory_space<hbm>>
        tpu.enqueue_dma source(%dma_start3A_104 : memref<128xi32, #tpu.memory_space<hbm>>) target(%arg7 : memref<128xi32, #tpu.memory_space<vmem>>) target_semaphore(%run_scoped3A : memref<!tpu.dma_semaphore, #tpu.memory_space<semaphore_mem>>)
        %dma_wait3A_105 = arith.constant 0 : i32
        %dma_wait3A_106 = tpu.memref_slice %arg3[%add3A_85, %dma_wait3A_105] : memref<2500x128xi32, #tpu.memory_space<hbm>> -> memref<1x128xi32, #tpu.memory_space<hbm>>
        %dma_wait3A_107 = tpu.memref_squeeze %dma_wait3A_106 : memref<1x128xi32, #tpu.memory_space<hbm>> -> memref<128xi32, #tpu.memory_space<hbm>>
        %dma_wait3A_108 = arith.constant 0 : i32
        %dma_wait3A_109 = tpu.memref_slice %arg3[%add3A_85, %dma_wait3A_108] : memref<2500x128xi32, #tpu.memory_space<hbm>> -> memref<1x128xi32, #tpu.memory_space<hbm>>
        %dma_wait3A_110 = tpu.memref_squeeze %dma_wait3A_109 : memref<1x128xi32, #tpu.memory_space<hbm>> -> memref<128xi32, #tpu.memory_space<hbm>>
        tpu.wait_dma2 semaphore(%run_scoped3A : memref<!tpu.dma_semaphore, #tpu.memory_space<semaphore_mem>>) src(%dma_wait3A_110 : memref<128xi32, #tpu.memory_space<hbm>>) dst(%arg7 : memref<128xi32, #tpu.memory_space<vmem>>)
        tpu.yield
      }) : () -> ()
      "tpu.region"() ({
        %run_scoped3A = tpu.sem_alloc : memref<!tpu.dma_semaphore, #tpu.memory_space<semaphore_mem>>
        %dma_start3A_99 = arith.constant 0 : i32
        %dma_start3A_100 = tpu.memref_slice %arg4[%add3A_85, %dma_start3A_99] : memref<2500x128xi32, #tpu.memory_space<hbm>> -> memref<1x128xi32, #tpu.memory_space<hbm>>
        %dma_start3A_101 = tpu.memref_squeeze %dma_start3A_100 : memref<1x128xi32, #tpu.memory_space<hbm>> -> memref<128xi32, #tpu.memory_space<hbm>>
        %dma_start3A_102 = arith.constant 0 : i32
        %dma_start3A_103 = tpu.memref_slice %arg4[%add3A_85, %dma_start3A_102] : memref<2500x128xi32, #tpu.memory_space<hbm>> -> memref<1x128xi32, #tpu.memory_space<hbm>>
        %dma_start3A_104 = tpu.memref_squeeze %dma_start3A_103 : memref<1x128xi32, #tpu.memory_space<hbm>> -> memref<128xi32, #tpu.memory_space<hbm>>
        tpu.enqueue_dma source(%dma_start3A_104 : memref<128xi32, #tpu.memory_space<hbm>>) target(%arg11 : memref<128xi32, #tpu.memory_space<vmem>>) target_semaphore(%run_scoped3A : memref<!tpu.dma_semaphore, #tpu.memory_space<semaphore_mem>>)
        %dma_wait3A_105 = arith.constant 0 : i32
        %dma_wait3A_106 = tpu.memref_slice %arg4[%add3A_85, %dma_wait3A_105] : memref<2500x128xi32, #tpu.memory_space<hbm>> -> memref<1x128xi32, #tpu.memory_space<hbm>>
        %dma_wait3A_107 = tpu.memref_squeeze %dma_wait3A_106 : memref<1x128xi32, #tpu.memory_space<hbm>> -> memref<128xi32, #tpu.memory_space<hbm>>
        %dma_wait3A_108 = arith.constant 0 : i32
        %dma_wait3A_109 = tpu.memref_slice %arg4[%add3A_85, %dma_wait3A_108] : memref<2500x128xi32, #tpu.memory_space<hbm>> -> memref<1x128xi32, #tpu.memory_space<hbm>>
        %dma_wait3A_110 = tpu.memref_squeeze %dma_wait3A_109 : memref<1x128xi32, #tpu.memory_space<hbm>> -> memref<128xi32, #tpu.memory_space<hbm>>
        tpu.wait_dma2 semaphore(%run_scoped3A : memref<!tpu.dma_semaphore, #tpu.memory_space<semaphore_mem>>) src(%dma_wait3A_110 : memref<128xi32, #tpu.memory_space<hbm>>) dst(%arg11 : memref<128xi32, #tpu.memory_space<vmem>>)
        tpu.yield
      }) : () -> ()
      %dma_start3A = arith.constant 0 : i32
      %dma_start3A_86 = arith.constant 0 : i32
      %dma_start3A_87 = tpu.memref_slice %arg2[%add3A_7, %dma_start3A, %dma_start3A_86] : memref<4x10000x128xf32, #tpu.memory_space<hbm>> -> memref<1x10000x128xf32, #tpu.memory_space<hbm>>
      %dma_start3A_88 = tpu.memref_squeeze %dma_start3A_87 : memref<1x10000x128xf32, #tpu.memory_space<hbm>> -> memref<10000x128xf32, #tpu.memory_space<hbm>>
      %dma_start3A_89 = arith.constant 0 : i32
      %dma_start3A_90 = arith.constant 0 : i32
      %dma_start3A_91 = tpu.memref_slice %dma_start3A_88[%dma_start3A_89, %dma_start3A_90] : memref<10000x128xf32, #tpu.memory_space<hbm>> -> memref<10000x128xf32, #tpu.memory_space<hbm>>
      tpu.enqueue_indirect_dma source(%dma_start3A_91 : memref<10000x128xf32, #tpu.memory_space<hbm>>) target(%arg15 : memref<128x128xf32, #tpu.memory_space<vmem>>) offsets(%arg7 : memref<128xi32, #tpu.memory_space<vmem>>) semaphore(%arg18 : memref<!tpu.dma_semaphore, #tpu.memory_space<semaphore_mem>>)
      %dma_wait3A = arith.constant 0 : i32
      %dma_wait3A_92 = arith.constant 0 : i32
      %dma_wait3A_93 = tpu.memref_slice %arg2[%add3A_7, %dma_wait3A, %dma_wait3A_92] : memref<4x10000x128xf32, #tpu.memory_space<hbm>> -> memref<1x10000x128xf32, #tpu.memory_space<hbm>>
      %dma_wait3A_94 = tpu.memref_squeeze %dma_wait3A_93 : memref<1x10000x128xf32, #tpu.memory_space<hbm>> -> memref<10000x128xf32, #tpu.memory_space<hbm>>
      %dma_wait3A_95 = arith.constant 0 : i32
      %dma_wait3A_96 = arith.constant 0 : i32
      %dma_wait3A_97 = tpu.memref_slice %dma_wait3A_94[%dma_wait3A_95, %dma_wait3A_96] : memref<10000x128xf32, #tpu.memory_space<hbm>> -> memref<10000x128xf32, #tpu.memory_space<hbm>>
      tpu.wait_indirect_dma semaphore(%arg18 : memref<!tpu.dma_semaphore, #tpu.memory_space<semaphore_mem>>) src(%dma_wait3A_97 : memref<10000x128xf32, #tpu.memory_space<hbm>>) dst(%arg15 : memref<128x128xf32, #tpu.memory_space<vmem>>)
      "tpu.region"() ({
        %run_scoped3A = tpu.sem_alloc : memref<!tpu.dma_semaphore, #tpu.memory_space<semaphore_mem>>
        %dma_start3A_99 = arith.constant 0 : i32
        %dma_start3A_100 = arith.constant 0 : i32
        %dma_start3A_101 = tpu.memref_slice %arg17[%dma_start3A_99, %dma_start3A_100] : memref<10000x128xf32, #tpu.memory_space<vmem_shared>> -> memref<10000x128xf32, #tpu.memory_space<vmem_shared>>
        tpu.enqueue_indirect_dma source(%arg15 : memref<128x128xf32, #tpu.memory_space<vmem>>) target(%dma_start3A_101 : memref<10000x128xf32, #tpu.memory_space<vmem_shared>>) offsets(%arg11 : memref<128xi32, #tpu.memory_space<vmem>>) semaphore(%run_scoped3A : memref<!tpu.dma_semaphore, #tpu.memory_space<semaphore_mem>>) {add = true}
        %dma_wait3A_102 = arith.constant 0 : i32
        %dma_wait3A_103 = arith.constant 0 : i32
        %dma_wait3A_104 = tpu.memref_slice %arg17[%dma_wait3A_102, %dma_wait3A_103] : memref<10000x128xf32, #tpu.memory_space<vmem_shared>> -> memref<10000x128xf32, #tpu.memory_space<vmem_shared>>
        tpu.wait_indirect_dma semaphore(%run_scoped3A : memref<!tpu.dma_semaphore, #tpu.memory_space<semaphore_mem>>) src(%arg15 : memref<128x128xf32, #tpu.memory_space<vmem>>) dst(%dma_wait3A_104 : memref<10000x128xf32, #tpu.memory_space<vmem_shared>>)
        tpu.yield
      }) : () -> ()
      %while3A_98 = arith.constant 0 : i32
      scf.yield %while3A_98 : i32
    }
    %barrier3A_24 = arith.constant 0 : index
    tpu.barrier barrier_id(%barrier3A_24)
    %lt3A_25 = arith.constant 15 : i32
    %lt3A_26 = arith.cmpi slt, %arg1, %lt3A_25 : i32
    %convert_element_type3A_27 = arith.extui %lt3A_26 : i1 to i32
    %cond3A_28 = arith.constant 0 : i32
    %cond3A_29 = arith.cmpi ne, %convert_element_type3A_27, %cond3A_28 : i32
    scf.if %cond3A_29 {
      %mul3A_81 = arith.constant 624 : i32
      %mul3A_82 = arith.muli %arg1, %mul3A_81 : i32
      "tpu.region"() ({
        %run_scoped3A = tpu.sem_alloc : memref<!tpu.dma_semaphore, #tpu.memory_space<semaphore_mem>>
        %dma_start3A = arith.constant 0 : i32
        %dma_start3A_83 = arith.constant 0 : i32
        %dma_start3A_84 = tpu.memref_slice %arg6[%add3A_7, %dma_start3A, %dma_start3A_83] : memref<4x10000x128xf32, #tpu.memory_space<hbm>> -> memref<1x10000x128xf32, #tpu.memory_space<hbm>>
        %dma_start3A_85 = tpu.memref_squeeze %dma_start3A_84 : memref<1x10000x128xf32, #tpu.memory_space<hbm>> -> memref<10000x128xf32, #tpu.memory_space<hbm>>
        %dma_start3A_86 = arith.constant 0 : i32
        %dma_start3A_87 = tpu.memref_slice %dma_start3A_85[%mul3A_82, %dma_start3A_86] : memref<10000x128xf32, #tpu.memory_space<hbm>> -> memref<624x128xf32, #tpu.memory_space<hbm>>
        %dma_start3A_88 = arith.constant 0 : i32
        %dma_start3A_89 = tpu.memref_slice %arg17[%mul3A_82, %dma_start3A_88] : memref<10000x128xf32, #tpu.memory_space<vmem_shared>> -> memref<624x128xf32, #tpu.memory_space<vmem_shared>>
        tpu.enqueue_dma source(%dma_start3A_89 : memref<624x128xf32, #tpu.memory_space<vmem_shared>>) target(%dma_start3A_87 : memref<624x128xf32, #tpu.memory_space<hbm>>) target_semaphore(%run_scoped3A : memref<!tpu.dma_semaphore, #tpu.memory_space<semaphore_mem>>)
        %dma_wait3A = arith.constant 0 : i32
        %dma_wait3A_90 = arith.constant 0 : i32
        %dma_wait3A_91 = tpu.memref_slice %arg6[%add3A_7, %dma_wait3A, %dma_wait3A_90] : memref<4x10000x128xf32, #tpu.memory_space<hbm>> -> memref<1x10000x128xf32, #tpu.memory_space<hbm>>
        %dma_wait3A_92 = tpu.memref_squeeze %dma_wait3A_91 : memref<1x10000x128xf32, #tpu.memory_space<hbm>> -> memref<10000x128xf32, #tpu.memory_space<hbm>>
        %dma_wait3A_93 = arith.constant 0 : i32
        %dma_wait3A_94 = tpu.memref_slice %dma_wait3A_92[%mul3A_82, %dma_wait3A_93] : memref<10000x128xf32, #tpu.memory_space<hbm>> -> memref<624x128xf32, #tpu.memory_space<hbm>>
        %dma_wait3A_95 = arith.constant 0 : i32
        %dma_wait3A_96 = tpu.memref_slice %arg17[%mul3A_82, %dma_wait3A_95] : memref<10000x128xf32, #tpu.memory_space<vmem_shared>> -> memref<624x128xf32, #tpu.memory_space<vmem_shared>>
        tpu.wait_dma2 semaphore(%run_scoped3A : memref<!tpu.dma_semaphore, #tpu.memory_space<semaphore_mem>>) src(%dma_wait3A_96 : memref<624x128xf32, #tpu.memory_space<vmem_shared>>) dst(%dma_wait3A_94 : memref<624x128xf32, #tpu.memory_space<hbm>>)
        tpu.yield
      }) : () -> ()
    } else {
    }
    %eq3A_30 = arith.constant 15 : i32
    %eq3A_31 = arith.cmpi eq, %arg1, %eq3A_30 : i32
    %convert_element_type3A_32 = arith.extui %eq3A_31 : i1 to i32
    %cond3A_33 = arith.constant 0 : i32
    %cond3A_34 = arith.cmpi ne, %convert_element_type3A_32, %cond3A_33 : i32
    scf.if %cond3A_34 {
      "tpu.region"() ({
        %run_scoped3A = tpu.sem_alloc : memref<!tpu.dma_semaphore, #tpu.memory_space<semaphore_mem>>
        %dma_start3A = arith.constant 0 : i32
        %dma_start3A_81 = arith.constant 0 : i32
        %dma_start3A_82 = tpu.memref_slice %arg6[%add3A_7, %dma_start3A, %dma_start3A_81] : memref<4x10000x128xf32, #tpu.memory_space<hbm>> -> memref<1x10000x128xf32, #tpu.memory_space<hbm>>
        %dma_start3A_83 = tpu.memref_squeeze %dma_start3A_82 : memref<1x10000x128xf32, #tpu.memory_space<hbm>> -> memref<10000x128xf32, #tpu.memory_space<hbm>>
        %dma_start3A_84 = arith.constant 9360 : i32
        %dma_start3A_85 = arith.constant 0 : i32
        %dma_start3A_86 = tpu.memref_slice %dma_start3A_83[%dma_start3A_84, %dma_start3A_85] : memref<10000x128xf32, #tpu.memory_space<hbm>> -> memref<640x128xf32, #tpu.memory_space<hbm>>
        %dma_start3A_87 = arith.constant 9360 : i32
        %dma_start3A_88 = arith.constant 0 : i32
        %dma_start3A_89 = tpu.memref_slice %arg17[%dma_start3A_87, %dma_start3A_88] : memref<10000x128xf32, #tpu.memory_space<vmem_shared>> -> memref<640x128xf32, #tpu.memory_space<vmem_shared>>
        tpu.enqueue_dma source(%dma_start3A_89 : memref<640x128xf32, #tpu.memory_space<vmem_shared>>) target(%dma_start3A_86 : memref<640x128xf32, #tpu.memory_space<hbm>>) target_semaphore(%run_scoped3A : memref<!tpu.dma_semaphore, #tpu.memory_space<semaphore_mem>>)
        %dma_wait3A = arith.constant 0 : i32
        %dma_wait3A_90 = arith.constant 0 : i32
        %dma_wait3A_91 = tpu.memref_slice %arg6[%add3A_7, %dma_wait3A, %dma_wait3A_90] : memref<4x10000x128xf32, #tpu.memory_space<hbm>> -> memref<1x10000x128xf32, #tpu.memory_space<hbm>>
        %dma_wait3A_92 = tpu.memref_squeeze %dma_wait3A_91 : memref<1x10000x128xf32, #tpu.memory_space<hbm>> -> memref<10000x128xf32, #tpu.memory_space<hbm>>
        %dma_wait3A_93 = arith.constant 9360 : i32
        %dma_wait3A_94 = arith.constant 0 : i32
        %dma_wait3A_95 = tpu.memref_slice %dma_wait3A_92[%dma_wait3A_93, %dma_wait3A_94] : memref<10000x128xf32, #tpu.memory_space<hbm>> -> memref<640x128xf32, #tpu.memory_space<hbm>>
        %dma_wait3A_96 = arith.constant 9360 : i32
        %dma_wait3A_97 = arith.constant 0 : i32
        %dma_wait3A_98 = tpu.memref_slice %arg17[%dma_wait3A_96, %dma_wait3A_97] : memref<10000x128xf32, #tpu.memory_space<vmem_shared>> -> memref<640x128xf32, #tpu.memory_space<vmem_shared>>
        tpu.wait_dma2 semaphore(%run_scoped3A : memref<!tpu.dma_semaphore, #tpu.memory_space<semaphore_mem>>) src(%dma_wait3A_98 : memref<640x128xf32, #tpu.memory_space<vmem_shared>>) dst(%dma_wait3A_95 : memref<640x128xf32, #tpu.memory_space<hbm>>)
        tpu.yield
      }) : () -> ()
    } else {
    }
    %lt3A_35 = arith.constant 15 : i32
    %lt3A_36 = arith.cmpi slt, %arg1, %lt3A_35 : i32
    %convert_element_type3A_37 = arith.extui %lt3A_36 : i1 to i32
    %cond3A_38 = arith.constant 0 : i32
    %cond3A_39 = arith.cmpi ne, %convert_element_type3A_37, %cond3A_38 : i32
    scf.if %cond3A_39 {
      %mul3A_81 = arith.constant 624 : i32
      %mul3A_82 = arith.muli %arg1, %mul3A_81 : i32
      "tpu.region"() ({
        %run_scoped3A = tpu.sem_alloc : memref<!tpu.dma_semaphore, #tpu.memory_space<semaphore_mem>>
        %dma_start3A = arith.constant 0 : i32
        %dma_start3A_83 = tpu.memref_slice %arg17[%mul3A_82, %dma_start3A] : memref<10000x128xf32, #tpu.memory_space<vmem_shared>> -> memref<624x128xf32, #tpu.memory_space<vmem_shared>>
        %dma_start3A_84 = arith.constant 0 : i32
        %dma_start3A_85 = arith.constant 0 : i32
        %dma_start3A_86 = tpu.memref_slice %arg5[%dma_start3A_84, %dma_start3A_85] : memref<640x128xf32, #tpu.memory_space<hbm>> -> memref<624x128xf32, #tpu.memory_space<hbm>>
        tpu.enqueue_dma source(%dma_start3A_86 : memref<624x128xf32, #tpu.memory_space<hbm>>) target(%dma_start3A_83 : memref<624x128xf32, #tpu.memory_space<vmem_shared>>) target_semaphore(%run_scoped3A : memref<!tpu.dma_semaphore, #tpu.memory_space<semaphore_mem>>)
        %dma_wait3A = arith.constant 0 : i32
        %dma_wait3A_87 = tpu.memref_slice %arg17[%mul3A_82, %dma_wait3A] : memref<10000x128xf32, #tpu.memory_space<vmem_shared>> -> memref<624x128xf32, #tpu.memory_space<vmem_shared>>
        %dma_wait3A_88 = arith.constant 0 : i32
        %dma_wait3A_89 = arith.constant 0 : i32
        %dma_wait3A_90 = tpu.memref_slice %arg5[%dma_wait3A_88, %dma_wait3A_89] : memref<640x128xf32, #tpu.memory_space<hbm>> -> memref<624x128xf32, #tpu.memory_space<hbm>>
        tpu.wait_dma2 semaphore(%run_scoped3A : memref<!tpu.dma_semaphore, #tpu.memory_space<semaphore_mem>>) src(%dma_wait3A_90 : memref<624x128xf32, #tpu.memory_space<hbm>>) dst(%dma_wait3A_87 : memref<624x128xf32, #tpu.memory_space<vmem_shared>>)
        tpu.yield
      }) : () -> ()
    } else {
    }
    %eq3A_40 = arith.constant 15 : i32
    %eq3A_41 = arith.cmpi eq, %arg1, %eq3A_40 : i32
    %convert_element_type3A_42 = arith.extui %eq3A_41 : i1 to i32
    %cond3A_43 = arith.constant 0 : i32
    %cond3A_44 = arith.cmpi ne, %convert_element_type3A_42, %cond3A_43 : i32
    scf.if %cond3A_44 {
      "tpu.region"() ({
        %run_scoped3A = tpu.sem_alloc : memref<!tpu.dma_semaphore, #tpu.memory_space<semaphore_mem>>
        %dma_start3A = arith.constant 9360 : i32
        %dma_start3A_81 = arith.constant 0 : i32
        %dma_start3A_82 = tpu.memref_slice %arg17[%dma_start3A, %dma_start3A_81] : memref<10000x128xf32, #tpu.memory_space<vmem_shared>> -> memref<640x128xf32, #tpu.memory_space<vmem_shared>>
        %dma_start3A_83 = arith.constant 0 : i32
        %dma_start3A_84 = arith.constant 0 : i32
        %dma_start3A_85 = tpu.memref_slice %arg5[%dma_start3A_83, %dma_start3A_84] : memref<640x128xf32, #tpu.memory_space<hbm>> -> memref<640x128xf32, #tpu.memory_space<hbm>>
        tpu.enqueue_dma source(%dma_start3A_85 : memref<640x128xf32, #tpu.memory_space<hbm>>) target(%dma_start3A_82 : memref<640x128xf32, #tpu.memory_space<vmem_shared>>) target_semaphore(%run_scoped3A : memref<!tpu.dma_semaphore, #tpu.memory_space<semaphore_mem>>)
        %dma_wait3A = arith.constant 9360 : i32
        %dma_wait3A_86 = arith.constant 0 : i32
        %dma_wait3A_87 = tpu.memref_slice %arg17[%dma_wait3A, %dma_wait3A_86] : memref<10000x128xf32, #tpu.memory_space<vmem_shared>> -> memref<640x128xf32, #tpu.memory_space<vmem_shared>>
        %dma_wait3A_88 = arith.constant 0 : i32
        %dma_wait3A_89 = arith.constant 0 : i32
        %dma_wait3A_90 = tpu.memref_slice %arg5[%dma_wait3A_88, %dma_wait3A_89] : memref<640x128xf32, #tpu.memory_space<hbm>> -> memref<640x128xf32, #tpu.memory_space<hbm>>
        tpu.wait_dma2 semaphore(%run_scoped3A : memref<!tpu.dma_semaphore, #tpu.memory_space<semaphore_mem>>) src(%dma_wait3A_90 : memref<640x128xf32, #tpu.memory_space<hbm>>) dst(%dma_wait3A_87 : memref<640x128xf32, #tpu.memory_space<vmem_shared>>)
        tpu.yield
      }) : () -> ()
    } else {
    }
    %barrier3A_45 = arith.constant 0 : index
    tpu.barrier barrier_id(%barrier3A_45)
    %mul3A_46 = arith.constant 2 : i32
    %mul3A_47 = arith.muli %mul3A_46, %arg0 : i32
    %add3A_48 = arith.constant 1 : i32
    %add3A_49 = arith.addi %mul3A_47, %add3A_48 : i32
    %lt3A_50 = arith.constant 4 : i32
    %lt3A_51 = arith.cmpi slt, %arg1, %lt3A_50 : i32
    %jit3A_52 = arith.constant 1 : i32
    %jit3A_53 = arith.constant 0 : i32
    %select_n3A_54 = arith.select %lt3A_51, %jit3A_52, %jit3A_53 : i32
    %add3A_55 = arith.constant 156 : i32
    %add3A_56 = arith.addi %add3A_55, %select_n3A_54 : i32
    %while3A_57 = arith.constant 0 : i32
    %while3A_58 = arith.constant 0 : i32
    %while3A_59 = arith.subi %add3A_56, %while3A_57 : i32
    %while3A_60 = arith.addi %while3A_57, %while3A_59 : i32
    %while3A_61 = arith.constant 1 : i32
    %while3A_62 = arith.divsi %while3A_59, %while3A_61 : i32
    %while3A_63 = arith.muli %while3A_62, %while3A_61 : i32
    %while3A_64 = arith.addi %while3A_57, %while3A_63 : i32
    %while3A_65 = arith.constant 1 : i32
    %while3A_66 = scf.for %while3A_81 = %while3A_57 to %while3A_64 step %while3A_65 iter_args(%while3A_82 = %while3A_58) -> (i32)  : i32 {
      %mul3A_83 = arith.constant 16 : i32
      %mul3A_84 = arith.muli %mul3A_83, %while3A_81 : i32
      %add3A_85 = arith.addi %arg1, %mul3A_84 : i32
      "tpu.region"() ({
        %run_scoped3A = tpu.sem_alloc : memref<!tpu.dma_semaphore, #tpu.memory_space<semaphore_mem>>
        %dma_start3A_99 = arith.constant 0 : i32
        %dma_start3A_100 = tpu.memref_slice %arg3[%add3A_85, %dma_start3A_99] : memref<2500x128xi32, #tpu.memory_space<hbm>> -> memref<1x128xi32, #tpu.memory_space<hbm>>
        %dma_start3A_101 = tpu.memref_squeeze %dma_start3A_100 : memref<1x128xi32, #tpu.memory_space<hbm>> -> memref<128xi32, #tpu.memory_space<hbm>>
        %dma_start3A_102 = arith.constant 0 : i32
        %dma_start3A_103 = tpu.memref_slice %arg3[%add3A_85, %dma_start3A_102] : memref<2500x128xi32, #tpu.memory_space<hbm>> -> memref<1x128xi32, #tpu.memory_space<hbm>>
        %dma_start3A_104 = tpu.memref_squeeze %dma_start3A_103 : memref<1x128xi32, #tpu.memory_space<hbm>> -> memref<128xi32, #tpu.memory_space<hbm>>
        tpu.enqueue_dma source(%dma_start3A_104 : memref<128xi32, #tpu.memory_space<hbm>>) target(%arg7 : memref<128xi32, #tpu.memory_space<vmem>>) target_semaphore(%run_scoped3A : memref<!tpu.dma_semaphore, #tpu.memory_space<semaphore_mem>>)
        %dma_wait3A_105 = arith.constant 0 : i32
        %dma_wait3A_106 = tpu.memref_slice %arg3[%add3A_85, %dma_wait3A_105] : memref<2500x128xi32, #tpu.memory_space<hbm>> -> memref<1x128xi32, #tpu.memory_space<hbm>>
        %dma_wait3A_107 = tpu.memref_squeeze %dma_wait3A_106 : memref<1x128xi32, #tpu.memory_space<hbm>> -> memref<128xi32, #tpu.memory_space<hbm>>
        %dma_wait3A_108 = arith.constant 0 : i32
        %dma_wait3A_109 = tpu.memref_slice %arg3[%add3A_85, %dma_wait3A_108] : memref<2500x128xi32, #tpu.memory_space<hbm>> -> memref<1x128xi32, #tpu.memory_space<hbm>>
        %dma_wait3A_110 = tpu.memref_squeeze %dma_wait3A_109 : memref<1x128xi32, #tpu.memory_space<hbm>> -> memref<128xi32, #tpu.memory_space<hbm>>
        tpu.wait_dma2 semaphore(%run_scoped3A : memref<!tpu.dma_semaphore, #tpu.memory_space<semaphore_mem>>) src(%dma_wait3A_110 : memref<128xi32, #tpu.memory_space<hbm>>) dst(%arg7 : memref<128xi32, #tpu.memory_space<vmem>>)
        tpu.yield
      }) : () -> ()
      "tpu.region"() ({
        %run_scoped3A = tpu.sem_alloc : memref<!tpu.dma_semaphore, #tpu.memory_space<semaphore_mem>>
        %dma_start3A_99 = arith.constant 0 : i32
        %dma_start3A_100 = tpu.memref_slice %arg4[%add3A_85, %dma_start3A_99] : memref<2500x128xi32, #tpu.memory_space<hbm>> -> memref<1x128xi32, #tpu.memory_space<hbm>>
        %dma_start3A_101 = tpu.memref_squeeze %dma_start3A_100 : memref<1x128xi32, #tpu.memory_space<hbm>> -> memref<128xi32, #tpu.memory_space<hbm>>
        %dma_start3A_102 = arith.constant 0 : i32
        %dma_start3A_103 = tpu.memref_slice %arg4[%add3A_85, %dma_start3A_102] : memref<2500x128xi32, #tpu.memory_space<hbm>> -> memref<1x128xi32, #tpu.memory_space<hbm>>
        %dma_start3A_104 = tpu.memref_squeeze %dma_start3A_103 : memref<1x128xi32, #tpu.memory_space<hbm>> -> memref<128xi32, #tpu.memory_space<hbm>>
        tpu.enqueue_dma source(%dma_start3A_104 : memref<128xi32, #tpu.memory_space<hbm>>) target(%arg11 : memref<128xi32, #tpu.memory_space<vmem>>) target_semaphore(%run_scoped3A : memref<!tpu.dma_semaphore, #tpu.memory_space<semaphore_mem>>)
        %dma_wait3A_105 = arith.constant 0 : i32
        %dma_wait3A_106 = tpu.memref_slice %arg4[%add3A_85, %dma_wait3A_105] : memref<2500x128xi32, #tpu.memory_space<hbm>> -> memref<1x128xi32, #tpu.memory_space<hbm>>
        %dma_wait3A_107 = tpu.memref_squeeze %dma_wait3A_106 : memref<1x128xi32, #tpu.memory_space<hbm>> -> memref<128xi32, #tpu.memory_space<hbm>>
        %dma_wait3A_108 = arith.constant 0 : i32
        %dma_wait3A_109 = tpu.memref_slice %arg4[%add3A_85, %dma_wait3A_108] : memref<2500x128xi32, #tpu.memory_space<hbm>> -> memref<1x128xi32, #tpu.memory_space<hbm>>
        %dma_wait3A_110 = tpu.memref_squeeze %dma_wait3A_109 : memref<1x128xi32, #tpu.memory_space<hbm>> -> memref<128xi32, #tpu.memory_space<hbm>>
        tpu.wait_dma2 semaphore(%run_scoped3A : memref<!tpu.dma_semaphore, #tpu.memory_space<semaphore_mem>>) src(%dma_wait3A_110 : memref<128xi32, #tpu.memory_space<hbm>>) dst(%arg11 : memref<128xi32, #tpu.memory_space<vmem>>)
        tpu.yield
      }) : () -> ()
      %dma_start3A = arith.constant 0 : i32
      %dma_start3A_86 = arith.constant 0 : i32
      %dma_start3A_87 = tpu.memref_slice %arg2[%add3A_49, %dma_start3A, %dma_start3A_86] : memref<4x10000x128xf32, #tpu.memory_space<hbm>> -> memref<1x10000x128xf32, #tpu.memory_space<hbm>>
      %dma_start3A_88 = tpu.memref_squeeze %dma_start3A_87 : memref<1x10000x128xf32, #tpu.memory_space<hbm>> -> memref<10000x128xf32, #tpu.memory_space<hbm>>
      %dma_start3A_89 = arith.constant 0 : i32
      %dma_start3A_90 = arith.constant 0 : i32
      %dma_start3A_91 = tpu.memref_slice %dma_start3A_88[%dma_start3A_89, %dma_start3A_90] : memref<10000x128xf32, #tpu.memory_space<hbm>> -> memref<10000x128xf32, #tpu.memory_space<hbm>>
      tpu.enqueue_indirect_dma source(%dma_start3A_91 : memref<10000x128xf32, #tpu.memory_space<hbm>>) target(%arg15 : memref<128x128xf32, #tpu.memory_space<vmem>>) offsets(%arg7 : memref<128xi32, #tpu.memory_space<vmem>>) semaphore(%arg18 : memref<!tpu.dma_semaphore, #tpu.memory_space<semaphore_mem>>)
      %dma_wait3A = arith.constant 0 : i32
      %dma_wait3A_92 = arith.constant 0 : i32
      %dma_wait3A_93 = tpu.memref_slice %arg2[%add3A_49, %dma_wait3A, %dma_wait3A_92] : memref<4x10000x128xf32, #tpu.memory_space<hbm>> -> memref<1x10000x128xf32, #tpu.memory_space<hbm>>
      %dma_wait3A_94 = tpu.memref_squeeze %dma_wait3A_93 : memref<1x10000x128xf32, #tpu.memory_space<hbm>> -> memref<10000x128xf32, #tpu.memory_space<hbm>>
      %dma_wait3A_95 = arith.constant 0 : i32
      %dma_wait3A_96 = arith.constant 0 : i32
      %dma_wait3A_97 = tpu.memref_slice %dma_wait3A_94[%dma_wait3A_95, %dma_wait3A_96] : memref<10000x128xf32, #tpu.memory_space<hbm>> -> memref<10000x128xf32, #tpu.memory_space<hbm>>
      tpu.wait_indirect_dma semaphore(%arg18 : memref<!tpu.dma_semaphore, #tpu.memory_space<semaphore_mem>>) src(%dma_wait3A_97 : memref<10000x128xf32, #tpu.memory_space<hbm>>) dst(%arg15 : memref<128x128xf32, #tpu.memory_space<vmem>>)
      "tpu.region"() ({
        %run_scoped3A = tpu.sem_alloc : memref<!tpu.dma_semaphore, #tpu.memory_space<semaphore_mem>>
        %dma_start3A_99 = arith.constant 0 : i32
        %dma_start3A_100 = arith.constant 0 : i32
        %dma_start3A_101 = tpu.memref_slice %arg17[%dma_start3A_99, %dma_start3A_100] : memref<10000x128xf32, #tpu.memory_space<vmem_shared>> -> memref<10000x128xf32, #tpu.memory_space<vmem_shared>>
        tpu.enqueue_indirect_dma source(%arg15 : memref<128x128xf32, #tpu.memory_space<vmem>>) target(%dma_start3A_101 : memref<10000x128xf32, #tpu.memory_space<vmem_shared>>) offsets(%arg11 : memref<128xi32, #tpu.memory_space<vmem>>) semaphore(%run_scoped3A : memref<!tpu.dma_semaphore, #tpu.memory_space<semaphore_mem>>) {add = true}
        %dma_wait3A_102 = arith.constant 0 : i32
        %dma_wait3A_103 = arith.constant 0 : i32
        %dma_wait3A_104 = tpu.memref_slice %arg17[%dma_wait3A_102, %dma_wait3A_103] : memref<10000x128xf32, #tpu.memory_space<vmem_shared>> -> memref<10000x128xf32, #tpu.memory_space<vmem_shared>>
        tpu.wait_indirect_dma semaphore(%run_scoped3A : memref<!tpu.dma_semaphore, #tpu.memory_space<semaphore_mem>>) src(%arg15 : memref<128x128xf32, #tpu.memory_space<vmem>>) dst(%dma_wait3A_104 : memref<10000x128xf32, #tpu.memory_space<vmem_shared>>)
        tpu.yield
      }) : () -> ()
      %while3A_98 = arith.constant 0 : i32
      scf.yield %while3A_98 : i32
    }
    %while3A_67 = arith.constant 1 : i32
    %while3A_68 = scf.for %while3A_81 = %while3A_64 to %while3A_60 step %while3A_67 iter_args(%while3A_82 = %while3A_66) -> (i32)  : i32 {
      %mul3A_83 = arith.constant 16 : i32
      %mul3A_84 = arith.muli %mul3A_83, %while3A_81 : i32
      %add3A_85 = arith.addi %arg1, %mul3A_84 : i32
      "tpu.region"() ({
        %run_scoped3A = tpu.sem_alloc : memref<!tpu.dma_semaphore, #tpu.memory_space<semaphore_mem>>
        %dma_start3A_99 = arith.constant 0 : i32
        %dma_start3A_100 = tpu.memref_slice %arg3[%add3A_85, %dma_start3A_99] : memref<2500x128xi32, #tpu.memory_space<hbm>> -> memref<1x128xi32, #tpu.memory_space<hbm>>
        %dma_start3A_101 = tpu.memref_squeeze %dma_start3A_100 : memref<1x128xi32, #tpu.memory_space<hbm>> -> memref<128xi32, #tpu.memory_space<hbm>>
        %dma_start3A_102 = arith.constant 0 : i32
        %dma_start3A_103 = tpu.memref_slice %arg3[%add3A_85, %dma_start3A_102] : memref<2500x128xi32, #tpu.memory_space<hbm>> -> memref<1x128xi32, #tpu.memory_space<hbm>>
        %dma_start3A_104 = tpu.memref_squeeze %dma_start3A_103 : memref<1x128xi32, #tpu.memory_space<hbm>> -> memref<128xi32, #tpu.memory_space<hbm>>
        tpu.enqueue_dma source(%dma_start3A_104 : memref<128xi32, #tpu.memory_space<hbm>>) target(%arg7 : memref<128xi32, #tpu.memory_space<vmem>>) target_semaphore(%run_scoped3A : memref<!tpu.dma_semaphore, #tpu.memory_space<semaphore_mem>>)
        %dma_wait3A_105 = arith.constant 0 : i32
        %dma_wait3A_106 = tpu.memref_slice %arg3[%add3A_85, %dma_wait3A_105] : memref<2500x128xi32, #tpu.memory_space<hbm>> -> memref<1x128xi32, #tpu.memory_space<hbm>>
        %dma_wait3A_107 = tpu.memref_squeeze %dma_wait3A_106 : memref<1x128xi32, #tpu.memory_space<hbm>> -> memref<128xi32, #tpu.memory_space<hbm>>
        %dma_wait3A_108 = arith.constant 0 : i32
        %dma_wait3A_109 = tpu.memref_slice %arg3[%add3A_85, %dma_wait3A_108] : memref<2500x128xi32, #tpu.memory_space<hbm>> -> memref<1x128xi32, #tpu.memory_space<hbm>>
        %dma_wait3A_110 = tpu.memref_squeeze %dma_wait3A_109 : memref<1x128xi32, #tpu.memory_space<hbm>> -> memref<128xi32, #tpu.memory_space<hbm>>
        tpu.wait_dma2 semaphore(%run_scoped3A : memref<!tpu.dma_semaphore, #tpu.memory_space<semaphore_mem>>) src(%dma_wait3A_110 : memref<128xi32, #tpu.memory_space<hbm>>) dst(%arg7 : memref<128xi32, #tpu.memory_space<vmem>>)
        tpu.yield
      }) : () -> ()
      "tpu.region"() ({
        %run_scoped3A = tpu.sem_alloc : memref<!tpu.dma_semaphore, #tpu.memory_space<semaphore_mem>>
        %dma_start3A_99 = arith.constant 0 : i32
        %dma_start3A_100 = tpu.memref_slice %arg4[%add3A_85, %dma_start3A_99] : memref<2500x128xi32, #tpu.memory_space<hbm>> -> memref<1x128xi32, #tpu.memory_space<hbm>>
        %dma_start3A_101 = tpu.memref_squeeze %dma_start3A_100 : memref<1x128xi32, #tpu.memory_space<hbm>> -> memref<128xi32, #tpu.memory_space<hbm>>
        %dma_start3A_102 = arith.constant 0 : i32
        %dma_start3A_103 = tpu.memref_slice %arg4[%add3A_85, %dma_start3A_102] : memref<2500x128xi32, #tpu.memory_space<hbm>> -> memref<1x128xi32, #tpu.memory_space<hbm>>
        %dma_start3A_104 = tpu.memref_squeeze %dma_start3A_103 : memref<1x128xi32, #tpu.memory_space<hbm>> -> memref<128xi32, #tpu.memory_space<hbm>>
        tpu.enqueue_dma source(%dma_start3A_104 : memref<128xi32, #tpu.memory_space<hbm>>) target(%arg11 : memref<128xi32, #tpu.memory_space<vmem>>) target_semaphore(%run_scoped3A : memref<!tpu.dma_semaphore, #tpu.memory_space<semaphore_mem>>)
        %dma_wait3A_105 = arith.constant 0 : i32
        %dma_wait3A_106 = tpu.memref_slice %arg4[%add3A_85, %dma_wait3A_105] : memref<2500x128xi32, #tpu.memory_space<hbm>> -> memref<1x128xi32, #tpu.memory_space<hbm>>
        %dma_wait3A_107 = tpu.memref_squeeze %dma_wait3A_106 : memref<1x128xi32, #tpu.memory_space<hbm>> -> memref<128xi32, #tpu.memory_space<hbm>>
        %dma_wait3A_108 = arith.constant 0 : i32
        %dma_wait3A_109 = tpu.memref_slice %arg4[%add3A_85, %dma_wait3A_108] : memref<2500x128xi32, #tpu.memory_space<hbm>> -> memref<1x128xi32, #tpu.memory_space<hbm>>
        %dma_wait3A_110 = tpu.memref_squeeze %dma_wait3A_109 : memref<1x128xi32, #tpu.memory_space<hbm>> -> memref<128xi32, #tpu.memory_space<hbm>>
        tpu.wait_dma2 semaphore(%run_scoped3A : memref<!tpu.dma_semaphore, #tpu.memory_space<semaphore_mem>>) src(%dma_wait3A_110 : memref<128xi32, #tpu.memory_space<hbm>>) dst(%arg11 : memref<128xi32, #tpu.memory_space<vmem>>)
        tpu.yield
      }) : () -> ()
      %dma_start3A = arith.constant 0 : i32
      %dma_start3A_86 = arith.constant 0 : i32
      %dma_start3A_87 = tpu.memref_slice %arg2[%add3A_49, %dma_start3A, %dma_start3A_86] : memref<4x10000x128xf32, #tpu.memory_space<hbm>> -> memref<1x10000x128xf32, #tpu.memory_space<hbm>>
      %dma_start3A_88 = tpu.memref_squeeze %dma_start3A_87 : memref<1x10000x128xf32, #tpu.memory_space<hbm>> -> memref<10000x128xf32, #tpu.memory_space<hbm>>
      %dma_start3A_89 = arith.constant 0 : i32
      %dma_start3A_90 = arith.constant 0 : i32
      %dma_start3A_91 = tpu.memref_slice %dma_start3A_88[%dma_start3A_89, %dma_start3A_90] : memref<10000x128xf32, #tpu.memory_space<hbm>> -> memref<10000x128xf32, #tpu.memory_space<hbm>>
      tpu.enqueue_indirect_dma source(%dma_start3A_91 : memref<10000x128xf32, #tpu.memory_space<hbm>>) target(%arg15 : memref<128x128xf32, #tpu.memory_space<vmem>>) offsets(%arg7 : memref<128xi32, #tpu.memory_space<vmem>>) semaphore(%arg18 : memref<!tpu.dma_semaphore, #tpu.memory_space<semaphore_mem>>)
      %dma_wait3A = arith.constant 0 : i32
      %dma_wait3A_92 = arith.constant 0 : i32
      %dma_wait3A_93 = tpu.memref_slice %arg2[%add3A_49, %dma_wait3A, %dma_wait3A_92] : memref<4x10000x128xf32, #tpu.memory_space<hbm>> -> memref<1x10000x128xf32, #tpu.memory_space<hbm>>
      %dma_wait3A_94 = tpu.memref_squeeze %dma_wait3A_93 : memref<1x10000x128xf32, #tpu.memory_space<hbm>> -> memref<10000x128xf32, #tpu.memory_space<hbm>>
      %dma_wait3A_95 = arith.constant 0 : i32
      %dma_wait3A_96 = arith.constant 0 : i32
      %dma_wait3A_97 = tpu.memref_slice %dma_wait3A_94[%dma_wait3A_95, %dma_wait3A_96] : memref<10000x128xf32, #tpu.memory_space<hbm>> -> memref<10000x128xf32, #tpu.memory_space<hbm>>
      tpu.wait_indirect_dma semaphore(%arg18 : memref<!tpu.dma_semaphore, #tpu.memory_space<semaphore_mem>>) src(%dma_wait3A_97 : memref<10000x128xf32, #tpu.memory_space<hbm>>) dst(%arg15 : memref<128x128xf32, #tpu.memory_space<vmem>>)
      "tpu.region"() ({
        %run_scoped3A = tpu.sem_alloc : memref<!tpu.dma_semaphore, #tpu.memory_space<semaphore_mem>>
        %dma_start3A_99 = arith.constant 0 : i32
        %dma_start3A_100 = arith.constant 0 : i32
        %dma_start3A_101 = tpu.memref_slice %arg17[%dma_start3A_99, %dma_start3A_100] : memref<10000x128xf32, #tpu.memory_space<vmem_shared>> -> memref<10000x128xf32, #tpu.memory_space<vmem_shared>>
        tpu.enqueue_indirect_dma source(%arg15 : memref<128x128xf32, #tpu.memory_space<vmem>>) target(%dma_start3A_101 : memref<10000x128xf32, #tpu.memory_space<vmem_shared>>) offsets(%arg11 : memref<128xi32, #tpu.memory_space<vmem>>) semaphore(%run_scoped3A : memref<!tpu.dma_semaphore, #tpu.memory_space<semaphore_mem>>) {add = true}
        %dma_wait3A_102 = arith.constant 0 : i32
        %dma_wait3A_103 = arith.constant 0 : i32
        %dma_wait3A_104 = tpu.memref_slice %arg17[%dma_wait3A_102, %dma_wait3A_103] : memref<10000x128xf32, #tpu.memory_space<vmem_shared>> -> memref<10000x128xf32, #tpu.memory_space<vmem_shared>>
        tpu.wait_indirect_dma semaphore(%run_scoped3A : memref<!tpu.dma_semaphore, #tpu.memory_space<semaphore_mem>>) src(%arg15 : memref<128x128xf32, #tpu.memory_space<vmem>>) dst(%dma_wait3A_104 : memref<10000x128xf32, #tpu.memory_space<vmem_shared>>)
        tpu.yield
      }) : () -> ()
      %while3A_98 = arith.constant 0 : i32
      scf.yield %while3A_98 : i32
    }
    %barrier3A_69 = arith.constant 0 : index
    tpu.barrier barrier_id(%barrier3A_69)
    %lt3A_70 = arith.constant 15 : i32
    %lt3A_71 = arith.cmpi slt, %arg1, %lt3A_70 : i32
    %convert_element_type3A_72 = arith.extui %lt3A_71 : i1 to i32
    %cond3A_73 = arith.constant 0 : i32
    %cond3A_74 = arith.cmpi ne, %convert_element_type3A_72, %cond3A_73 : i32
    scf.if %cond3A_74 {
      %mul3A_81 = arith.constant 624 : i32
      %mul3A_82 = arith.muli %arg1, %mul3A_81 : i32
      "tpu.region"() ({
        %run_scoped3A = tpu.sem_alloc : memref<!tpu.dma_semaphore, #tpu.memory_space<semaphore_mem>>
        %dma_start3A = arith.constant 0 : i32
        %dma_start3A_83 = arith.constant 0 : i32
        %dma_start3A_84 = tpu.memref_slice %arg6[%add3A_49, %dma_start3A, %dma_start3A_83] : memref<4x10000x128xf32, #tpu.memory_space<hbm>> -> memref<1x10000x128xf32, #tpu.memory_space<hbm>>
        %dma_start3A_85 = tpu.memref_squeeze %dma_start3A_84 : memref<1x10000x128xf32, #tpu.memory_space<hbm>> -> memref<10000x128xf32, #tpu.memory_space<hbm>>
        %dma_start3A_86 = arith.constant 0 : i32
        %dma_start3A_87 = tpu.memref_slice %dma_start3A_85[%mul3A_82, %dma_start3A_86] : memref<10000x128xf32, #tpu.memory_space<hbm>> -> memref<624x128xf32, #tpu.memory_space<hbm>>
        %dma_start3A_88 = arith.constant 0 : i32
        %dma_start3A_89 = tpu.memref_slice %arg17[%mul3A_82, %dma_start3A_88] : memref<10000x128xf32, #tpu.memory_space<vmem_shared>> -> memref<624x128xf32, #tpu.memory_space<vmem_shared>>
        tpu.enqueue_dma source(%dma_start3A_89 : memref<624x128xf32, #tpu.memory_space<vmem_shared>>) target(%dma_start3A_87 : memref<624x128xf32, #tpu.memory_space<hbm>>) target_semaphore(%run_scoped3A : memref<!tpu.dma_semaphore, #tpu.memory_space<semaphore_mem>>)
        %dma_wait3A = arith.constant 0 : i32
        %dma_wait3A_90 = arith.constant 0 : i32
        %dma_wait3A_91 = tpu.memref_slice %arg6[%add3A_49, %dma_wait3A, %dma_wait3A_90] : memref<4x10000x128xf32, #tpu.memory_space<hbm>> -> memref<1x10000x128xf32, #tpu.memory_space<hbm>>
        %dma_wait3A_92 = tpu.memref_squeeze %dma_wait3A_91 : memref<1x10000x128xf32, #tpu.memory_space<hbm>> -> memref<10000x128xf32, #tpu.memory_space<hbm>>
        %dma_wait3A_93 = arith.constant 0 : i32
        %dma_wait3A_94 = tpu.memref_slice %dma_wait3A_92[%mul3A_82, %dma_wait3A_93] : memref<10000x128xf32, #tpu.memory_space<hbm>> -> memref<624x128xf32, #tpu.memory_space<hbm>>
        %dma_wait3A_95 = arith.constant 0 : i32
        %dma_wait3A_96 = tpu.memref_slice %arg17[%mul3A_82, %dma_wait3A_95] : memref<10000x128xf32, #tpu.memory_space<vmem_shared>> -> memref<624x128xf32, #tpu.memory_space<vmem_shared>>
        tpu.wait_dma2 semaphore(%run_scoped3A : memref<!tpu.dma_semaphore, #tpu.memory_space<semaphore_mem>>) src(%dma_wait3A_96 : memref<624x128xf32, #tpu.memory_space<vmem_shared>>) dst(%dma_wait3A_94 : memref<624x128xf32, #tpu.memory_space<hbm>>)
        tpu.yield
      }) : () -> ()
    } else {
    }
    %eq3A_75 = arith.constant 15 : i32
    %eq3A_76 = arith.cmpi eq, %arg1, %eq3A_75 : i32
    %convert_element_type3A_77 = arith.extui %eq3A_76 : i1 to i32
    %cond3A_78 = arith.constant 0 : i32
    %cond3A_79 = arith.cmpi ne, %convert_element_type3A_77, %cond3A_78 : i32
    scf.if %cond3A_79 {
      "tpu.region"() ({
        %run_scoped3A = tpu.sem_alloc : memref<!tpu.dma_semaphore, #tpu.memory_space<semaphore_mem>>
        %dma_start3A = arith.constant 0 : i32
        %dma_start3A_81 = arith.constant 0 : i32
        %dma_start3A_82 = tpu.memref_slice %arg6[%add3A_49, %dma_start3A, %dma_start3A_81] : memref<4x10000x128xf32, #tpu.memory_space<hbm>> -> memref<1x10000x128xf32, #tpu.memory_space<hbm>>
        %dma_start3A_83 = tpu.memref_squeeze %dma_start3A_82 : memref<1x10000x128xf32, #tpu.memory_space<hbm>> -> memref<10000x128xf32, #tpu.memory_space<hbm>>
        %dma_start3A_84 = arith.constant 9360 : i32
        %dma_start3A_85 = arith.constant 0 : i32
        %dma_start3A_86 = tpu.memref_slice %dma_start3A_83[%dma_start3A_84, %dma_start3A_85] : memref<10000x128xf32, #tpu.memory_space<hbm>> -> memref<640x128xf32, #tpu.memory_space<hbm>>
        %dma_start3A_87 = arith.constant 9360 : i32
        %dma_start3A_88 = arith.constant 0 : i32
        %dma_start3A_89 = tpu.memref_slice %arg17[%dma_start3A_87, %dma_start3A_88] : memref<10000x128xf32, #tpu.memory_space<vmem_shared>> -> memref<640x128xf32, #tpu.memory_space<vmem_shared>>
        tpu.enqueue_dma source(%dma_start3A_89 : memref<640x128xf32, #tpu.memory_space<vmem_shared>>) target(%dma_start3A_86 : memref<640x128xf32, #tpu.memory_space<hbm>>) target_semaphore(%run_scoped3A : memref<!tpu.dma_semaphore, #tpu.memory_space<semaphore_mem>>)
        %dma_wait3A = arith.constant 0 : i32
        %dma_wait3A_90 = arith.constant 0 : i32
        %dma_wait3A_91 = tpu.memref_slice %arg6[%add3A_49, %dma_wait3A, %dma_wait3A_90] : memref<4x10000x128xf32, #tpu.memory_space<hbm>> -> memref<1x10000x128xf32, #tpu.memory_space<hbm>>
        %dma_wait3A_92 = tpu.memref_squeeze %dma_wait3A_91 : memref<1x10000x128xf32, #tpu.memory_space<hbm>> -> memref<10000x128xf32, #tpu.memory_space<hbm>>
        %dma_wait3A_93 = arith.constant 9360 : i32
        %dma_wait3A_94 = arith.constant 0 : i32
        %dma_wait3A_95 = tpu.memref_slice %dma_wait3A_92[%dma_wait3A_93, %dma_wait3A_94] : memref<10000x128xf32, #tpu.memory_space<hbm>> -> memref<640x128xf32, #tpu.memory_space<hbm>>
        %dma_wait3A_96 = arith.constant 9360 : i32
        %dma_wait3A_97 = arith.constant 0 : i32
        %dma_wait3A_98 = tpu.memref_slice %arg17[%dma_wait3A_96, %dma_wait3A_97] : memref<10000x128xf32, #tpu.memory_space<vmem_shared>> -> memref<640x128xf32, #tpu.memory_space<vmem_shared>>
        tpu.wait_dma2 semaphore(%run_scoped3A : memref<!tpu.dma_semaphore, #tpu.memory_space<semaphore_mem>>) src(%dma_wait3A_98 : memref<640x128xf32, #tpu.memory_space<vmem_shared>>) dst(%dma_wait3A_95 : memref<640x128xf32, #tpu.memory_space<hbm>>)
        tpu.yield
      }) : () -> ()
    } else {
    }
    %barrier3A_80 = arith.constant 0 : index
    tpu.barrier barrier_id(%barrier3A_80)
    return
  }
}

#map = affine_map<(d0, d1) -> (0, 0, 0)>
#map1 = affine_map<(d0, d1) -> (0, 0)>
module attributes {stable_mosaic.version = 14 : i64} {
  func.func @_agg_body(%arg0: i32, %arg1: i32, %arg2: memref<4x10000x128xf32, #tpu.memory_space<hbm>>, %arg3: memref<2500x128xi32, #tpu.memory_space<hbm>>, %arg4: memref<2500x128xi32, #tpu.memory_space<hbm>>, %arg5: memref<640x128xf32, #tpu.memory_space<hbm>>, %arg6: memref<4x10000x128xf32, #tpu.memory_space<hbm>>, %arg7: memref<128xi32, #tpu.memory_space<vmem>>, %arg8: memref<128xi32, #tpu.memory_space<vmem>>, %arg9: memref<128xi32, #tpu.memory_space<vmem>>, %arg10: memref<128xi32, #tpu.memory_space<vmem>>, %arg11: memref<128xi32, #tpu.memory_space<vmem>>, %arg12: memref<128xi32, #tpu.memory_space<vmem>>, %arg13: memref<128xi32, #tpu.memory_space<vmem>>, %arg14: memref<128xi32, #tpu.memory_space<vmem>>, %arg15: memref<128x128xf32, #tpu.memory_space<vmem>>, %arg16: memref<128x128xf32, #tpu.memory_space<vmem>>, %arg17: memref<10000x128xf32, #tpu.memory_space<vmem_shared>>, %arg18: memref<!tpu.dma_semaphore, #tpu.memory_space<semaphore_mem>>, %arg19: memref<!tpu.dma_semaphore, #tpu.memory_space<semaphore_mem>>, %arg20: memref<!tpu.dma_semaphore, #tpu.memory_space<semaphore_mem>>, %arg21: memref<!tpu.dma_semaphore, #tpu.memory_space<semaphore_mem>>, %arg22: memref<!tpu.dma_semaphore, #tpu.memory_space<semaphore_mem>>, %arg23: memref<!tpu.dma_semaphore, #tpu.memory_space<semaphore_mem>>) attributes {dimension_semantics = [#tpu.dimension_semantics<core_parallel>, #tpu.dimension_semantics<subcore_parallel>], iteration_bounds = array<i64: 2, 16>, scalar_prefetch = 0 : i64, scratch_operands = 17 : i64, tpu.core_type = #tpu.core_type<sc_vector_subcore>, window_params = [{transform_indices = #map}, {transform_indices = #map1}, {transform_indices = #map1}, {transform_indices = #map1}, {transform_indices = #map}]} {
    %lt3A = arith.constant 15 : i32
    %lt3A_0 = arith.cmpi slt, %arg1, %lt3A : i32
    %convert_element_type3A = arith.extui %lt3A_0 : i1 to i32
    %cond3A = arith.constant 0 : i32
    %cond3A_1 = arith.cmpi ne, %convert_element_type3A, %cond3A : i32
    scf.if %cond3A_1 {
      %mul3A_81 = arith.constant 624 : i32
      %mul3A_82 = arith.muli %arg1, %mul3A_81 : i32
      "tpu.region"() ({
        %run_scoped3A = tpu.sem_alloc : memref<!tpu.dma_semaphore, #tpu.memory_space<semaphore_mem>>
        %dma_start3A = arith.constant 0 : i32
        %dma_start3A_83 = tpu.memref_slice %arg17[%mul3A_82, %dma_start3A] : memref<10000x128xf32, #tpu.memory_space<vmem_shared>> -> memref<624x128xf32, #tpu.memory_space<vmem_shared>>
        %dma_start3A_84 = arith.constant 0 : i32
        %dma_start3A_85 = arith.constant 0 : i32
        %dma_start3A_86 = tpu.memref_slice %arg5[%dma_start3A_84, %dma_start3A_85] : memref<640x128xf32, #tpu.memory_space<hbm>> -> memref<624x128xf32, #tpu.memory_space<hbm>>
        tpu.enqueue_dma source(%dma_start3A_86 : memref<624x128xf32, #tpu.memory_space<hbm>>) target(%dma_start3A_83 : memref<624x128xf32, #tpu.memory_space<vmem_shared>>) target_semaphore(%run_scoped3A : memref<!tpu.dma_semaphore, #tpu.memory_space<semaphore_mem>>)
        %dma_wait3A = arith.constant 0 : i32
        %dma_wait3A_87 = tpu.memref_slice %arg17[%mul3A_82, %dma_wait3A] : memref<10000x128xf32, #tpu.memory_space<vmem_shared>> -> memref<624x128xf32, #tpu.memory_space<vmem_shared>>
        %dma_wait3A_88 = arith.constant 0 : i32
        %dma_wait3A_89 = arith.constant 0 : i32
        %dma_wait3A_90 = tpu.memref_slice %arg5[%dma_wait3A_88, %dma_wait3A_89] : memref<640x128xf32, #tpu.memory_space<hbm>> -> memref<624x128xf32, #tpu.memory_space<hbm>>
        tpu.wait_dma2 semaphore(%run_scoped3A : memref<!tpu.dma_semaphore, #tpu.memory_space<semaphore_mem>>) src(%dma_wait3A_90 : memref<624x128xf32, #tpu.memory_space<hbm>>) dst(%dma_wait3A_87 : memref<624x128xf32, #tpu.memory_space<vmem_shared>>)
        tpu.yield
      }) : () -> ()
    } else {
    }
    %eq3A = arith.constant 15 : i32
    %eq3A_2 = arith.cmpi eq, %arg1, %eq3A : i32
    %convert_element_type3A_3 = arith.extui %eq3A_2 : i1 to i32
    %cond3A_4 = arith.constant 0 : i32
    %cond3A_5 = arith.cmpi ne, %convert_element_type3A_3, %cond3A_4 : i32
    scf.if %cond3A_5 {
      "tpu.region"() ({
        %run_scoped3A = tpu.sem_alloc : memref<!tpu.dma_semaphore, #tpu.memory_space<semaphore_mem>>
        %dma_start3A = arith.constant 9360 : i32
        %dma_start3A_81 = arith.constant 0 : i32
        %dma_start3A_82 = tpu.memref_slice %arg17[%dma_start3A, %dma_start3A_81] : memref<10000x128xf32, #tpu.memory_space<vmem_shared>> -> memref<640x128xf32, #tpu.memory_space<vmem_shared>>
        %dma_start3A_83 = arith.constant 0 : i32
        %dma_start3A_84 = arith.constant 0 : i32
        %dma_start3A_85 = tpu.memref_slice %arg5[%dma_start3A_83, %dma_start3A_84] : memref<640x128xf32, #tpu.memory_space<hbm>> -> memref<640x128xf32, #tpu.memory_space<hbm>>
        tpu.enqueue_dma source(%dma_start3A_85 : memref<640x128xf32, #tpu.memory_space<hbm>>) target(%dma_start3A_82 : memref<640x128xf32, #tpu.memory_space<vmem_shared>>) target_semaphore(%run_scoped3A : memref<!tpu.dma_semaphore, #tpu.memory_space<semaphore_mem>>)
        %dma_wait3A = arith.constant 9360 : i32
        %dma_wait3A_86 = arith.constant 0 : i32
        %dma_wait3A_87 = tpu.memref_slice %arg17[%dma_wait3A, %dma_wait3A_86] : memref<10000x128xf32, #tpu.memory_space<vmem_shared>> -> memref<640x128xf32, #tpu.memory_space<vmem_shared>>
        %dma_wait3A_88 = arith.constant 0 : i32
        %dma_wait3A_89 = arith.constant 0 : i32
        %dma_wait3A_90 = tpu.memref_slice %arg5[%dma_wait3A_88, %dma_wait3A_89] : memref<640x128xf32, #tpu.memory_space<hbm>> -> memref<640x128xf32, #tpu.memory_space<hbm>>
        tpu.wait_dma2 semaphore(%run_scoped3A : memref<!tpu.dma_semaphore, #tpu.memory_space<semaphore_mem>>) src(%dma_wait3A_90 : memref<640x128xf32, #tpu.memory_space<hbm>>) dst(%dma_wait3A_87 : memref<640x128xf32, #tpu.memory_space<vmem_shared>>)
        tpu.yield
      }) : () -> ()
    } else {
    }
    %barrier3A = arith.constant 0 : index
    tpu.barrier barrier_id(%barrier3A)
    %mul3A = arith.constant 2 : i32
    %mul3A_6 = arith.muli %mul3A, %arg0 : i32
    %add3A = arith.constant 0 : i32
    %add3A_7 = arith.addi %mul3A_6, %add3A : i32
    %lt3A_8 = arith.constant 4 : i32
    %lt3A_9 = arith.cmpi slt, %arg1, %lt3A_8 : i32
    %jit3A = arith.constant 1 : i32
    %jit3A_10 = arith.constant 0 : i32
    %select_n3A = arith.select %lt3A_9, %jit3A, %jit3A_10 : i32
    %add3A_11 = arith.constant 156 : i32
    %add3A_12 = arith.addi %add3A_11, %select_n3A : i32
    %while3A = arith.constant 0 : i32
    %while3A_13 = arith.constant 0 : i32
    %while3A_14 = arith.subi %add3A_12, %while3A : i32
    %while3A_15 = arith.addi %while3A, %while3A_14 : i32
    %while3A_16 = arith.constant 1 : i32
    %while3A_17 = arith.divsi %while3A_14, %while3A_16 : i32
    %while3A_18 = arith.muli %while3A_17, %while3A_16 : i32
    %while3A_19 = arith.addi %while3A, %while3A_18 : i32
    %while3A_20 = arith.constant 1 : i32
    %while3A_21 = scf.for %while3A_81 = %while3A to %while3A_19 step %while3A_20 iter_args(%while3A_82 = %while3A_13) -> (i32)  : i32 {
      %mul3A_83 = arith.constant 16 : i32
      %mul3A_84 = arith.muli %mul3A_83, %while3A_81 : i32
      %add3A_85 = arith.addi %arg1, %mul3A_84 : i32
      "tpu.region"() ({
        %run_scoped3A = tpu.sem_alloc : memref<!tpu.dma_semaphore, #tpu.memory_space<semaphore_mem>>
        %dma_start3A_99 = arith.constant 0 : i32
        %dma_start3A_100 = tpu.memref_slice %arg3[%add3A_85, %dma_start3A_99] : memref<2500x128xi32, #tpu.memory_space<hbm>> -> memref<1x128xi32, #tpu.memory_space<hbm>>
        %dma_start3A_101 = tpu.memref_squeeze %dma_start3A_100 : memref<1x128xi32, #tpu.memory_space<hbm>> -> memref<128xi32, #tpu.memory_space<hbm>>
        %dma_start3A_102 = arith.constant 0 : i32
        %dma_start3A_103 = tpu.memref_slice %arg3[%add3A_85, %dma_start3A_102] : memref<2500x128xi32, #tpu.memory_space<hbm>> -> memref<1x128xi32, #tpu.memory_space<hbm>>
        %dma_start3A_104 = tpu.memref_squeeze %dma_start3A_103 : memref<1x128xi32, #tpu.memory_space<hbm>> -> memref<128xi32, #tpu.memory_space<hbm>>
        tpu.enqueue_dma source(%dma_start3A_104 : memref<128xi32, #tpu.memory_space<hbm>>) target(%arg7 : memref<128xi32, #tpu.memory_space<vmem>>) target_semaphore(%run_scoped3A : memref<!tpu.dma_semaphore, #tpu.memory_space<semaphore_mem>>)
        %dma_wait3A_105 = arith.constant 0 : i32
        %dma_wait3A_106 = tpu.memref_slice %arg3[%add3A_85, %dma_wait3A_105] : memref<2500x128xi32, #tpu.memory_space<hbm>> -> memref<1x128xi32, #tpu.memory_space<hbm>>
        %dma_wait3A_107 = tpu.memref_squeeze %dma_wait3A_106 : memref<1x128xi32, #tpu.memory_space<hbm>> -> memref<128xi32, #tpu.memory_space<hbm>>
        %dma_wait3A_108 = arith.constant 0 : i32
        %dma_wait3A_109 = tpu.memref_slice %arg3[%add3A_85, %dma_wait3A_108] : memref<2500x128xi32, #tpu.memory_space<hbm>> -> memref<1x128xi32, #tpu.memory_space<hbm>>
        %dma_wait3A_110 = tpu.memref_squeeze %dma_wait3A_109 : memref<1x128xi32, #tpu.memory_space<hbm>> -> memref<128xi32, #tpu.memory_space<hbm>>
        tpu.wait_dma2 semaphore(%run_scoped3A : memref<!tpu.dma_semaphore, #tpu.memory_space<semaphore_mem>>) src(%dma_wait3A_110 : memref<128xi32, #tpu.memory_space<hbm>>) dst(%arg7 : memref<128xi32, #tpu.memory_space<vmem>>)
        tpu.yield
      }) : () -> ()
      "tpu.region"() ({
        %run_scoped3A = tpu.sem_alloc : memref<!tpu.dma_semaphore, #tpu.memory_space<semaphore_mem>>
        %dma_start3A_99 = arith.constant 0 : i32
        %dma_start3A_100 = tpu.memref_slice %arg4[%add3A_85, %dma_start3A_99] : memref<2500x128xi32, #tpu.memory_space<hbm>> -> memref<1x128xi32, #tpu.memory_space<hbm>>
        %dma_start3A_101 = tpu.memref_squeeze %dma_start3A_100 : memref<1x128xi32, #tpu.memory_space<hbm>> -> memref<128xi32, #tpu.memory_space<hbm>>
        %dma_start3A_102 = arith.constant 0 : i32
        %dma_start3A_103 = tpu.memref_slice %arg4[%add3A_85, %dma_start3A_102] : memref<2500x128xi32, #tpu.memory_space<hbm>> -> memref<1x128xi32, #tpu.memory_space<hbm>>
        %dma_start3A_104 = tpu.memref_squeeze %dma_start3A_103 : memref<1x128xi32, #tpu.memory_space<hbm>> -> memref<128xi32, #tpu.memory_space<hbm>>
        tpu.enqueue_dma source(%dma_start3A_104 : memref<128xi32, #tpu.memory_space<hbm>>) target(%arg11 : memref<128xi32, #tpu.memory_space<vmem>>) target_semaphore(%run_scoped3A : memref<!tpu.dma_semaphore, #tpu.memory_space<semaphore_mem>>)
        %dma_wait3A_105 = arith.constant 0 : i32
        %dma_wait3A_106 = tpu.memref_slice %arg4[%add3A_85, %dma_wait3A_105] : memref<2500x128xi32, #tpu.memory_space<hbm>> -> memref<1x128xi32, #tpu.memory_space<hbm>>
        %dma_wait3A_107 = tpu.memref_squeeze %dma_wait3A_106 : memref<1x128xi32, #tpu.memory_space<hbm>> -> memref<128xi32, #tpu.memory_space<hbm>>
        %dma_wait3A_108 = arith.constant 0 : i32
        %dma_wait3A_109 = tpu.memref_slice %arg4[%add3A_85, %dma_wait3A_108] : memref<2500x128xi32, #tpu.memory_space<hbm>> -> memref<1x128xi32, #tpu.memory_space<hbm>>
        %dma_wait3A_110 = tpu.memref_squeeze %dma_wait3A_109 : memref<1x128xi32, #tpu.memory_space<hbm>> -> memref<128xi32, #tpu.memory_space<hbm>>
        tpu.wait_dma2 semaphore(%run_scoped3A : memref<!tpu.dma_semaphore, #tpu.memory_space<semaphore_mem>>) src(%dma_wait3A_110 : memref<128xi32, #tpu.memory_space<hbm>>) dst(%arg11 : memref<128xi32, #tpu.memory_space<vmem>>)
        tpu.yield
      }) : () -> ()
      %dma_start3A = arith.constant 0 : i32
      %dma_start3A_86 = arith.constant 0 : i32
      %dma_start3A_87 = tpu.memref_slice %arg2[%add3A_7, %dma_start3A, %dma_start3A_86] : memref<4x10000x128xf32, #tpu.memory_space<hbm>> -> memref<1x10000x128xf32, #tpu.memory_space<hbm>>
      %dma_start3A_88 = tpu.memref_squeeze %dma_start3A_87 : memref<1x10000x128xf32, #tpu.memory_space<hbm>> -> memref<10000x128xf32, #tpu.memory_space<hbm>>
      %dma_start3A_89 = arith.constant 0 : i32
      %dma_start3A_90 = arith.constant 0 : i32
      %dma_start3A_91 = tpu.memref_slice %dma_start3A_88[%dma_start3A_89, %dma_start3A_90] : memref<10000x128xf32, #tpu.memory_space<hbm>> -> memref<10000x128xf32, #tpu.memory_space<hbm>>
      tpu.enqueue_indirect_dma source(%dma_start3A_91 : memref<10000x128xf32, #tpu.memory_space<hbm>>) target(%arg15 : memref<128x128xf32, #tpu.memory_space<vmem>>) offsets(%arg7 : memref<128xi32, #tpu.memory_space<vmem>>) semaphore(%arg18 : memref<!tpu.dma_semaphore, #tpu.memory_space<semaphore_mem>>)
      %dma_wait3A = arith.constant 0 : i32
      %dma_wait3A_92 = arith.constant 0 : i32
      %dma_wait3A_93 = tpu.memref_slice %arg2[%add3A_7, %dma_wait3A, %dma_wait3A_92] : memref<4x10000x128xf32, #tpu.memory_space<hbm>> -> memref<1x10000x128xf32, #tpu.memory_space<hbm>>
      %dma_wait3A_94 = tpu.memref_squeeze %dma_wait3A_93 : memref<1x10000x128xf32, #tpu.memory_space<hbm>> -> memref<10000x128xf32, #tpu.memory_space<hbm>>
      %dma_wait3A_95 = arith.constant 0 : i32
      %dma_wait3A_96 = arith.constant 0 : i32
      %dma_wait3A_97 = tpu.memref_slice %dma_wait3A_94[%dma_wait3A_95, %dma_wait3A_96] : memref<10000x128xf32, #tpu.memory_space<hbm>> -> memref<10000x128xf32, #tpu.memory_space<hbm>>
      tpu.wait_indirect_dma semaphore(%arg18 : memref<!tpu.dma_semaphore, #tpu.memory_space<semaphore_mem>>) src(%dma_wait3A_97 : memref<10000x128xf32, #tpu.memory_space<hbm>>) dst(%arg15 : memref<128x128xf32, #tpu.memory_space<vmem>>)
      "tpu.region"() ({
        %run_scoped3A = tpu.sem_alloc : memref<!tpu.dma_semaphore, #tpu.memory_space<semaphore_mem>>
        %dma_start3A_99 = arith.constant 0 : i32
        %dma_start3A_100 = arith.constant 0 : i32
        %dma_start3A_101 = tpu.memref_slice %arg17[%dma_start3A_99, %dma_start3A_100] : memref<10000x128xf32, #tpu.memory_space<vmem_shared>> -> memref<10000x128xf32, #tpu.memory_space<vmem_shared>>
        tpu.enqueue_indirect_dma source(%arg15 : memref<128x128xf32, #tpu.memory_space<vmem>>) target(%dma_start3A_101 : memref<10000x128xf32, #tpu.memory_space<vmem_shared>>) offsets(%arg11 : memref<128xi32, #tpu.memory_space<vmem>>) semaphore(%run_scoped3A : memref<!tpu.dma_semaphore, #tpu.memory_space<semaphore_mem>>) {add = true}
        %dma_wait3A_102 = arith.constant 0 : i32
        %dma_wait3A_103 = arith.constant 0 : i32
        %dma_wait3A_104 = tpu.memref_slice %arg17[%dma_wait3A_102, %dma_wait3A_103] : memref<10000x128xf32, #tpu.memory_space<vmem_shared>> -> memref<10000x128xf32, #tpu.memory_space<vmem_shared>>
        tpu.wait_indirect_dma semaphore(%run_scoped3A : memref<!tpu.dma_semaphore, #tpu.memory_space<semaphore_mem>>) src(%arg15 : memref<128x128xf32, #tpu.memory_space<vmem>>) dst(%dma_wait3A_104 : memref<10000x128xf32, #tpu.memory_space<vmem_shared>>)
        tpu.yield
      }) : () -> ()
      %while3A_98 = arith.constant 0 : i32
      scf.yield %while3A_98 : i32
    }
    %while3A_22 = arith.constant 1 : i32
    %while3A_23 = scf.for %while3A_81 = %while3A_19 to %while3A_15 step %while3A_22 iter_args(%while3A_82 = %while3A_21) -> (i32)  : i32 {
      %mul3A_83 = arith.constant 16 : i32
      %mul3A_84 = arith.muli %mul3A_83, %while3A_81 : i32
      %add3A_85 = arith.addi %arg1, %mul3A_84 : i32
      "tpu.region"() ({
        %run_scoped3A = tpu.sem_alloc : memref<!tpu.dma_semaphore, #tpu.memory_space<semaphore_mem>>
        %dma_start3A_99 = arith.constant 0 : i32
        %dma_start3A_100 = tpu.memref_slice %arg3[%add3A_85, %dma_start3A_99] : memref<2500x128xi32, #tpu.memory_space<hbm>> -> memref<1x128xi32, #tpu.memory_space<hbm>>
        %dma_start3A_101 = tpu.memref_squeeze %dma_start3A_100 : memref<1x128xi32, #tpu.memory_space<hbm>> -> memref<128xi32, #tpu.memory_space<hbm>>
        %dma_start3A_102 = arith.constant 0 : i32
        %dma_start3A_103 = tpu.memref_slice %arg3[%add3A_85, %dma_start3A_102] : memref<2500x128xi32, #tpu.memory_space<hbm>> -> memref<1x128xi32, #tpu.memory_space<hbm>>
        %dma_start3A_104 = tpu.memref_squeeze %dma_start3A_103 : memref<1x128xi32, #tpu.memory_space<hbm>> -> memref<128xi32, #tpu.memory_space<hbm>>
        tpu.enqueue_dma source(%dma_start3A_104 : memref<128xi32, #tpu.memory_space<hbm>>) target(%arg7 : memref<128xi32, #tpu.memory_space<vmem>>) target_semaphore(%run_scoped3A : memref<!tpu.dma_semaphore, #tpu.memory_space<semaphore_mem>>)
        %dma_wait3A_105 = arith.constant 0 : i32
        %dma_wait3A_106 = tpu.memref_slice %arg3[%add3A_85, %dma_wait3A_105] : memref<2500x128xi32, #tpu.memory_space<hbm>> -> memref<1x128xi32, #tpu.memory_space<hbm>>
        %dma_wait3A_107 = tpu.memref_squeeze %dma_wait3A_106 : memref<1x128xi32, #tpu.memory_space<hbm>> -> memref<128xi32, #tpu.memory_space<hbm>>
        %dma_wait3A_108 = arith.constant 0 : i32
        %dma_wait3A_109 = tpu.memref_slice %arg3[%add3A_85, %dma_wait3A_108] : memref<2500x128xi32, #tpu.memory_space<hbm>> -> memref<1x128xi32, #tpu.memory_space<hbm>>
        %dma_wait3A_110 = tpu.memref_squeeze %dma_wait3A_109 : memref<1x128xi32, #tpu.memory_space<hbm>> -> memref<128xi32, #tpu.memory_space<hbm>>
        tpu.wait_dma2 semaphore(%run_scoped3A : memref<!tpu.dma_semaphore, #tpu.memory_space<semaphore_mem>>) src(%dma_wait3A_110 : memref<128xi32, #tpu.memory_space<hbm>>) dst(%arg7 : memref<128xi32, #tpu.memory_space<vmem>>)
        tpu.yield
      }) : () -> ()
      "tpu.region"() ({
        %run_scoped3A = tpu.sem_alloc : memref<!tpu.dma_semaphore, #tpu.memory_space<semaphore_mem>>
        %dma_start3A_99 = arith.constant 0 : i32
        %dma_start3A_100 = tpu.memref_slice %arg4[%add3A_85, %dma_start3A_99] : memref<2500x128xi32, #tpu.memory_space<hbm>> -> memref<1x128xi32, #tpu.memory_space<hbm>>
        %dma_start3A_101 = tpu.memref_squeeze %dma_start3A_100 : memref<1x128xi32, #tpu.memory_space<hbm>> -> memref<128xi32, #tpu.memory_space<hbm>>
        %dma_start3A_102 = arith.constant 0 : i32
        %dma_start3A_103 = tpu.memref_slice %arg4[%add3A_85, %dma_start3A_102] : memref<2500x128xi32, #tpu.memory_space<hbm>> -> memref<1x128xi32, #tpu.memory_space<hbm>>
        %dma_start3A_104 = tpu.memref_squeeze %dma_start3A_103 : memref<1x128xi32, #tpu.memory_space<hbm>> -> memref<128xi32, #tpu.memory_space<hbm>>
        tpu.enqueue_dma source(%dma_start3A_104 : memref<128xi32, #tpu.memory_space<hbm>>) target(%arg11 : memref<128xi32, #tpu.memory_space<vmem>>) target_semaphore(%run_scoped3A : memref<!tpu.dma_semaphore, #tpu.memory_space<semaphore_mem>>)
        %dma_wait3A_105 = arith.constant 0 : i32
        %dma_wait3A_106 = tpu.memref_slice %arg4[%add3A_85, %dma_wait3A_105] : memref<2500x128xi32, #tpu.memory_space<hbm>> -> memref<1x128xi32, #tpu.memory_space<hbm>>
        %dma_wait3A_107 = tpu.memref_squeeze %dma_wait3A_106 : memref<1x128xi32, #tpu.memory_space<hbm>> -> memref<128xi32, #tpu.memory_space<hbm>>
        %dma_wait3A_108 = arith.constant 0 : i32
        %dma_wait3A_109 = tpu.memref_slice %arg4[%add3A_85, %dma_wait3A_108] : memref<2500x128xi32, #tpu.memory_space<hbm>> -> memref<1x128xi32, #tpu.memory_space<hbm>>
        %dma_wait3A_110 = tpu.memref_squeeze %dma_wait3A_109 : memref<1x128xi32, #tpu.memory_space<hbm>> -> memref<128xi32, #tpu.memory_space<hbm>>
        tpu.wait_dma2 semaphore(%run_scoped3A : memref<!tpu.dma_semaphore, #tpu.memory_space<semaphore_mem>>) src(%dma_wait3A_110 : memref<128xi32, #tpu.memory_space<hbm>>) dst(%arg11 : memref<128xi32, #tpu.memory_space<vmem>>)
        tpu.yield
      }) : () -> ()
      %dma_start3A = arith.constant 0 : i32
      %dma_start3A_86 = arith.constant 0 : i32
      %dma_start3A_87 = tpu.memref_slice %arg2[%add3A_7, %dma_start3A, %dma_start3A_86] : memref<4x10000x128xf32, #tpu.memory_space<hbm>> -> memref<1x10000x128xf32, #tpu.memory_space<hbm>>
      %dma_start3A_88 = tpu.memref_squeeze %dma_start3A_87 : memref<1x10000x128xf32, #tpu.memory_space<hbm>> -> memref<10000x128xf32, #tpu.memory_space<hbm>>
      %dma_start3A_89 = arith.constant 0 : i32
      %dma_start3A_90 = arith.constant 0 : i32
      %dma_start3A_91 = tpu.memref_slice %dma_start3A_88[%dma_start3A_89, %dma_start3A_90] : memref<10000x128xf32, #tpu.memory_space<hbm>> -> memref<10000x128xf32, #tpu.memory_space<hbm>>
      tpu.enqueue_indirect_dma source(%dma_start3A_91 : memref<10000x128xf32, #tpu.memory_space<hbm>>) target(%arg15 : memref<128x128xf32, #tpu.memory_space<vmem>>) offsets(%arg7 : memref<128xi32, #tpu.memory_space<vmem>>) semaphore(%arg18 : memref<!tpu.dma_semaphore, #tpu.memory_space<semaphore_mem>>)
      %dma_wait3A = arith.constant 0 : i32
      %dma_wait3A_92 = arith.constant 0 : i32
      %dma_wait3A_93 = tpu.memref_slice %arg2[%add3A_7, %dma_wait3A, %dma_wait3A_92] : memref<4x10000x128xf32, #tpu.memory_space<hbm>> -> memref<1x10000x128xf32, #tpu.memory_space<hbm>>
      %dma_wait3A_94 = tpu.memref_squeeze %dma_wait3A_93 : memref<1x10000x128xf32, #tpu.memory_space<hbm>> -> memref<10000x128xf32, #tpu.memory_space<hbm>>
      %dma_wait3A_95 = arith.constant 0 : i32
      %dma_wait3A_96 = arith.constant 0 : i32
      %dma_wait3A_97 = tpu.memref_slice %dma_wait3A_94[%dma_wait3A_95, %dma_wait3A_96] : memref<10000x128xf32, #tpu.memory_space<hbm>> -> memref<10000x128xf32, #tpu.memory_space<hbm>>
      tpu.wait_indirect_dma semaphore(%arg18 : memref<!tpu.dma_semaphore, #tpu.memory_space<semaphore_mem>>) src(%dma_wait3A_97 : memref<10000x128xf32, #tpu.memory_space<hbm>>) dst(%arg15 : memref<128x128xf32, #tpu.memory_space<vmem>>)
      "tpu.region"() ({
        %run_scoped3A = tpu.sem_alloc : memref<!tpu.dma_semaphore, #tpu.memory_space<semaphore_mem>>
        %dma_start3A_99 = arith.constant 0 : i32
        %dma_start3A_100 = arith.constant 0 : i32
        %dma_start3A_101 = tpu.memref_slice %arg17[%dma_start3A_99, %dma_start3A_100] : memref<10000x128xf32, #tpu.memory_space<vmem_shared>> -> memref<10000x128xf32, #tpu.memory_space<vmem_shared>>
        tpu.enqueue_indirect_dma source(%arg15 : memref<128x128xf32, #tpu.memory_space<vmem>>) target(%dma_start3A_101 : memref<10000x128xf32, #tpu.memory_space<vmem_shared>>) offsets(%arg11 : memref<128xi32, #tpu.memory_space<vmem>>) semaphore(%run_scoped3A : memref<!tpu.dma_semaphore, #tpu.memory_space<semaphore_mem>>) {add = true}
        %dma_wait3A_102 = arith.constant 0 : i32
        %dma_wait3A_103 = arith.constant 0 : i32
        %dma_wait3A_104 = tpu.memref_slice %arg17[%dma_wait3A_102, %dma_wait3A_103] : memref<10000x128xf32, #tpu.memory_space<vmem_shared>> -> memref<10000x128xf32, #tpu.memory_space<vmem_shared>>
        tpu.wait_indirect_dma semaphore(%run_scoped3A : memref<!tpu.dma_semaphore, #tpu.memory_space<semaphore_mem>>) src(%arg15 : memref<128x128xf32, #tpu.memory_space<vmem>>) dst(%dma_wait3A_104 : memref<10000x128xf32, #tpu.memory_space<vmem_shared>>)
        tpu.yield
      }) : () -> ()
      %while3A_98 = arith.constant 0 : i32
      scf.yield %while3A_98 : i32
    }
    %barrier3A_24 = arith.constant 0 : index
    tpu.barrier barrier_id(%barrier3A_24)
    %lt3A_25 = arith.constant 15 : i32
    %lt3A_26 = arith.cmpi slt, %arg1, %lt3A_25 : i32
    %convert_element_type3A_27 = arith.extui %lt3A_26 : i1 to i32
    %cond3A_28 = arith.constant 0 : i32
    %cond3A_29 = arith.cmpi ne, %convert_element_type3A_27, %cond3A_28 : i32
    scf.if %cond3A_29 {
      %mul3A_81 = arith.constant 624 : i32
      %mul3A_82 = arith.muli %arg1, %mul3A_81 : i32
      "tpu.region"() ({
        %run_scoped3A = tpu.sem_alloc : memref<!tpu.dma_semaphore, #tpu.memory_space<semaphore_mem>>
        %dma_start3A = arith.constant 0 : i32
        %dma_start3A_83 = arith.constant 0 : i32
        %dma_start3A_84 = tpu.memref_slice %arg6[%add3A_7, %dma_start3A, %dma_start3A_83] : memref<4x10000x128xf32, #tpu.memory_space<hbm>> -> memref<1x10000x128xf32, #tpu.memory_space<hbm>>
        %dma_start3A_85 = tpu.memref_squeeze %dma_start3A_84 : memref<1x10000x128xf32, #tpu.memory_space<hbm>> -> memref<10000x128xf32, #tpu.memory_space<hbm>>
        %dma_start3A_86 = arith.constant 0 : i32
        %dma_start3A_87 = tpu.memref_slice %dma_start3A_85[%mul3A_82, %dma_start3A_86] : memref<10000x128xf32, #tpu.memory_space<hbm>> -> memref<624x128xf32, #tpu.memory_space<hbm>>
        %dma_start3A_88 = arith.constant 0 : i32
        %dma_start3A_89 = tpu.memref_slice %arg17[%mul3A_82, %dma_start3A_88] : memref<10000x128xf32, #tpu.memory_space<vmem_shared>> -> memref<624x128xf32, #tpu.memory_space<vmem_shared>>
        tpu.enqueue_dma source(%dma_start3A_89 : memref<624x128xf32, #tpu.memory_space<vmem_shared>>) target(%dma_start3A_87 : memref<624x128xf32, #tpu.memory_space<hbm>>) target_semaphore(%run_scoped3A : memref<!tpu.dma_semaphore, #tpu.memory_space<semaphore_mem>>)
        %dma_wait3A = arith.constant 0 : i32
        %dma_wait3A_90 = arith.constant 0 : i32
        %dma_wait3A_91 = tpu.memref_slice %arg6[%add3A_7, %dma_wait3A, %dma_wait3A_90] : memref<4x10000x128xf32, #tpu.memory_space<hbm>> -> memref<1x10000x128xf32, #tpu.memory_space<hbm>>
        %dma_wait3A_92 = tpu.memref_squeeze %dma_wait3A_91 : memref<1x10000x128xf32, #tpu.memory_space<hbm>> -> memref<10000x128xf32, #tpu.memory_space<hbm>>
        %dma_wait3A_93 = arith.constant 0 : i32
        %dma_wait3A_94 = tpu.memref_slice %dma_wait3A_92[%mul3A_82, %dma_wait3A_93] : memref<10000x128xf32, #tpu.memory_space<hbm>> -> memref<624x128xf32, #tpu.memory_space<hbm>>
        %dma_wait3A_95 = arith.constant 0 : i32
        %dma_wait3A_96 = tpu.memref_slice %arg17[%mul3A_82, %dma_wait3A_95] : memref<10000x128xf32, #tpu.memory_space<vmem_shared>> -> memref<624x128xf32, #tpu.memory_space<vmem_shared>>
        tpu.wait_dma2 semaphore(%run_scoped3A : memref<!tpu.dma_semaphore, #tpu.memory_space<semaphore_mem>>) src(%dma_wait3A_96 : memref<624x128xf32, #tpu.memory_space<vmem_shared>>) dst(%dma_wait3A_94 : memref<624x128xf32, #tpu.memory_space<hbm>>)
        tpu.yield
      }) : () -> ()
    } else {
    }
    %eq3A_30 = arith.constant 15 : i32
    %eq3A_31 = arith.cmpi eq, %arg1, %eq3A_30 : i32
    %convert_element_type3A_32 = arith.extui %eq3A_31 : i1 to i32
    %cond3A_33 = arith.constant 0 : i32
    %cond3A_34 = arith.cmpi ne, %convert_element_type3A_32, %cond3A_33 : i32
    scf.if %cond3A_34 {
      "tpu.region"() ({
        %run_scoped3A = tpu.sem_alloc : memref<!tpu.dma_semaphore, #tpu.memory_space<semaphore_mem>>
        %dma_start3A = arith.constant 0 : i32
        %dma_start3A_81 = arith.constant 0 : i32
        %dma_start3A_82 = tpu.memref_slice %arg6[%add3A_7, %dma_start3A, %dma_start3A_81] : memref<4x10000x128xf32, #tpu.memory_space<hbm>> -> memref<1x10000x128xf32, #tpu.memory_space<hbm>>
        %dma_start3A_83 = tpu.memref_squeeze %dma_start3A_82 : memref<1x10000x128xf32, #tpu.memory_space<hbm>> -> memref<10000x128xf32, #tpu.memory_space<hbm>>
        %dma_start3A_84 = arith.constant 9360 : i32
        %dma_start3A_85 = arith.constant 0 : i32
        %dma_start3A_86 = tpu.memref_slice %dma_start3A_83[%dma_start3A_84, %dma_start3A_85] : memref<10000x128xf32, #tpu.memory_space<hbm>> -> memref<640x128xf32, #tpu.memory_space<hbm>>
        %dma_start3A_87 = arith.constant 9360 : i32
        %dma_start3A_88 = arith.constant 0 : i32
        %dma_start3A_89 = tpu.memref_slice %arg17[%dma_start3A_87, %dma_start3A_88] : memref<10000x128xf32, #tpu.memory_space<vmem_shared>> -> memref<640x128xf32, #tpu.memory_space<vmem_shared>>
        tpu.enqueue_dma source(%dma_start3A_89 : memref<640x128xf32, #tpu.memory_space<vmem_shared>>) target(%dma_start3A_86 : memref<640x128xf32, #tpu.memory_space<hbm>>) target_semaphore(%run_scoped3A : memref<!tpu.dma_semaphore, #tpu.memory_space<semaphore_mem>>)
        %dma_wait3A = arith.constant 0 : i32
        %dma_wait3A_90 = arith.constant 0 : i32
        %dma_wait3A_91 = tpu.memref_slice %arg6[%add3A_7, %dma_wait3A, %dma_wait3A_90] : memref<4x10000x128xf32, #tpu.memory_space<hbm>> -> memref<1x10000x128xf32, #tpu.memory_space<hbm>>
        %dma_wait3A_92 = tpu.memref_squeeze %dma_wait3A_91 : memref<1x10000x128xf32, #tpu.memory_space<hbm>> -> memref<10000x128xf32, #tpu.memory_space<hbm>>
        %dma_wait3A_93 = arith.constant 9360 : i32
        %dma_wait3A_94 = arith.constant 0 : i32
        %dma_wait3A_95 = tpu.memref_slice %dma_wait3A_92[%dma_wait3A_93, %dma_wait3A_94] : memref<10000x128xf32, #tpu.memory_space<hbm>> -> memref<640x128xf32, #tpu.memory_space<hbm>>
        %dma_wait3A_96 = arith.constant 9360 : i32
        %dma_wait3A_97 = arith.constant 0 : i32
        %dma_wait3A_98 = tpu.memref_slice %arg17[%dma_wait3A_96, %dma_wait3A_97] : memref<10000x128xf32, #tpu.memory_space<vmem_shared>> -> memref<640x128xf32, #tpu.memory_space<vmem_shared>>
        tpu.wait_dma2 semaphore(%run_scoped3A : memref<!tpu.dma_semaphore, #tpu.memory_space<semaphore_mem>>) src(%dma_wait3A_98 : memref<640x128xf32, #tpu.memory_space<vmem_shared>>) dst(%dma_wait3A_95 : memref<640x128xf32, #tpu.memory_space<hbm>>)
        tpu.yield
      }) : () -> ()
    } else {
    }
    %lt3A_35 = arith.constant 15 : i32
    %lt3A_36 = arith.cmpi slt, %arg1, %lt3A_35 : i32
    %convert_element_type3A_37 = arith.extui %lt3A_36 : i1 to i32
    %cond3A_38 = arith.constant 0 : i32
    %cond3A_39 = arith.cmpi ne, %convert_element_type3A_37, %cond3A_38 : i32
    scf.if %cond3A_39 {
      %mul3A_81 = arith.constant 624 : i32
      %mul3A_82 = arith.muli %arg1, %mul3A_81 : i32
      "tpu.region"() ({
        %run_scoped3A = tpu.sem_alloc : memref<!tpu.dma_semaphore, #tpu.memory_space<semaphore_mem>>
        %dma_start3A = arith.constant 0 : i32
        %dma_start3A_83 = tpu.memref_slice %arg17[%mul3A_82, %dma_start3A] : memref<10000x128xf32, #tpu.memory_space<vmem_shared>> -> memref<624x128xf32, #tpu.memory_space<vmem_shared>>
        %dma_start3A_84 = arith.constant 0 : i32
        %dma_start3A_85 = arith.constant 0 : i32
        %dma_start3A_86 = tpu.memref_slice %arg5[%dma_start3A_84, %dma_start3A_85] : memref<640x128xf32, #tpu.memory_space<hbm>> -> memref<624x128xf32, #tpu.memory_space<hbm>>
        tpu.enqueue_dma source(%dma_start3A_86 : memref<624x128xf32, #tpu.memory_space<hbm>>) target(%dma_start3A_83 : memref<624x128xf32, #tpu.memory_space<vmem_shared>>) target_semaphore(%run_scoped3A : memref<!tpu.dma_semaphore, #tpu.memory_space<semaphore_mem>>)
        %dma_wait3A = arith.constant 0 : i32
        %dma_wait3A_87 = tpu.memref_slice %arg17[%mul3A_82, %dma_wait3A] : memref<10000x128xf32, #tpu.memory_space<vmem_shared>> -> memref<624x128xf32, #tpu.memory_space<vmem_shared>>
        %dma_wait3A_88 = arith.constant 0 : i32
        %dma_wait3A_89 = arith.constant 0 : i32
        %dma_wait3A_90 = tpu.memref_slice %arg5[%dma_wait3A_88, %dma_wait3A_89] : memref<640x128xf32, #tpu.memory_space<hbm>> -> memref<624x128xf32, #tpu.memory_space<hbm>>
        tpu.wait_dma2 semaphore(%run_scoped3A : memref<!tpu.dma_semaphore, #tpu.memory_space<semaphore_mem>>) src(%dma_wait3A_90 : memref<624x128xf32, #tpu.memory_space<hbm>>) dst(%dma_wait3A_87 : memref<624x128xf32, #tpu.memory_space<vmem_shared>>)
        tpu.yield
      }) : () -> ()
    } else {
    }
    %eq3A_40 = arith.constant 15 : i32
    %eq3A_41 = arith.cmpi eq, %arg1, %eq3A_40 : i32
    %convert_element_type3A_42 = arith.extui %eq3A_41 : i1 to i32
    %cond3A_43 = arith.constant 0 : i32
    %cond3A_44 = arith.cmpi ne, %convert_element_type3A_42, %cond3A_43 : i32
    scf.if %cond3A_44 {
      "tpu.region"() ({
        %run_scoped3A = tpu.sem_alloc : memref<!tpu.dma_semaphore, #tpu.memory_space<semaphore_mem>>
        %dma_start3A = arith.constant 9360 : i32
        %dma_start3A_81 = arith.constant 0 : i32
        %dma_start3A_82 = tpu.memref_slice %arg17[%dma_start3A, %dma_start3A_81] : memref<10000x128xf32, #tpu.memory_space<vmem_shared>> -> memref<640x128xf32, #tpu.memory_space<vmem_shared>>
        %dma_start3A_83 = arith.constant 0 : i32
        %dma_start3A_84 = arith.constant 0 : i32
        %dma_start3A_85 = tpu.memref_slice %arg5[%dma_start3A_83, %dma_start3A_84] : memref<640x128xf32, #tpu.memory_space<hbm>> -> memref<640x128xf32, #tpu.memory_space<hbm>>
        tpu.enqueue_dma source(%dma_start3A_85 : memref<640x128xf32, #tpu.memory_space<hbm>>) target(%dma_start3A_82 : memref<640x128xf32, #tpu.memory_space<vmem_shared>>) target_semaphore(%run_scoped3A : memref<!tpu.dma_semaphore, #tpu.memory_space<semaphore_mem>>)
        %dma_wait3A = arith.constant 9360 : i32
        %dma_wait3A_86 = arith.constant 0 : i32
        %dma_wait3A_87 = tpu.memref_slice %arg17[%dma_wait3A, %dma_wait3A_86] : memref<10000x128xf32, #tpu.memory_space<vmem_shared>> -> memref<640x128xf32, #tpu.memory_space<vmem_shared>>
        %dma_wait3A_88 = arith.constant 0 : i32
        %dma_wait3A_89 = arith.constant 0 : i32
        %dma_wait3A_90 = tpu.memref_slice %arg5[%dma_wait3A_88, %dma_wait3A_89] : memref<640x128xf32, #tpu.memory_space<hbm>> -> memref<640x128xf32, #tpu.memory_space<hbm>>
        tpu.wait_dma2 semaphore(%run_scoped3A : memref<!tpu.dma_semaphore, #tpu.memory_space<semaphore_mem>>) src(%dma_wait3A_90 : memref<640x128xf32, #tpu.memory_space<hbm>>) dst(%dma_wait3A_87 : memref<640x128xf32, #tpu.memory_space<vmem_shared>>)
        tpu.yield
      }) : () -> ()
    } else {
    }
    %barrier3A_45 = arith.constant 0 : index
    tpu.barrier barrier_id(%barrier3A_45)
    %mul3A_46 = arith.constant 2 : i32
    %mul3A_47 = arith.muli %mul3A_46, %arg0 : i32
    %add3A_48 = arith.constant 1 : i32
    %add3A_49 = arith.addi %mul3A_47, %add3A_48 : i32
    %lt3A_50 = arith.constant 4 : i32
    %lt3A_51 = arith.cmpi slt, %arg1, %lt3A_50 : i32
    %jit3A_52 = arith.constant 1 : i32
    %jit3A_53 = arith.constant 0 : i32
    %select_n3A_54 = arith.select %lt3A_51, %jit3A_52, %jit3A_53 : i32
    %add3A_55 = arith.constant 156 : i32
    %add3A_56 = arith.addi %add3A_55, %select_n3A_54 : i32
    %while3A_57 = arith.constant 0 : i32
    %while3A_58 = arith.constant 0 : i32
    %while3A_59 = arith.subi %add3A_56, %while3A_57 : i32
    %while3A_60 = arith.addi %while3A_57, %while3A_59 : i32
    %while3A_61 = arith.constant 1 : i32
    %while3A_62 = arith.divsi %while3A_59, %while3A_61 : i32
    %while3A_63 = arith.muli %while3A_62, %while3A_61 : i32
    %while3A_64 = arith.addi %while3A_57, %while3A_63 : i32
    %while3A_65 = arith.constant 1 : i32
    %while3A_66 = scf.for %while3A_81 = %while3A_57 to %while3A_64 step %while3A_65 iter_args(%while3A_82 = %while3A_58) -> (i32)  : i32 {
      %mul3A_83 = arith.constant 16 : i32
      %mul3A_84 = arith.muli %mul3A_83, %while3A_81 : i32
      %add3A_85 = arith.addi %arg1, %mul3A_84 : i32
      "tpu.region"() ({
        %run_scoped3A = tpu.sem_alloc : memref<!tpu.dma_semaphore, #tpu.memory_space<semaphore_mem>>
        %dma_start3A_99 = arith.constant 0 : i32
        %dma_start3A_100 = tpu.memref_slice %arg3[%add3A_85, %dma_start3A_99] : memref<2500x128xi32, #tpu.memory_space<hbm>> -> memref<1x128xi32, #tpu.memory_space<hbm>>
        %dma_start3A_101 = tpu.memref_squeeze %dma_start3A_100 : memref<1x128xi32, #tpu.memory_space<hbm>> -> memref<128xi32, #tpu.memory_space<hbm>>
        %dma_start3A_102 = arith.constant 0 : i32
        %dma_start3A_103 = tpu.memref_slice %arg3[%add3A_85, %dma_start3A_102] : memref<2500x128xi32, #tpu.memory_space<hbm>> -> memref<1x128xi32, #tpu.memory_space<hbm>>
        %dma_start3A_104 = tpu.memref_squeeze %dma_start3A_103 : memref<1x128xi32, #tpu.memory_space<hbm>> -> memref<128xi32, #tpu.memory_space<hbm>>
        tpu.enqueue_dma source(%dma_start3A_104 : memref<128xi32, #tpu.memory_space<hbm>>) target(%arg7 : memref<128xi32, #tpu.memory_space<vmem>>) target_semaphore(%run_scoped3A : memref<!tpu.dma_semaphore, #tpu.memory_space<semaphore_mem>>)
        %dma_wait3A_105 = arith.constant 0 : i32
        %dma_wait3A_106 = tpu.memref_slice %arg3[%add3A_85, %dma_wait3A_105] : memref<2500x128xi32, #tpu.memory_space<hbm>> -> memref<1x128xi32, #tpu.memory_space<hbm>>
        %dma_wait3A_107 = tpu.memref_squeeze %dma_wait3A_106 : memref<1x128xi32, #tpu.memory_space<hbm>> -> memref<128xi32, #tpu.memory_space<hbm>>
        %dma_wait3A_108 = arith.constant 0 : i32
        %dma_wait3A_109 = tpu.memref_slice %arg3[%add3A_85, %dma_wait3A_108] : memref<2500x128xi32, #tpu.memory_space<hbm>> -> memref<1x128xi32, #tpu.memory_space<hbm>>
        %dma_wait3A_110 = tpu.memref_squeeze %dma_wait3A_109 : memref<1x128xi32, #tpu.memory_space<hbm>> -> memref<128xi32, #tpu.memory_space<hbm>>
        tpu.wait_dma2 semaphore(%run_scoped3A : memref<!tpu.dma_semaphore, #tpu.memory_space<semaphore_mem>>) src(%dma_wait3A_110 : memref<128xi32, #tpu.memory_space<hbm>>) dst(%arg7 : memref<128xi32, #tpu.memory_space<vmem>>)
        tpu.yield
      }) : () -> ()
      "tpu.region"() ({
        %run_scoped3A = tpu.sem_alloc : memref<!tpu.dma_semaphore, #tpu.memory_space<semaphore_mem>>
        %dma_start3A_99 = arith.constant 0 : i32
        %dma_start3A_100 = tpu.memref_slice %arg4[%add3A_85, %dma_start3A_99] : memref<2500x128xi32, #tpu.memory_space<hbm>> -> memref<1x128xi32, #tpu.memory_space<hbm>>
        %dma_start3A_101 = tpu.memref_squeeze %dma_start3A_100 : memref<1x128xi32, #tpu.memory_space<hbm>> -> memref<128xi32, #tpu.memory_space<hbm>>
        %dma_start3A_102 = arith.constant 0 : i32
        %dma_start3A_103 = tpu.memref_slice %arg4[%add3A_85, %dma_start3A_102] : memref<2500x128xi32, #tpu.memory_space<hbm>> -> memref<1x128xi32, #tpu.memory_space<hbm>>
        %dma_start3A_104 = tpu.memref_squeeze %dma_start3A_103 : memref<1x128xi32, #tpu.memory_space<hbm>> -> memref<128xi32, #tpu.memory_space<hbm>>
        tpu.enqueue_dma source(%dma_start3A_104 : memref<128xi32, #tpu.memory_space<hbm>>) target(%arg11 : memref<128xi32, #tpu.memory_space<vmem>>) target_semaphore(%run_scoped3A : memref<!tpu.dma_semaphore, #tpu.memory_space<semaphore_mem>>)
        %dma_wait3A_105 = arith.constant 0 : i32
        %dma_wait3A_106 = tpu.memref_slice %arg4[%add3A_85, %dma_wait3A_105] : memref<2500x128xi32, #tpu.memory_space<hbm>> -> memref<1x128xi32, #tpu.memory_space<hbm>>
        %dma_wait3A_107 = tpu.memref_squeeze %dma_wait3A_106 : memref<1x128xi32, #tpu.memory_space<hbm>> -> memref<128xi32, #tpu.memory_space<hbm>>
        %dma_wait3A_108 = arith.constant 0 : i32
        %dma_wait3A_109 = tpu.memref_slice %arg4[%add3A_85, %dma_wait3A_108] : memref<2500x128xi32, #tpu.memory_space<hbm>> -> memref<1x128xi32, #tpu.memory_space<hbm>>
        %dma_wait3A_110 = tpu.memref_squeeze %dma_wait3A_109 : memref<1x128xi32, #tpu.memory_space<hbm>> -> memref<128xi32, #tpu.memory_space<hbm>>
        tpu.wait_dma2 semaphore(%run_scoped3A : memref<!tpu.dma_semaphore, #tpu.memory_space<semaphore_mem>>) src(%dma_wait3A_110 : memref<128xi32, #tpu.memory_space<hbm>>) dst(%arg11 : memref<128xi32, #tpu.memory_space<vmem>>)
        tpu.yield
      }) : () -> ()
      %dma_start3A = arith.constant 0 : i32
      %dma_start3A_86 = arith.constant 0 : i32
      %dma_start3A_87 = tpu.memref_slice %arg2[%add3A_49, %dma_start3A, %dma_start3A_86] : memref<4x10000x128xf32, #tpu.memory_space<hbm>> -> memref<1x10000x128xf32, #tpu.memory_space<hbm>>
      %dma_start3A_88 = tpu.memref_squeeze %dma_start3A_87 : memref<1x10000x128xf32, #tpu.memory_space<hbm>> -> memref<10000x128xf32, #tpu.memory_space<hbm>>
      %dma_start3A_89 = arith.constant 0 : i32
      %dma_start3A_90 = arith.constant 0 : i32
      %dma_start3A_91 = tpu.memref_slice %dma_start3A_88[%dma_start3A_89, %dma_start3A_90] : memref<10000x128xf32, #tpu.memory_space<hbm>> -> memref<10000x128xf32, #tpu.memory_space<hbm>>
      tpu.enqueue_indirect_dma source(%dma_start3A_91 : memref<10000x128xf32, #tpu.memory_space<hbm>>) target(%arg15 : memref<128x128xf32, #tpu.memory_space<vmem>>) offsets(%arg7 : memref<128xi32, #tpu.memory_space<vmem>>) semaphore(%arg18 : memref<!tpu.dma_semaphore, #tpu.memory_space<semaphore_mem>>)
      %dma_wait3A = arith.constant 0 : i32
      %dma_wait3A_92 = arith.constant 0 : i32
      %dma_wait3A_93 = tpu.memref_slice %arg2[%add3A_49, %dma_wait3A, %dma_wait3A_92] : memref<4x10000x128xf32, #tpu.memory_space<hbm>> -> memref<1x10000x128xf32, #tpu.memory_space<hbm>>
      %dma_wait3A_94 = tpu.memref_squeeze %dma_wait3A_93 : memref<1x10000x128xf32, #tpu.memory_space<hbm>> -> memref<10000x128xf32, #tpu.memory_space<hbm>>
      %dma_wait3A_95 = arith.constant 0 : i32
      %dma_wait3A_96 = arith.constant 0 : i32
      %dma_wait3A_97 = tpu.memref_slice %dma_wait3A_94[%dma_wait3A_95, %dma_wait3A_96] : memref<10000x128xf32, #tpu.memory_space<hbm>> -> memref<10000x128xf32, #tpu.memory_space<hbm>>
      tpu.wait_indirect_dma semaphore(%arg18 : memref<!tpu.dma_semaphore, #tpu.memory_space<semaphore_mem>>) src(%dma_wait3A_97 : memref<10000x128xf32, #tpu.memory_space<hbm>>) dst(%arg15 : memref<128x128xf32, #tpu.memory_space<vmem>>)
      "tpu.region"() ({
        %run_scoped3A = tpu.sem_alloc : memref<!tpu.dma_semaphore, #tpu.memory_space<semaphore_mem>>
        %dma_start3A_99 = arith.constant 0 : i32
        %dma_start3A_100 = arith.constant 0 : i32
        %dma_start3A_101 = tpu.memref_slice %arg17[%dma_start3A_99, %dma_start3A_100] : memref<10000x128xf32, #tpu.memory_space<vmem_shared>> -> memref<10000x128xf32, #tpu.memory_space<vmem_shared>>
        tpu.enqueue_indirect_dma source(%arg15 : memref<128x128xf32, #tpu.memory_space<vmem>>) target(%dma_start3A_101 : memref<10000x128xf32, #tpu.memory_space<vmem_shared>>) offsets(%arg11 : memref<128xi32, #tpu.memory_space<vmem>>) semaphore(%run_scoped3A : memref<!tpu.dma_semaphore, #tpu.memory_space<semaphore_mem>>) {add = true}
        %dma_wait3A_102 = arith.constant 0 : i32
        %dma_wait3A_103 = arith.constant 0 : i32
        %dma_wait3A_104 = tpu.memref_slice %arg17[%dma_wait3A_102, %dma_wait3A_103] : memref<10000x128xf32, #tpu.memory_space<vmem_shared>> -> memref<10000x128xf32, #tpu.memory_space<vmem_shared>>
        tpu.wait_indirect_dma semaphore(%run_scoped3A : memref<!tpu.dma_semaphore, #tpu.memory_space<semaphore_mem>>) src(%arg15 : memref<128x128xf32, #tpu.memory_space<vmem>>) dst(%dma_wait3A_104 : memref<10000x128xf32, #tpu.memory_space<vmem_shared>>)
        tpu.yield
      }) : () -> ()
      %while3A_98 = arith.constant 0 : i32
      scf.yield %while3A_98 : i32
    }
    %while3A_67 = arith.constant 1 : i32
    %while3A_68 = scf.for %while3A_81 = %while3A_64 to %while3A_60 step %while3A_67 iter_args(%while3A_82 = %while3A_66) -> (i32)  : i32 {
      %mul3A_83 = arith.constant 16 : i32
      %mul3A_84 = arith.muli %mul3A_83, %while3A_81 : i32
      %add3A_85 = arith.addi %arg1, %mul3A_84 : i32
      "tpu.region"() ({
        %run_scoped3A = tpu.sem_alloc : memref<!tpu.dma_semaphore, #tpu.memory_space<semaphore_mem>>
        %dma_start3A_99 = arith.constant 0 : i32
        %dma_start3A_100 = tpu.memref_slice %arg3[%add3A_85, %dma_start3A_99] : memref<2500x128xi32, #tpu.memory_space<hbm>> -> memref<1x128xi32, #tpu.memory_space<hbm>>
        %dma_start3A_101 = tpu.memref_squeeze %dma_start3A_100 : memref<1x128xi32, #tpu.memory_space<hbm>> -> memref<128xi32, #tpu.memory_space<hbm>>
        %dma_start3A_102 = arith.constant 0 : i32
        %dma_start3A_103 = tpu.memref_slice %arg3[%add3A_85, %dma_start3A_102] : memref<2500x128xi32, #tpu.memory_space<hbm>> -> memref<1x128xi32, #tpu.memory_space<hbm>>
        %dma_start3A_104 = tpu.memref_squeeze %dma_start3A_103 : memref<1x128xi32, #tpu.memory_space<hbm>> -> memref<128xi32, #tpu.memory_space<hbm>>
        tpu.enqueue_dma source(%dma_start3A_104 : memref<128xi32, #tpu.memory_space<hbm>>) target(%arg7 : memref<128xi32, #tpu.memory_space<vmem>>) target_semaphore(%run_scoped3A : memref<!tpu.dma_semaphore, #tpu.memory_space<semaphore_mem>>)
        %dma_wait3A_105 = arith.constant 0 : i32
        %dma_wait3A_106 = tpu.memref_slice %arg3[%add3A_85, %dma_wait3A_105] : memref<2500x128xi32, #tpu.memory_space<hbm>> -> memref<1x128xi32, #tpu.memory_space<hbm>>
        %dma_wait3A_107 = tpu.memref_squeeze %dma_wait3A_106 : memref<1x128xi32, #tpu.memory_space<hbm>> -> memref<128xi32, #tpu.memory_space<hbm>>
        %dma_wait3A_108 = arith.constant 0 : i32
        %dma_wait3A_109 = tpu.memref_slice %arg3[%add3A_85, %dma_wait3A_108] : memref<2500x128xi32, #tpu.memory_space<hbm>> -> memref<1x128xi32, #tpu.memory_space<hbm>>
        %dma_wait3A_110 = tpu.memref_squeeze %dma_wait3A_109 : memref<1x128xi32, #tpu.memory_space<hbm>> -> memref<128xi32, #tpu.memory_space<hbm>>
        tpu.wait_dma2 semaphore(%run_scoped3A : memref<!tpu.dma_semaphore, #tpu.memory_space<semaphore_mem>>) src(%dma_wait3A_110 : memref<128xi32, #tpu.memory_space<hbm>>) dst(%arg7 : memref<128xi32, #tpu.memory_space<vmem>>)
        tpu.yield
      }) : () -> ()
      "tpu.region"() ({
        %run_scoped3A = tpu.sem_alloc : memref<!tpu.dma_semaphore, #tpu.memory_space<semaphore_mem>>
        %dma_start3A_99 = arith.constant 0 : i32
        %dma_start3A_100 = tpu.memref_slice %arg4[%add3A_85, %dma_start3A_99] : memref<2500x128xi32, #tpu.memory_space<hbm>> -> memref<1x128xi32, #tpu.memory_space<hbm>>
        %dma_start3A_101 = tpu.memref_squeeze %dma_start3A_100 : memref<1x128xi32, #tpu.memory_space<hbm>> -> memref<128xi32, #tpu.memory_space<hbm>>
        %dma_start3A_102 = arith.constant 0 : i32
        %dma_start3A_103 = tpu.memref_slice %arg4[%add3A_85, %dma_start3A_102] : memref<2500x128xi32, #tpu.memory_space<hbm>> -> memref<1x128xi32, #tpu.memory_space<hbm>>
        %dma_start3A_104 = tpu.memref_squeeze %dma_start3A_103 : memref<1x128xi32, #tpu.memory_space<hbm>> -> memref<128xi32, #tpu.memory_space<hbm>>
        tpu.enqueue_dma source(%dma_start3A_104 : memref<128xi32, #tpu.memory_space<hbm>>) target(%arg11 : memref<128xi32, #tpu.memory_space<vmem>>) target_semaphore(%run_scoped3A : memref<!tpu.dma_semaphore, #tpu.memory_space<semaphore_mem>>)
        %dma_wait3A_105 = arith.constant 0 : i32
        %dma_wait3A_106 = tpu.memref_slice %arg4[%add3A_85, %dma_wait3A_105] : memref<2500x128xi32, #tpu.memory_space<hbm>> -> memref<1x128xi32, #tpu.memory_space<hbm>>
        %dma_wait3A_107 = tpu.memref_squeeze %dma_wait3A_106 : memref<1x128xi32, #tpu.memory_space<hbm>> -> memref<128xi32, #tpu.memory_space<hbm>>
        %dma_wait3A_108 = arith.constant 0 : i32
        %dma_wait3A_109 = tpu.memref_slice %arg4[%add3A_85, %dma_wait3A_108] : memref<2500x128xi32, #tpu.memory_space<hbm>> -> memref<1x128xi32, #tpu.memory_space<hbm>>
        %dma_wait3A_110 = tpu.memref_squeeze %dma_wait3A_109 : memref<1x128xi32, #tpu.memory_space<hbm>> -> memref<128xi32, #tpu.memory_space<hbm>>
        tpu.wait_dma2 semaphore(%run_scoped3A : memref<!tpu.dma_semaphore, #tpu.memory_space<semaphore_mem>>) src(%dma_wait3A_110 : memref<128xi32, #tpu.memory_space<hbm>>) dst(%arg11 : memref<128xi32, #tpu.memory_space<vmem>>)
        tpu.yield
      }) : () -> ()
      %dma_start3A = arith.constant 0 : i32
      %dma_start3A_86 = arith.constant 0 : i32
      %dma_start3A_87 = tpu.memref_slice %arg2[%add3A_49, %dma_start3A, %dma_start3A_86] : memref<4x10000x128xf32, #tpu.memory_space<hbm>> -> memref<1x10000x128xf32, #tpu.memory_space<hbm>>
      %dma_start3A_88 = tpu.memref_squeeze %dma_start3A_87 : memref<1x10000x128xf32, #tpu.memory_space<hbm>> -> memref<10000x128xf32, #tpu.memory_space<hbm>>
      %dma_start3A_89 = arith.constant 0 : i32
      %dma_start3A_90 = arith.constant 0 : i32
      %dma_start3A_91 = tpu.memref_slice %dma_start3A_88[%dma_start3A_89, %dma_start3A_90] : memref<10000x128xf32, #tpu.memory_space<hbm>> -> memref<10000x128xf32, #tpu.memory_space<hbm>>
      tpu.enqueue_indirect_dma source(%dma_start3A_91 : memref<10000x128xf32, #tpu.memory_space<hbm>>) target(%arg15 : memref<128x128xf32, #tpu.memory_space<vmem>>) offsets(%arg7 : memref<128xi32, #tpu.memory_space<vmem>>) semaphore(%arg18 : memref<!tpu.dma_semaphore, #tpu.memory_space<semaphore_mem>>)
      %dma_wait3A = arith.constant 0 : i32
      %dma_wait3A_92 = arith.constant 0 : i32
      %dma_wait3A_93 = tpu.memref_slice %arg2[%add3A_49, %dma_wait3A, %dma_wait3A_92] : memref<4x10000x128xf32, #tpu.memory_space<hbm>> -> memref<1x10000x128xf32, #tpu.memory_space<hbm>>
      %dma_wait3A_94 = tpu.memref_squeeze %dma_wait3A_93 : memref<1x10000x128xf32, #tpu.memory_space<hbm>> -> memref<10000x128xf32, #tpu.memory_space<hbm>>
      %dma_wait3A_95 = arith.constant 0 : i32
      %dma_wait3A_96 = arith.constant 0 : i32
      %dma_wait3A_97 = tpu.memref_slice %dma_wait3A_94[%dma_wait3A_95, %dma_wait3A_96] : memref<10000x128xf32, #tpu.memory_space<hbm>> -> memref<10000x128xf32, #tpu.memory_space<hbm>>
      tpu.wait_indirect_dma semaphore(%arg18 : memref<!tpu.dma_semaphore, #tpu.memory_space<semaphore_mem>>) src(%dma_wait3A_97 : memref<10000x128xf32, #tpu.memory_space<hbm>>) dst(%arg15 : memref<128x128xf32, #tpu.memory_space<vmem>>)
      "tpu.region"() ({
        %run_scoped3A = tpu.sem_alloc : memref<!tpu.dma_semaphore, #tpu.memory_space<semaphore_mem>>
        %dma_start3A_99 = arith.constant 0 : i32
        %dma_start3A_100 = arith.constant 0 : i32
        %dma_start3A_101 = tpu.memref_slice %arg17[%dma_start3A_99, %dma_start3A_100] : memref<10000x128xf32, #tpu.memory_space<vmem_shared>> -> memref<10000x128xf32, #tpu.memory_space<vmem_shared>>
        tpu.enqueue_indirect_dma source(%arg15 : memref<128x128xf32, #tpu.memory_space<vmem>>) target(%dma_start3A_101 : memref<10000x128xf32, #tpu.memory_space<vmem_shared>>) offsets(%arg11 : memref<128xi32, #tpu.memory_space<vmem>>) semaphore(%run_scoped3A : memref<!tpu.dma_semaphore, #tpu.memory_space<semaphore_mem>>) {add = true}
        %dma_wait3A_102 = arith.constant 0 : i32
        %dma_wait3A_103 = arith.constant 0 : i32
        %dma_wait3A_104 = tpu.memref_slice %arg17[%dma_wait3A_102, %dma_wait3A_103] : memref<10000x128xf32, #tpu.memory_space<vmem_shared>> -> memref<10000x128xf32, #tpu.memory_space<vmem_shared>>
        tpu.wait_indirect_dma semaphore(%run_scoped3A : memref<!tpu.dma_semaphore, #tpu.memory_space<semaphore_mem>>) src(%arg15 : memref<128x128xf32, #tpu.memory_space<vmem>>) dst(%dma_wait3A_104 : memref<10000x128xf32, #tpu.memory_space<vmem_shared>>)
        tpu.yield
      }) : () -> ()
      %while3A_98 = arith.constant 0 : i32
      scf.yield %while3A_98 : i32
    }
    %barrier3A_69 = arith.constant 0 : index
    tpu.barrier barrier_id(%barrier3A_69)
    %lt3A_70 = arith.constant 15 : i32
    %lt3A_71 = arith.cmpi slt, %arg1, %lt3A_70 : i32
    %convert_element_type3A_72 = arith.extui %lt3A_71 : i1 to i32
    %cond3A_73 = arith.constant 0 : i32
    %cond3A_74 = arith.cmpi ne, %convert_element_type3A_72, %cond3A_73 : i32
    scf.if %cond3A_74 {
      %mul3A_81 = arith.constant 624 : i32
      %mul3A_82 = arith.muli %arg1, %mul3A_81 : i32
      "tpu.region"() ({
        %run_scoped3A = tpu.sem_alloc : memref<!tpu.dma_semaphore, #tpu.memory_space<semaphore_mem>>
        %dma_start3A = arith.constant 0 : i32
        %dma_start3A_83 = arith.constant 0 : i32
        %dma_start3A_84 = tpu.memref_slice %arg6[%add3A_49, %dma_start3A, %dma_start3A_83] : memref<4x10000x128xf32, #tpu.memory_space<hbm>> -> memref<1x10000x128xf32, #tpu.memory_space<hbm>>
        %dma_start3A_85 = tpu.memref_squeeze %dma_start3A_84 : memref<1x10000x128xf32, #tpu.memory_space<hbm>> -> memref<10000x128xf32, #tpu.memory_space<hbm>>
        %dma_start3A_86 = arith.constant 0 : i32
        %dma_start3A_87 = tpu.memref_slice %dma_start3A_85[%mul3A_82, %dma_start3A_86] : memref<10000x128xf32, #tpu.memory_space<hbm>> -> memref<624x128xf32, #tpu.memory_space<hbm>>
        %dma_start3A_88 = arith.constant 0 : i32
        %dma_start3A_89 = tpu.memref_slice %arg17[%mul3A_82, %dma_start3A_88] : memref<10000x128xf32, #tpu.memory_space<vmem_shared>> -> memref<624x128xf32, #tpu.memory_space<vmem_shared>>
        tpu.enqueue_dma source(%dma_start3A_89 : memref<624x128xf32, #tpu.memory_space<vmem_shared>>) target(%dma_start3A_87 : memref<624x128xf32, #tpu.memory_space<hbm>>) target_semaphore(%run_scoped3A : memref<!tpu.dma_semaphore, #tpu.memory_space<semaphore_mem>>)
        %dma_wait3A = arith.constant 0 : i32
        %dma_wait3A_90 = arith.constant 0 : i32
        %dma_wait3A_91 = tpu.memref_slice %arg6[%add3A_49, %dma_wait3A, %dma_wait3A_90] : memref<4x10000x128xf32, #tpu.memory_space<hbm>> -> memref<1x10000x128xf32, #tpu.memory_space<hbm>>
        %dma_wait3A_92 = tpu.memref_squeeze %dma_wait3A_91 : memref<1x10000x128xf32, #tpu.memory_space<hbm>> -> memref<10000x128xf32, #tpu.memory_space<hbm>>
        %dma_wait3A_93 = arith.constant 0 : i32
        %dma_wait3A_94 = tpu.memref_slice %dma_wait3A_92[%mul3A_82, %dma_wait3A_93] : memref<10000x128xf32, #tpu.memory_space<hbm>> -> memref<624x128xf32, #tpu.memory_space<hbm>>
        %dma_wait3A_95 = arith.constant 0 : i32
        %dma_wait3A_96 = tpu.memref_slice %arg17[%mul3A_82, %dma_wait3A_95] : memref<10000x128xf32, #tpu.memory_space<vmem_shared>> -> memref<624x128xf32, #tpu.memory_space<vmem_shared>>
        tpu.wait_dma2 semaphore(%run_scoped3A : memref<!tpu.dma_semaphore, #tpu.memory_space<semaphore_mem>>) src(%dma_wait3A_96 : memref<624x128xf32, #tpu.memory_space<vmem_shared>>) dst(%dma_wait3A_94 : memref<624x128xf32, #tpu.memory_space<hbm>>)
        tpu.yield
      }) : () -> ()
    } else {
    }
    %eq3A_75 = arith.constant 15 : i32
    %eq3A_76 = arith.cmpi eq, %arg1, %eq3A_75 : i32
    %convert_element_type3A_77 = arith.extui %eq3A_76 : i1 to i32
    %cond3A_78 = arith.constant 0 : i32
    %cond3A_79 = arith.cmpi ne, %convert_element_type3A_77, %cond3A_78 : i32
    scf.if %cond3A_79 {
      "tpu.region"() ({
        %run_scoped3A = tpu.sem_alloc : memref<!tpu.dma_semaphore, #tpu.memory_space<semaphore_mem>>
        %dma_start3A = arith.constant 0 : i32
        %dma_start3A_81 = arith.constant 0 : i32
        %dma_start3A_82 = tpu.memref_slice %arg6[%add3A_49, %dma_start3A, %dma_start3A_81] : memref<4x10000x128xf32, #tpu.memory_space<hbm>> -> memref<1x10000x128xf32, #tpu.memory_space<hbm>>
        %dma_start3A_83 = tpu.memref_squeeze %dma_start3A_82 : memref<1x10000x128xf32, #tpu.memory_space<hbm>> -> memref<10000x128xf32, #tpu.memory_space<hbm>>
        %dma_start3A_84 = arith.constant 9360 : i32
        %dma_start3A_85 = arith.constant 0 : i32
        %dma_start3A_86 = tpu.memref_slice %dma_start3A_83[%dma_start3A_84, %dma_start3A_85] : memref<10000x128xf32, #tpu.memory_space<hbm>> -> memref<640x128xf32, #tpu.memory_space<hbm>>
        %dma_start3A_87 = arith.constant 9360 : i32
        %dma_start3A_88 = arith.constant 0 : i32
        %dma_start3A_89 = tpu.memref_slice %arg17[%dma_start3A_87, %dma_start3A_88] : memref<10000x128xf32, #tpu.memory_space<vmem_shared>> -> memref<640x128xf32, #tpu.memory_space<vmem_shared>>
        tpu.enqueue_dma source(%dma_start3A_89 : memref<640x128xf32, #tpu.memory_space<vmem_shared>>) target(%dma_start3A_86 : memref<640x128xf32, #tpu.memory_space<hbm>>) target_semaphore(%run_scoped3A : memref<!tpu.dma_semaphore, #tpu.memory_space<semaphore_mem>>)
        %dma_wait3A = arith.constant 0 : i32
        %dma_wait3A_90 = arith.constant 0 : i32
        %dma_wait3A_91 = tpu.memref_slice %arg6[%add3A_49, %dma_wait3A, %dma_wait3A_90] : memref<4x10000x128xf32, #tpu.memory_space<hbm>> -> memref<1x10000x128xf32, #tpu.memory_space<hbm>>
        %dma_wait3A_92 = tpu.memref_squeeze %dma_wait3A_91 : memref<1x10000x128xf32, #tpu.memory_space<hbm>> -> memref<10000x128xf32, #tpu.memory_space<hbm>>
        %dma_wait3A_93 = arith.constant 9360 : i32
        %dma_wait3A_94 = arith.constant 0 : i32
        %dma_wait3A_95 = tpu.memref_slice %dma_wait3A_92[%dma_wait3A_93, %dma_wait3A_94] : memref<10000x128xf32, #tpu.memory_space<hbm>> -> memref<640x128xf32, #tpu.memory_space<hbm>>
        %dma_wait3A_96 = arith.constant 9360 : i32
        %dma_wait3A_97 = arith.constant 0 : i32
        %dma_wait3A_98 = tpu.memref_slice %arg17[%dma_wait3A_96, %dma_wait3A_97] : memref<10000x128xf32, #tpu.memory_space<vmem_shared>> -> memref<640x128xf32, #tpu.memory_space<vmem_shared>>
        tpu.wait_dma2 semaphore(%run_scoped3A : memref<!tpu.dma_semaphore, #tpu.memory_space<semaphore_mem>>) src(%dma_wait3A_98 : memref<640x128xf32, #tpu.memory_space<vmem_shared>>) dst(%dma_wait3A_95 : memref<640x128xf32, #tpu.memory_space<hbm>>)
        tpu.yield
      }) : () -> ()
    } else {
    }
    %barrier3A_80 = arith.constant 0 : index
    tpu.barrier barrier_id(%barrier3A_80)
    return
  }
}

module attributes {stable_mosaic.version = 14 : i64} {
  func.func @_tc1_body(%arg0: i32, %arg1: memref<2x1000x128xf32, #tpu.memory_space<vmem>>, %arg2: memref<1000x140xf32, #tpu.memory_space<vmem>>, %arg3: memref<1000x1xi32, #tpu.memory_space<vmem>>, %arg4: memref<120x4xf32, #tpu.memory_space<vmem>>, %arg5: memref<144x512xf32, #tpu.memory_space<vmem>>, %arg6: memref<4x1000x128xf32, #tpu.memory_space<vmem>>, %arg7: memref<1000x1xf32, #tpu.memory_space<vmem>>) attributes {dimension_semantics = [#tpu.dimension_semantics<arbitrary>], iteration_bounds = array<i64: 10>, scalar_prefetch = 0 : i64, scratch_operands = 0 : i64, tpu.core_type = #tpu.core_type<tc>, window_params = [{transform_indices = @transform_0, window_bounds = array<i64: 2, 1000, 128>}, {transform_indices = @transform_1, window_bounds = array<i64: 1000, 140>}, {transform_indices = @transform_2, window_bounds = array<i64: 1000, 1>}, {pipeline_mode = #tpu.pipeline_mode<synchronous>, transform_indices = @transform_3, window_bounds = array<i64: 120, 4>}, {pipeline_mode = #tpu.pipeline_mode<synchronous>, transform_indices = @transform_4, window_bounds = array<i64: 144, 512>}, {transform_indices = @transform_5, window_bounds = array<i64: 4, 1000, 128>}, {transform_indices = @transform_6, window_bounds = array<i64: 1000, 1>}]} {
    %get3A = arith.constant 0 : index
    %get3A_0 = arith.constant 0 : index
    %get3A_1 = arith.constant 0 : index
    %get3A_2 = vector.load %arg1[%get3A, %get3A_0, %get3A_1] : memref<2x1000x128xf32, #tpu.memory_space<vmem>>, vector<1x1000x128xf32>
    %get3A_3 = vector.shape_cast %get3A_2 : vector<1x1000x128xf32> to vector<1000x128xf32>
    %slice3A = vector.extract_strided_slice %get3A_3 {offsets = [0, 0], sizes = [1000, 1], strides = [1, 1]} : vector<1000x128xf32> to vector<1000x1xf32>
    %get3A_4 = arith.constant 1 : index
    %get3A_5 = arith.constant 0 : index
    %get3A_6 = arith.constant 0 : index
    %get3A_7 = vector.load %arg1[%get3A_4, %get3A_5, %get3A_6] : memref<2x1000x128xf32, #tpu.memory_space<vmem>>, vector<1x1000x128xf32>
    %get3A_8 = vector.shape_cast %get3A_7 : vector<1x1000x128xf32> to vector<1000x128xf32>
    %slice3A_9 = vector.extract_strided_slice %get3A_8 {offsets = [0, 0], sizes = [1000, 1], strides = [1, 1]} : vector<1000x128xf32> to vector<1000x1xf32>
    %add3A = arith.addf %slice3A, %slice3A_9 : vector<1000x1xf32>
    %add3A_10 = arith.constant 1.000000e+00 : f32
    %add3A_11 = vector.broadcast %add3A_10 : f32 to vector<1000x1xf32>
    %add3A_12 = arith.addf %add3A, %add3A_11 : vector<1000x1xf32>
    %rsqrt3A = math.rsqrt %add3A_12 : vector<1000x1xf32>
    %swap3A = arith.constant 0 : index
    %swap3A_13 = arith.constant 0 : index
    %swap3A_14 = vector.load %arg7[%swap3A, %swap3A_13] : memref<1000x1xf32, #tpu.memory_space<vmem>>, vector<1000x1xf32>
    tpu.vector_store %arg7[%swap3A, %swap3A_13], %rsqrt3A {strides = array<i32>} : memref<1000x1xf32, #tpu.memory_space<vmem>>, vector<1000x1xf32>,
    %get3A_15 = arith.constant 0 : index
    %get3A_16 = arith.constant 0 : index
    %get3A_17 = vector.load %arg3[%get3A_15, %get3A_16] : memref<1000x1xi32, #tpu.memory_space<vmem>>, vector<1000x1xi32>
    %iota3A = tpu.iota {dimensions = array<i32: 1>} : vector<1000x120xi32>
    %eq3A = vector.broadcast %get3A_17 : vector<1000x1xi32> to vector<1000x120xi32>
    %eq3A_18 = arith.cmpi eq, %eq3A, %iota3A : vector<1000x120xi32>
    %convert_element_type3A = arith.extui %eq3A_18 : vector<1000x120xi1> to vector<1000x120xi32>
    %convert_element_type3A_19 = arith.sitofp %convert_element_type3A : vector<1000x120xi32> to vector<1000x120xf32>
    %get3A_20 = arith.constant 0 : index
    %get3A_21 = arith.constant 0 : index
    %get3A_22 = vector.load %arg4[%get3A_20, %get3A_21] : memref<120x4xf32, #tpu.memory_space<vmem>>, vector<120x4xf32>
    %dot_general3A = arith.constant dense<0.000000e+00> : vector<1000x4xf32>
    %dot_general3A_23 = tpu.matmul %convert_element_type3A_19, %get3A_22, %dot_general3A {dimension_numbers = #tpu.dot_dimension_numbers<[1], [0], [0], [1], [0, 0, 1, 1], [], []>, transpose_lhs_hint = false} : vector<1000x120xf32>, vector<120x4xf32>, vector<1000x4xf32> -> vector<1000x4xf32>
    %get3A_24 = arith.constant 0 : index
    %get3A_25 = arith.constant 0 : index
    %get3A_26 = vector.load %arg2[%get3A_24, %get3A_25] : memref<1000x140xf32, #tpu.memory_space<vmem>>, vector<1000x140xf32>
    %concatenate3A = tpu.concatenate %get3A_26, %dot_general3A_23 in 1 : vector<1000x140xf32>, vector<1000x4xf32> -> vector<1000x144xf32>
    %get3A_27 = arith.constant 0 : index
    %get3A_28 = arith.constant 0 : index
    %get3A_29 = vector.load %arg5[%get3A_27, %get3A_28] : memref<144x512xf32, #tpu.memory_space<vmem>>, vector<144x512xf32>
    %dot_general3A_30 = arith.constant dense<0.000000e+00> : vector<1000x512xf32>
    %dot_general3A_31 = tpu.matmul %concatenate3A, %get3A_29, %dot_general3A_30 {dimension_numbers = #tpu.dot_dimension_numbers<[1], [0], [0], [1], [0, 0, 1, 1], [], []>, transpose_lhs_hint = false} : vector<1000x144xf32>, vector<144x512xf32>, vector<1000x512xf32> -> vector<1000x512xf32>
    %mul3A = vector.broadcast %rsqrt3A : vector<1000x1xf32> to vector<1000x512xf32>
    %mul3A_32 = arith.mulf %dot_general3A_31, %mul3A : vector<1000x512xf32>
    %slice3A_33 = vector.extract_strided_slice %mul3A_32 {offsets = [0, 0], sizes = [1000, 128], strides = [1, 1]} : vector<1000x512xf32> to vector<1000x128xf32>
    %swap3A_34 = arith.constant 0 : index
    %swap3A_35 = arith.constant 0 : index
    %swap3A_36 = arith.constant 0 : index
    %swap3A_37 = vector.load %arg6[%swap3A_34, %swap3A_35, %swap3A_36] : memref<4x1000x128xf32, #tpu.memory_space<vmem>>, vector<1x1000x128xf32>
    %swap3A_38 = vector.shape_cast %swap3A_37 : vector<1x1000x128xf32> to vector<1000x128xf32>
    %swap3A_39 = vector.shape_cast %slice3A_33 : vector<1000x128xf32> to vector<1x1000x128xf32>
    tpu.vector_store %arg6[%swap3A_34, %swap3A_35, %swap3A_36], %swap3A_39 {strides = array<i32>} : memref<4x1000x128xf32, #tpu.memory_space<vmem>>, vector<1x1000x128xf32>,
    %slice3A_40 = vector.extract_strided_slice %mul3A_32 {offsets = [0, 128], sizes = [1000, 128], strides = [1, 1]} : vector<1000x512xf32> to vector<1000x128xf32>
    %swap3A_41 = arith.constant 1 : index
    %swap3A_42 = arith.constant 0 : index
    %swap3A_43 = arith.constant 0 : index
    %swap3A_44 = vector.load %arg6[%swap3A_41, %swap3A_42, %swap3A_43] : memref<4x1000x128xf32, #tpu.memory_space<vmem>>, vector<1x1000x128xf32>
    %swap3A_45 = vector.shape_cast %swap3A_44 : vector<1x1000x128xf32> to vector<1000x128xf32>
    %swap3A_46 = vector.shape_cast %slice3A_40 : vector<1000x128xf32> to vector<1x1000x128xf32>
    tpu.vector_store %arg6[%swap3A_41, %swap3A_42, %swap3A_43], %swap3A_46 {strides = array<i32>} : memref<4x1000x128xf32, #tpu.memory_space<vmem>>, vector<1x1000x128xf32>,
    %slice3A_47 = vector.extract_strided_slice %mul3A_32 {offsets = [0, 256], sizes = [1000, 128], strides = [1, 1]} : vector<1000x512xf32> to vector<1000x128xf32>
    %swap3A_48 = arith.constant 2 : index
    %swap3A_49 = arith.constant 0 : index
    %swap3A_50 = arith.constant 0 : index
    %swap3A_51 = vector.load %arg6[%swap3A_48, %swap3A_49, %swap3A_50] : memref<4x1000x128xf32, #tpu.memory_space<vmem>>, vector<1x1000x128xf32>
    %swap3A_52 = vector.shape_cast %swap3A_51 : vector<1x1000x128xf32> to vector<1000x128xf32>
    %swap3A_53 = vector.shape_cast %slice3A_47 : vector<1000x128xf32> to vector<1x1000x128xf32>
    tpu.vector_store %arg6[%swap3A_48, %swap3A_49, %swap3A_50], %swap3A_53 {strides = array<i32>} : memref<4x1000x128xf32, #tpu.memory_space<vmem>>, vector<1x1000x128xf32>,
    %slice3A_54 = vector.extract_strided_slice %mul3A_32 {offsets = [0, 384], sizes = [1000, 128], strides = [1, 1]} : vector<1000x512xf32> to vector<1000x128xf32>
    %swap3A_55 = arith.constant 3 : index
    %swap3A_56 = arith.constant 0 : index
    %swap3A_57 = arith.constant 0 : index
    %swap3A_58 = vector.load %arg6[%swap3A_55, %swap3A_56, %swap3A_57] : memref<4x1000x128xf32, #tpu.memory_space<vmem>>, vector<1x1000x128xf32>
    %swap3A_59 = vector.shape_cast %swap3A_58 : vector<1x1000x128xf32> to vector<1000x128xf32>
    %swap3A_60 = vector.shape_cast %slice3A_54 : vector<1000x128xf32> to vector<1x1000x128xf32>
    tpu.vector_store %arg6[%swap3A_55, %swap3A_56, %swap3A_57], %swap3A_60 {strides = array<i32>} : memref<4x1000x128xf32, #tpu.memory_space<vmem>>, vector<1x1000x128xf32>,
    return
  }
  func.func @transform_0(%arg0: i32) -> (i32, i32, i32) {
    %c0_i32 = arith.constant 0 : i32
    %c0_i32_0 = arith.constant 0 : i32
    %c0_i32_1 = arith.constant 0 : i32
    return %c0_i32, %arg0, %c0_i32_0 : i32, i32, i32
  }
  func.func @transform_1(%arg0: i32) -> (i32, i32) {
    %c0_i32 = arith.constant 0 : i32
    %c0_i32_0 = arith.constant 0 : i32
    return %arg0, %c0_i32 : i32, i32
  }
  func.func @transform_2(%arg0: i32) -> (i32, i32) {
    %c0_i32 = arith.constant 0 : i32
    %c0_i32_0 = arith.constant 0 : i32
    return %arg0, %c0_i32 : i32, i32
  }
  func.func @transform_3(%arg0: i32) -> (i32, i32) {
    %c0_i32 = arith.constant 0 : i32
    %c0_i32_0 = arith.constant 0 : i32
    %c0_i32_1 = arith.constant 0 : i32
    return %c0_i32, %c0_i32_0 : i32, i32
  }
  func.func @transform_4(%arg0: i32) -> (i32, i32) {
    %c0_i32 = arith.constant 0 : i32
    %c0_i32_0 = arith.constant 0 : i32
    %c0_i32_1 = arith.constant 0 : i32
    return %c0_i32, %c0_i32_0 : i32, i32
  }
  func.func @transform_5(%arg0: i32) -> (i32, i32, i32) {
    %c0_i32 = arith.constant 0 : i32
    %c0_i32_0 = arith.constant 0 : i32
    %c0_i32_1 = arith.constant 0 : i32
    return %c0_i32, %arg0, %c0_i32_0 : i32, i32, i32
  }
  func.func @transform_6(%arg0: i32) -> (i32, i32) {
    %c0_i32 = arith.constant 0 : i32
    %c0_i32_0 = arith.constant 0 : i32
    return %arg0, %c0_i32 : i32, i32
  }
}

module attributes {stable_mosaic.version = 14 : i64} {
  func.func @_mid_body(%arg0: i32, %arg1: memref<4x1000x128xf32, #tpu.memory_space<vmem>>, %arg2: memref<4x1000x128xf32, #tpu.memory_space<vmem>>, %arg3: memref<1000x1xf32, #tpu.memory_space<vmem>>, %arg4: memref<1x512xf32, #tpu.memory_space<vmem>>, %arg5: memref<512x512xf32, #tpu.memory_space<vmem>>, %arg6: memref<4x1000x128xf32, #tpu.memory_space<vmem>>) attributes {dimension_semantics = [#tpu.dimension_semantics<arbitrary>], iteration_bounds = array<i64: 10>, scalar_prefetch = 0 : i64, scratch_operands = 0 : i64, tpu.core_type = #tpu.core_type<tc>, window_params = [{transform_indices = @transform_0, window_bounds = array<i64: 4, 1000, 128>}, {transform_indices = @transform_1, window_bounds = array<i64: 4, 1000, 128>}, {transform_indices = @transform_2, window_bounds = array<i64: 1000, 1>}, {pipeline_mode = #tpu.pipeline_mode<synchronous>, transform_indices = @transform_3, window_bounds = array<i64: 1, 512>}, {pipeline_mode = #tpu.pipeline_mode<synchronous>, transform_indices = @transform_4, window_bounds = array<i64: 512, 512>}, {transform_indices = @transform_5, window_bounds = array<i64: 4, 1000, 128>}]} {
    %get3A = arith.constant 0 : index
    %get3A_0 = arith.constant 0 : index
    %get3A_1 = vector.load %arg3[%get3A, %get3A_0] : memref<1000x1xf32, #tpu.memory_space<vmem>>, vector<1000x1xf32>
    %get3A_2 = arith.constant 0 : index
    %get3A_3 = arith.constant 0 : index
    %get3A_4 = arith.constant 0 : index
    %get3A_5 = vector.load %arg1[%get3A_2, %get3A_3, %get3A_4] : memref<4x1000x128xf32, #tpu.memory_space<vmem>>, vector<1x1000x128xf32>
    %get3A_6 = vector.shape_cast %get3A_5 : vector<1x1000x128xf32> to vector<1000x128xf32>
    %get3A_7 = arith.constant 0 : index
    %get3A_8 = arith.constant 0 : index
    %get3A_9 = arith.constant 0 : index
    %get3A_10 = vector.load %arg2[%get3A_7, %get3A_8, %get3A_9] : memref<4x1000x128xf32, #tpu.memory_space<vmem>>, vector<1x1000x128xf32>
    %get3A_11 = vector.shape_cast %get3A_10 : vector<1x1000x128xf32> to vector<1000x128xf32>
    %add3A = arith.addf %get3A_6, %get3A_11 : vector<1000x128xf32>
    %get3A_12 = arith.constant 1 : index
    %get3A_13 = arith.constant 0 : index
    %get3A_14 = arith.constant 0 : index
    %get3A_15 = vector.load %arg1[%get3A_12, %get3A_13, %get3A_14] : memref<4x1000x128xf32, #tpu.memory_space<vmem>>, vector<1x1000x128xf32>
    %get3A_16 = vector.shape_cast %get3A_15 : vector<1x1000x128xf32> to vector<1000x128xf32>
    %get3A_17 = arith.constant 1 : index
    %get3A_18 = arith.constant 0 : index
    %get3A_19 = arith.constant 0 : index
    %get3A_20 = vector.load %arg2[%get3A_17, %get3A_18, %get3A_19] : memref<4x1000x128xf32, #tpu.memory_space<vmem>>, vector<1x1000x128xf32>
    %get3A_21 = vector.shape_cast %get3A_20 : vector<1x1000x128xf32> to vector<1000x128xf32>
    %add3A_22 = arith.addf %get3A_16, %get3A_21 : vector<1000x128xf32>
    %get3A_23 = arith.constant 2 : index
    %get3A_24 = arith.constant 0 : index
    %get3A_25 = arith.constant 0 : index
    %get3A_26 = vector.load %arg1[%get3A_23, %get3A_24, %get3A_25] : memref<4x1000x128xf32, #tpu.memory_space<vmem>>, vector<1x1000x128xf32>
    %get3A_27 = vector.shape_cast %get3A_26 : vector<1x1000x128xf32> to vector<1000x128xf32>
    %get3A_28 = arith.constant 2 : index
    %get3A_29 = arith.constant 0 : index
    %get3A_30 = arith.constant 0 : index
    %get3A_31 = vector.load %arg2[%get3A_28, %get3A_29, %get3A_30] : memref<4x1000x128xf32, #tpu.memory_space<vmem>>, vector<1x1000x128xf32>
    %get3A_32 = vector.shape_cast %get3A_31 : vector<1x1000x128xf32> to vector<1000x128xf32>
    %add3A_33 = arith.addf %get3A_27, %get3A_32 : vector<1000x128xf32>
    %get3A_34 = arith.constant 3 : index
    %get3A_35 = arith.constant 0 : index
    %get3A_36 = arith.constant 0 : index
    %get3A_37 = vector.load %arg1[%get3A_34, %get3A_35, %get3A_36] : memref<4x1000x128xf32, #tpu.memory_space<vmem>>, vector<1x1000x128xf32>
    %get3A_38 = vector.shape_cast %get3A_37 : vector<1x1000x128xf32> to vector<1000x128xf32>
    %get3A_39 = arith.constant 3 : index
    %get3A_40 = arith.constant 0 : index
    %get3A_41 = arith.constant 0 : index
    %get3A_42 = vector.load %arg2[%get3A_39, %get3A_40, %get3A_41] : memref<4x1000x128xf32, #tpu.memory_space<vmem>>, vector<1x1000x128xf32>
    %get3A_43 = vector.shape_cast %get3A_42 : vector<1x1000x128xf32> to vector<1000x128xf32>
    %add3A_44 = arith.addf %get3A_38, %get3A_43 : vector<1000x128xf32>
    %concatenate3A = tpu.concatenate %add3A, %add3A_22, %add3A_33, %add3A_44 in 1 : vector<1000x128xf32>, vector<1000x128xf32>, vector<1000x128xf32>, vector<1000x128xf32> -> vector<1000x512xf32>
    %mul3A = vector.broadcast %get3A_1 : vector<1000x1xf32> to vector<1000x512xf32>
    %mul3A_45 = arith.mulf %concatenate3A, %mul3A : vector<1000x512xf32>
    %get3A_46 = arith.constant 0 : index
    %get3A_47 = arith.constant 0 : index
    %get3A_48 = vector.load %arg4[%get3A_46, %get3A_47] : memref<1x512xf32, #tpu.memory_space<vmem>>, vector<1x512xf32>
    %add3A_49 = vector.broadcast %get3A_48 : vector<1x512xf32> to vector<1000x512xf32>
    %add3A_50 = arith.addf %mul3A_45, %add3A_49 : vector<1000x512xf32>
    %max3A = arith.constant 0.000000e+00 : f32
    %max3A_51 = vector.broadcast %max3A : f32 to vector<1000x512xf32>
    %max3A_52 = arith.maximumf %add3A_50, %max3A_51 : vector<1000x512xf32>
    %get3A_53 = arith.constant 0 : index
    %get3A_54 = arith.constant 0 : index
    %get3A_55 = vector.load %arg5[%get3A_53, %get3A_54] : memref<512x512xf32, #tpu.memory_space<vmem>>, vector<512x512xf32>
    %dot_general3A = arith.constant dense<0.000000e+00> : vector<1000x512xf32>
    %dot_general3A_56 = tpu.matmul %max3A_52, %get3A_55, %dot_general3A {dimension_numbers = #tpu.dot_dimension_numbers<[1], [0], [0], [1], [0, 0, 1, 1], [], []>, transpose_lhs_hint = false} : vector<1000x512xf32>, vector<512x512xf32>, vector<1000x512xf32> -> vector<1000x512xf32>
    %mul3A_57 = vector.broadcast %get3A_1 : vector<1000x1xf32> to vector<1000x512xf32>
    %mul3A_58 = arith.mulf %dot_general3A_56, %mul3A_57 : vector<1000x512xf32>
    %slice3A = vector.extract_strided_slice %mul3A_58 {offsets = [0, 0], sizes = [1000, 128], strides = [1, 1]} : vector<1000x512xf32> to vector<1000x128xf32>
    %swap3A = arith.constant 0 : index
    %swap3A_59 = arith.constant 0 : index
    %swap3A_60 = arith.constant 0 : index
    %swap3A_61 = vector.load %arg6[%swap3A, %swap3A_59, %swap3A_60] : memref<4x1000x128xf32, #tpu.memory_space<vmem>>, vector<1x1000x128xf32>
    %swap3A_62 = vector.shape_cast %swap3A_61 : vector<1x1000x128xf32> to vector<1000x128xf32>
    %swap3A_63 = vector.shape_cast %slice3A : vector<1000x128xf32> to vector<1x1000x128xf32>
    tpu.vector_store %arg6[%swap3A, %swap3A_59, %swap3A_60], %swap3A_63 {strides = array<i32>} : memref<4x1000x128xf32, #tpu.memory_space<vmem>>, vector<1x1000x128xf32>,
    %slice3A_64 = vector.extract_strided_slice %mul3A_58 {offsets = [0, 128], sizes = [1000, 128], strides = [1, 1]} : vector<1000x512xf32> to vector<1000x128xf32>
    %swap3A_65 = arith.constant 1 : index
    %swap3A_66 = arith.constant 0 : index
    %swap3A_67 = arith.constant 0 : index
    %swap3A_68 = vector.load %arg6[%swap3A_65, %swap3A_66, %swap3A_67] : memref<4x1000x128xf32, #tpu.memory_space<vmem>>, vector<1x1000x128xf32>
    %swap3A_69 = vector.shape_cast %swap3A_68 : vector<1x1000x128xf32> to vector<1000x128xf32>
    %swap3A_70 = vector.shape_cast %slice3A_64 : vector<1000x128xf32> to vector<1x1000x128xf32>
    tpu.vector_store %arg6[%swap3A_65, %swap3A_66, %swap3A_67], %swap3A_70 {strides = array<i32>} : memref<4x1000x128xf32, #tpu.memory_space<vmem>>, vector<1x1000x128xf32>,
    %slice3A_71 = vector.extract_strided_slice %mul3A_58 {offsets = [0, 256], sizes = [1000, 128], strides = [1, 1]} : vector<1000x512xf32> to vector<1000x128xf32>
    %swap3A_72 = arith.constant 2 : index
    %swap3A_73 = arith.constant 0 : index
    %swap3A_74 = arith.constant 0 : index
    %swap3A_75 = vector.load %arg6[%swap3A_72, %swap3A_73, %swap3A_74] : memref<4x1000x128xf32, #tpu.memory_space<vmem>>, vector<1x1000x128xf32>
    %swap3A_76 = vector.shape_cast %swap3A_75 : vector<1x1000x128xf32> to vector<1000x128xf32>
    %swap3A_77 = vector.shape_cast %slice3A_71 : vector<1000x128xf32> to vector<1x1000x128xf32>
    tpu.vector_store %arg6[%swap3A_72, %swap3A_73, %swap3A_74], %swap3A_77 {strides = array<i32>} : memref<4x1000x128xf32, #tpu.memory_space<vmem>>, vector<1x1000x128xf32>,
    %slice3A_78 = vector.extract_strided_slice %mul3A_58 {offsets = [0, 384], sizes = [1000, 128], strides = [1, 1]} : vector<1000x512xf32> to vector<1000x128xf32>
    %swap3A_79 = arith.constant 3 : index
    %swap3A_80 = arith.constant 0 : index
    %swap3A_81 = arith.constant 0 : index
    %swap3A_82 = vector.load %arg6[%swap3A_79, %swap3A_80, %swap3A_81] : memref<4x1000x128xf32, #tpu.memory_space<vmem>>, vector<1x1000x128xf32>
    %swap3A_83 = vector.shape_cast %swap3A_82 : vector<1x1000x128xf32> to vector<1000x128xf32>
    %swap3A_84 = vector.shape_cast %slice3A_78 : vector<1000x128xf32> to vector<1x1000x128xf32>
    tpu.vector_store %arg6[%swap3A_79, %swap3A_80, %swap3A_81], %swap3A_84 {strides = array<i32>} : memref<4x1000x128xf32, #tpu.memory_space<vmem>>, vector<1x1000x128xf32>,
    return
  }
  func.func @transform_0(%arg0: i32) -> (i32, i32, i32) {
    %c0_i32 = arith.constant 0 : i32
    %c0_i32_0 = arith.constant 0 : i32
    %c0_i32_1 = arith.constant 0 : i32
    return %c0_i32, %arg0, %c0_i32_0 : i32, i32, i32
  }
  func.func @transform_1(%arg0: i32) -> (i32, i32, i32) {
    %c0_i32 = arith.constant 0 : i32
    %c0_i32_0 = arith.constant 0 : i32
    %c0_i32_1 = arith.constant 0 : i32
    return %c0_i32, %arg0, %c0_i32_0 : i32, i32, i32
  }
  func.func @transform_2(%arg0: i32) -> (i32, i32) {
    %c0_i32 = arith.constant 0 : i32
    %c0_i32_0 = arith.constant 0 : i32
    return %arg0, %c0_i32 : i32, i32
  }
  func.func @transform_3(%arg0: i32) -> (i32, i32) {
    %c0_i32 = arith.constant 0 : i32
    %c0_i32_0 = arith.constant 0 : i32
    %c0_i32_1 = arith.constant 0 : i32
    return %c0_i32, %c0_i32_0 : i32, i32
  }
  func.func @transform_4(%arg0: i32) -> (i32, i32) {
    %c0_i32 = arith.constant 0 : i32
    %c0_i32_0 = arith.constant 0 : i32
    %c0_i32_1 = arith.constant 0 : i32
    return %c0_i32, %c0_i32_0 : i32, i32
  }
  func.func @transform_5(%arg0: i32) -> (i32, i32, i32) {
    %c0_i32 = arith.constant 0 : i32
    %c0_i32_0 = arith.constant 0 : i32
    %c0_i32_1 = arith.constant 0 : i32
    return %c0_i32, %arg0, %c0_i32_0 : i32, i32, i32
  }
}

module attributes {stable_mosaic.version = 14 : i64} {
  func.func @_fin_body(%arg0: i32, %arg1: memref<4x1000x128xf32, #tpu.memory_space<vmem>>, %arg2: memref<4x1000x128xf32, #tpu.memory_space<vmem>>, %arg3: memref<1000x1xf32, #tpu.memory_space<vmem>>, %arg4: memref<1x512xf32, #tpu.memory_space<vmem>>, %arg5: memref<1024x24xf32, #tpu.memory_space<vmem>>, %arg6: memref<536x64xf32, #tpu.memory_space<vmem>>, %arg7: memref<1x64xf32, #tpu.memory_space<vmem>>, %arg8: memref<64x64xf32, #tpu.memory_space<vmem>>, %arg9: memref<1x64xf32, #tpu.memory_space<vmem>>, %arg10: memref<64x1xf32, #tpu.memory_space<vmem>>, %arg11: memref<1x1xf32, #tpu.memory_space<vmem>>, %arg12: memref<1024x1xf32, #tpu.memory_space<vmem>>, %arg13: memref<1x512xf32, #tpu.memory_space<vmem>>) attributes {dimension_semantics = [#tpu.dimension_semantics<arbitrary>], iteration_bounds = array<i64: 10>, scalar_prefetch = 0 : i64, scratch_operands = 1 : i64, tpu.core_type = #tpu.core_type<tc>, window_params = [{transform_indices = @transform_0, window_bounds = array<i64: 4, 1000, 128>}, {transform_indices = @transform_1, window_bounds = array<i64: 4, 1000, 128>}, {transform_indices = @transform_2, window_bounds = array<i64: 1000, 1>}, {pipeline_mode = #tpu.pipeline_mode<synchronous>, transform_indices = @transform_3, window_bounds = array<i64: 1, 512>}, {pipeline_mode = #tpu.pipeline_mode<synchronous>, transform_indices = @transform_4, window_bounds = array<i64: 1024, 24>}, {pipeline_mode = #tpu.pipeline_mode<synchronous>, transform_indices = @transform_5, window_bounds = array<i64: 536, 64>}, {pipeline_mode = #tpu.pipeline_mode<synchronous>, transform_indices = @transform_6, window_bounds = array<i64: 1, 64>}, {pipeline_mode = #tpu.pipeline_mode<synchronous>, transform_indices = @transform_7, window_bounds = array<i64: 64, 64>}, {pipeline_mode = #tpu.pipeline_mode<synchronous>, transform_indices = @transform_8, window_bounds = array<i64: 1, 64>}, {pipeline_mode = #tpu.pipeline_mode<synchronous>, transform_indices = @transform_9, window_bounds = array<i64: 64, 1>}, {pipeline_mode = #tpu.pipeline_mode<synchronous>, transform_indices = @transform_10, window_bounds = array<i64: 1, 1>}, {pipeline_mode = #tpu.pipeline_mode<synchronous>, transform_indices = @transform_11, window_bounds = array<i64: 1024, 1>}]} {
    %eq3A = arith.constant 0 : i32
    %eq3A_0 = arith.cmpi eq, %arg0, %eq3A : i32
    %convert_element_type3A = arith.extui %eq3A_0 : i1 to i32
    %cond3A = arith.constant 0 : i32
    %cond3A_1 = arith.cmpi ne, %convert_element_type3A, %cond3A : i32
    scf.if %cond3A_1 {
      %broadcast_in_dim3A_67 = arith.constant 0.000000e+00 : f32
      %broadcast_in_dim3A_68 = vector.broadcast %broadcast_in_dim3A_67 : f32 to vector<1x512xf32>
      %swap3A_69 = arith.constant 0 : index
      %swap3A_70 = arith.constant 0 : index
      %swap3A_71 = vector.load %arg13[%swap3A_69, %swap3A_70] : memref<1x512xf32, #tpu.memory_space<vmem>>, vector<1x512xf32>
      tpu.vector_store %arg13[%swap3A_69, %swap3A_70], %broadcast_in_dim3A_68 {strides = array<i32>} : memref<1x512xf32, #tpu.memory_space<vmem>>, vector<1x512xf32>,
    } else {
    }
    %get3A = arith.constant 0 : index
    %get3A_2 = arith.constant 0 : index
    %get3A_3 = arith.constant 0 : index
    %get3A_4 = vector.load %arg1[%get3A, %get3A_2, %get3A_3] : memref<4x1000x128xf32, #tpu.memory_space<vmem>>, vector<1x1000x128xf32>
    %get3A_5 = vector.shape_cast %get3A_4 : vector<1x1000x128xf32> to vector<1000x128xf32>
    %get3A_6 = arith.constant 0 : index
    %get3A_7 = arith.constant 0 : index
    %get3A_8 = arith.constant 0 : index
    %get3A_9 = vector.load %arg2[%get3A_6, %get3A_7, %get3A_8] : memref<4x1000x128xf32, #tpu.memory_space<vmem>>, vector<1x1000x128xf32>
    %get3A_10 = vector.shape_cast %get3A_9 : vector<1x1000x128xf32> to vector<1000x128xf32>
    %add3A = arith.addf %get3A_5, %get3A_10 : vector<1000x128xf32>
    %get3A_11 = arith.constant 1 : index
    %get3A_12 = arith.constant 0 : index
    %get3A_13 = arith.constant 0 : index
    %get3A_14 = vector.load %arg1[%get3A_11, %get3A_12, %get3A_13] : memref<4x1000x128xf32, #tpu.memory_space<vmem>>, vector<1x1000x128xf32>
    %get3A_15 = vector.shape_cast %get3A_14 : vector<1x1000x128xf32> to vector<1000x128xf32>
    %get3A_16 = arith.constant 1 : index
    %get3A_17 = arith.constant 0 : index
    %get3A_18 = arith.constant 0 : index
    %get3A_19 = vector.load %arg2[%get3A_16, %get3A_17, %get3A_18] : memref<4x1000x128xf32, #tpu.memory_space<vmem>>, vector<1x1000x128xf32>
    %get3A_20 = vector.shape_cast %get3A_19 : vector<1x1000x128xf32> to vector<1000x128xf32>
    %add3A_21 = arith.addf %get3A_15, %get3A_20 : vector<1000x128xf32>
    %get3A_22 = arith.constant 2 : index
    %get3A_23 = arith.constant 0 : index
    %get3A_24 = arith.constant 0 : index
    %get3A_25 = vector.load %arg1[%get3A_22, %get3A_23, %get3A_24] : memref<4x1000x128xf32, #tpu.memory_space<vmem>>, vector<1x1000x128xf32>
    %get3A_26 = vector.shape_cast %get3A_25 : vector<1x1000x128xf32> to vector<1000x128xf32>
    %get3A_27 = arith.constant 2 : index
    %get3A_28 = arith.constant 0 : index
    %get3A_29 = arith.constant 0 : index
    %get3A_30 = vector.load %arg2[%get3A_27, %get3A_28, %get3A_29] : memref<4x1000x128xf32, #tpu.memory_space<vmem>>, vector<1x1000x128xf32>
    %get3A_31 = vector.shape_cast %get3A_30 : vector<1x1000x128xf32> to vector<1000x128xf32>
    %add3A_32 = arith.addf %get3A_26, %get3A_31 : vector<1000x128xf32>
    %get3A_33 = arith.constant 3 : index
    %get3A_34 = arith.constant 0 : index
    %get3A_35 = arith.constant 0 : index
    %get3A_36 = vector.load %arg1[%get3A_33, %get3A_34, %get3A_35] : memref<4x1000x128xf32, #tpu.memory_space<vmem>>, vector<1x1000x128xf32>
    %get3A_37 = vector.shape_cast %get3A_36 : vector<1x1000x128xf32> to vector<1000x128xf32>
    %get3A_38 = arith.constant 3 : index
    %get3A_39 = arith.constant 0 : index
    %get3A_40 = arith.constant 0 : index
    %get3A_41 = vector.load %arg2[%get3A_38, %get3A_39, %get3A_40] : memref<4x1000x128xf32, #tpu.memory_space<vmem>>, vector<1x1000x128xf32>
    %get3A_42 = vector.shape_cast %get3A_41 : vector<1x1000x128xf32> to vector<1000x128xf32>
    %add3A_43 = arith.addf %get3A_37, %get3A_42 : vector<1000x128xf32>
    %concatenate3A = tpu.concatenate %add3A, %add3A_21, %add3A_32, %add3A_43 in 1 : vector<1000x128xf32>, vector<1000x128xf32>, vector<1000x128xf32>, vector<1000x128xf32> -> vector<1000x512xf32>
    %get3A_44 = arith.constant 0 : index
    %get3A_45 = arith.constant 0 : index
    %get3A_46 = vector.load %arg3[%get3A_44, %get3A_45] : memref<1000x1xf32, #tpu.memory_space<vmem>>, vector<1000x1xf32>
    %mul3A = vector.broadcast %get3A_46 : vector<1000x1xf32> to vector<1000x512xf32>
    %mul3A_47 = arith.mulf %concatenate3A, %mul3A : vector<1000x512xf32>
    %get3A_48 = arith.constant 0 : index
    %get3A_49 = arith.constant 0 : index
    %get3A_50 = vector.load %arg4[%get3A_48, %get3A_49] : memref<1x512xf32, #tpu.memory_space<vmem>>, vector<1x512xf32>
    %add3A_51 = vector.broadcast %get3A_50 : vector<1x512xf32> to vector<1000x512xf32>
    %add3A_52 = arith.addf %mul3A_47, %add3A_51 : vector<1000x512xf32>
    %max3A = arith.constant 0.000000e+00 : f32
    %max3A_53 = vector.broadcast %max3A : f32 to vector<1000x512xf32>
    %max3A_54 = arith.maximumf %add3A_52, %max3A_53 : vector<1000x512xf32>
    %get3A_55 = arith.constant 0 : index
    %get3A_56 = arith.constant 0 : index
    %get3A_57 = vector.load %arg13[%get3A_55, %get3A_56] : memref<1x512xf32, #tpu.memory_space<vmem>>, vector<1x512xf32>
    %reduce_sum3A = arith.constant dense<0.000000e+00> : vector<512xf32>
    %reduce_sum3A_58 = vector.multi_reduction <add>, %max3A_54, %reduce_sum3A [0] : vector<1000x512xf32> to vector<512xf32>
    %broadcast_in_dim3A = vector.shape_cast %reduce_sum3A_58 : vector<512xf32> to vector<1x512xf32>
    %add3A_59 = arith.addf %get3A_57, %broadcast_in_dim3A : vector<1x512xf32>
    %swap3A = arith.constant 0 : index
    %swap3A_60 = arith.constant 0 : index
    %swap3A_61 = vector.load %arg13[%swap3A, %swap3A_60] : memref<1x512xf32, #tpu.memory_space<vmem>>, vector<1x512xf32>
    tpu.vector_store %arg13[%swap3A, %swap3A_60], %add3A_59 {strides = array<i32>} : memref<1x512xf32, #tpu.memory_space<vmem>>, vector<1x512xf32>,
    %eq3A_62 = arith.constant 9 : i32
    %eq3A_63 = arith.cmpi eq, %arg0, %eq3A_62 : i32
    %convert_element_type3A_64 = arith.extui %eq3A_63 : i1 to i32
    %cond3A_65 = arith.constant 0 : i32
    %cond3A_66 = arith.cmpi ne, %convert_element_type3A_64, %cond3A_65 : i32
    scf.if %cond3A_66 {
      %get3A_67 = arith.constant 0 : index
      %get3A_68 = arith.constant 0 : index
      %get3A_69 = vector.load %arg13[%get3A_67, %get3A_68] : memref<1x512xf32, #tpu.memory_space<vmem>>, vector<1x512xf32>
      %mul3A_70 = arith.constant 9.99999974E-5 : f32
      %mul3A_71 = vector.broadcast %mul3A_70 : f32 to vector<1x512xf32>
      %mul3A_72 = arith.mulf %get3A_69, %mul3A_71 : vector<1x512xf32>
      %get3A_73 = arith.constant 0 : index
      %get3A_74 = arith.constant 0 : index
      %get3A_75 = vector.load %arg5[%get3A_73, %get3A_74] : memref<1024x24xf32, #tpu.memory_space<vmem>>, vector<1024x24xf32>
      %get3A_76 = arith.constant 0 : index
      %get3A_77 = arith.constant 0 : index
      %get3A_78 = vector.load %arg6[%get3A_76, %get3A_77] : memref<536x64xf32, #tpu.memory_space<vmem>>, vector<24x64xf32>
      %dot_general3A = arith.constant dense<0.000000e+00> : vector<1024x64xf32>
      %dot_general3A_79 = tpu.matmul %get3A_75, %get3A_78, %dot_general3A {dimension_numbers = #tpu.dot_dimension_numbers<[1], [0], [0], [1], [0, 0, 1, 1], [], []>, transpose_lhs_hint = false} : vector<1024x24xf32>, vector<24x64xf32>, vector<1024x64xf32> -> vector<1024x64xf32>
      %get3A_80 = arith.constant 24 : index
      %get3A_81 = arith.constant 0 : index
      %get3A_82 = vector.load %arg6[%get3A_80, %get3A_81] : memref<536x64xf32, #tpu.memory_space<vmem>>, vector<512x64xf32>
      %dot_general3A_83 = arith.constant dense<0.000000e+00> : vector<1x64xf32>
      %dot_general3A_84 = tpu.matmul %mul3A_72, %get3A_82, %dot_general3A_83 {dimension_numbers = #tpu.dot_dimension_numbers<[1], [0], [0], [1], [0, 0, 1, 1], [], []>, transpose_lhs_hint = false} : vector<1x512xf32>, vector<512x64xf32>, vector<1x64xf32> -> vector<1x64xf32>
      %add3A_85 = vector.broadcast %dot_general3A_84 : vector<1x64xf32> to vector<1024x64xf32>
      %add3A_86 = arith.addf %dot_general3A_79, %add3A_85 : vector<1024x64xf32>
      %get3A_87 = arith.constant 0 : index
      %get3A_88 = arith.constant 0 : index
      %get3A_89 = vector.load %arg7[%get3A_87, %get3A_88] : memref<1x64xf32, #tpu.memory_space<vmem>>, vector<1x64xf32>
      %add3A_90 = vector.broadcast %get3A_89 : vector<1x64xf32> to vector<1024x64xf32>
      %add3A_91 = arith.addf %add3A_86, %add3A_90 : vector<1024x64xf32>
      %max3A_92 = arith.constant 0.000000e+00 : f32
      %max3A_93 = vector.broadcast %max3A_92 : f32 to vector<1024x64xf32>
      %max3A_94 = arith.maximumf %add3A_91, %max3A_93 : vector<1024x64xf32>
      %get3A_95 = arith.constant 0 : index
      %get3A_96 = arith.constant 0 : index
      %get3A_97 = vector.load %arg8[%get3A_95, %get3A_96] : memref<64x64xf32, #tpu.memory_space<vmem>>, vector<64x64xf32>
      %dot_general3A_98 = arith.constant dense<0.000000e+00> : vector<1024x64xf32>
      %dot_general3A_99 = tpu.matmul %max3A_94, %get3A_97, %dot_general3A_98 {dimension_numbers = #tpu.dot_dimension_numbers<[1], [0], [0], [1], [0, 0, 1, 1], [], []>, transpose_lhs_hint = false} : vector<1024x64xf32>, vector<64x64xf32>, vector<1024x64xf32> -> vector<1024x64xf32>
      %get3A_100 = arith.constant 0 : index
      %get3A_101 = arith.constant 0 : index
      %get3A_102 = vector.load %arg9[%get3A_100, %get3A_101] : memref<1x64xf32, #tpu.memory_space<vmem>>, vector<1x64xf32>
      %add3A_103 = vector.broadcast %get3A_102 : vector<1x64xf32> to vector<1024x64xf32>
      %add3A_104 = arith.addf %dot_general3A_99, %add3A_103 : vector<1024x64xf32>
      %max3A_105 = arith.constant 0.000000e+00 : f32
      %max3A_106 = vector.broadcast %max3A_105 : f32 to vector<1024x64xf32>
      %max3A_107 = arith.maximumf %add3A_104, %max3A_106 : vector<1024x64xf32>
      %get3A_108 = arith.constant 0 : index
      %get3A_109 = arith.constant 0 : index
      %get3A_110 = vector.load %arg10[%get3A_108, %get3A_109] : memref<64x1xf32, #tpu.memory_space<vmem>>, vector<64x1xf32>
      %dot_general3A_111 = arith.constant dense<0.000000e+00> : vector<1024x1xf32>
      %dot_general3A_112 = tpu.matmul %max3A_107, %get3A_110, %dot_general3A_111 {dimension_numbers = #tpu.dot_dimension_numbers<[1], [0], [0], [1], [0, 0, 1, 1], [], []>, transpose_lhs_hint = false} : vector<1024x64xf32>, vector<64x1xf32>, vector<1024x1xf32> -> vector<1024x1xf32>
      %get3A_113 = arith.constant 0 : index
      %get3A_114 = arith.constant 0 : index
      %get3A_115 = vector.load %arg11[%get3A_113, %get3A_114] : memref<1x1xf32, #tpu.memory_space<vmem>>, vector<1x1xf32>
      %add3A_116 = vector.broadcast %get3A_115 : vector<1x1xf32> to vector<1024x1xf32>
      %add3A_117 = arith.addf %dot_general3A_112, %add3A_116 : vector<1024x1xf32>
      %reduce_sum3A_118 = vector.shape_cast %add3A_117 : vector<1024x1xf32> to vector<1x1024x1xf32>
      %reduce_sum3A_119 = arith.constant dense<0.000000e+00> : vector<1xf32>
      %reduce_sum3A_120 = vector.multi_reduction <add>, %reduce_sum3A_118, %reduce_sum3A_119 [1, 2] : vector<1x1024x1xf32> to vector<1xf32>
      %reduce_sum3A_121 = vector.shape_cast %reduce_sum3A_120 : vector<1xf32> to vector<1x1x1xf32>
      %reduce_sum3A_122 = vector.extract %reduce_sum3A_121[0, 0, 0] : f32 from vector<1x1x1xf32>
      %div3A = arith.constant 1.024000e+03 : f32
      %div3A_123 = arith.divf %reduce_sum3A_122, %div3A : f32
      %sub3A = vector.broadcast %div3A_123 : f32 to vector<1024x1xf32>
      %sub3A_124 = arith.subf %add3A_117, %sub3A : vector<1024x1xf32>
      %mul3A_125 = arith.mulf %sub3A_124, %sub3A_124 : vector<1024x1xf32>
      %reduce_sum3A_126 = vector.shape_cast %mul3A_125 : vector<1024x1xf32> to vector<1x1024x1xf32>
      %reduce_sum3A_127 = arith.constant dense<0.000000e+00> : vector<1xf32>
      %reduce_sum3A_128 = vector.multi_reduction <add>, %reduce_sum3A_126, %reduce_sum3A_127 [1, 2] : vector<1x1024x1xf32> to vector<1xf32>
      %reduce_sum3A_129 = vector.shape_cast %reduce_sum3A_128 : vector<1xf32> to vector<1x1x1xf32>
      %reduce_sum3A_130 = vector.extract %reduce_sum3A_129[0, 0, 0] : f32 from vector<1x1x1xf32>
      %mul3A_131 = arith.constant 9.77517105E-4 : f32
      %mul3A_132 = arith.mulf %reduce_sum3A_130, %mul3A_131 : f32
      %sqrt3A = math.sqrt %mul3A_132 : f32
      %add3A_133 = arith.constant 9.99999974E-6 : f32
      %add3A_134 = arith.addf %sqrt3A, %add3A_133 : f32
      %div3A_135 = vector.broadcast %add3A_134 : f32 to vector<1024x1xf32>
      %div3A_136 = arith.divf %sub3A_124, %div3A_135 : vector<1024x1xf32>
      %swap3A_137 = arith.constant 0 : index
      %swap3A_138 = arith.constant 0 : index
      %swap3A_139 = vector.load %arg12[%swap3A_137, %swap3A_138] : memref<1024x1xf32, #tpu.memory_space<vmem>>, vector<1024x1xf32>
      tpu.vector_store %arg12[%swap3A_137, %swap3A_138], %div3A_136 {strides = array<i32>} : memref<1024x1xf32, #tpu.memory_space<vmem>>, vector<1024x1xf32>,
    } else {
    }
    return
  }
  func.func @transform_0(%arg0: i32) -> (i32, i32, i32) {
    %c0_i32 = arith.constant 0 : i32
    %c0_i32_0 = arith.constant 0 : i32
    %c0_i32_1 = arith.constant 0 : i32
    return %c0_i32, %arg0, %c0_i32_0 : i32, i32, i32
  }
  func.func @transform_1(%arg0: i32) -> (i32, i32, i32) {
    %c0_i32 = arith.constant 0 : i32
    %c0_i32_0 = arith.constant 0 : i32
    %c0_i32_1 = arith.constant 0 : i32
    return %c0_i32, %arg0, %c0_i32_0 : i32, i32, i32
  }
  func.func @transform_2(%arg0: i32) -> (i32, i32) {
    %c0_i32 = arith.constant 0 : i32
    %c0_i32_0 = arith.constant 0 : i32
    return %arg0, %c0_i32 : i32, i32
  }
  func.func @transform_3(%arg0: i32) -> (i32, i32) {
    %c0_i32 = arith.constant 0 : i32
    %c0_i32_0 = arith.constant 0 : i32
    %c0_i32_1 = arith.constant 0 : i32
    return %c0_i32, %c0_i32_0 : i32, i32
  }
  func.func @transform_4(%arg0: i32) -> (i32, i32) {
    %c0_i32 = arith.constant 0 : i32
    %c0_i32_0 = arith.constant 0 : i32
    %c0_i32_1 = arith.constant 0 : i32
    return %c0_i32, %c0_i32_0 : i32, i32
  }
  func.func @transform_5(%arg0: i32) -> (i32, i32) {
    %c0_i32 = arith.constant 0 : i32
    %c0_i32_0 = arith.constant 0 : i32
    %c0_i32_1 = arith.constant 0 : i32
    return %c0_i32, %c0_i32_0 : i32, i32
  }
  func.func @transform_6(%arg0: i32) -> (i32, i32) {
    %c0_i32 = arith.constant 0 : i32
    %c0_i32_0 = arith.constant 0 : i32
    %c0_i32_1 = arith.constant 0 : i32
    return %c0_i32, %c0_i32_0 : i32, i32
  }
  func.func @transform_7(%arg0: i32) -> (i32, i32) {
    %c0_i32 = arith.constant 0 : i32
    %c0_i32_0 = arith.constant 0 : i32
    %c0_i32_1 = arith.constant 0 : i32
    return %c0_i32, %c0_i32_0 : i32, i32
  }
  func.func @transform_8(%arg0: i32) -> (i32, i32) {
    %c0_i32 = arith.constant 0 : i32
    %c0_i32_0 = arith.constant 0 : i32
    %c0_i32_1 = arith.constant 0 : i32
    return %c0_i32, %c0_i32_0 : i32, i32
  }
  func.func @transform_9(%arg0: i32) -> (i32, i32) {
    %c0_i32 = arith.constant 0 : i32
    %c0_i32_0 = arith.constant 0 : i32
    %c0_i32_1 = arith.constant 0 : i32
    return %c0_i32, %c0_i32_0 : i32, i32
  }
  func.func @transform_10(%arg0: i32) -> (i32, i32) {
    %c0_i32 = arith.constant 0 : i32
    %c0_i32_0 = arith.constant 0 : i32
    %c0_i32_1 = arith.constant 0 : i32
    return %c0_i32, %c0_i32_0 : i32, i32
  }
  func.func @transform_11(%arg0: i32) -> (i32, i32) {
    %c0_i32 = arith.constant 0 : i32
    %c0_i32_0 = arith.constant 0 : i32
    %c0_i32_1 = arith.constant 0 : i32
    return %c0_i32, %c0_i32_0 : i32, i32
  }
}

</mosaic_0001>

<sc_bundles>
// kernel: kernel.10.cloned.1.call-start
scs
__scs_entry_jumppad:
0x0: {  	(pc) =	sbr.rel $0x88, $3  }
0x1: {  	(tag) =	ssettag $0x0;
	lr =	simm.s32 $0x1  }
0x2: {  	[smem:$0x3F90] =	sst lr;
	_ =	strace $0xD0000000  }
0x3: {  	_ = 	snop  }
0x4: {  	_ = 	snop  }
0x5: {  	_ = 	snop  }
0x6: {  	_ = 	snop  }
0x7: {  	_ = 	snop  }
__scs_overlays_trampoline_lowered:
0x8: {  	[smem:$0x3F9F] =	sst s0  }
0x9: {  	[smem:$0x3FA0] =	sst s1  }
0xa: {  	[smem:$0x3FA1] =	sst s2  }
0xb: {  	[smem:$0x3FA2] =	sst s3  }
0xc: {  	[smem:$0x3FA3] =	sst s4  }
0xd: {  	[smem:$0x3FA4] =	sst s5  }
0xe: {  	[smem:$0x3FA5] =	sst s6  }
0xf: {  	[smem:$0x3FA6] =	sst s7  }
0x10: {  	[smem:$0x3FA7] =	sst s8  }
0x11: {  	[smem:$0x3FA8] =	sst s9;
	s0 =	simm.s32 @!p0 $0x0  }
0x12: {  	s1 =	sld [smem:$0x3F8E];
	s0 =	simm.s32 @p0 $0x1  }
0x13: {  	[smem:$0x3FA9] =	sst s0;
	s0 =	simm.s32 @!p1 $0x0  }
0x14: {  	s2 =	sld [smem:$0x3F8D];
	s0 =	simm.s32 @p1 $0x1  }
0x15: {  	[smem:$0x3FAA] =	sst s0;
	s0 =	simm.s32 @!p2 $0x0  }
0x16: {  	s3 =	sld [smem:$0x3FDB];
	s0 =	simm.s32 @p2 $0x1  }
0x17: {  	s4 =	simm.s32 $0x1BF5;
	[smem:$0x3FAC] =	sst s0  }
0x18: {  	s0 =	sld [smem:$0x3F8F];
	_ =	swait.ge [sflag:s4], $0x0  }
0x19: {  	s7 =	sld [smem:$0x3F90]  }
0x1a: {  	s8 =	sadd.s32 $0xFFFFE003, lr  }
0x1b: {  	s9 =	sadd.s32 $0xFFFFFEF7, lr;
	s5 =	simm.s32 $0xFFFFFFFF;
	p2 =	slt.u32 s8, $0xFFFFF086  }
0x1c: {  	p1 =	slt.u32 s9, $0xF7A;
	s5 =	simm.s32 @!p2 $0x0  }
0x1d: {  	s5 =	simm.s32 @p1 $0x1;
	p0 =	seq.s32 s7, s2  }
0x1e: {  	s7 =	smul.u32 @!p0 $0xF7A, s2;
	p2 =	seq.s32 @!p0 s5, $0x0  }
0x1f: {  	s9 =	smul.u32 $0xF7A, s1;
	s8 =	simm.s32 @!p0 $0x1BF5;
	p2 =	por !p2, p0  }
0x20: {  	[sflag:s8] =	ssyncset.s32 @!p0 $0xFFFFF086;
	s6 =	sadd.s32 @!p0 s3, s7;
	s7 =	simm.s32 @!p0 $0x108  }
0x21: {  	s3 =	sadd.s32 s3, s9;
	s6 =	sadd.s32 @!p0 $0x88, s6;
	s7 =	simm.s32 @p2 $0x1082  }
0x22: {  	[simem:s7], [sflag:s8] =	dma.local @!p0 [hbm:s6], $0xF7A  }
0x23: {  	s9 =	sor.u32 $0xD0000000, s2;
	s6 =	simm.s32 $0x108;
	_ =	swait.ge @!p0 [sflag:s8], $0x0  }
0x24: {  	s3 =	sadd.s32 $0x88, s3;
	s6 =	simm.s32 @!p1 $0x1082;
	[sflag:s4] =	ssyncset.s32 $0xFFFFF086  }
0x25: {  	[simem:s6], [sflag:s4] =	dma.local [hbm:s3], $0xF7A  }
0x26: {  	[smem:$0x3F90] =	sst s1;
	(tag) =	ssettag s2;
	_ =	strace s9  }
0x27: {  	s1 =	sld [smem:$0x3FA0]  }
0x28: {  	s2 =	sld [smem:$0x3FA1]  }
0x29: {  	s4 =	sld [smem:$0x3FA3]  }
0x2a: {  	p0 =	seq.s32 s5, $0x0;
	s5 =	sld [smem:$0x3FA4]  }
0x2b: {  	s6 =	sld [smem:$0x3FA5]  }
0x2c: {  	s7 =	sld [smem:$0x3FA6]  }
0x2d: {  	s3 =	simm.s32 $0x108;
	s8 =	sld [smem:$0x3FA7]  }
0x2e: {  	s3 =	simm.s32 @!p0 $0x1082;
	s9 =	sld [smem:$0x3FA8]  }
0x2f: {  	lr =	sadd.s32 s0, s3;
	s0 =	sld [smem:$0x3F9F]  }
0x30: {  	s3 =	sld [smem:$0x3FA2]  }
0x31: {  	[smem:$0x3FAB] =	sst s10  }
0x32: {  	s10 =	sld [smem:$0x3FA9];
	_ =	sdelay $0x3  }
0x33: {  	p0 =	seq.s32 s10, $0x1;
	s10 =	sld [smem:$0x3FAB];
	_ =	sdelay $0x3  }
0x34: {  	[smem:$0x3FAB] =	sst s10  }
0x35: {  	s10 =	sld [smem:$0x3FAA];
	_ =	sdelay $0x3  }
0x36: {  	p1 =	seq.s32 s10, $0x1;
	s10 =	sld [smem:$0x3FAB];
	_ =	sdelay $0x3  }
0x37: {  	[smem:$0x3FAB] =	sst s10  }
0x38: {  	s10 =	sld [smem:$0x3FAC]  }
0x39: {  	_ = 	snop;
	(pc) =	sbr.ind lr, $3  }
0x3a: {  	_ = 	snop  }
0x3b: {  	_ = 	snop  }
0x3c: {  	p2 =	seq.s32 s10, $0x1;
	s10 =	sld [smem:$0x3FAB]  }
0x3d: {  	_ =	shalt  }
0x3e: {  	_ =	shalt  }
0x3f: {  	_ =	shalt  }
0x40: {  	_ =	shalt  }
0x41: {  	_ =	shalt  }
0x42: {  	_ =	shalt  }
0x43: {  	_ =	shalt  }
0x44: {  	_ =	shalt  }
0x45: {  	_ =	shalt  }
0x46: {  	_ =	shalt  }
0x47: {  	_ =	shalt  }
0x48: {  	_ =	shalt  }
0x49: {  	_ =	shalt  }
0x4a: {  	_ =	shalt  }
0x4b: {  	_ =	shalt  }
0x4c: {  	_ =	shalt  }
0x4d: {  	_ =	shalt  }
0x4e: {  	_ =	shalt  }
0x4f: {  	_ =	shalt  }
0x50: {  	_ =	shalt  }
0x51: {  	_ =	shalt  }
0x52: {  	_ =	shalt  }
0x53: {  	_ =	shalt  }
0x54: {  	_ =	shalt  }
0x55: {  	_ =	shalt  }
0x56: {  	_ =	shalt  }
0x57: {  	_ =	shalt  }
0x58: {  	_ =	shalt  }
0x59: {  	_ =	shalt  }
0x5a: {  	_ =	shalt  }
0x5b: {  	_ =	shalt  }
0x5c: {  	_ =	shalt  }
0x5d: {  	_ =	shalt  }
0x5e: {  	_ =	shalt  }
0x5f: {  	_ =	shalt  }
0x60: {  	_ =	shalt  }
0x61: {  	_ =	shalt  }
0x62: {  	_ =	shalt  }
0x63: {  	_ =	shalt  }
0x64: {  	_ =	shalt  }
0x65: {  	_ =	shalt  }
0x66: {  	_ =	shalt  }
0x67: {  	_ =	shalt  }
0x68: {  	_ =	shalt  }
0x69: {  	_ =	shalt  }
0x6a: {  	_ =	shalt  }
0x6b: {  	_ =	shalt  }
0x6c: {  	_ =	shalt  }
0x6d: {  	_ =	shalt  }
0x6e: {  	_ =	shalt  }
0x6f: {  	_ =	shalt  }
0x70: {  	_ =	shalt  }
0x71: {  	_ =	shalt  }
0x72: {  	_ =	shalt  }
0x73: {  	_ =	shalt  }
0x74: {  	_ =	shalt  }
0x75: {  	_ =	shalt  }
0x76: {  	_ =	shalt  }
0x77: {  	_ =	shalt  }
0x78: {  	_ =	shalt  }
0x79: {  	_ =	shalt  }
0x7a: {  	_ =	shalt  }
0x7b: {  	_ =	shalt  }
0x7c: {  	_ =	shalt  }
0x7d: {  	_ =	shalt  }
0x7e: {  	_ =	shalt  }
0x7f: {  	_ =	shalt  }
0x80: {  	_ =	shalt  }
0x81: {  	_ =	shalt  }
0x82: {  	_ =	shalt  }
0x83: {  	_ =	shalt  }
0x84: {  	_ =	shalt  }
0x85: {  	_ =	shalt  }
0x86: {  	_ =	shalt  }
0x87: {  	_ =	shalt  }
.Lfunc_end0:
.L_simem_size_0:
called_computation_lowered:
.L_overlay_start_0:
0x88: {  	s2 =	sld [smem:$0x3FD9]  }
0x89: {  	s3 =	sld [smem:$0x3FFE];
	_ =	sdelay $0x1  }
0x8a: {  	s1 =	srdreg.scid  }
0x8b: {  	s0 =	sand.u32 $0x1, s1  }
0x8c: {  	s16 =	sshll.u32 s0, $0xA;
	s2 =	sadd.s32 s3, s2  }
0x8d: {  	s2 =	sadd.s32 s2, s16  }
0x8e: {  	[smem:$0x3FB7] =	sst s2  }
0x8f: {  	_ = 	snop  }
0x90: {  	(tm) =	ssettm $0x1  }
0x91: {  	s17 =	sld [smem:$0x3FFB];
	_ =	sdelay $0x3  }
0x92: {  	_ =	strace s17  }
0x93: {  	s2 =	sld [smem:$0x3FFC];
	_ =	sdelay $0x3  }
0x94: {  	_ =	strace s2  }
0x95: {  	s2 =	sld [smem:$0x3FFD];
	_ =	sdelay $0x3  }
0x96: {  	_ =	strace s2  }
0x97: {  	_ =	strace $0x8FFFFFFF  }
0x98: {  	s18 =	sld [smem:$0x3FDB];
	_ =	sdelay $0x1  }
0x99: {  	s19 =	simm.s32 $_scs_section_size  }
0x9a: {  	s4 =	simm.s32 $_size__tile_overlayer_lowered;
	s5 =	simm.s32 $_tile_overlayer_lowered  }
0x9b: {  	s22 =	simm.s32 $0x1BFF;
	s21 =	sshll.u32 s5, $0x1;
	s2 =	sadd.s32 s19, s18  }
0x9c: {  	s6 =	simm.s32 $0x0;
	s20 =	sshll.u32 s4, $0x1;
	s4 =	sadd.s32 s21, s2  }
0x9d: {  	[timem:s6], [sflag:s22] =	dma.local [hbm:s4], s20  }
0x9e: {  	_ =	swait.ge [sflag:s22], s20  }
0x9f: {  	s3 =	ssub.s32 $0x0, s20;
	[sflag:s22] =	ssyncset.done $0x0  }
0xa0: {  	[sflag:s22] =	ssyncadd.s32 s3;
	_ =	sdelay $0x1  }
0xa1: {  	s23 =	simm.s32 $0x1B8B  }
0xa2: {  	_ =	swait.ge [sflag:s23], $0x1  }
0xa3: {  	[sflag:s23] =	ssyncset.done $0x0  }
0xa4: {  	s25 =	simm.s32 $0x1B8E;
	s24 =	sld [smem:$0x3FFE];
	[sflag:s23] =	ssyncadd.s32 $0xFFFFFFFF  }
0xa5: {  	s26 =	simm.s32 $execute0_lowered;
	[smem:$0x3FD2] =	sst s25  }
0xa6: {  	s4 =	sshll.u32 s26, $0x1;
	_ =	strace $0x80000046;
	[dreg:$0x1] =	wrdreg $0xFFFFFFFF  }
0xa7: {  	s28 =	simm.s32 $_size_execute0_lowered;
	s2 =	sadd.s32 s2, s4;
	[dreg:$0x0] =	wrdreg $0x0  }
0xa8: {  	s4 =	sshll.u32 s28, $0x1;
	[dreg:$0x2] =	wrdreg s2  }
0xa9: {  	[dreg:$0x3] =	wrdreg s4  }
0xaa: {  	[dreg:$0x4] =	wrdreg $0xC0  }
0xab: {  	_ =	task [dreg:s6], $0x5FFFF  }
0xac: {  	[dreg:$0x1] =	wrdreg $0xFFFFFFFF  }
0xad: {  	[dreg:$0x0] =	wrdreg $0x60  }
0xae: {  	[dreg:$0x2] =	wrdreg s24  }
0xaf: {  	[dreg:$0x3] =	wrdreg $0x40800  }
0xb0: {  	[dreg:$0x4] =	wrdreg $0x9  }
0xb1: {  	_ =	task.clear_ibuf [dreg:s6], $0x5FFFF;
	_ =	strace $0x90000046  }
0xb2: {  	s29 =	simm.s32 $0x9;
	_ =	strace $0x80000048  }
0xb3: {  	_ =	swait.ge [sflag:s29], $0x1  }
0xb4: {  	[sflag:s29] =	ssyncadd.s32 $0xFFFFFFFF  }
0xb5: {  	_ =	strace $0x90000048  }
0xb6: {  	_ =	sfence  }
0xb7: {  	s30 =	sld [smem:$0x0];
	_ =	sdelay $0x2  }
0xb8: {  	s31 =	sshll.u32 s1, $0xD;
	s1 =	sshrl.u32 s1, $0x2  }
0xb9: {  	s3 =	sand.u32 $0x4000, s31;
	s1 =	sadd.s32 s1, s30  }
0xba: {  	s0 =	sor.u32 s3, s0;
	s1 =	sshll.u32 s1, $0x11  }
0xbb: {  	s0 =	sor.u32 s1, s0  }
0xbc: {  	s0 =	sadd.s32 $0x8F2B, s0  }
0xbd: {  	[sflag:s0] =	ssyncadd.remote.s32 $0x1  }
0xbe: {  	_ =	sfence.sel $0xFFFF  }
0xbf: {  	[dreg:$0x0] =	wrdreg $0xFFFFFFFF;
	(pc) =	sbr.abs _section_cstart, $3  }
0xc0: {  	[dreg:$0x1] =	wrdreg $0xFFFFFFFF  }
0xc1: {  	_ =	task.clear_ibuf [dreg:s6], $0x2FFFF;
	_ =	strace $0x9FFFFFFF  }
0xc2: {  	(tm) =	ssettm $0x7FFFFFFF  }
0xc3: {  	_ =	shalt  }
tec
execute0_lowered:
.L_overlay_start_1:
0x0: {  	(tag) =	ssettag $0x1  }
0x1: {  	s0 =	srdreg.scid  }
0x2: {  	s6 =	rddreg [dreg:$0x0];
	s1 =	stileid.u32  }
0x3: {  	s2 =	rddreg [dreg:$0x1];
	s3 =	simm.s32 $0x0;
	s7 =	smul.u32 $0x4E000, s1  }
0x4: {  	s5 =	sand.u32 $0x1, s0;
	s0 =	rddreg [dreg:$0x2];
	s16 =	smul.u32 $0x2700, s1  }
0x5: {  	[smem:$0x7FF] =	sst s3;
	s4 =	smul.u32 $0x4E2, s5  }
0x6: {  	p0 =	slt.u32 s1, $0x2;
	s9 =	smul.u32 $0x27100, s5;
	s10 =	ssub.s32 $0x2, s5  }
0x7: {  	_ =	strace $0x80000047;
	s5 =	sadd.s32 $0x16600, s6;
	s11 =	sshrl.u32 s10, $0x1  }
0x8: {  	s7 =	sshrl.u32 s7, $0x2;
	s4 =	sadd.s32 s1, s4;
	s9 =	sadd.s32 s9, s6  }
0x9: {  	s10 =	ssub.s32 s10, s11;
	s13 =	sadd.s32 s7, s2;
	s11 =	sadd.s32 $0x124800, s2  }
0xa: {  	s4 =	sshll.u32 s4, $0x4;
	s15 =	sadd.s32 $0x19600, s9;
	s7 =	smax.u32 s10, $0x1  }
0xb: {  	s8 =	sadd.s32 s4, s6;
	s4 =	sadd.s32 $0x18E00, s6;
	s6 =	simm.s32 $0x4F  }
0xc: {  	s9 =	simm.s32 $0x80;
	s6 =	simm.s32 @!p0 $0x4E;
	p0 =	seq.s32 s1, $0xF  }
0xd: {  	s10 =	simm.s32 $0x1;
	s8 =	sadd.s32 $0xC800, s8;
	s12 =	sshll.u32 @!p0 s1, $0x6  }
0xe: {  	s11 =	sshrl.u32 @p0 s11, $0x3;
	s13 =	sshrl.u32 @!p0 s13, $0x3;
	s14 =	sadd.s32 @p0 $0x24900, s15  }
0xf: {  	s15 =	sadd.s32 @!p0 s16, s15;
	s16 =	simm.s32 $0x0;
	s12 =	sor.u32 @!p0 $0x1C01, s12  }
.LBB2_1:
0x10: {  	[tilespmem:s9], [sflag:$0x1] =	stream.linear.gather [hbm4b:s4+s3], $0x4000, $0x38;
	[tilespmem:$0x17900] =	vst v63  }
0x11: {  	_ =	swait.ge [sflag:s10], $0x4000  }
0x12: {  	[sflag:s10] =	ssyncset.done $0x0  }
0x13: {  	s19 =	simm.s32 @p0 $0x1FC1;
	s18 =	simm.s32 @p0 $0x1;
	[sflag:s10] =	ssyncadd.s32 $0xFFFFC000  }
0x14: {  	[spmem:s11], [sflag:s19] =	dma.local @p0 [hbm:s5], $0x2800  }
0x15: {  	_ =	swait.ge @p0 [sflag:s18], $0x2800  }
0x16: {  	[sflag:s18] =	ssyncset.done @p0 $0x0  }
0x17: {  	s17 =	simm.s32 @!p0 $0x1;
	[sflag:s18] =	ssyncadd.s32 @p0 $0xFFFFD800  }
0x18: {  	[spmem:s13], [sflag:s12] =	dma.local @!p0 [hbm:s5], $0x2700  }
0x19: {  	_ =	swait.ge @!p0 [sflag:s17], $0x2700  }
0x1a: {  	[sflag:s17] =	ssyncset.done @!p0 $0x0  }
0x1b: {  	[sflag:s17] =	ssyncadd.s32 @!p0 $0xFFFFD900  }
0x1c: {  	[bflag:$0x0] =	sbarrier.arrive $0xFFFF  }
0x1d: {  	[tilespmem:s3], [sflag:$0x1] =	stream.linear.gather [hbm4b:s8+s3], $0x80, $0x38;
	[tilespmem:$0x17900] =	vst v63  }
0x1e: {  	p1 =	sne.s32 s6, $0x1;
	_ =	swait.ge [sflag:s10], $0x80  }
.Ltmp0:
0x1f: {  	[sflag:s10] =	ssyncset.done $0x0;
	(pc) =	sbr.rel @!p1 .LBB2_3-.Ltmp0, $4  }
0x20: {  	[sflag:s10] =	ssyncadd.s32 $0xFFFFFF80  }
0x21: {  	[spmem:s2] =	stream.indirect.scatter.add.f32 [tilespmem:s9], [sflag:$0x1], $0x80, s3, s9, $0xb8;
	[tilespmem:$0x17900] =	vst v63  }
0x22: {  	_ =	swait.ge [sflag:s10], $0x4000  }
0x23: {  	s20 =	sadd.s32 $0xFFFFFFFF, s6;
	s21 =	smov.u32 s8;
	[sflag:s10] =	ssyncset.done $0x0  }
.LBB2_2:
0x24: {  	p1 =	sne.s32 s20, $0x1;
	[sflag:s10] =	ssyncadd.s32 $0xFFFFC000;
	s21 =	sadd.s32 $0x100, s21  }
0x25: {  	[tilespmem:s3], [sflag:$0x1] =	stream.linear.gather [hbm4b:s21+s3], $0x80, $0x38;
	[tilespmem:$0x17900] =	vst v63  }
0x26: {  	s20 =	sadd.s32 $0xFFFFFFFF, s20;
	_ =	swait.ge [sflag:s10], $0x80  }
.Ltmp1:
0x27: {  	[sflag:s10] =	ssyncset.done $0x0;
	(pc) =	sbr.rel @p1 .LBB2_2-.Ltmp1, $4  }
0x28: {  	[sflag:s10] =	ssyncadd.s32 $0xFFFFFF80  }
0x29: {  	[spmem:s2] =	stream.indirect.scatter.add.f32 [tilespmem:s9], [sflag:$0x1], $0x80, s3, s9, $0xb8;
	[tilespmem:$0x17900] =	vst v63  }
0x2a: {  	_ =	swait.ge [sflag:s10], $0x4000  }
0x2b: {  	[sflag:s10] =	ssyncset.done $0x0  }
.LBB2_3:
0x2c: {  	[sflag:s10] =	ssyncadd.s32 $0xFFFFC000  }
0x2d: {  	[bflag:$0x0] =	sbarrier.arrive $0xFFFF  }
0x2e: {  	[hbm:s14], [sflag:s19] =	dma.local @p0 [spmem:s11], $0x2800  }
0x2f: {  	s16 =	sadd.s32 $0x1, s16;
	_ =	swait.ge @p0 [sflag:s18], $0x2800  }
0x30: {  	p1 =	sne.s32 s16, s7;
	[sflag:s18] =	ssyncset.done @p0 $0x0  }
.Ltmp2:
0x31: {  	[sflag:s18] =	ssyncadd.s32 @p0 $0xFFFFD800;
	(pc) =	sbr.rel @p1 .LBB2_1-.Ltmp2, $4  }
0x32: {  	[hbm:s15], [sflag:s12] =	dma.local @!p0 [spmem:s13], $0x2700  }
0x33: {  	_ =	swait.ge @!p0 [sflag:s17], $0x2700  }
0x34: {  	[sflag:s17] =	ssyncset.done @!p0 $0x0  }
0x35: {  	[sflag:s17] =	ssyncadd.s32 @!p0 $0xFFFFD900  }
0x36: {  	_ =	sfence.sel $0x180000  }
0x37: {  	[bflag:$0x0] =	sbarrier.arrive $0xFFFF  }
0x38: {  	p0 =	sne.s32 s1, $0x0;
	_ =	strace $0x90000047  }
0x39: {  	s0 =	sadd.s32 @!p0 $0x100000, s0;
	[bflag:$0x2] =	sbarrier.arrive $0xFFFF  }
0x3a: {  	[sflag:s0] =	ssyncadd.tile.s32 @!p0 $0x1;
	_ =	shalt  }
.Lfunc_end2:
_tile_overlayer_lowered:
.L_overlay_start_2:
0x3b: {  	(tag) =	ssettag $0x2  }
0x3c: {  	s0 =	rddreg [dreg:$0x0];
	s2 =	stileid.u32  }
0x3d: {  	s1 =	rddreg [dreg:$0x1];
	p0 =	sne.s32 s2, $0x0  }
0x3e: {  	s3 =	rddreg [dreg:$0x2];
	[bflag:$0x3] =	sbarrier.arrive $0xFFFF;
	s2 =	simm.s32 @!p0 $0x1C01  }
0x3f: {  	[timem:s3], [sflag:s2] =	dma.local @!p0 [hbm:s0], s1  }
0x40: {  	s0 =	simm.s32 @!p0 $0x1  }
0x41: {  	_ =	swait.ge @!p0 [sflag:s0], s1  }
0x42: {  	s1 =	ssub.s32 @!p0 $0x0, s1;
	[sflag:s0] =	ssyncset.done @!p0 $0x0  }
0x43: {  	[sflag:s0] =	ssyncadd.s32 @!p0 s1  }
0x44: {  	[bflag:$0x3] =	sbarrier.arrive $0xFFFF  }
0x45: {  	_ =	shalt  }

// kernel: kernel.13.cloned.1.call-start
scs
__scs_entry_jumppad:
0x0: {  	(pc) =	sbr.rel $0x88, $3  }
0x1: {  	(tag) =	ssettag $0x0;
	lr =	simm.s32 $0x1  }
0x2: {  	[smem:$0x3F90] =	sst lr;
	_ =	strace $0xD0000000  }
0x3: {  	_ = 	snop  }
0x4: {  	_ = 	snop  }
0x5: {  	_ = 	snop  }
0x6: {  	_ = 	snop  }
0x7: {  	_ = 	snop  }
__scs_overlays_trampoline_lowered:
0x8: {  	[smem:$0x3F9F] =	sst s0  }
0x9: {  	[smem:$0x3FA0] =	sst s1  }
0xa: {  	[smem:$0x3FA1] =	sst s2  }
0xb: {  	[smem:$0x3FA2] =	sst s3  }
0xc: {  	[smem:$0x3FA3] =	sst s4  }
0xd: {  	[smem:$0x3FA4] =	sst s5  }
0xe: {  	[smem:$0x3FA5] =	sst s6  }
0xf: {  	[smem:$0x3FA6] =	sst s7  }
0x10: {  	[smem:$0x3FA7] =	sst s8  }
0x11: {  	[smem:$0x3FA8] =	sst s9;
	s0 =	simm.s32 @!p0 $0x0  }
0x12: {  	s1 =	sld [smem:$0x3F8E];
	s0 =	simm.s32 @p0 $0x1  }
0x13: {  	[smem:$0x3FA9] =	sst s0;
	s0 =	simm.s32 @!p1 $0x0  }
0x14: {  	s2 =	sld [smem:$0x3F8D];
	s0 =	simm.s32 @p1 $0x1  }
0x15: {  	[smem:$0x3FAA] =	sst s0;
	s0 =	simm.s32 @!p2 $0x0  }
0x16: {  	s3 =	sld [smem:$0x3FDB];
	s0 =	simm.s32 @p2 $0x1  }
0x17: {  	s4 =	simm.s32 $0x1BF5;
	[smem:$0x3FAC] =	sst s0  }
0x18: {  	s0 =	sld [smem:$0x3F8F];
	_ =	swait.ge [sflag:s4], $0x0  }
0x19: {  	s7 =	sld [smem:$0x3F90]  }
0x1a: {  	s8 =	sadd.s32 $0xFFFFE003, lr  }
0x1b: {  	s9 =	sadd.s32 $0xFFFFFEF7, lr;
	s5 =	simm.s32 $0xFFFFFFFF;
	p2 =	slt.u32 s8, $0xFFFFF086  }
0x1c: {  	p1 =	slt.u32 s9, $0xF7A;
	s5 =	simm.s32 @!p2 $0x0  }
0x1d: {  	s5 =	simm.s32 @p1 $0x1;
	p0 =	seq.s32 s7, s2  }
0x1e: {  	s7 =	smul.u32 @!p0 $0xF7A, s2;
	p2 =	seq.s32 @!p0 s5, $0x0  }
0x1f: {  	s9 =	smul.u32 $0xF7A, s1;
	s8 =	simm.s32 @!p0 $0x1BF5;
	p2 =	por !p2, p0  }
0x20: {  	[sflag:s8] =	ssyncset.s32 @!p0 $0xFFFFF086;
	s6 =	sadd.s32 @!p0 s3, s7;
	s7 =	simm.s32 @!p0 $0x108  }
0x21: {  	s3 =	sadd.s32 s3, s9;
	s6 =	sadd.s32 @!p0 $0x88, s6;
	s7 =	simm.s32 @p2 $0x1082  }
0x22: {  	[simem:s7], [sflag:s8] =	dma.local @!p0 [hbm:s6], $0xF7A  }
0x23: {  	s9 =	sor.u32 $0xD0000000, s2;
	s6 =	simm.s32 $0x108;
	_ =	swait.ge @!p0 [sflag:s8], $0x0  }
0x24: {  	s3 =	sadd.s32 $0x88, s3;
	s6 =	simm.s32 @!p1 $0x1082;
	[sflag:s4] =	ssyncset.s32 $0xFFFFF086  }
0x25: {  	[simem:s6], [sflag:s4] =	dma.local [hbm:s3], $0xF7A  }
0x26: {  	[smem:$0x3F90] =	sst s1;
	(tag) =	ssettag s2;
	_ =	strace s9  }
0x27: {  	s1 =	sld [smem:$0x3FA0]  }
0x28: {  	s2 =	sld [smem:$0x3FA1]  }
0x29: {  	s4 =	sld [smem:$0x3FA3]  }
0x2a: {  	p0 =	seq.s32 s5, $0x0;
	s5 =	sld [smem:$0x3FA4]  }
0x2b: {  	s6 =	sld [smem:$0x3FA5]  }
0x2c: {  	s7 =	sld [smem:$0x3FA6]  }
0x2d: {  	s3 =	simm.s32 $0x108;
	s8 =	sld [smem:$0x3FA7]  }
0x2e: {  	s3 =	simm.s32 @!p0 $0x1082;
	s9 =	sld [smem:$0x3FA8]  }
0x2f: {  	lr =	sadd.s32 s0, s3;
	s0 =	sld [smem:$0x3F9F]  }
0x30: {  	s3 =	sld [smem:$0x3FA2]  }
0x31: {  	[smem:$0x3FAB] =	sst s10  }
0x32: {  	s10 =	sld [smem:$0x3FA9];
	_ =	sdelay $0x3  }
0x33: {  	p0 =	seq.s32 s10, $0x1;
	s10 =	sld [smem:$0x3FAB];
	_ =	sdelay $0x3  }
0x34: {  	[smem:$0x3FAB] =	sst s10  }
0x35: {  	s10 =	sld [smem:$0x3FAA];
	_ =	sdelay $0x3  }
0x36: {  	p1 =	seq.s32 s10, $0x1;
	s10 =	sld [smem:$0x3FAB];
	_ =	sdelay $0x3  }
0x37: {  	[smem:$0x3FAB] =	sst s10  }
0x38: {  	s10 =	sld [smem:$0x3FAC]  }
0x39: {  	_ = 	snop;
	(pc) =	sbr.ind lr, $3  }
0x3a: {  	_ = 	snop  }
0x3b: {  	_ = 	snop  }
0x3c: {  	p2 =	seq.s32 s10, $0x1;
	s10 =	sld [smem:$0x3FAB]  }
0x3d: {  	_ =	shalt  }
0x3e: {  	_ =	shalt  }
0x3f: {  	_ =	shalt  }
0x40: {  	_ =	shalt  }
0x41: {  	_ =	shalt  }
0x42: {  	_ =	shalt  }
0x43: {  	_ =	shalt  }
0x44: {  	_ =	shalt  }
0x45: {  	_ =	shalt  }
0x46: {  	_ =	shalt  }
0x47: {  	_ =	shalt  }
0x48: {  	_ =	shalt  }
0x49: {  	_ =	shalt  }
0x4a: {  	_ =	shalt  }
0x4b: {  	_ =	shalt  }
0x4c: {  	_ =	shalt  }
0x4d: {  	_ =	shalt  }
0x4e: {  	_ =	shalt  }
0x4f: {  	_ =	shalt  }
0x50: {  	_ =	shalt  }
0x51: {  	_ =	shalt  }
0x52: {  	_ =	shalt  }
0x53: {  	_ =	shalt  }
0x54: {  	_ =	shalt  }
0x55: {  	_ =	shalt  }
0x56: {  	_ =	shalt  }
0x57: {  	_ =	shalt  }
0x58: {  	_ =	shalt  }
0x59: {  	_ =	shalt  }
0x5a: {  	_ =	shalt  }
0x5b: {  	_ =	shalt  }
0x5c: {  	_ =	shalt  }
0x5d: {  	_ =	shalt  }
0x5e: {  	_ =	shalt  }
0x5f: {  	_ =	shalt  }
0x60: {  	_ =	shalt  }
0x61: {  	_ =	shalt  }
0x62: {  	_ =	shalt  }
0x63: {  	_ =	shalt  }
0x64: {  	_ =	shalt  }
0x65: {  	_ =	shalt  }
0x66: {  	_ =	shalt  }
0x67: {  	_ =	shalt  }
0x68: {  	_ =	shalt  }
0x69: {  	_ =	shalt  }
0x6a: {  	_ =	shalt  }
0x6b: {  	_ =	shalt  }
0x6c: {  	_ =	shalt  }
0x6d: {  	_ =	shalt  }
0x6e: {  	_ =	shalt  }
0x6f: {  	_ =	shalt  }
0x70: {  	_ =	shalt  }
0x71: {  	_ =	shalt  }
0x72: {  	_ =	shalt  }
0x73: {  	_ =	shalt  }
0x74: {  	_ =	shalt  }
0x75: {  	_ =	shalt  }
0x76: {  	_ =	shalt  }
0x77: {  	_ =	shalt  }
0x78: {  	_ =	shalt  }
0x79: {  	_ =	shalt  }
0x7a: {  	_ =	shalt  }
0x7b: {  	_ =	shalt  }
0x7c: {  	_ =	shalt  }
0x7d: {  	_ =	shalt  }
0x7e: {  	_ =	shalt  }
0x7f: {  	_ =	shalt  }
0x80: {  	_ =	shalt  }
0x81: {  	_ =	shalt  }
0x82: {  	_ =	shalt  }
0x83: {  	_ =	shalt  }
0x84: {  	_ =	shalt  }
0x85: {  	_ =	shalt  }
0x86: {  	_ =	shalt  }
0x87: {  	_ =	shalt  }
.Lfunc_end0:
.L_simem_size_0:
called_computation.1_lowered:
.L_overlay_start_0:
0x88: {  	s2 =	sld [smem:$0x3FD9]  }
0x89: {  	s3 =	sld [smem:$0x3FFE];
	_ =	sdelay $0x1  }
0x8a: {  	s1 =	srdreg.scid  }
0x8b: {  	s0 =	sand.u32 $0x1, s1  }
0x8c: {  	s16 =	sshll.u32 s0, $0xA;
	s2 =	sadd.s32 s3, s2  }
0x8d: {  	s2 =	sadd.s32 s2, s16  }
0x8e: {  	[smem:$0x3FB7] =	sst s2  }
0x8f: {  	_ = 	snop  }
0x90: {  	(tm) =	ssettm $0x1  }
0x91: {  	s17 =	sld [smem:$0x3FFB];
	_ =	sdelay $0x3  }
0x92: {  	_ =	strace s17  }
0x93: {  	s2 =	sld [smem:$0x3FFC];
	_ =	sdelay $0x3  }
0x94: {  	_ =	strace s2  }
0x95: {  	s2 =	sld [smem:$0x3FFD];
	_ =	sdelay $0x3  }
0x96: {  	_ =	strace s2  }
0x97: {  	_ =	strace $0x8FFFFFFF  }
0x98: {  	s18 =	sld [smem:$0x3FDB];
	_ =	sdelay $0x1  }
0x99: {  	s19 =	simm.s32 $_scs_section_size  }
0x9a: {  	s4 =	simm.s32 $_size__tile_overlayer_lowered;
	s5 =	simm.s32 $_tile_overlayer_lowered  }
0x9b: {  	s22 =	simm.s32 $0x1BFF;
	s21 =	sshll.u32 s5, $0x1;
	s2 =	sadd.s32 s19, s18  }
0x9c: {  	s6 =	simm.s32 $0x0;
	s20 =	sshll.u32 s4, $0x1;
	s4 =	sadd.s32 s21, s2  }
0x9d: {  	[timem:s6], [sflag:s22] =	dma.local [hbm:s4], s20  }
0x9e: {  	_ =	swait.ge [sflag:s22], s20  }
0x9f: {  	s3 =	ssub.s32 $0x0, s20;
	[sflag:s22] =	ssyncset.done $0x0  }
0xa0: {  	[sflag:s22] =	ssyncadd.s32 s3;
	_ =	sdelay $0x1  }
0xa1: {  	s23 =	simm.s32 $0x1B8B  }
0xa2: {  	_ =	swait.ge [sflag:s23], $0x1  }
0xa3: {  	[sflag:s23] =	ssyncset.done $0x0  }
0xa4: {  	s25 =	simm.s32 $0x1B8E;
	s24 =	sld [smem:$0x3FFE];
	[sflag:s23] =	ssyncadd.s32 $0xFFFFFFFF  }
0xa5: {  	s26 =	simm.s32 $execute0_lowered;
	[smem:$0x3FD2] =	sst s25  }
0xa6: {  	s4 =	sshll.u32 s26, $0x1;
	_ =	strace $0x80000049;
	[dreg:$0x1] =	wrdreg $0xFFFFFFFF  }
0xa7: {  	s28 =	simm.s32 $_size_execute0_lowered;
	s2 =	sadd.s32 s2, s4;
	[dreg:$0x0] =	wrdreg $0x0  }
0xa8: {  	s4 =	sshll.u32 s28, $0x1;
	[dreg:$0x2] =	wrdreg s2  }
0xa9: {  	[dreg:$0x3] =	wrdreg s4  }
0xaa: {  	[dreg:$0x4] =	wrdreg $0xC0  }
0xab: {  	_ =	task [dreg:s6], $0x5FFFF  }
0xac: {  	[dreg:$0x1] =	wrdreg $0xFFFFFFFF  }
0xad: {  	[dreg:$0x0] =	wrdreg $0x60  }
0xae: {  	[dreg:$0x2] =	wrdreg s24  }
0xaf: {  	[dreg:$0x3] =	wrdreg $0x41000  }
0xb0: {  	[dreg:$0x4] =	wrdreg $0x9  }
0xb1: {  	_ =	task.clear_ibuf [dreg:s6], $0x5FFFF;
	_ =	strace $0x90000049  }
0xb2: {  	s29 =	simm.s32 $0x9;
	_ =	strace $0x8000004B  }
0xb3: {  	_ =	swait.ge [sflag:s29], $0x1  }
0xb4: {  	[sflag:s29] =	ssyncadd.s32 $0xFFFFFFFF  }
0xb5: {  	_ =	strace $0x9000004B  }
0xb6: {  	_ =	sfence  }
0xb7: {  	s30 =	sld [smem:$0x0];
	_ =	sdelay $0x2  }
0xb8: {  	s31 =	sshll.u32 s1, $0xD;
	s1 =	sshrl.u32 s1, $0x2  }
0xb9: {  	s3 =	sand.u32 $0x4000, s31;
	s1 =	sadd.s32 s1, s30  }
0xba: {  	s0 =	sor.u32 s3, s0;
	s1 =	sshll.u32 s1, $0x11  }
0xbb: {  	s0 =	sor.u32 s1, s0  }
0xbc: {  	s0 =	sadd.s32 $0x8F2B, s0  }
0xbd: {  	[sflag:s0] =	ssyncadd.remote.s32 $0x1  }
0xbe: {  	_ =	sfence.sel $0xFFFF  }
0xbf: {  	[dreg:$0x0] =	wrdreg $0xFFFFFFFF;
	(pc) =	sbr.abs _section_cstart, $3  }
0xc0: {  	[dreg:$0x1] =	wrdreg $0xFFFFFFFF  }
0xc1: {  	_ =	task.clear_ibuf [dreg:s6], $0x2FFFF;
	_ =	strace $0x9FFFFFFF  }
0xc2: {  	(tm) =	ssettm $0x7FFFFFFF  }
0xc3: {  	_ =	shalt  }
tec
execute0_lowered:
.L_overlay_start_1:
0x0: {  	(tag) =	ssettag $0x1  }
0x1: {  	s5 =	rddreg [dreg:$0x0]  }
0x2: {  	s1 =	rddreg [dreg:$0x1]  }
0x3: {  	s0 =	rddreg [dreg:$0x2];
	s3 =	simm.s32 $0x0;
	s2 =	stileid.u32  }
0x4: {  	s4 =	srdreg.scid;
	s17 =	simm.s32 $0x2;
	s18 =	simm.s32 $0x80  }
0x5: {  	s19 =	simm.s32 $0x100;
	s20 =	simm.s32 $0x1;
	s21 =	simm.s32 $0x0  }
0x6: {  	[smem:$0x7FF] =	sst s3;
	s9 =	sadd.s32 $0xB5A00, s5;
	s6 =	sshll.u32 s2, $0x4  }
0x7: {  	s7 =	sand.u32 $0x1, s4;
	s8 =	smul.u32 $0x4E000, s2;
	s4 =	sadd.s32 $0x16600, s5  }
0x8: {  	s10 =	sadd.s32 $0x18E00, s5;
	p0 =	slt.u32 s2, $0x4;
	s14 =	sadd.s32 $0x124800, s1  }
0x9: {  	_ =	strace $0x8000004A;
	s13 =	sadd.s32 s6, s5;
	s29 =	ssub.s32 $0x2, s7  }
0xa: {  	s12 =	smul.u32 $0x4E200, s7;
	s5 =	simm.s32 $0x9D;
	s30 =	sshrl.u32 s29, $0x1  }
0xb: {  	s31 =	sshrl.u32 s8, $0x2;
	s5 =	simm.s32 @!p0 $0x9C;
	s8 =	smul.u32 $0x2700, s2  }
0xc: {  	p0 =	seq.s32 s2, $0xF;
	s11 =	ssub.s32 s29, s30;
	s16 =	sadd.s32 s31, s1  }
0xd: {  	s6 =	sadd.s32 s9, s12;
	s7 =	sadd.s32 s10, s12;
	s12 =	sadd.s32 $0x27100, s12  }
0xe: {  	s15 =	sshll.u32 @!p0 s2, $0x6;
	s14 =	sshrl.u32 @p0 s14, $0x3;
	s9 =	sadd.s32 s9, s12  }
0xf: {  	s10 =	sadd.s32 s10, s12;
	s11 =	smax.u32 s11, $0x1;
	s12 =	sadd.s32 $0xC800, s13  }
0x10: {  	s13 =	sadd.s32 $0x2A00, s13;
	s15 =	sor.u32 @!p0 $0x1C02, s15;
	s16 =	sshrl.u32 @!p0 s16, $0x3  }
.LBB2_1:
0x11: {  	s24 =	simm.s32 @p0 $0x1FC2;
	s23 =	simm.s32 @p0 $0x2  }
0x12: {  	[spmem:s14], [sflag:s24] =	dma.local @p0 [hbm:s4], $0x2800  }
0x13: {  	_ =	swait.ge @p0 [sflag:s23], $0x2800  }
0x14: {  	[sflag:s23] =	ssyncset.done @p0 $0x0  }
0x15: {  	s22 =	simm.s32 @!p0 $0x2;
	[sflag:s23] =	ssyncadd.s32 @p0 $0xFFFFD800  }
0x16: {  	[spmem:s16], [sflag:s15] =	dma.local @!p0 [hbm:s4], $0x2700  }
0x17: {  	_ =	swait.ge @!p0 [sflag:s22], $0x2700  }
0x18: {  	[sflag:s22] =	ssyncset.done @!p0 $0x0  }
0x19: {  	[sflag:s22] =	ssyncadd.s32 @!p0 $0xFFFFD900  }
0x1a: {  	[bflag:$0x0] =	sbarrier.arrive $0xFFFF  }
0x1b: {  	[tilespmem:s3], [sflag:$0x2] =	stream.linear.gather [hbm4b:s13+s3], $0x80, $0x38;
	[tilespmem:$0x17980] =	vst v63  }
0x1c: {  	_ =	swait.ge [sflag:s17], $0x80  }
0x1d: {  	[sflag:s17] =	ssyncset.done $0x0  }
0x1e: {  	[sflag:s17] =	ssyncadd.s32 $0xFFFFFF80  }
0x1f: {  	[tilespmem:s18], [sflag:$0x2] =	stream.linear.gather [hbm4b:s12+s3], $0x80, $0x38;
	[tilespmem:$0x17980] =	vst v63  }
0x20: {  	_ =	swait.ge [sflag:s17], $0x80  }
0x21: {  	[sflag:s17] =	ssyncset.done $0x0  }
0x22: {  	[sflag:s17] =	ssyncadd.s32 $0xFFFFFF80  }
0x23: {  	[tilespmem:s19], [sflag:$0x1] =	stream.indirect.gather [hbm4b:s6+s18], $0x80, s3, s18, $0xb8;
	[tilespmem:$0x17980] =	vst v63  }
0x24: {  	p1 =	sne.s32 s5, $0x1;
	_ =	swait.ge [sflag:s20], $0x4000  }
.Ltmp0:
0x25: {  	[sflag:s20] =	ssyncset.done $0x0;
	(pc) =	sbr.rel @!p1 .LBB2_3-.Ltmp0, $4  }
0x26: {  	[sflag:s20] =	ssyncadd.s32 $0xFFFFC000  }
0x27: {  	[spmem:s1] =	stream.indirect.scatter.add.f32 [tilespmem:s19], [sflag:$0x2], $0x80, s18, s18, $0xb8;
	[tilespmem:$0x17980] =	vst v63  }
0x28: {  	s25 =	sadd.s32 $0xFFFFFFFF, s5;
	_ =	swait.ge [sflag:s17], $0x4000  }
0x29: {  	s26 =	smov.u32 s12;
	s28 =	smov.u32 s13;
	[sflag:s17] =	ssyncset.done $0x0  }
.LBB2_2:
0x2a: {  	[sflag:s17] =	ssyncadd.s32 $0xFFFFC000;
	s26 =	sadd.s32 $0x100, s26;
	s28 =	sadd.s32 $0x100, s28  }
0x2b: {  	[tilespmem:s3], [sflag:$0x2] =	stream.linear.gather [hbm4b:s28+s3], $0x80, $0x38;
	[tilespmem:$0x17980] =	vst v63  }
0x2c: {  	p2 =	sne.s32 s25, $0x1;
	s25 =	sadd.s32 $0xFFFFFFFF, s25;
	_ =	swait.ge [sflag:s17], $0x80  }
0x2d: {  	[sflag:s17] =	ssyncset.done $0x0  }
0x2e: {  	[sflag:s17] =	ssyncadd.s32 $0xFFFFFF80  }
0x2f: {  	[tilespmem:s18], [sflag:$0x2] =	stream.linear.gather [hbm4b:s26+s3], $0x80, $0x38;
	[tilespmem:$0x17980] =	vst v63  }
0x30: {  	_ =	swait.ge [sflag:s17], $0x80  }
0x31: {  	[sflag:s17] =	ssyncset.done $0x0  }
0x32: {  	[sflag:s17] =	ssyncadd.s32 $0xFFFFFF80  }
0x33: {  	[tilespmem:s19], [sflag:$0x1] =	stream.indirect.gather [hbm4b:s6+s18], $0x80, s3, s18, $0xb8;
	[tilespmem:$0x17980] =	vst v63  }
0x34: {  	_ =	swait.ge [sflag:s20], $0x4000  }
.Ltmp1:
0x35: {  	[sflag:s20] =	ssyncset.done $0x0;
	(pc) =	sbr.rel @p2 .LBB2_2-.Ltmp1, $4  }
0x36: {  	[sflag:s20] =	ssyncadd.s32 $0xFFFFC000  }
0x37: {  	[spmem:s1] =	stream.indirect.scatter.add.f32 [tilespmem:s19], [sflag:$0x2], $0x80, s18, s18, $0xb8;
	[tilespmem:$0x17980] =	vst v63  }
0x38: {  	_ =	swait.ge [sflag:s17], $0x4000  }
0x39: {  	[sflag:s17] =	ssyncset.done $0x0  }
.LBB2_3:
0x3a: {  	[sflag:s17] =	ssyncadd.s32 $0xFFFFC000  }
0x3b: {  	s25 =	sadd.s32 @p0 $0x24900, s7;
	[bflag:$0x0] =	sbarrier.arrive $0xFFFF  }
0x3c: {  	[hbm:s25], [sflag:s24] =	dma.local @p0 [spmem:s14], $0x2800  }
0x3d: {  	_ =	swait.ge @p0 [sflag:s23], $0x2800  }
0x3e: {  	[sflag:s23] =	ssyncset.done @p0 $0x0  }
0x3f: {  	[sflag:s23] =	ssyncadd.s32 @p0 $0xFFFFD800  }
0x40: {  	[spmem:s14], [sflag:s24] =	dma.local @p0 [hbm:s4], $0x2800  }
0x41: {  	_ =	swait.ge @p0 [sflag:s23], $0x2800  }
0x42: {  	[sflag:s23] =	ssyncset.done @p0 $0x0  }
0x43: {  	[sflag:s23] =	ssyncadd.s32 @p0 $0xFFFFD800;
	s23 =	sadd.s32 @!p0 s8, s7  }
0x44: {  	[hbm:s23], [sflag:s15] =	dma.local @!p0 [spmem:s16], $0x2700  }
0x45: {  	_ =	swait.ge @!p0 [sflag:s22], $0x2700  }
0x46: {  	[sflag:s22] =	ssyncset.done @!p0 $0x0  }
0x47: {  	[sflag:s22] =	ssyncadd.s32 @!p0 $0xFFFFD900  }
0x48: {  	[spmem:s16], [sflag:s15] =	dma.local @!p0 [hbm:s4], $0x2700  }
0x49: {  	_ =	swait.ge @!p0 [sflag:s22], $0x2700  }
0x4a: {  	[sflag:s22] =	ssyncset.done @!p0 $0x0  }
0x4b: {  	[sflag:s22] =	ssyncadd.s32 @!p0 $0xFFFFD900  }
0x4c: {  	[bflag:$0x0] =	sbarrier.arrive $0xFFFF  }
0x4d: {  	[tilespmem:s3], [sflag:$0x2] =	stream.linear.gather [hbm4b:s13+s3], $0x80, $0x38;
	[tilespmem:$0x17980] =	vst v63  }
0x4e: {  	_ =	swait.ge [sflag:s17], $0x80  }
0x4f: {  	[sflag:s17] =	ssyncset.done $0x0  }
0x50: {  	[sflag:s17] =	ssyncadd.s32 $0xFFFFFF80  }
0x51: {  	[tilespmem:s18], [sflag:$0x2] =	stream.linear.gather [hbm4b:s12+s3], $0x80, $0x38;
	[tilespmem:$0x17980] =	vst v63  }
0x52: {  	_ =	swait.ge [sflag:s17], $0x80  }
0x53: {  	[sflag:s17] =	ssyncset.done $0x0  }
0x54: {  	[sflag:s17] =	ssyncadd.s32 $0xFFFFFF80  }
0x55: {  	[tilespmem:s19], [sflag:$0x1] =	stream.indirect.gather [hbm4b:s9+s18], $0x80, s3, s18, $0xb8;
	[tilespmem:$0x17980] =	vst v63  }
0x56: {  	_ =	swait.ge [sflag:s20], $0x4000  }
.Ltmp2:
0x57: {  	[sflag:s20] =	ssyncset.done $0x0;
	(pc) =	sbr.rel @!p1 .LBB2_5-.Ltmp2, $4  }
0x58: {  	[sflag:s20] =	ssyncadd.s32 $0xFFFFC000  }
0x59: {  	[spmem:s1] =	stream.indirect.scatter.add.f32 [tilespmem:s19], [sflag:$0x2], $0x80, s18, s18, $0xb8;
	[tilespmem:$0x17980] =	vst v63  }
0x5a: {  	s24 =	smov.u32 s13;
	_ =	swait.ge [sflag:s17], $0x4000  }
0x5b: {  	s23 =	smov.u32 s12;
	s22 =	sadd.s32 $0xFFFFFFFF, s5;
	[sflag:s17] =	ssyncset.done $0x0  }
.LBB2_4:
0x5c: {  	[sflag:s17] =	ssyncadd.s32 $0xFFFFC000;
	s23 =	sadd.s32 $0x100, s23;
	s24 =	sadd.s32 $0x100, s24  }
0x5d: {  	[tilespmem:s3], [sflag:$0x2] =	stream.linear.gather [hbm4b:s24+s3], $0x80, $0x38;
	[tilespmem:$0x17980] =	vst v63  }
0x5e: {  	p1 =	sne.s32 s22, $0x1;
	s22 =	sadd.s32 $0xFFFFFFFF, s22;
	_ =	swait.ge [sflag:s17], $0x80  }
0x5f: {  	[sflag:s17] =	ssyncset.done $0x0  }
0x60: {  	[sflag:s17] =	ssyncadd.s32 $0xFFFFFF80  }
0x61: {  	[tilespmem:s18], [sflag:$0x2] =	stream.linear.gather [hbm4b:s23+s3], $0x80, $0x38;
	[tilespmem:$0x17980] =	vst v63  }
0x62: {  	_ =	swait.ge [sflag:s17], $0x80  }
0x63: {  	[sflag:s17] =	ssyncset.done $0x0  }
0x64: {  	[sflag:s17] =	ssyncadd.s32 $0xFFFFFF80  }
0x65: {  	[tilespmem:s19], [sflag:$0x1] =	stream.indirect.gather [hbm4b:s9+s18], $0x80, s3, s18, $0xb8;
	[tilespmem:$0x17980] =	vst v63  }
0x66: {  	_ =	swait.ge [sflag:s20], $0x4000  }
.Ltmp3:
0x67: {  	[sflag:s20] =	ssyncset.done $0x0;
	(pc) =	sbr.rel @p1 .LBB2_4-.Ltmp3, $4  }
0x68: {  	[sflag:s20] =	ssyncadd.s32 $0xFFFFC000  }
0x69: {  	[spmem:s1] =	stream.indirect.scatter.add.f32 [tilespmem:s19], [sflag:$0x2], $0x80, s18, s18, $0xb8;
	[tilespmem:$0x17980] =	vst v63  }
0x6a: {  	_ =	swait.ge [sflag:s17], $0x4000  }
0x6b: {  	[sflag:s17] =	ssyncset.done $0x0  }
.LBB2_5:
0x6c: {  	[sflag:s17] =	ssyncadd.s32 $0xFFFFC000  }
0x6d: {  	s22 =	sadd.s32 @p0 $0x24900, s10;
	s23 =	simm.s32 @p0 $0x1FC2;
	[bflag:$0x0] =	sbarrier.arrive $0xFFFF  }
0x6e: {  	[hbm:s22], [sflag:s23] =	dma.local @p0 [spmem:s14], $0x2800  }
0x6f: {  	s22 =	simm.s32 @p0 $0x2  }
0x70: {  	_ =	swait.ge @p0 [sflag:s22], $0x2800  }
0x71: {  	[sflag:s22] =	ssyncset.done @p0 $0x0  }
0x72: {  	s21 =	sadd.s32 $0x1, s21;
	[sflag:s22] =	ssyncadd.s32 @p0 $0xFFFFD800;
	s22 =	sadd.s32 @!p0 s8, s10  }
0x73: {  	[hbm:s22], [sflag:s15] =	dma.local @!p0 [spmem:s16], $0x2700  }
0x74: {  	p1 =	sne.s32 s21, s11;
	s22 =	simm.s32 @!p0 $0x2  }
.Ltmp4:
0x75: {  	_ =	swait.ge @!p0 [sflag:s22], $0x2700;
	(pc) =	sbr.rel @p1 .LBB2_1-.Ltmp4, $3  }
0x76: {  	[sflag:s22] =	ssyncset.done @!p0 $0x0  }
0x77: {  	[sflag:s22] =	ssyncadd.s32 @!p0 $0xFFFFD900  }
0x78: {  	[bflag:$0x0] =	sbarrier.arrive $0xFFFF;
	_ =	sdelay $0x1  }
0x79: {  	_ =	sfence.sel $0x180000  }
0x7a: {  	[bflag:$0x0] =	sbarrier.arrive $0xFFFF  }
0x7b: {  	p0 =	sne.s32 s2, $0x0;
	_ =	strace $0x9000004A  }
0x7c: {  	s0 =	sadd.s32 @!p0 $0x100000, s0;
	[bflag:$0x2] =	sbarrier.arrive $0xFFFF  }
0x7d: {  	[sflag:s0] =	ssyncadd.tile.s32 @!p0 $0x1;
	_ =	shalt  }
.Lfunc_end2:
_tile_overlayer_lowered:
.L_overlay_start_2:
0x7e: {  	(tag) =	ssettag $0x2  }
0x7f: {  	s0 =	rddreg [dreg:$0x0];
	s2 =	stileid.u32  }
0x80: {  	s1 =	rddreg [dreg:$0x1];
	p0 =	sne.s32 s2, $0x0  }
0x81: {  	s3 =	rddreg [dreg:$0x2];
	[bflag:$0x3] =	sbarrier.arrive $0xFFFF;
	s2 =	simm.s32 @!p0 $0x1C02  }
0x82: {  	[timem:s3], [sflag:s2] =	dma.local @!p0 [hbm:s0], s1  }
0x83: {  	s0 =	simm.s32 @!p0 $0x2  }
0x84: {  	_ =	swait.ge @!p0 [sflag:s0], s1  }
0x85: {  	s1 =	ssub.s32 @!p0 $0x0, s1;
	[sflag:s0] =	ssyncset.done @!p0 $0x0  }
0x86: {  	[sflag:s0] =	ssyncadd.s32 @!p0 s1  }
0x87: {  	[bflag:$0x3] =	sbarrier.arrive $0xFFFF  }
0x88: {  	_ =	shalt  }

// kernel: kernel.16.cloned.1.call-start
scs
__scs_entry_jumppad:
0x0: {  	(pc) =	sbr.rel $0x88, $3  }
0x1: {  	(tag) =	ssettag $0x0;
	lr =	simm.s32 $0x1  }
0x2: {  	[smem:$0x3F90] =	sst lr;
	_ =	strace $0xD0000000  }
0x3: {  	_ = 	snop  }
0x4: {  	_ = 	snop  }
0x5: {  	_ = 	snop  }
0x6: {  	_ = 	snop  }
0x7: {  	_ = 	snop  }
__scs_overlays_trampoline_lowered:
0x8: {  	[smem:$0x3F9F] =	sst s0  }
0x9: {  	[smem:$0x3FA0] =	sst s1  }
0xa: {  	[smem:$0x3FA1] =	sst s2  }
0xb: {  	[smem:$0x3FA2] =	sst s3  }
0xc: {  	[smem:$0x3FA3] =	sst s4  }
0xd: {  	[smem:$0x3FA4] =	sst s5  }
0xe: {  	[smem:$0x3FA5] =	sst s6  }
0xf: {  	[smem:$0x3FA6] =	sst s7  }
0x10: {  	[smem:$0x3FA7] =	sst s8  }
0x11: {  	[smem:$0x3FA8] =	sst s9;
	s0 =	simm.s32 @!p0 $0x0  }
0x12: {  	s1 =	sld [smem:$0x3F8E];
	s0 =	simm.s32 @p0 $0x1  }
0x13: {  	[smem:$0x3FA9] =	sst s0;
	s0 =	simm.s32 @!p1 $0x0  }
0x14: {  	s2 =	sld [smem:$0x3F8D];
	s0 =	simm.s32 @p1 $0x1  }
0x15: {  	[smem:$0x3FAA] =	sst s0;
	s0 =	simm.s32 @!p2 $0x0  }
0x16: {  	s3 =	sld [smem:$0x3FDB];
	s0 =	simm.s32 @p2 $0x1  }
0x17: {  	s4 =	simm.s32 $0x1BF5;
	[smem:$0x3FAC] =	sst s0  }
0x18: {  	s0 =	sld [smem:$0x3F8F];
	_ =	swait.ge [sflag:s4], $0x0  }
0x19: {  	s7 =	sld [smem:$0x3F90]  }
0x1a: {  	s8 =	sadd.s32 $0xFFFFE003, lr  }
0x1b: {  	s9 =	sadd.s32 $0xFFFFFEF7, lr;
	s5 =	simm.s32 $0xFFFFFFFF;
	p2 =	slt.u32 s8, $0xFFFFF086  }
0x1c: {  	p1 =	slt.u32 s9, $0xF7A;
	s5 =	simm.s32 @!p2 $0x0  }
0x1d: {  	s5 =	simm.s32 @p1 $0x1;
	p0 =	seq.s32 s7, s2  }
0x1e: {  	s7 =	smul.u32 @!p0 $0xF7A, s2;
	p2 =	seq.s32 @!p0 s5, $0x0  }
0x1f: {  	s9 =	smul.u32 $0xF7A, s1;
	s8 =	simm.s32 @!p0 $0x1BF5;
	p2 =	por !p2, p0  }
0x20: {  	[sflag:s8] =	ssyncset.s32 @!p0 $0xFFFFF086;
	s6 =	sadd.s32 @!p0 s3, s7;
	s7 =	simm.s32 @!p0 $0x108  }
0x21: {  	s3 =	sadd.s32 s3, s9;
	s6 =	sadd.s32 @!p0 $0x88, s6;
	s7 =	simm.s32 @p2 $0x1082  }
0x22: {  	[simem:s7], [sflag:s8] =	dma.local @!p0 [hbm:s6], $0xF7A  }
0x23: {  	s9 =	sor.u32 $0xD0000000, s2;
	s6 =	simm.s32 $0x108;
	_ =	swait.ge @!p0 [sflag:s8], $0x0  }
0x24: {  	s3 =	sadd.s32 $0x88, s3;
	s6 =	simm.s32 @!p1 $0x1082;
	[sflag:s4] =	ssyncset.s32 $0xFFFFF086  }
0x25: {  	[simem:s6], [sflag:s4] =	dma.local [hbm:s3], $0xF7A  }
0x26: {  	[smem:$0x3F90] =	sst s1;
	(tag) =	ssettag s2;
	_ =	strace s9  }
0x27: {  	s1 =	sld [smem:$0x3FA0]  }
0x28: {  	s2 =	sld [smem:$0x3FA1]  }
0x29: {  	s4 =	sld [smem:$0x3FA3]  }
0x2a: {  	p0 =	seq.s32 s5, $0x0;
	s5 =	sld [smem:$0x3FA4]  }
0x2b: {  	s6 =	sld [smem:$0x3FA5]  }
0x2c: {  	s7 =	sld [smem:$0x3FA6]  }
0x2d: {  	s3 =	simm.s32 $0x108;
	s8 =	sld [smem:$0x3FA7]  }
0x2e: {  	s3 =	simm.s32 @!p0 $0x1082;
	s9 =	sld [smem:$0x3FA8]  }
0x2f: {  	lr =	sadd.s32 s0, s3;
	s0 =	sld [smem:$0x3F9F]  }
0x30: {  	s3 =	sld [smem:$0x3FA2]  }
0x31: {  	[smem:$0x3FAB] =	sst s10  }
0x32: {  	s10 =	sld [smem:$0x3FA9];
	_ =	sdelay $0x3  }
0x33: {  	p0 =	seq.s32 s10, $0x1;
	s10 =	sld [smem:$0x3FAB];
	_ =	sdelay $0x3  }
0x34: {  	[smem:$0x3FAB] =	sst s10  }
0x35: {  	s10 =	sld [smem:$0x3FAA];
	_ =	sdelay $0x3  }
0x36: {  	p1 =	seq.s32 s10, $0x1;
	s10 =	sld [smem:$0x3FAB];
	_ =	sdelay $0x3  }
0x37: {  	[smem:$0x3FAB] =	sst s10  }
0x38: {  	s10 =	sld [smem:$0x3FAC]  }
0x39: {  	_ = 	snop;
	(pc) =	sbr.ind lr, $3  }
0x3a: {  	_ = 	snop  }
0x3b: {  	_ = 	snop  }
0x3c: {  	p2 =	seq.s32 s10, $0x1;
	s10 =	sld [smem:$0x3FAB]  }
0x3d: {  	_ =	shalt  }
0x3e: {  	_ =	shalt  }
0x3f: {  	_ =	shalt  }
0x40: {  	_ =	shalt  }
0x41: {  	_ =	shalt  }
0x42: {  	_ =	shalt  }
0x43: {  	_ =	shalt  }
0x44: {  	_ =	shalt  }
0x45: {  	_ =	shalt  }
0x46: {  	_ =	shalt  }
0x47: {  	_ =	shalt  }
0x48: {  	_ =	shalt  }
0x49: {  	_ =	shalt  }
0x4a: {  	_ =	shalt  }
0x4b: {  	_ =	shalt  }
0x4c: {  	_ =	shalt  }
0x4d: {  	_ =	shalt  }
0x4e: {  	_ =	shalt  }
0x4f: {  	_ =	shalt  }
0x50: {  	_ =	shalt  }
0x51: {  	_ =	shalt  }
0x52: {  	_ =	shalt  }
0x53: {  	_ =	shalt  }
0x54: {  	_ =	shalt  }
0x55: {  	_ =	shalt  }
0x56: {  	_ =	shalt  }
0x57: {  	_ =	shalt  }
0x58: {  	_ =	shalt  }
0x59: {  	_ =	shalt  }
0x5a: {  	_ =	shalt  }
0x5b: {  	_ =	shalt  }
0x5c: {  	_ =	shalt  }
0x5d: {  	_ =	shalt  }
0x5e: {  	_ =	shalt  }
0x5f: {  	_ =	shalt  }
0x60: {  	_ =	shalt  }
0x61: {  	_ =	shalt  }
0x62: {  	_ =	shalt  }
0x63: {  	_ =	shalt  }
0x64: {  	_ =	shalt  }
0x65: {  	_ =	shalt  }
0x66: {  	_ =	shalt  }
0x67: {  	_ =	shalt  }
0x68: {  	_ =	shalt  }
0x69: {  	_ =	shalt  }
0x6a: {  	_ =	shalt  }
0x6b: {  	_ =	shalt  }
0x6c: {  	_ =	shalt  }
0x6d: {  	_ =	shalt  }
0x6e: {  	_ =	shalt  }
0x6f: {  	_ =	shalt  }
0x70: {  	_ =	shalt  }
0x71: {  	_ =	shalt  }
0x72: {  	_ =	shalt  }
0x73: {  	_ =	shalt  }
0x74: {  	_ =	shalt  }
0x75: {  	_ =	shalt  }
0x76: {  	_ =	shalt  }
0x77: {  	_ =	shalt  }
0x78: {  	_ =	shalt  }
0x79: {  	_ =	shalt  }
0x7a: {  	_ =	shalt  }
0x7b: {  	_ =	shalt  }
0x7c: {  	_ =	shalt  }
0x7d: {  	_ =	shalt  }
0x7e: {  	_ =	shalt  }
0x7f: {  	_ =	shalt  }
0x80: {  	_ =	shalt  }
0x81: {  	_ =	shalt  }
0x82: {  	_ =	shalt  }
0x83: {  	_ =	shalt  }
0x84: {  	_ =	shalt  }
0x85: {  	_ =	shalt  }
0x86: {  	_ =	shalt  }
0x87: {  	_ =	shalt  }
.Lfunc_end0:
.L_simem_size_0:
called_computation.2_lowered:
.L_overlay_start_0:
0x88: {  	s2 =	sld [smem:$0x3FD9]  }
0x89: {  	s3 =	sld [smem:$0x3FFE];
	_ =	sdelay $0x1  }
0x8a: {  	s1 =	srdreg.scid  }
0x8b: {  	s0 =	sand.u32 $0x1, s1  }
0x8c: {  	s16 =	sshll.u32 s0, $0xA;
	s2 =	sadd.s32 s3, s2  }
0x8d: {  	s2 =	sadd.s32 s2, s16  }
0x8e: {  	[smem:$0x3FB7] =	sst s2  }
0x8f: {  	_ = 	snop  }
0x90: {  	(tm) =	ssettm $0x1  }
0x91: {  	s17 =	sld [smem:$0x3FFB];
	_ =	sdelay $0x3  }
0x92: {  	_ =	strace s17  }
0x93: {  	s2 =	sld [smem:$0x3FFC];
	_ =	sdelay $0x3  }
0x94: {  	_ =	strace s2  }
0x95: {  	s2 =	sld [smem:$0x3FFD];
	_ =	sdelay $0x3  }
0x96: {  	_ =	strace s2  }
0x97: {  	_ =	strace $0x8FFFFFFF  }
0x98: {  	s18 =	sld [smem:$0x3FDB];
	_ =	sdelay $0x1  }
0x99: {  	s19 =	simm.s32 $_scs_section_size  }
0x9a: {  	s4 =	simm.s32 $_size__tile_overlayer_lowered;
	s5 =	simm.s32 $_tile_overlayer_lowered  }
0x9b: {  	s22 =	simm.s32 $0x1BFF;
	s21 =	sshll.u32 s5, $0x1;
	s2 =	sadd.s32 s19, s18  }
0x9c: {  	s6 =	simm.s32 $0x0;
	s20 =	sshll.u32 s4, $0x1;
	s4 =	sadd.s32 s21, s2  }
0x9d: {  	[timem:s6], [sflag:s22] =	dma.local [hbm:s4], s20  }
0x9e: {  	_ =	swait.ge [sflag:s22], s20  }
0x9f: {  	s3 =	ssub.s32 $0x0, s20;
	[sflag:s22] =	ssyncset.done $0x0  }
0xa0: {  	[sflag:s22] =	ssyncadd.s32 s3;
	_ =	sdelay $0x1  }
0xa1: {  	s23 =	simm.s32 $0x1B8B  }
0xa2: {  	_ =	swait.ge [sflag:s23], $0x1  }
0xa3: {  	[sflag:s23] =	ssyncset.done $0x0  }
0xa4: {  	s25 =	simm.s32 $0x1B8E;
	s24 =	sld [smem:$0x3FFE];
	[sflag:s23] =	ssyncadd.s32 $0xFFFFFFFF  }
0xa5: {  	s26 =	simm.s32 $execute0_lowered;
	[smem:$0x3FD2] =	sst s25  }
0xa6: {  	s4 =	sshll.u32 s26, $0x1;
	_ =	strace $0x8000004C;
	[dreg:$0x1] =	wrdreg $0xFFFFFFFF  }
0xa7: {  	s28 =	simm.s32 $_size_execute0_lowered;
	s2 =	sadd.s32 s2, s4;
	[dreg:$0x0] =	wrdreg $0x0  }
0xa8: {  	s4 =	sshll.u32 s28, $0x1;
	[dreg:$0x2] =	wrdreg s2  }
0xa9: {  	[dreg:$0x3] =	wrdreg s4  }
0xaa: {  	[dreg:$0x4] =	wrdreg $0xC0  }
0xab: {  	_ =	task [dreg:s6], $0x5FFFF  }
0xac: {  	[dreg:$0x1] =	wrdreg $0xFFFFFFFF  }
0xad: {  	[dreg:$0x0] =	wrdreg $0x60  }
0xae: {  	[dreg:$0x2] =	wrdreg s24  }
0xaf: {  	[dreg:$0x3] =	wrdreg $0x41000  }
0xb0: {  	[dreg:$0x4] =	wrdreg $0x9  }
0xb1: {  	_ =	task.clear_ibuf [dreg:s6], $0x5FFFF;
	_ =	strace $0x9000004C  }
0xb2: {  	s29 =	simm.s32 $0x9;
	_ =	strace $0x8000004E  }
0xb3: {  	_ =	swait.ge [sflag:s29], $0x1  }
0xb4: {  	[sflag:s29] =	ssyncadd.s32 $0xFFFFFFFF  }
0xb5: {  	_ =	strace $0x9000004E  }
0xb6: {  	_ =	sfence  }
0xb7: {  	s30 =	sld [smem:$0x0];
	_ =	sdelay $0x2  }
0xb8: {  	s31 =	sshll.u32 s1, $0xD;
	s1 =	sshrl.u32 s1, $0x2  }
0xb9: {  	s3 =	sand.u32 $0x4000, s31;
	s1 =	sadd.s32 s1, s30  }
0xba: {  	s0 =	sor.u32 s3, s0;
	s1 =	sshll.u32 s1, $0x11  }
0xbb: {  	s0 =	sor.u32 s1, s0  }
0xbc: {  	s0 =	sadd.s32 $0x8F2B, s0  }
0xbd: {  	[sflag:s0] =	ssyncadd.remote.s32 $0x1  }
0xbe: {  	_ =	sfence.sel $0xFFFF  }
0xbf: {  	[dreg:$0x0] =	wrdreg $0xFFFFFFFF;
	(pc) =	sbr.abs _section_cstart, $3  }
0xc0: {  	[dreg:$0x1] =	wrdreg $0xFFFFFFFF  }
0xc1: {  	_ =	task.clear_ibuf [dreg:s6], $0x2FFFF;
	_ =	strace $0x9FFFFFFF  }
0xc2: {  	(tm) =	ssettm $0x7FFFFFFF  }
0xc3: {  	_ =	shalt  }
tec
execute0_lowered:
.L_overlay_start_1:
0x0: {  	(tag) =	ssettag $0x1  }
0x1: {  	s5 =	rddreg [dreg:$0x0]  }
0x2: {  	s1 =	rddreg [dreg:$0x1]  }
0x3: {  	s0 =	rddreg [dreg:$0x2];
	s3 =	simm.s32 $0x0;
	s2 =	stileid.u32  }
0x4: {  	s4 =	srdreg.scid;
	s17 =	simm.s32 $0x2;
	s18 =	simm.s32 $0x80  }
0x5: {  	s19 =	simm.s32 $0x100;
	s20 =	simm.s32 $0x1;
	s21 =	simm.s32 $0x0  }
0x6: {  	[smem:$0x7FF] =	sst s3;
	s9 =	sadd.s32 $0x151E00, s5;
	s6 =	sshll.u32 s2, $0x4  }
0x7: {  	s7 =	sand.u32 $0x1, s4;
	s8 =	smul.u32 $0x4E000, s2;
	s4 =	sadd.s32 $0x16600, s5  }
0x8: {  	s10 =	sadd.s32 $0x18E00, s5;
	p0 =	slt.u32 s2, $0x4;
	s14 =	sadd.s32 $0x124800, s1  }
0x9: {  	_ =	strace $0x8000004D;
	s13 =	sadd.s32 s6, s5;
	s29 =	ssub.s32 $0x2, s7  }
0xa: {  	s12 =	smul.u32 $0x4E200, s7;
	s5 =	simm.s32 $0x9D;
	s30 =	sshrl.u32 s29, $0x1  }
0xb: {  	s31 =	sshrl.u32 s8, $0x2;
	s5 =	simm.s32 @!p0 $0x9C;
	s8 =	smul.u32 $0x2700, s2  }
0xc: {  	p0 =	seq.s32 s2, $0xF;
	s11 =	ssub.s32 s29, s30;
	s16 =	sadd.s32 s31, s1  }
0xd: {  	s6 =	sadd.s32 s9, s12;
	s7 =	sadd.s32 s10, s12;
	s12 =	sadd.s32 $0x27100, s12  }
0xe: {  	s15 =	sshll.u32 @!p0 s2, $0x6;
	s14 =	sshrl.u32 @p0 s14, $0x3;
	s9 =	sadd.s32 s9, s12  }
0xf: {  	s10 =	sadd.s32 s10, s12;
	s11 =	smax.u32 s11, $0x1;
	s12 =	sadd.s32 $0xC800, s13  }
0x10: {  	s13 =	sadd.s32 $0x2A00, s13;
	s15 =	sor.u32 @!p0 $0x1C02, s15;
	s16 =	sshrl.u32 @!p0 s16, $0x3  }
.LBB2_1:
0x11: {  	s24 =	simm.s32 @p0 $0x1FC2;
	s23 =	simm.s32 @p0 $0x2  }
0x12: {  	[spmem:s14], [sflag:s24] =	dma.local @p0 [hbm:s4], $0x2800  }
0x13: {  	_ =	swait.ge @p0 [sflag:s23], $0x2800  }
0x14: {  	[sflag:s23] =	ssyncset.done @p0 $0x0  }
0x15: {  	s22 =	simm.s32 @!p0 $0x2;
	[sflag:s23] =	ssyncadd.s32 @p0 $0xFFFFD800  }
0x16: {  	[spmem:s16], [sflag:s15] =	dma.local @!p0 [hbm:s4], $0x2700  }
0x17: {  	_ =	swait.ge @!p0 [sflag:s22], $0x2700  }
0x18: {  	[sflag:s22] =	ssyncset.done @!p0 $0x0  }
0x19: {  	[sflag:s22] =	ssyncadd.s32 @!p0 $0xFFFFD900  }
0x1a: {  	[bflag:$0x0] =	sbarrier.arrive $0xFFFF  }
0x1b: {  	[tilespmem:s3], [sflag:$0x2] =	stream.linear.gather [hbm4b:s13+s3], $0x80, $0x38;
	[tilespmem:$0x17980] =	vst v63  }
0x1c: {  	_ =	swait.ge [sflag:s17], $0x80  }
0x1d: {  	[sflag:s17] =	ssyncset.done $0x0  }
0x1e: {  	[sflag:s17] =	ssyncadd.s32 $0xFFFFFF80  }
0x1f: {  	[tilespmem:s18], [sflag:$0x2] =	stream.linear.gather [hbm4b:s12+s3], $0x80, $0x38;
	[tilespmem:$0x17980] =	vst v63  }
0x20: {  	_ =	swait.ge [sflag:s17], $0x80  }
0x21: {  	[sflag:s17] =	ssyncset.done $0x0  }
0x22: {  	[sflag:s17] =	ssyncadd.s32 $0xFFFFFF80  }
0x23: {  	[tilespmem:s19], [sflag:$0x1] =	stream.indirect.gather [hbm4b:s6+s18], $0x80, s3, s18, $0xb8;
	[tilespmem:$0x17980] =	vst v63  }
0x24: {  	p1 =	sne.s32 s5, $0x1;
	_ =	swait.ge [sflag:s20], $0x4000  }
.Ltmp0:
0x25: {  	[sflag:s20] =	ssyncset.done $0x0;
	(pc) =	sbr.rel @!p1 .LBB2_3-.Ltmp0, $4  }
0x26: {  	[sflag:s20] =	ssyncadd.s32 $0xFFFFC000  }
0x27: {  	[spmem:s1] =	stream.indirect.scatter.add.f32 [tilespmem:s19], [sflag:$0x2], $0x80, s18, s18, $0xb8;
	[tilespmem:$0x17980] =	vst v63  }
0x28: {  	s25 =	sadd.s32 $0xFFFFFFFF, s5;
	_ =	swait.ge [sflag:s17], $0x4000  }
0x29: {  	s26 =	smov.u32 s12;
	s28 =	smov.u32 s13;
	[sflag:s17] =	ssyncset.done $0x0  }
.LBB2_2:
0x2a: {  	[sflag:s17] =	ssyncadd.s32 $0xFFFFC000;
	s26 =	sadd.s32 $0x100, s26;
	s28 =	sadd.s32 $0x100, s28  }
0x2b: {  	[tilespmem:s3], [sflag:$0x2] =	stream.linear.gather [hbm4b:s28+s3], $0x80, $0x38;
	[tilespmem:$0x17980] =	vst v63  }
0x2c: {  	p2 =	sne.s32 s25, $0x1;
	s25 =	sadd.s32 $0xFFFFFFFF, s25;
	_ =	swait.ge [sflag:s17], $0x80  }
0x2d: {  	[sflag:s17] =	ssyncset.done $0x0  }
0x2e: {  	[sflag:s17] =	ssyncadd.s32 $0xFFFFFF80  }
0x2f: {  	[tilespmem:s18], [sflag:$0x2] =	stream.linear.gather [hbm4b:s26+s3], $0x80, $0x38;
	[tilespmem:$0x17980] =	vst v63  }
0x30: {  	_ =	swait.ge [sflag:s17], $0x80  }
0x31: {  	[sflag:s17] =	ssyncset.done $0x0  }
0x32: {  	[sflag:s17] =	ssyncadd.s32 $0xFFFFFF80  }
0x33: {  	[tilespmem:s19], [sflag:$0x1] =	stream.indirect.gather [hbm4b:s6+s18], $0x80, s3, s18, $0xb8;
	[tilespmem:$0x17980] =	vst v63  }
0x34: {  	_ =	swait.ge [sflag:s20], $0x4000  }
.Ltmp1:
0x35: {  	[sflag:s20] =	ssyncset.done $0x0;
	(pc) =	sbr.rel @p2 .LBB2_2-.Ltmp1, $4  }
0x36: {  	[sflag:s20] =	ssyncadd.s32 $0xFFFFC000  }
0x37: {  	[spmem:s1] =	stream.indirect.scatter.add.f32 [tilespmem:s19], [sflag:$0x2], $0x80, s18, s18, $0xb8;
	[tilespmem:$0x17980] =	vst v63  }
0x38: {  	_ =	swait.ge [sflag:s17], $0x4000  }
0x39: {  	[sflag:s17] =	ssyncset.done $0x0  }
.LBB2_3:
0x3a: {  	[sflag:s17] =	ssyncadd.s32 $0xFFFFC000  }
0x3b: {  	s25 =	sadd.s32 @p0 $0x24900, s7;
	[bflag:$0x0] =	sbarrier.arrive $0xFFFF  }
0x3c: {  	[hbm:s25], [sflag:s24] =	dma.local @p0 [spmem:s14], $0x2800  }
0x3d: {  	_ =	swait.ge @p0 [sflag:s23], $0x2800  }
0x3e: {  	[sflag:s23] =	ssyncset.done @p0 $0x0  }
0x3f: {  	[sflag:s23] =	ssyncadd.s32 @p0 $0xFFFFD800  }
0x40: {  	[spmem:s14], [sflag:s24] =	dma.local @p0 [hbm:s4], $0x2800  }
0x41: {  	_ =	swait.ge @p0 [sflag:s23], $0x2800  }
0x42: {  	[sflag:s23] =	ssyncset.done @p0 $0x0  }
0x43: {  	[sflag:s23] =	ssyncadd.s32 @p0 $0xFFFFD800;
	s23 =	sadd.s32 @!p0 s8, s7  }
0x44: {  	[hbm:s23], [sflag:s15] =	dma.local @!p0 [spmem:s16], $0x2700  }
0x45: {  	_ =	swait.ge @!p0 [sflag:s22], $0x2700  }
0x46: {  	[sflag:s22] =	ssyncset.done @!p0 $0x0  }
0x47: {  	[sflag:s22] =	ssyncadd.s32 @!p0 $0xFFFFD900  }
0x48: {  	[spmem:s16], [sflag:s15] =	dma.local @!p0 [hbm:s4], $0x2700  }
0x49: {  	_ =	swait.ge @!p0 [sflag:s22], $0x2700  }
0x4a: {  	[sflag:s22] =	ssyncset.done @!p0 $0x0  }
0x4b: {  	[sflag:s22] =	ssyncadd.s32 @!p0 $0xFFFFD900  }
0x4c: {  	[bflag:$0x0] =	sbarrier.arrive $0xFFFF  }
0x4d: {  	[tilespmem:s3], [sflag:$0x2] =	stream.linear.gather [hbm4b:s13+s3], $0x80, $0x38;
	[tilespmem:$0x17980] =	vst v63  }
0x4e: {  	_ =	swait.ge [sflag:s17], $0x80  }
0x4f: {  	[sflag:s17] =	ssyncset.done $0x0  }
0x50: {  	[sflag:s17] =	ssyncadd.s32 $0xFFFFFF80  }
0x51: {  	[tilespmem:s18], [sflag:$0x2] =	stream.linear.gather [hbm4b:s12+s3], $0x80, $0x38;
	[tilespmem:$0x17980] =	vst v63  }
0x52: {  	_ =	swait.ge [sflag:s17], $0x80  }
0x53: {  	[sflag:s17] =	ssyncset.done $0x0  }
0x54: {  	[sflag:s17] =	ssyncadd.s32 $0xFFFFFF80  }
0x55: {  	[tilespmem:s19], [sflag:$0x1] =	stream.indirect.gather [hbm4b:s9+s18], $0x80, s3, s18, $0xb8;
	[tilespmem:$0x17980] =	vst v63  }
0x56: {  	_ =	swait.ge [sflag:s20], $0x4000  }
.Ltmp2:
0x57: {  	[sflag:s20] =	ssyncset.done $0x0;
	(pc) =	sbr.rel @!p1 .LBB2_5-.Ltmp2, $4  }
0x58: {  	[sflag:s20] =	ssyncadd.s32 $0xFFFFC000  }
0x59: {  	[spmem:s1] =	stream.indirect.scatter.add.f32 [tilespmem:s19], [sflag:$0x2], $0x80, s18, s18, $0xb8;
	[tilespmem:$0x17980] =	vst v63  }
0x5a: {  	s24 =	smov.u32 s13;
	_ =	swait.ge [sflag:s17], $0x4000  }
0x5b: {  	s23 =	smov.u32 s12;
	s22 =	sadd.s32 $0xFFFFFFFF, s5;
	[sflag:s17] =	ssyncset.done $0x0  }
.LBB2_4:
0x5c: {  	[sflag:s17] =	ssyncadd.s32 $0xFFFFC000;
	s23 =	sadd.s32 $0x100, s23;
	s24 =	sadd.s32 $0x100, s24  }
0x5d: {  	[tilespmem:s3], [sflag:$0x2] =	stream.linear.gather [hbm4b:s24+s3], $0x80, $0x38;
	[tilespmem:$0x17980] =	vst v63  }
0x5e: {  	p1 =	sne.s32 s22, $0x1;
	s22 =	sadd.s32 $0xFFFFFFFF, s22;
	_ =	swait.ge [sflag:s17], $0x80  }
0x5f: {  	[sflag:s17] =	ssyncset.done $0x0  }
0x60: {  	[sflag:s17] =	ssyncadd.s32 $0xFFFFFF80  }
0x61: {  	[tilespmem:s18], [sflag:$0x2] =	stream.linear.gather [hbm4b:s23+s3], $0x80, $0x38;
	[tilespmem:$0x17980] =	vst v63  }
0x62: {  	_ =	swait.ge [sflag:s17], $0x80  }
0x63: {  	[sflag:s17] =	ssyncset.done $0x0  }
0x64: {  	[sflag:s17] =	ssyncadd.s32 $0xFFFFFF80  }
0x65: {  	[tilespmem:s19], [sflag:$0x1] =	stream.indirect.gather [hbm4b:s9+s18], $0x80, s3, s18, $0xb8;
	[tilespmem:$0x17980] =	vst v63  }
0x66: {  	_ =	swait.ge [sflag:s20], $0x4000  }
.Ltmp3:
0x67: {  	[sflag:s20] =	ssyncset.done $0x0;
	(pc) =	sbr.rel @p1 .LBB2_4-.Ltmp3, $4  }
0x68: {  	[sflag:s20] =	ssyncadd.s32 $0xFFFFC000  }
0x69: {  	[spmem:s1] =	stream.indirect.scatter.add.f32 [tilespmem:s19], [sflag:$0x2], $0x80, s18, s18, $0xb8;
	[tilespmem:$0x17980] =	vst v63  }
0x6a: {  	_ =	swait.ge [sflag:s17], $0x4000  }
0x6b: {  	[sflag:s17] =	ssyncset.done $0x0  }
.LBB2_5:
0x6c: {  	[sflag:s17] =	ssyncadd.s32 $0xFFFFC000  }
0x6d: {  	s22 =	sadd.s32 @p0 $0x24900, s10;
	s23 =	simm.s32 @p0 $0x1FC2;
	[bflag:$0x0] =	sbarrier.arrive $0xFFFF  }
0x6e: {  	[hbm:s22], [sflag:s23] =	dma.local @p0 [spmem:s14], $0x2800  }
0x6f: {  	s22 =	simm.s32 @p0 $0x2  }
0x70: {  	_ =	swait.ge @p0 [sflag:s22], $0x2800  }
0x71: {  	[sflag:s22] =	ssyncset.done @p0 $0x0  }
0x72: {  	s21 =	sadd.s32 $0x1, s21;
	[sflag:s22] =	ssyncadd.s32 @p0 $0xFFFFD800;
	s22 =	sadd.s32 @!p0 s8, s10  }
0x73: {  	[hbm:s22], [sflag:s15] =	dma.local @!p0 [spmem:s16], $0x2700  }
0x74: {  	p1 =	sne.s32 s21, s11;
	s22 =	simm.s32 @!p0 $0x2  }
.Ltmp4:
0x75: {  	_ =	swait.ge @!p0 [sflag:s22], $0x2700;
	(pc) =	sbr.rel @p1 .LBB2_1-.Ltmp4, $3  }
0x76: {  	[sflag:s22] =	ssyncset.done @!p0 $0x0  }
0x77: {  	[sflag:s22] =	ssyncadd.s32 @!p0 $0xFFFFD900  }
0x78: {  	[bflag:$0x0] =	sbarrier.arrive $0xFFFF;
	_ =	sdelay $0x1  }
0x79: {  	_ =	sfence.sel $0x180000  }
0x7a: {  	[bflag:$0x0] =	sbarrier.arrive $0xFFFF  }
0x7b: {  	p0 =	sne.s32 s2, $0x0;
	_ =	strace $0x9000004D  }
0x7c: {  	s0 =	sadd.s32 @!p0 $0x100000, s0;
	[bflag:$0x2] =	sbarrier.arrive $0xFFFF  }
0x7d: {  	[sflag:s0] =	ssyncadd.tile.s32 @!p0 $0x1;
	_ =	shalt  }
.Lfunc_end2:
_tile_overlayer_lowered:
.L_overlay_start_2:
0x7e: {  	(tag) =	ssettag $0x2  }
0x7f: {  	s0 =	rddreg [dreg:$0x0];
	s2 =	stileid.u32  }
0x80: {  	s1 =	rddreg [dreg:$0x1];
	p0 =	sne.s32 s2, $0x0  }
0x81: {  	s3 =	rddreg [dreg:$0x2];
	[bflag:$0x3] =	sbarrier.arrive $0xFFFF;
	s2 =	simm.s32 @!p0 $0x1C02  }
0x82: {  	[timem:s3], [sflag:s2] =	dma.local @!p0 [hbm:s0], s1  }
0x83: {  	s0 =	simm.s32 @!p0 $0x2  }
0x84: {  	_ =	swait.ge @!p0 [sflag:s0], s1  }
0x85: {  	s1 =	ssub.s32 @!p0 $0x0, s1;
	[sflag:s0] =	ssyncset.done @!p0 $0x0  }
0x86: {  	[sflag:s0] =	ssyncadd.s32 @!p0 s1  }
0x87: {  	[bflag:$0x3] =	sbarrier.arrive $0xFFFF  }
0x88: {  	_ =	shalt  }

// kernel: kernel.19.cloned.1.call-start
scs
__scs_entry_jumppad:
0x0: {  	(pc) =	sbr.rel $0x88, $3  }
0x1: {  	(tag) =	ssettag $0x0;
	lr =	simm.s32 $0x1  }
0x2: {  	[smem:$0x3F90] =	sst lr;
	_ =	strace $0xD0000000  }
0x3: {  	_ = 	snop  }
0x4: {  	_ = 	snop  }
0x5: {  	_ = 	snop  }
0x6: {  	_ = 	snop  }
0x7: {  	_ = 	snop  }
__scs_overlays_trampoline_lowered:
0x8: {  	[smem:$0x3F9F] =	sst s0  }
0x9: {  	[smem:$0x3FA0] =	sst s1  }
0xa: {  	[smem:$0x3FA1] =	sst s2  }
0xb: {  	[smem:$0x3FA2] =	sst s3  }
0xc: {  	[smem:$0x3FA3] =	sst s4  }
0xd: {  	[smem:$0x3FA4] =	sst s5  }
0xe: {  	[smem:$0x3FA5] =	sst s6  }
0xf: {  	[smem:$0x3FA6] =	sst s7  }
0x10: {  	[smem:$0x3FA7] =	sst s8  }
0x11: {  	[smem:$0x3FA8] =	sst s9;
	s0 =	simm.s32 @!p0 $0x0  }
0x12: {  	s1 =	sld [smem:$0x3F8E];
	s0 =	simm.s32 @p0 $0x1  }
0x13: {  	[smem:$0x3FA9] =	sst s0;
	s0 =	simm.s32 @!p1 $0x0  }
0x14: {  	s2 =	sld [smem:$0x3F8D];
	s0 =	simm.s32 @p1 $0x1  }
0x15: {  	[smem:$0x3FAA] =	sst s0;
	s0 =	simm.s32 @!p2 $0x0  }
0x16: {  	s3 =	sld [smem:$0x3FDB];
	s0 =	simm.s32 @p2 $0x1  }
0x17: {  	s4 =	simm.s32 $0x1BF5;
	[smem:$0x3FAC] =	sst s0  }
0x18: {  	s0 =	sld [smem:$0x3F8F];
	_ =	swait.ge [sflag:s4], $0x0  }
0x19: {  	s7 =	sld [smem:$0x3F90]  }
0x1a: {  	s8 =	sadd.s32 $0xFFFFE003, lr  }
0x1b: {  	s9 =	sadd.s32 $0xFFFFFEF7, lr;
	s5 =	simm.s32 $0xFFFFFFFF;
	p2 =	slt.u32 s8, $0xFFFFF086  }
0x1c: {  	p1 =	slt.u32 s9, $0xF7A;
	s5 =	simm.s32 @!p2 $0x0  }
0x1d: {  	s5 =	simm.s32 @p1 $0x1;
	p0 =	seq.s32 s7, s2  }
0x1e: {  	s7 =	smul.u32 @!p0 $0xF7A, s2;
	p2 =	seq.s32 @!p0 s5, $0x0  }
0x1f: {  	s9 =	smul.u32 $0xF7A, s1;
	s8 =	simm.s32 @!p0 $0x1BF5;
	p2 =	por !p2, p0  }
0x20: {  	[sflag:s8] =	ssyncset.s32 @!p0 $0xFFFFF086;
	s6 =	sadd.s32 @!p0 s3, s7;
	s7 =	simm.s32 @!p0 $0x108  }
0x21: {  	s3 =	sadd.s32 s3, s9;
	s6 =	sadd.s32 @!p0 $0x88, s6;
	s7 =	simm.s32 @p2 $0x1082  }
0x22: {  	[simem:s7], [sflag:s8] =	dma.local @!p0 [hbm:s6], $0xF7A  }
0x23: {  	s9 =	sor.u32 $0xD0000000, s2;
	s6 =	simm.s32 $0x108;
	_ =	swait.ge @!p0 [sflag:s8], $0x0  }
0x24: {  	s3 =	sadd.s32 $0x88, s3;
	s6 =	simm.s32 @!p1 $0x1082;
	[sflag:s4] =	ssyncset.s32 $0xFFFFF086  }
0x25: {  	[simem:s6], [sflag:s4] =	dma.local [hbm:s3], $0xF7A  }
0x26: {  	[smem:$0x3F90] =	sst s1;
	(tag) =	ssettag s2;
	_ =	strace s9  }
0x27: {  	s1 =	sld [smem:$0x3FA0]  }
0x28: {  	s2 =	sld [smem:$0x3FA1]  }
0x29: {  	s4 =	sld [smem:$0x3FA3]  }
0x2a: {  	p0 =	seq.s32 s5, $0x0;
	s5 =	sld [smem:$0x3FA4]  }
0x2b: {  	s6 =	sld [smem:$0x3FA5]  }
0x2c: {  	s7 =	sld [smem:$0x3FA6]  }
0x2d: {  	s3 =	simm.s32 $0x108;
	s8 =	sld [smem:$0x3FA7]  }
0x2e: {  	s3 =	simm.s32 @!p0 $0x1082;
	s9 =	sld [smem:$0x3FA8]  }
0x2f: {  	lr =	sadd.s32 s0, s3;
	s0 =	sld [smem:$0x3F9F]  }
0x30: {  	s3 =	sld [smem:$0x3FA2]  }
0x31: {  	[smem:$0x3FAB] =	sst s10  }
0x32: {  	s10 =	sld [smem:$0x3FA9];
	_ =	sdelay $0x3  }
0x33: {  	p0 =	seq.s32 s10, $0x1;
	s10 =	sld [smem:$0x3FAB];
	_ =	sdelay $0x3  }
0x34: {  	[smem:$0x3FAB] =	sst s10  }
0x35: {  	s10 =	sld [smem:$0x3FAA];
	_ =	sdelay $0x3  }
0x36: {  	p1 =	seq.s32 s10, $0x1;
	s10 =	sld [smem:$0x3FAB];
	_ =	sdelay $0x3  }
0x37: {  	[smem:$0x3FAB] =	sst s10  }
0x38: {  	s10 =	sld [smem:$0x3FAC]  }
0x39: {  	_ = 	snop;
	(pc) =	sbr.ind lr, $3  }
0x3a: {  	_ = 	snop  }
0x3b: {  	_ = 	snop  }
0x3c: {  	p2 =	seq.s32 s10, $0x1;
	s10 =	sld [smem:$0x3FAB]  }
0x3d: {  	_ =	shalt  }
0x3e: {  	_ =	shalt  }
0x3f: {  	_ =	shalt  }
0x40: {  	_ =	shalt  }
0x41: {  	_ =	shalt  }
0x42: {  	_ =	shalt  }
0x43: {  	_ =	shalt  }
0x44: {  	_ =	shalt  }
0x45: {  	_ =	shalt  }
0x46: {  	_ =	shalt  }
0x47: {  	_ =	shalt  }
0x48: {  	_ =	shalt  }
0x49: {  	_ =	shalt  }
0x4a: {  	_ =	shalt  }
0x4b: {  	_ =	shalt  }
0x4c: {  	_ =	shalt  }
0x4d: {  	_ =	shalt  }
0x4e: {  	_ =	shalt  }
0x4f: {  	_ =	shalt  }
0x50: {  	_ =	shalt  }
0x51: {  	_ =	shalt  }
0x52: {  	_ =	shalt  }
0x53: {  	_ =	shalt  }
0x54: {  	_ =	shalt  }
0x55: {  	_ =	shalt  }
0x56: {  	_ =	shalt  }
0x57: {  	_ =	shalt  }
0x58: {  	_ =	shalt  }
0x59: {  	_ =	shalt  }
0x5a: {  	_ =	shalt  }
0x5b: {  	_ =	shalt  }
0x5c: {  	_ =	shalt  }
0x5d: {  	_ =	shalt  }
0x5e: {  	_ =	shalt  }
0x5f: {  	_ =	shalt  }
0x60: {  	_ =	shalt  }
0x61: {  	_ =	shalt  }
0x62: {  	_ =	shalt  }
0x63: {  	_ =	shalt  }
0x64: {  	_ =	shalt  }
0x65: {  	_ =	shalt  }
0x66: {  	_ =	shalt  }
0x67: {  	_ =	shalt  }
0x68: {  	_ =	shalt  }
0x69: {  	_ =	shalt  }
0x6a: {  	_ =	shalt  }
0x6b: {  	_ =	shalt  }
0x6c: {  	_ =	shalt  }
0x6d: {  	_ =	shalt  }
0x6e: {  	_ =	shalt  }
0x6f: {  	_ =	shalt  }
0x70: {  	_ =	shalt  }
0x71: {  	_ =	shalt  }
0x72: {  	_ =	shalt  }
0x73: {  	_ =	shalt  }
0x74: {  	_ =	shalt  }
0x75: {  	_ =	shalt  }
0x76: {  	_ =	shalt  }
0x77: {  	_ =	shalt  }
0x78: {  	_ =	shalt  }
0x79: {  	_ =	shalt  }
0x7a: {  	_ =	shalt  }
0x7b: {  	_ =	shalt  }
0x7c: {  	_ =	shalt  }
0x7d: {  	_ =	shalt  }
0x7e: {  	_ =	shalt  }
0x7f: {  	_ =	shalt  }
0x80: {  	_ =	shalt  }
0x81: {  	_ =	shalt  }
0x82: {  	_ =	shalt  }
0x83: {  	_ =	shalt  }
0x84: {  	_ =	shalt  }
0x85: {  	_ =	shalt  }
0x86: {  	_ =	shalt  }
0x87: {  	_ =	shalt  }
.Lfunc_end0:
.L_simem_size_0:
called_computation.3_lowered:
.L_overlay_start_0:
0x88: {  	s2 =	sld [smem:$0x3FD9]  }
0x89: {  	s3 =	sld [smem:$0x3FFE];
	_ =	sdelay $0x1  }
0x8a: {  	s1 =	srdreg.scid  }
0x8b: {  	s0 =	sand.u32 $0x1, s1  }
0x8c: {  	s16 =	sshll.u32 s0, $0xA;
	s2 =	sadd.s32 s3, s2  }
0x8d: {  	s2 =	sadd.s32 s2, s16  }
0x8e: {  	[smem:$0x3FB7] =	sst s2  }
0x8f: {  	_ = 	snop  }
0x90: {  	(tm) =	ssettm $0x1  }
0x91: {  	s17 =	sld [smem:$0x3FFB];
	_ =	sdelay $0x3  }
0x92: {  	_ =	strace s17  }
0x93: {  	s2 =	sld [smem:$0x3FFC];
	_ =	sdelay $0x3  }
0x94: {  	_ =	strace s2  }
0x95: {  	s2 =	sld [smem:$0x3FFD];
	_ =	sdelay $0x3  }
0x96: {  	_ =	strace s2  }
0x97: {  	_ =	strace $0x8FFFFFFF  }
0x98: {  	s18 =	sld [smem:$0x3FDB];
	_ =	sdelay $0x1  }
0x99: {  	s19 =	simm.s32 $_scs_section_size  }
0x9a: {  	s4 =	simm.s32 $_size__tile_overlayer_lowered;
	s5 =	simm.s32 $_tile_overlayer_lowered  }
0x9b: {  	s22 =	simm.s32 $0x1BFF;
	s21 =	sshll.u32 s5, $0x1;
	s2 =	sadd.s32 s19, s18  }
0x9c: {  	s6 =	simm.s32 $0x0;
	s20 =	sshll.u32 s4, $0x1;
	s4 =	sadd.s32 s21, s2  }
0x9d: {  	[timem:s6], [sflag:s22] =	dma.local [hbm:s4], s20  }
0x9e: {  	_ =	swait.ge [sflag:s22], s20  }
0x9f: {  	s3 =	ssub.s32 $0x0, s20;
	[sflag:s22] =	ssyncset.done $0x0  }
0xa0: {  	[sflag:s22] =	ssyncadd.s32 s3;
	_ =	sdelay $0x1  }
0xa1: {  	s23 =	simm.s32 $0x1B8B  }
0xa2: {  	_ =	swait.ge [sflag:s23], $0x1  }
0xa3: {  	[sflag:s23] =	ssyncset.done $0x0  }
0xa4: {  	s25 =	simm.s32 $0x1B8E;
	s24 =	sld [smem:$0x3FFE];
	[sflag:s23] =	ssyncadd.s32 $0xFFFFFFFF  }
0xa5: {  	s26 =	simm.s32 $execute0_lowered;
	[smem:$0x3FD2] =	sst s25  }
0xa6: {  	s4 =	sshll.u32 s26, $0x1;
	_ =	strace $0x8000004F;
	[dreg:$0x1] =	wrdreg $0xFFFFFFFF  }
0xa7: {  	s28 =	simm.s32 $_size_execute0_lowered;
	s2 =	sadd.s32 s2, s4;
	[dreg:$0x0] =	wrdreg $0x0  }
0xa8: {  	s4 =	sshll.u32 s28, $0x1;
	[dreg:$0x2] =	wrdreg s2  }
0xa9: {  	[dreg:$0x3] =	wrdreg s4  }
0xaa: {  	[dreg:$0x4] =	wrdreg $0xC0  }
0xab: {  	_ =	task [dreg:s6], $0x5FFFF  }
0xac: {  	[dreg:$0x1] =	wrdreg $0xFFFFFFFF  }
0xad: {  	[dreg:$0x0] =	wrdreg $0x60  }
0xae: {  	[dreg:$0x2] =	wrdreg s24  }
0xaf: {  	[dreg:$0x3] =	wrdreg $0x41000  }
0xb0: {  	[dreg:$0x4] =	wrdreg $0x9  }
0xb1: {  	_ =	task.clear_ibuf [dreg:s6], $0x5FFFF;
	_ =	strace $0x9000004F  }
0xb2: {  	s29 =	simm.s32 $0x9;
	_ =	strace $0x80000051  }
0xb3: {  	_ =	swait.ge [sflag:s29], $0x1  }
0xb4: {  	[sflag:s29] =	ssyncadd.s32 $0xFFFFFFFF  }
0xb5: {  	_ =	strace $0x90000051  }
0xb6: {  	_ =	sfence  }
0xb7: {  	s30 =	sld [smem:$0x0];
	_ =	sdelay $0x2  }
0xb8: {  	s31 =	sshll.u32 s1, $0xD;
	s1 =	sshrl.u32 s1, $0x2  }
0xb9: {  	s3 =	sand.u32 $0x4000, s31;
	s1 =	sadd.s32 s1, s30  }
0xba: {  	s0 =	sor.u32 s3, s0;
	s1 =	sshll.u32 s1, $0x11  }
0xbb: {  	s0 =	sor.u32 s1, s0  }
0xbc: {  	s0 =	sadd.s32 $0x8F2B, s0  }
0xbd: {  	[sflag:s0] =	ssyncadd.remote.s32 $0x1  }
0xbe: {  	_ =	sfence.sel $0xFFFF  }
0xbf: {  	[dreg:$0x0] =	wrdreg $0xFFFFFFFF;
	(pc) =	sbr.abs _section_cstart, $3  }
0xc0: {  	[dreg:$0x1] =	wrdreg $0xFFFFFFFF  }
0xc1: {  	_ =	task.clear_ibuf [dreg:s6], $0x2FFFF;
	_ =	strace $0x9FFFFFFF  }
0xc2: {  	(tm) =	ssettm $0x7FFFFFFF  }
0xc3: {  	_ =	shalt  }
tec
execute0_lowered:
.L_overlay_start_1:
0x0: {  	(tag) =	ssettag $0x1  }
0x1: {  	s5 =	rddreg [dreg:$0x0]  }
0x2: {  	s1 =	rddreg [dreg:$0x1]  }
0x3: {  	s0 =	rddreg [dreg:$0x2];
	s3 =	simm.s32 $0x0;
	s2 =	stileid.u32  }
0x4: {  	s4 =	srdreg.scid;
	s17 =	simm.s32 $0x2;
	s18 =	simm.s32 $0x80  }
0x5: {  	s19 =	simm.s32 $0x100;
	s20 =	simm.s32 $0x1;
	s21 =	simm.s32 $0x0  }
0x6: {  	[smem:$0x7FF] =	sst s3;
	s9 =	sadd.s32 $0xB5200, s5;
	s6 =	sshll.u32 s2, $0x4  }
0x7: {  	s7 =	sand.u32 $0x1, s4;
	s8 =	smul.u32 $0x4E000, s2;
	s4 =	sadd.s32 $0x16600, s5  }
0x8: {  	s10 =	sadd.s32 $0x18E00, s5;
	p0 =	slt.u32 s2, $0x4;
	s14 =	sadd.s32 $0x124800, s1  }
0x9: {  	_ =	strace $0x80000050;
	s13 =	sadd.s32 s6, s5;
	s29 =	ssub.s32 $0x2, s7  }
0xa: {  	s12 =	smul.u32 $0x4E200, s7;
	s5 =	simm.s32 $0x9D;
	s30 =	sshrl.u32 s29, $0x1  }
0xb: {  	s31 =	sshrl.u32 s8, $0x2;
	s5 =	simm.s32 @!p0 $0x9C;
	s8 =	smul.u32 $0x2700, s2  }
0xc: {  	p0 =	seq.s32 s2, $0xF;
	s11 =	ssub.s32 s29, s30;
	s16 =	sadd.s32 s31, s1  }
0xd: {  	s6 =	sadd.s32 s9, s12;
	s7 =	sadd.s32 s10, s12;
	s12 =	sadd.s32 $0x27100, s12  }
0xe: {  	s15 =	sshll.u32 @!p0 s2, $0x6;
	s14 =	sshrl.u32 @p0 s14, $0x3;
	s9 =	sadd.s32 s9, s12  }
0xf: {  	s10 =	sadd.s32 s10, s12;
	s11 =	smax.u32 s11, $0x1;
	s12 =	sadd.s32 $0xC800, s13  }
0x10: {  	s13 =	sadd.s32 $0x2A00, s13;
	s15 =	sor.u32 @!p0 $0x1C02, s15;
	s16 =	sshrl.u32 @!p0 s16, $0x3  }
.LBB2_1:
0x11: {  	s24 =	simm.s32 @p0 $0x1FC2;
	s23 =	simm.s32 @p0 $0x2  }
0x12: {  	[spmem:s14], [sflag:s24] =	dma.local @p0 [hbm:s4], $0x2800  }
0x13: {  	_ =	swait.ge @p0 [sflag:s23], $0x2800  }
0x14: {  	[sflag:s23] =	ssyncset.done @p0 $0x0  }
0x15: {  	s22 =	simm.s32 @!p0 $0x2;
	[sflag:s23] =	ssyncadd.s32 @p0 $0xFFFFD800  }
0x16: {  	[spmem:s16], [sflag:s15] =	dma.local @!p0 [hbm:s4], $0x2700  }
0x17: {  	_ =	swait.ge @!p0 [sflag:s22], $0x2700  }
0x18: {  	[sflag:s22] =	ssyncset.done @!p0 $0x0  }
0x19: {  	[sflag:s22] =	ssyncadd.s32 @!p0 $0xFFFFD900  }
0x1a: {  	[bflag:$0x0] =	sbarrier.arrive $0xFFFF  }
0x1b: {  	[tilespmem:s3], [sflag:$0x2] =	stream.linear.gather [hbm4b:s13+s3], $0x80, $0x38;
	[tilespmem:$0x17980] =	vst v63  }
0x1c: {  	_ =	swait.ge [sflag:s17], $0x80  }
0x1d: {  	[sflag:s17] =	ssyncset.done $0x0  }
0x1e: {  	[sflag:s17] =	ssyncadd.s32 $0xFFFFFF80  }
0x1f: {  	[tilespmem:s18], [sflag:$0x2] =	stream.linear.gather [hbm4b:s12+s3], $0x80, $0x38;
	[tilespmem:$0x17980] =	vst v63  }
0x20: {  	_ =	swait.ge [sflag:s17], $0x80  }
0x21: {  	[sflag:s17] =	ssyncset.done $0x0  }
0x22: {  	[sflag:s17] =	ssyncadd.s32 $0xFFFFFF80  }
0x23: {  	[tilespmem:s19], [sflag:$0x1] =	stream.indirect.gather [hbm4b:s6+s18], $0x80, s3, s18, $0xb8;
	[tilespmem:$0x17980] =	vst v63  }
0x24: {  	p1 =	sne.s32 s5, $0x1;
	_ =	swait.ge [sflag:s20], $0x4000  }
.Ltmp0:
0x25: {  	[sflag:s20] =	ssyncset.done $0x0;
	(pc) =	sbr.rel @!p1 .LBB2_3-.Ltmp0, $4  }
0x26: {  	[sflag:s20] =	ssyncadd.s32 $0xFFFFC000  }
0x27: {  	[spmem:s1] =	stream.indirect.scatter.add.f32 [tilespmem:s19], [sflag:$0x2], $0x80, s18, s18, $0xb8;
	[tilespmem:$0x17980] =	vst v63  }
0x28: {  	s25 =	sadd.s32 $0xFFFFFFFF, s5;
	_ =	swait.ge [sflag:s17], $0x4000  }
0x29: {  	s26 =	smov.u32 s12;
	s28 =	smov.u32 s13;
	[sflag:s17] =	ssyncset.done $0x0  }
.LBB2_2:
0x2a: {  	[sflag:s17] =	ssyncadd.s32 $0xFFFFC000;
	s26 =	sadd.s32 $0x100, s26;
	s28 =	sadd.s32 $0x100, s28  }
0x2b: {  	[tilespmem:s3], [sflag:$0x2] =	stream.linear.gather [hbm4b:s28+s3], $0x80, $0x38;
	[tilespmem:$0x17980] =	vst v63  }
0x2c: {  	p2 =	sne.s32 s25, $0x1;
	s25 =	sadd.s32 $0xFFFFFFFF, s25;
	_ =	swait.ge [sflag:s17], $0x80  }
0x2d: {  	[sflag:s17] =	ssyncset.done $0x0  }
0x2e: {  	[sflag:s17] =	ssyncadd.s32 $0xFFFFFF80  }
0x2f: {  	[tilespmem:s18], [sflag:$0x2] =	stream.linear.gather [hbm4b:s26+s3], $0x80, $0x38;
	[tilespmem:$0x17980] =	vst v63  }
0x30: {  	_ =	swait.ge [sflag:s17], $0x80  }
0x31: {  	[sflag:s17] =	ssyncset.done $0x0  }
0x32: {  	[sflag:s17] =	ssyncadd.s32 $0xFFFFFF80  }
0x33: {  	[tilespmem:s19], [sflag:$0x1] =	stream.indirect.gather [hbm4b:s6+s18], $0x80, s3, s18, $0xb8;
	[tilespmem:$0x17980] =	vst v63  }
0x34: {  	_ =	swait.ge [sflag:s20], $0x4000  }
.Ltmp1:
0x35: {  	[sflag:s20] =	ssyncset.done $0x0;
	(pc) =	sbr.rel @p2 .LBB2_2-.Ltmp1, $4  }
0x36: {  	[sflag:s20] =	ssyncadd.s32 $0xFFFFC000  }
0x37: {  	[spmem:s1] =	stream.indirect.scatter.add.f32 [tilespmem:s19], [sflag:$0x2], $0x80, s18, s18, $0xb8;
	[tilespmem:$0x17980] =	vst v63  }
0x38: {  	_ =	swait.ge [sflag:s17], $0x4000  }
0x39: {  	[sflag:s17] =	ssyncset.done $0x0  }
.LBB2_3:
0x3a: {  	[sflag:s17] =	ssyncadd.s32 $0xFFFFC000  }
0x3b: {  	s25 =	sadd.s32 @p0 $0x24900, s7;
	[bflag:$0x0] =	sbarrier.arrive $0xFFFF  }
0x3c: {  	[hbm:s25], [sflag:s24] =	dma.local @p0 [spmem:s14], $0x2800  }
0x3d: {  	_ =	swait.ge @p0 [sflag:s23], $0x2800  }
0x3e: {  	[sflag:s23] =	ssyncset.done @p0 $0x0  }
0x3f: {  	[sflag:s23] =	ssyncadd.s32 @p0 $0xFFFFD800  }
0x40: {  	[spmem:s14], [sflag:s24] =	dma.local @p0 [hbm:s4], $0x2800  }
0x41: {  	_ =	swait.ge @p0 [sflag:s23], $0x2800  }
0x42: {  	[sflag:s23] =	ssyncset.done @p0 $0x0  }
0x43: {  	[sflag:s23] =	ssyncadd.s32 @p0 $0xFFFFD800;
	s23 =	sadd.s32 @!p0 s8, s7  }
0x44: {  	[hbm:s23], [sflag:s15] =	dma.local @!p0 [spmem:s16], $0x2700  }
0x45: {  	_ =	swait.ge @!p0 [sflag:s22], $0x2700  }
0x46: {  	[sflag:s22] =	ssyncset.done @!p0 $0x0  }
0x47: {  	[sflag:s22] =	ssyncadd.s32 @!p0 $0xFFFFD900  }
0x48: {  	[spmem:s16], [sflag:s15] =	dma.local @!p0 [hbm:s4], $0x2700  }
0x49: {  	_ =	swait.ge @!p0 [sflag:s22], $0x2700  }
0x4a: {  	[sflag:s22] =	ssyncset.done @!p0 $0x0  }
0x4b: {  	[sflag:s22] =	ssyncadd.s32 @!p0 $0xFFFFD900  }
0x4c: {  	[bflag:$0x0] =	sbarrier.arrive $0xFFFF  }
0x4d: {  	[tilespmem:s3], [sflag:$0x2] =	stream.linear.gather [hbm4b:s13+s3], $0x80, $0x38;
	[tilespmem:$0x17980] =	vst v63  }
0x4e: {  	_ =	swait.ge [sflag:s17], $0x80  }
0x4f: {  	[sflag:s17] =	ssyncset.done $0x0  }
0x50: {  	[sflag:s17] =	ssyncadd.s32 $0xFFFFFF80  }
0x51: {  	[tilespmem:s18], [sflag:$0x2] =	stream.linear.gather [hbm4b:s12+s3], $0x80, $0x38;
	[tilespmem:$0x17980] =	vst v63  }
0x52: {  	_ =	swait.ge [sflag:s17], $0x80  }
0x53: {  	[sflag:s17] =	ssyncset.done $0x0  }
0x54: {  	[sflag:s17] =	ssyncadd.s32 $0xFFFFFF80  }
0x55: {  	[tilespmem:s19], [sflag:$0x1] =	stream.indirect.gather [hbm4b:s9+s18], $0x80, s3, s18, $0xb8;
	[tilespmem:$0x17980] =	vst v63  }
0x56: {  	_ =	swait.ge [sflag:s20], $0x4000  }
.Ltmp2:
0x57: {  	[sflag:s20] =	ssyncset.done $0x0;
	(pc) =	sbr.rel @!p1 .LBB2_5-.Ltmp2, $4  }
0x58: {  	[sflag:s20] =	ssyncadd.s32 $0xFFFFC000  }
0x59: {  	[spmem:s1] =	stream.indirect.scatter.add.f32 [tilespmem:s19], [sflag:$0x2], $0x80, s18, s18, $0xb8;
	[tilespmem:$0x17980] =	vst v63  }
0x5a: {  	s24 =	smov.u32 s13;
	_ =	swait.ge [sflag:s17], $0x4000  }
0x5b: {  	s23 =	smov.u32 s12;
	s22 =	sadd.s32 $0xFFFFFFFF, s5;
	[sflag:s17] =	ssyncset.done $0x0  }
.LBB2_4:
0x5c: {  	[sflag:s17] =	ssyncadd.s32 $0xFFFFC000;
	s23 =	sadd.s32 $0x100, s23;
	s24 =	sadd.s32 $0x100, s24  }
0x5d: {  	[tilespmem:s3], [sflag:$0x2] =	stream.linear.gather [hbm4b:s24+s3], $0x80, $0x38;
	[tilespmem:$0x17980] =	vst v63  }
0x5e: {  	p1 =	sne.s32 s22, $0x1;
	s22 =	sadd.s32 $0xFFFFFFFF, s22;
	_ =	swait.ge [sflag:s17], $0x80  }
0x5f: {  	[sflag:s17] =	ssyncset.done $0x0  }
0x60: {  	[sflag:s17] =	ssyncadd.s32 $0xFFFFFF80  }
0x61: {  	[tilespmem:s18], [sflag:$0x2] =	stream.linear.gather [hbm4b:s23+s3], $0x80, $0x38;
	[tilespmem:$0x17980] =	vst v63  }
0x62: {  	_ =	swait.ge [sflag:s17], $0x80  }
0x63: {  	[sflag:s17] =	ssyncset.done $0x0  }
0x64: {  	[sflag:s17] =	ssyncadd.s32 $0xFFFFFF80  }
0x65: {  	[tilespmem:s19], [sflag:$0x1] =	stream.indirect.gather [hbm4b:s9+s18], $0x80, s3, s18, $0xb8;
	[tilespmem:$0x17980] =	vst v63  }
0x66: {  	_ =	swait.ge [sflag:s20], $0x4000  }
.Ltmp3:
0x67: {  	[sflag:s20] =	ssyncset.done $0x0;
	(pc) =	sbr.rel @p1 .LBB2_4-.Ltmp3, $4  }
0x68: {  	[sflag:s20] =	ssyncadd.s32 $0xFFFFC000  }
0x69: {  	[spmem:s1] =	stream.indirect.scatter.add.f32 [tilespmem:s19], [sflag:$0x2], $0x80, s18, s18, $0xb8;
	[tilespmem:$0x17980] =	vst v63  }
0x6a: {  	_ =	swait.ge [sflag:s17], $0x4000  }
0x6b: {  	[sflag:s17] =	ssyncset.done $0x0  }
.LBB2_5:
0x6c: {  	[sflag:s17] =	ssyncadd.s32 $0xFFFFC000  }
0x6d: {  	s22 =	sadd.s32 @p0 $0x24900, s10;
	s23 =	simm.s32 @p0 $0x1FC2;
	[bflag:$0x0] =	sbarrier.arrive $0xFFFF  }
0x6e: {  	[hbm:s22], [sflag:s23] =	dma.local @p0 [spmem:s14], $0x2800  }
0x6f: {  	s22 =	simm.s32 @p0 $0x2  }
0x70: {  	_ =	swait.ge @p0 [sflag:s22], $0x2800  }
0x71: {  	[sflag:s22] =	ssyncset.done @p0 $0x0  }
0x72: {  	s21 =	sadd.s32 $0x1, s21;
	[sflag:s22] =	ssyncadd.s32 @p0 $0xFFFFD800;
	s22 =	sadd.s32 @!p0 s8, s10  }
0x73: {  	[hbm:s22], [sflag:s15] =	dma.local @!p0 [spmem:s16], $0x2700  }
0x74: {  	p1 =	sne.s32 s21, s11;
	s22 =	simm.s32 @!p0 $0x2  }
.Ltmp4:
0x75: {  	_ =	swait.ge @!p0 [sflag:s22], $0x2700;
	(pc) =	sbr.rel @p1 .LBB2_1-.Ltmp4, $3  }
0x76: {  	[sflag:s22] =	ssyncset.done @!p0 $0x0  }
0x77: {  	[sflag:s22] =	ssyncadd.s32 @!p0 $0xFFFFD900  }
0x78: {  	[bflag:$0x0] =	sbarrier.arrive $0xFFFF;
	_ =	sdelay $0x1  }
0x79: {  	_ =	sfence.sel $0x180000  }
0x7a: {  	[bflag:$0x0] =	sbarrier.arrive $0xFFFF  }
0x7b: {  	p0 =	sne.s32 s2, $0x0;
	_ =	strace $0x90000050  }
0x7c: {  	s0 =	sadd.s32 @!p0 $0x100000, s0;
	[bflag:$0x2] =	sbarrier.arrive $0xFFFF  }
0x7d: {  	[sflag:s0] =	ssyncadd.tile.s32 @!p0 $0x1;
	_ =	shalt  }
.Lfunc_end2:
_tile_overlayer_lowered:
.L_overlay_start_2:
0x7e: {  	(tag) =	ssettag $0x2  }
0x7f: {  	s0 =	rddreg [dreg:$0x0];
	s2 =	stileid.u32  }
0x80: {  	s1 =	rddreg [dreg:$0x1];
	p0 =	sne.s32 s2, $0x0  }
0x81: {  	s3 =	rddreg [dreg:$0x2];
	[bflag:$0x3] =	sbarrier.arrive $0xFFFF;
	s2 =	simm.s32 @!p0 $0x1C02  }
0x82: {  	[timem:s3], [sflag:s2] =	dma.local @!p0 [hbm:s0], s1  }
0x83: {  	s0 =	simm.s32 @!p0 $0x2  }
0x84: {  	_ =	swait.ge @!p0 [sflag:s0], s1  }
0x85: {  	s1 =	ssub.s32 @!p0 $0x0, s1;
	[sflag:s0] =	ssyncset.done @!p0 $0x0  }
0x86: {  	[sflag:s0] =	ssyncadd.s32 @!p0 s1  }
0x87: {  	[bflag:$0x3] =	sbarrier.arrive $0xFFFF  }
0x88: {  	_ =	shalt  }

</sc_bundles>
